<compile_context>
chip_gen: v7x
topology: tpu7x:2x2x1
jax: 0.10.2.dev20260603
libtpu: 0.0.44.dev20260713+nightly
codegen_flags: <defaults>
</compile_context>

<pallas_src>
import functools

import jax
import jax.numpy as jnp
from jax import lax
from jax.experimental import pallas as pl
from jax.experimental.pallas import tpu as pltpu
from jax.experimental.pallas import tpu_sc as plsc

_N = 10000
_E = 160000
_DF = 128
_DE = 16
_D = 64
_HD = 32
_G = 16

_B = 128
_EP = 163840
_EPT = _EP // 16
_NB = _EPT // _B
_NP = 10112
_RPT = _NP // 16

_HP = jax.lax.Precision.HIGHEST
_NODE_BLK = 2000
_EDGE_BLK = 2048
_NBLK = _N // _NODE_BLK


def _dot(a, b):
    return jax.lax.dot(a, b, precision=_HP)



def _log16(u):
    bits = lax.bitcast_convert_type(u, jnp.int32)
    ex = ((bits >> 23) & 0xFF) - 127
    m = lax.bitcast_convert_type((bits & 0x007FFFFF) | 0x3F800000, jnp.float32)
    big = m >= 1.5
    m = jnp.where(big, m * 0.5, m)
    exf = ex.astype(jnp.float32) + jnp.where(big, 1.0, 0.0)
    s = (m - 1.0) / (m + 1.0)
    s2 = s * s
    p = s * (2.0 + s2 * (2.0 / 3.0 + s2 * (2.0 / 5.0 + s2 * (2.0 / 7.0))))
    return exf * 0.6931471805599453 + p


def _sc_edge_body(pa_hbm, qa_hbm, cea_hbm, pb_hbm, qb_hbm, ceb_hbm,
                  srcg_hbm, dstg_hbm, dsts_hbm, eid_hbm,
                  out_hbm, srcg_v, dstg_v, dsts_v, eid_v, p_v, q_v, ce_v,
                  msg_v, zer_v, acc, sem0, sem1):
    cid = lax.axis_index("c")
    sid = lax.axis_index("s")

    zrow = jnp.zeros((16,), jnp.float32)
    tables = [(pa_hbm, qa_hbm, cea_hbm), (pb_hbm, qb_hbm, ceb_hbm)]
    sems = [sem0, sem1]

    for half in range(2):
        p_hbm, q_hbm, ce_hbm = tables[half]

        def zbody(i, _):
            r = i // 2
            c = (i % 2) * 16
            zer_v[r, pl.ds(c, 16)] = zrow
            return 0

        lax.fori_loop(0, _RPT * 2, zbody, 0)
        pltpu.sync_copy(zer_v, acc.at[pl.ds(sid * _RPT, _RPT)])
        plsc.subcore_barrier()

        def load_and_fire(b, k):
            base = cid * _EP + sid * _EPT + b * _B
            pltpu.sync_copy(srcg_hbm.at[pl.ds(base, _B)], srcg_v.at[k])
            pltpu.sync_copy(dstg_hbm.at[pl.ds(base, _B)], dstg_v.at[k])
            pltpu.sync_copy(dsts_hbm.at[pl.ds(base, _B)], dsts_v.at[k])
            pltpu.sync_copy(eid_hbm.at[pl.ds(base, _B)], eid_v.at[k])
            pltpu.async_copy(p_hbm.at[srcg_v.at[k]], p_v.at[k], sems[k])
            pltpu.async_copy(q_hbm.at[dstg_v.at[k]], q_v.at[k], sems[k])
            pltpu.async_copy(ce_hbm.at[eid_v.at[k]], ce_v.at[k], sems[k])

        def drain_compute_scatter(k):
            pltpu.make_async_copy(p_hbm.at[srcg_v.at[k]], p_v.at[k],
                                  sems[k]).wait()
            pltpu.make_async_copy(q_hbm.at[dstg_v.at[k]], q_v.at[k],
                                  sems[k]).wait()
            pltpu.make_async_copy(ce_hbm.at[eid_v.at[k]], ce_v.at[k],
                                  sems[k]).wait()

            def edge(j, _):
                for c in range(2):
                    o = c * 16
                    mp = (p_v[k, j, pl.ds(o, 16)] + q_v[k, j, pl.ds(o, 16)]
                          + ce_v[k, j, pl.ds(o, 16)])
                    sp = (p_v[k, j, pl.ds(_HD + o, 16)]
                          + q_v[k, j, pl.ds(_HD + o, 16)]
                          + ce_v[k, j, pl.ds(_HD + o, 16)])
                    sig = 1.0 / (1.0 + jnp.exp(jnp.minimum(-mp, 80.0)))
                    u = 1.0 + jnp.exp(jnp.maximum(-jnp.abs(sp), -80.0))
                    spl = jnp.maximum(sp, 0.0) + _log16(u)
                    msg_v[j, pl.ds(o, 16)] = sig * spl
                return 0

            lax.fori_loop(0, _B, edge, 0)
            pltpu.sync_copy(msg_v, acc.at[dsts_v.at[k]], add=True)

        load_and_fire(0, 0)

        def blk2(i, _):
            b0 = 2 * i
            load_and_fire(b0 + 1, 1)
            drain_compute_scatter(0)

            @pl.when(i < _NB // 2 - 1)
            def _():
                load_and_fire(b0 + 2, 0)

            drain_compute_scatter(1)
            return 0

        lax.fori_loop(0, _NB // 2, blk2, 0)
        plsc.subcore_barrier()
        pltpu.sync_copy(acc.at[pl.ds(sid * _RPT, _RPT)],
                        out_hbm.at[cid, half, pl.ds(sid * _RPT, _RPT)])
        plsc.subcore_barrier()


@functools.cache
def _sc_edge_kernel():
    return pl.kernel(
        _sc_edge_body,
        out_type=pltpu.MemorySpace.HBM((2, 2, _NP, _HD), jnp.float32),
        mesh=plsc.VectorSubcoreMesh(core_axis_name="c", subcore_axis_name="s"),
        scratch_types=[
            pltpu.VMEM((2, _B), jnp.int32),
            pltpu.VMEM((2, _B), jnp.int32),
            pltpu.VMEM((2, _B), jnp.int32),
            pltpu.VMEM((2, _B), jnp.int32),
            pltpu.VMEM((2, _B, _D), jnp.float32),
            pltpu.VMEM((2, _B, _D), jnp.float32),
            pltpu.VMEM((2, _B, _D), jnp.float32),
            pltpu.VMEM((_B, _HD), jnp.float32),
            pltpu.VMEM((_RPT, _HD), jnp.float32),
            pltpu.VMEM_SHARED((_NP, _HD), jnp.float32),
            pltpu.SemaphoreType.DMA,
            pltpu.SemaphoreType.DMA,
        ],
        compiler_params=pltpu.CompilerParams(use_tc_tiling_on_sc=False),
    )


def _sc_edge(*args):
    return _sc_edge_kernel()(*args)



def _embed_body(x_ref, wemb_ref, bemb_ref, wsrc_ref, wdst_ref,
                h_ref, pa_ref, pb_ref, qa_ref, qb_ref):
    z = _dot(x_ref[...], wemb_ref[0]) + bemb_ref[0]
    h = z * jax.nn.sigmoid(z)
    h_ref[...] = h
    psrc = _dot(h, wsrc_ref[0])
    qdst = _dot(h, wdst_ref[0])
    pa_ref[...] = psrc[:, :_D]
    pb_ref[...] = psrc[:, _D:]
    qa_ref[...] = qdst[:, :_D]
    qb_ref[...] = qdst[:, _D:]


def _eproj_body(e_ref, w_ref, b_ref, ca_ref, cb_ref):
    c = _dot(e_ref[...], w_ref[0, 0]) + b_ref[0, 0]
    ca_ref[...] = c[:, :_D]
    cb_ref[...] = c[:, _D:]


def _softplus_tc(z):
    return jnp.maximum(z, 0.0) + jnp.log1p(jnp.exp(-jnp.abs(z)))


def _nodeup_body(a0_ref, a1_ref, h_ref, bng_ref, bnb_ref, wsrc_ref, wdst_ref,
                 h2_ref, pa_ref, pb_ref, qa_ref, qb_ref):
    agg = jnp.concatenate([a0_ref[0, 0], a1_ref[0, 0]], axis=1)
    z = agg * bng_ref[0] + bnb_ref[0] + h_ref[...]
    h2 = _softplus_tc(z)
    h2_ref[...] = h2
    psrc = _dot(h2, wsrc_ref[0])
    qdst = _dot(h2, wdst_ref[0])
    pa_ref[...] = psrc[:, :_D]
    pb_ref[...] = psrc[:, _D:]
    qa_ref[...] = qdst[:, :_D]
    qb_ref[...] = qdst[:, _D:]


def _pool_body(h_ref, gid_ref, pooled_ref, counts_ref):
    i = pl.program_id(1)
    oh = (lax.broadcasted_iota(jnp.int32, (_NODE_BLK, _G), 1)
          == gid_ref[...]).astype(jnp.float32)
    ps = lax.dot_general(oh, h_ref[...], (((0,), (0,)), ((), ())),
                         precision=_HP)
    cs = jnp.sum(oh, axis=0)

    @pl.when(i == 0)
    def _():
        pooled_ref[...] = jnp.zeros_like(pooled_ref)
        counts_ref[...] = jnp.zeros_like(counts_ref)

    pooled_ref[...] += ps[None]
    counts_ref[...] += jnp.broadcast_to(cs[:, None], (_G, _D))[None]


def _head_body(pc_ref, cc_ref, w1_ref, b1_ref, w2_ref, b2_ref,
               wp_ref, bp_ref, o_ref):
    vs = pc_ref[0] / jnp.maximum(cc_ref[0], 1.0)
    vb = pc_ref[1] / jnp.maximum(cc_ref[1], 1.0)
    vt = jnp.concatenate([vs, vb], axis=1)
    z = _dot(vt, w1_ref[...]) + b1_ref[...]
    v = z * jax.nn.sigmoid(z)
    z = _dot(v, w2_ref[...]) + b2_ref[...]
    v = z * jax.nn.sigmoid(z)
    o_ref[...] = _dot(v, wp_ref[...]) + bp_ref[...]



_NODE_OUT_SPECS = [
    pl.BlockSpec((_NODE_BLK, _D), lambda c, i: (c * _NBLK + i, 0)),
    pl.BlockSpec((_NODE_BLK, _D), lambda c, i: (c * _NBLK + i, 0)),
    pl.BlockSpec((_NODE_BLK, _D), lambda c, i: (c * _NBLK + i, 0)),
    pl.BlockSpec((_NODE_BLK, _D), lambda c, i: (c * _NBLK + i, 0)),
    pl.BlockSpec((_NODE_BLK, _D), lambda c, i: (c * _NBLK + i, 0)),
]
_NODE_OUT_SHAPES = [
    jax.ShapeDtypeStruct((2 * _N, _D), jnp.float32),
    jax.ShapeDtypeStruct((2 * _N, _D), jnp.float32),
    jax.ShapeDtypeStruct((2 * _N, _D), jnp.float32),
    jax.ShapeDtypeStruct((2 * _N, _D), jnp.float32),
    jax.ShapeDtypeStruct((2 * _N, _D), jnp.float32),
]


def _embed_call(xcat, wemb2, bemb2, wsrc2, wdst2):
    return pl.pallas_call(
        _embed_body,
        grid=(2, _NBLK),
        in_specs=[
            pl.BlockSpec((_NODE_BLK, _DF), lambda c, i: (c * _NBLK + i, 0)),
            pl.BlockSpec((1, _DF, _D), lambda c, i: (c, 0, 0)),
            pl.BlockSpec((1, 1, _D), lambda c, i: (c, 0, 0)),
            pl.BlockSpec((1, _D, 2 * _D), lambda c, i: (c, 0, 0)),
            pl.BlockSpec((1, _D, 2 * _D), lambda c, i: (c, 0, 0)),
        ],
        out_specs=_NODE_OUT_SPECS,
        out_shape=_NODE_OUT_SHAPES,
    )(xcat, wemb2, bemb2, wsrc2, wdst2)


def _eproj_call(ecat, we23, be23):
    nblk = _EP // _EDGE_BLK
    return pl.pallas_call(
        _eproj_body,
        grid=(2, 3, nblk),
        in_specs=[
            pl.BlockSpec((_EDGE_BLK, _DE), lambda c, i, j: (c * nblk + j, 0)),
            pl.BlockSpec((1, 1, _DE, 2 * _D), lambda c, i, j: (c, i, 0, 0)),
            pl.BlockSpec((1, 1, 1, 2 * _D), lambda c, i, j: (c, i, 0, 0)),
        ],
        out_specs=[
            pl.BlockSpec((_EDGE_BLK, _D),
                         lambda c, i, j: ((c * 3 + i) * nblk + j, 0)),
            pl.BlockSpec((_EDGE_BLK, _D),
                         lambda c, i, j: ((c * 3 + i) * nblk + j, 0)),
        ],
        out_shape=[
            jax.ShapeDtypeStruct((6 * _EP, _D), jnp.float32),
            jax.ShapeDtypeStruct((6 * _EP, _D), jnp.float32),
        ],
    )(ecat, we23, be23)


def _nodeup_call(agg, hcat, bng2, bnb2, wsrc2, wdst2):
    return pl.pallas_call(
        _nodeup_body,
        grid=(2, _NBLK),
        in_specs=[
            pl.BlockSpec((1, 1, _NODE_BLK, _HD), lambda c, i: (c, 0, i, 0)),
            pl.BlockSpec((1, 1, _NODE_BLK, _HD), lambda c, i: (c, 1, i, 0)),
            pl.BlockSpec((_NODE_BLK, _D), lambda c, i: (c * _NBLK + i, 0)),
            pl.BlockSpec((1, 1, _D), lambda c, i: (c, 0, 0)),
            pl.BlockSpec((1, 1, _D), lambda c, i: (c, 0, 0)),
            pl.BlockSpec((1, _D, 2 * _D), lambda c, i: (c, 0, 0)),
            pl.BlockSpec((1, _D, 2 * _D), lambda c, i: (c, 0, 0)),
        ],
        out_specs=[
            pl.BlockSpec((_NODE_BLK, _D), lambda c, i: (c * _NBLK + i, 0)),
        ] + _NODE_OUT_SPECS[1:],
        out_shape=_NODE_OUT_SHAPES,
    )(agg, agg, hcat, bng2, bnb2, wsrc2, wdst2)


def _pool_call(hcat, gidcat):
    return pl.pallas_call(
        _pool_body,
        grid=(2, _NBLK),
        in_specs=[
            pl.BlockSpec((_NODE_BLK, _D), lambda c, i: (c * _NBLK + i, 0)),
            pl.BlockSpec((_NODE_BLK, 1), lambda c, i: (c * _NBLK + i, 0)),
        ],
        out_specs=[
            pl.BlockSpec((1, _G, _D), lambda c, i: (c, 0, 0)),
            pl.BlockSpec((1, _G, _D), lambda c, i: (c, 0, 0)),
        ],
        out_shape=[
            jax.ShapeDtypeStruct((2, _G, _D), jnp.float32),
            jax.ShapeDtypeStruct((2, _G, _D), jnp.float32),
        ],
    )(hcat, gidcat)


def _head_call(pooled, counts, w1, b1, w2, b2, wp, bp):
    return pl.pallas_call(
        _head_body,
        out_shape=jax.ShapeDtypeStruct((_G, 1), jnp.float32),
    )(pooled, counts, w1, b1[None, :], w2, b2[None, :], wp, bp[None, :])



_BN_S = float(1.0 / (1.0 + 1e-5) ** 0.5)


def _fold_lin(p):
    g = p['g'] * _BN_S
    return p['W'] * g[None, :], p['b'] * g + p['be']


def _split_cols(w1, w2):
    return jnp.concatenate([w1[:, :_HD], w2[:, :_HD],
                            w1[:, _HD:], w2[:, _HD:]], axis=1)


def _fold_conv(pc):
    w1, b1 = _fold_lin(pc['mlp'])
    w2, b2 = _fold_lin(pc['screen'])
    wsrc = _split_cols(w1[:_D], w2[:_D])
    wdst = _split_cols(w1[_D:2 * _D], w2[_D:2 * _D])
    we = _split_cols(w1[2 * _D:], w2[2 * _D:])
    be = jnp.concatenate([b1[:_HD], b2[:_HD], b1[_HD:], b2[_HD:]])
    return wsrc, wdst, we, be, pc['bn_g'] * _BN_S, pc['bn_b']


def _pad_idx(v, padval):
    return jnp.concatenate([v, jnp.full((_EP - _E,), padval, jnp.int32)])


def kernel(x_s, edge_index_s, e_s, graph_id_s, x_b, edge_index_b, e_b,
           graph_id_b, params):
    convs_s = [_fold_conv(pc) for pc in params['convs_s']]
    convs_b = [_fold_conv(pc) for pc in params['convs_b']]
    wemb_s, bemb_s = _fold_lin(params['emb_s'])
    wemb_b, bemb_b = _fold_lin(params['emb_b'])

    srcg2 = jnp.concatenate([_pad_idx(edge_index_s[0], 0),
                             _pad_idx(edge_index_b[0] + _N, _N)])
    dstg2 = jnp.concatenate([_pad_idx(edge_index_s[1], 0),
                             _pad_idx(edge_index_b[1] + _N, _N)])
    dsts2 = jnp.concatenate([_pad_idx(edge_index_s[1], _N),
                             _pad_idx(edge_index_b[1], _N)])

    zpad = jnp.zeros((_EP - _E, _DE), jnp.float32)
    ecat = jnp.concatenate([e_s, zpad, e_b, zpad])
    cea, ceb = _eproj_call(
        ecat,
        jnp.stack([jnp.stack([c[2] for c in convs_s]),
                   jnp.stack([c[2] for c in convs_b])]),
        jnp.stack([jnp.stack([c[3][None, :] for c in convs_s]),
                   jnp.stack([c[3][None, :] for c in convs_b])]),
    )

    xcat = jnp.concatenate([x_s, x_b])
    hcat, pa, pb, qa, qb = _embed_call(
        xcat,
        jnp.stack([wemb_s, wemb_b]),
        jnp.stack([bemb_s[None, :], bemb_b[None, :]]),
        jnp.stack([convs_s[0][0], convs_b[0][0]]),
        jnp.stack([convs_s[0][1], convs_b[0][1]]),
    )

    eids = jnp.arange(_EP, dtype=jnp.int32)
    xs = {
        'eid': jnp.stack([jnp.concatenate([eids + i * _EP,
                                           eids + (3 + i) * _EP])
                          for i in range(3)]),
        'bng': jnp.stack([jnp.stack([convs_s[i][4][None, :],
                                     convs_b[i][4][None, :]])
                          for i in range(3)]),
        'bnb': jnp.stack([jnp.stack([convs_s[i][5][None, :],
                                     convs_b[i][5][None, :]])
                          for i in range(3)]),
        'wsrc_n': jnp.stack([jnp.stack([convs_s[(i + 1) % 3][0],
                                        convs_b[(i + 1) % 3][0]])
                             for i in range(3)]),
        'wdst_n': jnp.stack([jnp.stack([convs_s[(i + 1) % 3][1],
                                        convs_b[(i + 1) % 3][1]])
                             for i in range(3)]),
    }

    def step(i, carry):
        h, pa_, pb_, qa_, qb_ = carry
        x_i = {k: lax.dynamic_index_in_dim(v, i, 0, keepdims=False)
               for k, v in xs.items()}
        agg = _sc_edge(pa_, qa_, cea, pb_, qb_, ceb,
                       srcg2, dstg2, dsts2, x_i['eid'])
        h2, pa2, pb2, qa2, qb2 = _nodeup_call(agg, h, x_i['bng'], x_i['bnb'],
                                              x_i['wsrc_n'], x_i['wdst_n'])
        return (h2, pa2, pb2, qa2, qb2)

    nconv = 3 + jnp.minimum(edge_index_s[0, 0], 0)
    (hcat, _, _, _, _) = lax.fori_loop(0, nconv, step, (hcat, pa, pb, qa, qb))

    gidcat = jnp.concatenate([graph_id_s, graph_id_b])[:, None]
    pooled, counts = _pool_call(hcat, gidcat)

    w1, b1 = _fold_lin(params['fcs'][0])
    w2, b2 = _fold_lin(params['fcs'][1])
    return _head_call(pooled, counts, w1, b1, w2, b2,
                      params['pred']['W'], params['pred']['b'])

# --- scband reference (transcript-rebuilt; emitter-appended) ---
"""Pipeline reference for scband-sgcnn-85323820302957 (READ-ONLY COPY).

The authoritative reference and input builder live on the scoring server;
editing this copy changes nothing except your own understanding.
"""

import jax, jax.numpy as jnp
import numpy as np

N = 10000
E = 160000
DF = 128
DE = 16
DEMB = 64
BGRAPHS = 16
CONV_NUMBER = 3
FC_LENS = [128, 64]


def _lin(key, din, dout):
    k1, k2 = jax.random.split(key)
    return {'W': jax.random.normal(k1, (din, dout), jnp.float32) / np.sqrt(din),
            'b': 0.01 * jax.random.normal(k2, (dout,), jnp.float32)}


def _mlp(key, din, dout):
    k1, k2, k3 = jax.random.split(key, 3)
    p = _lin(k1, din, dout)
    p['g'] = 1.0 + 0.1 * jax.random.normal(k2, (dout,), jnp.float32)
    p['be'] = 0.01 * jax.random.normal(k3, (dout,), jnp.float32)
    return p


def _conv(key, demb, de):
    k1, k2, k3, k4 = jax.random.split(key, 4)
    return {'mlp': _mlp(k1, 2 * demb + de, demb),
            'screen': _mlp(k2, 2 * demb + de, demb),
            'bn_g': 1.0 + 0.1 * jax.random.normal(k3, (demb,), jnp.float32),
            'bn_b': 0.01 * jax.random.normal(k4, (demb,), jnp.float32)}


def _make_params(key):
    ks = jax.random.split(key, 16)
    return {'emb_s': _mlp(ks[0], DF, DEMB),
            'emb_b': _mlp(ks[1], DF, DEMB),
            'convs_s': [_conv(ks[2 + i], DEMB, DE) for i in range(CONV_NUMBER)],
            'convs_b': [_conv(ks[5 + i], DEMB, DE) for i in range(CONV_NUMBER)],
            'fcs': [_mlp(ks[8], 2 * DEMB, FC_LENS[0]), _mlp(ks[9], FC_LENS[0], FC_LENS[1])],
            'pred': _lin(ks[10], FC_LENS[1], 1)}


def setup_inputs(seed: int = 0):
    key = jax.random.key(seed)
    ks = jax.random.split(key, 10)
    x_s = jax.random.normal(ks[0], (N, DF), jnp.float32)
    edge_index_s = jax.random.randint(ks[1], (2, E), 0, N, jnp.int32)
    e_s = jax.random.normal(ks[2], (E, DE), jnp.float32)
    graph_id_s = jnp.sort(jax.random.randint(ks[3], (N,), 0, BGRAPHS, jnp.int32))
    x_b = jax.random.normal(ks[4], (N, DF), jnp.float32)
    edge_index_b = jax.random.randint(ks[5], (2, E), 0, N, jnp.int32)
    e_b = jax.random.normal(ks[6], (E, DE), jnp.float32)
    graph_id_b = jnp.sort(jax.random.randint(ks[7], (N,), 0, BGRAPHS, jnp.int32))
    params = _make_params(ks[8])
    return {'x_s': x_s, 'edge_index_s': edge_index_s, 'e_s': e_s, 'graph_id_s': graph_id_s,
            'x_b': x_b, 'edge_index_b': edge_index_b, 'e_b': e_b, 'graph_id_b': graph_id_b,
            'params': params}


def _bn(x, g, b):
    # BatchNorm1d in eval mode with running_mean=0, running_var=1
    return x / jnp.sqrt(1.0 + 1e-5) * g + b


def _mlp_apply(p, x, act):
    return act(_bn(x @ p['W'] + p['b'], p['g'], p['be']))


def _conv_apply(p, h, e, src, dst):
    # DGL apply_edges: concat(src_feats, dst_feats, edge_feats)
    hc = jnp.concatenate([h[src], h[dst], e], axis=1)
    hm = _mlp_apply(p['mlp'], hc, jax.nn.sigmoid)
    hs = _mlp_apply(p['screen'], hc, jax.nn.softplus)
    # update_all(copy_e, sum): scatter-add edge messages onto dst nodes
    agg = jax.ops.segment_sum(hm * hs, dst, num_segments=h.shape[0])
    return jax.nn.softplus(_bn(agg, p['bn_g'], p['bn_b']) + h)


def _branch(x, edge_index, e, graph_id, p_emb, p_convs):
    h = _mlp_apply(p_emb, x, jax.nn.silu)
    src, dst = edge_index[0], edge_index[1]
    for pc in p_convs:
        h = _conv_apply(pc, h, e, src, dst)
    # AvgPooling over batched graphs via segment mean
    s = jax.ops.segment_sum(h, graph_id, num_segments=BGRAPHS)
    c = jax.ops.segment_sum(jnp.ones((h.shape[0], 1), h.dtype), graph_id, num_segments=BGRAPHS)
    return s / jnp.maximum(c, 1.0)


def reference(x_s, edge_index_s, e_s, graph_id_s, x_b, edge_index_b, e_b, graph_id_b, params):
    vs = _branch(x_s, edge_index_s, e_s, graph_id_s, params['emb_s'], params['convs_s'])
    vb = _branch(x_b, edge_index_b, e_b, graph_id_b, params['emb_b'], params['convs_b'])
    vt = jnp.concatenate([vs, vb], axis=1)
    for pf in params['fcs']:
        vt = _mlp_apply(pf, vt, jax.nn.silu)
    return vt @ params['pred']['W'] + params['pred']['b']

if __name__ == "__main__":
    import jax
    _d = setup_inputs()
    print(jax.jit(kernel)(*tuple(_d.values())))

</pallas_src>

<mosaic_0001>
#map = affine_map<(d0, d1) -> (0, 0)>
#map1 = affine_map<(d0, d1) -> (0)>
#map2 = affine_map<(d0, d1) -> (0, 0, 0, 0)>
module attributes {stable_mosaic.version = 14 : i64} {
  func.func @_sc_edge_body(%arg0: i32, %arg1: i32, %arg2: memref<20000x64xf32, #tpu.memory_space<hbm>>, %arg3: memref<20000x64xf32, #tpu.memory_space<hbm>>, %arg4: memref<983040x64xf32, #tpu.memory_space<hbm>>, %arg5: memref<20000x64xf32, #tpu.memory_space<hbm>>, %arg6: memref<20000x64xf32, #tpu.memory_space<hbm>>, %arg7: memref<983040x64xf32, #tpu.memory_space<hbm>>, %arg8: memref<327680xi32, #tpu.memory_space<hbm>>, %arg9: memref<327680xi32, #tpu.memory_space<hbm>>, %arg10: memref<327680xi32, #tpu.memory_space<hbm>>, %arg11: memref<327680xi32, #tpu.memory_space<hbm>>, %arg12: memref<2x2x10112x32xf32, #tpu.memory_space<hbm>>, %arg13: memref<2x128xi32, #tpu.memory_space<vmem>>, %arg14: memref<2x128xi32, #tpu.memory_space<vmem>>, %arg15: memref<2x128xi32, #tpu.memory_space<vmem>>, %arg16: memref<2x128xi32, #tpu.memory_space<vmem>>, %arg17: memref<2x128x64xf32, #tpu.memory_space<vmem>>, %arg18: memref<2x128x64xf32, #tpu.memory_space<vmem>>, %arg19: memref<2x128x64xf32, #tpu.memory_space<vmem>>, %arg20: memref<128x32xf32, #tpu.memory_space<vmem>>, %arg21: memref<632x32xf32, #tpu.memory_space<vmem>>, %arg22: memref<10112x32xf32, #tpu.memory_space<vmem_shared>>, %arg23: memref<!tpu.dma_semaphore, #tpu.memory_space<semaphore_mem>>, %arg24: memref<!tpu.dma_semaphore, #tpu.memory_space<semaphore_mem>>) attributes {dimension_semantics = [#tpu.dimension_semantics<core_parallel>, #tpu.dimension_semantics<subcore_parallel>], iteration_bounds = array<i64: 2, 16>, scalar_prefetch = 0 : i64, scratch_operands = 12 : i64, tpu.core_type = #tpu.core_type<sc_vector_subcore>, window_params = [{transform_indices = #map}, {transform_indices = #map}, {transform_indices = #map}, {transform_indices = #map}, {transform_indices = #map}, {transform_indices = #map}, {transform_indices = #map1}, {transform_indices = #map1}, {transform_indices = #map1}, {transform_indices = #map1}, {transform_indices = #map2}]} {
    %broadcast_in_dim3A = arith.constant 0.000000e+00 : f32
    %broadcast_in_dim3A_0 = vector.broadcast %broadcast_in_dim3A : f32 to vector<16xf32>
    %scan3A = arith.constant 0 : i32
    %scan3A_1 = arith.constant 0 : i32
    %scan3A_2 = arith.constant 1264 : i32
    %scan3A_3 = arith.addi %scan3A_1, %scan3A_2 : i32
    %scan3A_4 = arith.constant 1 : i32
    %scan3A_5 = scf.for %scan3A_137 = %scan3A_1 to %scan3A_3 step %scan3A_4 iter_args(%scan3A_138 = %scan3A) -> (i32)  : i32 {
      %jit3A = arith.constant 2 : i32
      %div3A = arith.divsi %scan3A_137, %jit3A : i32
      %sign3A = arith.constant 0 : i32
      %sign3A_139 = arith.cmpi sgt, %scan3A_137, %sign3A : i32
      %sign3A_140 = arith.extui %sign3A_139 : i1 to i32
      %sign3A_141 = arith.constant 0 : i32
      %sign3A_142 = arith.cmpi slt, %scan3A_137, %sign3A_141 : i32
      %sign3A_143 = arith.extui %sign3A_142 : i1 to i32
      %sign3A_144 = arith.subi %sign3A_140, %sign3A_143 : i32
      %sign3A_145 = arith.constant 0 : i32
      %sign3A_146 = arith.cmpi sgt, %jit3A, %sign3A_145 : i32
      %sign3A_147 = arith.extui %sign3A_146 : i1 to i32
      %sign3A_148 = arith.constant 0 : i32
      %sign3A_149 = arith.cmpi slt, %jit3A, %sign3A_148 : i32
      %sign3A_150 = arith.extui %sign3A_149 : i1 to i32
      %sign3A_151 = arith.subi %sign3A_147, %sign3A_150 : i32
      %ne3A = arith.cmpi ne, %sign3A_144, %sign3A_151 : i32
      %rem3A = arith.remsi %scan3A_137, %jit3A : i32
      %ne3A_152 = arith.constant 0 : i32
      %ne3A_153 = arith.cmpi ne, %rem3A, %ne3A_152 : i32
      %and3A = arith.andi %ne3A, %ne3A_153 : i1
      %sub3A = arith.constant 1 : i32
      %sub3A_154 = arith.subi %div3A, %sub3A : i32
      %select_n3A = arith.select %and3A, %sub3A_154, %div3A : i32
      %jit3A_155 = arith.constant 2 : i32
      %eq3A = arith.constant 0 : i32
      %eq3A_156 = arith.cmpi eq, %jit3A_155, %eq3A : i32
      %jit3A_157 = arith.constant 1 : i32
      %select_n3A_158 = arith.select %eq3A_156, %jit3A_157, %jit3A_155 : i32
      %rem3A_159 = arith.remsi %scan3A_137, %select_n3A_158 : i32
      %ne3A_160 = arith.constant 0 : i32
      %ne3A_161 = arith.cmpi ne, %rem3A_159, %ne3A_160 : i32
      %lt3A = arith.constant 0 : i32
      %lt3A_162 = arith.cmpi slt, %rem3A_159, %lt3A : i32
      %lt3A_163 = arith.constant 0 : i32
      %lt3A_164 = arith.cmpi slt, %select_n3A_158, %lt3A_163 : i32
      %ne3A_165 = arith.xori %lt3A_162, %lt3A_164 : i1
      %and3A_166 = arith.andi %ne3A_165, %ne3A_161 : i1
      %add3A_167 = arith.addi %rem3A_159, %select_n3A_158 : i32
      %select_n3A_168 = arith.select %and3A_166, %add3A_167, %rem3A_159 : i32
      %mul3A_169 = arith.constant 16 : i32
      %mul3A_170 = arith.muli %select_n3A_168, %mul3A_169 : i32
      %swap3A = arith.index_cast %select_n3A : i32 to index
      %swap3A_171 = arith.index_cast %mul3A_170 : i32 to index
      %swap3A_172 = tpu.vector_load %arg21[%swap3A, %swap3A_171] {strides = array<i32>} : memref<632x32xf32, #tpu.memory_space<vmem>>, vector<1x16xf32>,
      %swap3A_173 = vector.shape_cast %swap3A_172 : vector<1x16xf32> to vector<16xf32>
      %swap3A_174 = vector.shape_cast %broadcast_in_dim3A_0 : vector<16xf32> to vector<1x16xf32>
      tpu.vector_store %arg21[%swap3A, %swap3A_171], %swap3A_174 {strides = array<i32>} : memref<632x32xf32, #tpu.memory_space<vmem>>, vector<1x16xf32>,
      %scan3A_175 = arith.constant 0 : i32
      scf.yield %scan3A_175 : i32
    }
    %scan3A_6 = arith.constant 1264 : i32
    %mul3A = arith.constant 632 : i32
    %mul3A_7 = arith.muli %arg1, %mul3A : i32
    "tpu.region"() ({
      %run_scoped3A_137 = tpu.sem_alloc : memref<!tpu.dma_semaphore, #tpu.memory_space<semaphore_mem>>
      %dma_start3A_138 = arith.constant 0 : i32
      %dma_start3A_139 = tpu.memref_slice %arg22[%mul3A_7, %dma_start3A_138] : memref<10112x32xf32, #tpu.memory_space<vmem_shared>> -> memref<632x32xf32, #tpu.memory_space<vmem_shared>>
      %dma_start3A_140 = arith.constant 0 : i32
      %dma_start3A_141 = tpu.memref_slice %arg22[%mul3A_7, %dma_start3A_140] : memref<10112x32xf32, #tpu.memory_space<vmem_shared>> -> memref<632x32xf32, #tpu.memory_space<vmem_shared>>
      tpu.enqueue_dma source(%arg21 : memref<632x32xf32, #tpu.memory_space<vmem>>) target(%dma_start3A_141 : memref<632x32xf32, #tpu.memory_space<vmem_shared>>) target_semaphore(%run_scoped3A_137 : memref<!tpu.dma_semaphore, #tpu.memory_space<semaphore_mem>>)
      %dma_wait3A = arith.constant 0 : i32
      %dma_wait3A_142 = tpu.memref_slice %arg22[%mul3A_7, %dma_wait3A] : memref<10112x32xf32, #tpu.memory_space<vmem_shared>> -> memref<632x32xf32, #tpu.memory_space<vmem_shared>>
      %dma_wait3A_143 = arith.constant 0 : i32
      %dma_wait3A_144 = tpu.memref_slice %arg22[%mul3A_7, %dma_wait3A_143] : memref<10112x32xf32, #tpu.memory_space<vmem_shared>> -> memref<632x32xf32, #tpu.memory_space<vmem_shared>>
      tpu.wait_dma2 semaphore(%run_scoped3A_137 : memref<!tpu.dma_semaphore, #tpu.memory_space<semaphore_mem>>) src(%arg21 : memref<632x32xf32, #tpu.memory_space<vmem>>) dst(%dma_wait3A_144 : memref<632x32xf32, #tpu.memory_space<vmem_shared>>)
      tpu.yield
    }) : () -> ()
    %barrier3A = arith.constant 0 : index
    tpu.barrier barrier_id(%barrier3A)
    %mul3A_8 = arith.constant 163840 : i32
    %mul3A_9 = arith.muli %arg0, %mul3A_8 : i32
    %mul3A_10 = arith.constant 10240 : i32
    %mul3A_11 = arith.muli %arg1, %mul3A_10 : i32
    %add3A = arith.addi %mul3A_9, %mul3A_11 : i32
    %add3A_12 = arith.constant 0 : i32
    %add3A_13 = arith.addi %add3A, %add3A_12 : i32
    %run_scoped3A = arith.constant 0 : i32
    "tpu.region"() ({
      %run_scoped3A_137 = tpu.sem_alloc : memref<!tpu.dma_semaphore, #tpu.memory_space<semaphore_mem>>
      %dma_start3A_138 = arith.constant 0 : i32
      %dma_start3A_139 = tpu.memref_slice %arg13[%run_scoped3A, %dma_start3A_138] : memref<2x128xi32, #tpu.memory_space<vmem>> -> memref<1x128xi32, #tpu.memory_space<vmem>>
      %dma_start3A_140 = tpu.memref_squeeze %dma_start3A_139 : memref<1x128xi32, #tpu.memory_space<vmem>> -> memref<128xi32, #tpu.memory_space<vmem>>
      %dma_start3A_141 = tpu.memref_slice %arg8[%add3A_13] : memref<327680xi32, #tpu.memory_space<hbm>> -> memref<128xi32, #tpu.memory_space<hbm>>
      %dma_start3A_142 = arith.constant 0 : i32
      %dma_start3A_143 = tpu.memref_slice %arg13[%run_scoped3A, %dma_start3A_142] : memref<2x128xi32, #tpu.memory_space<vmem>> -> memref<1x128xi32, #tpu.memory_space<vmem>>
      %dma_start3A_144 = tpu.memref_squeeze %dma_start3A_143 : memref<1x128xi32, #tpu.memory_space<vmem>> -> memref<128xi32, #tpu.memory_space<vmem>>
      %dma_start3A_145 = tpu.memref_slice %arg8[%add3A_13] : memref<327680xi32, #tpu.memory_space<hbm>> -> memref<128xi32, #tpu.memory_space<hbm>>
      tpu.enqueue_dma source(%dma_start3A_145 : memref<128xi32, #tpu.memory_space<hbm>>) target(%dma_start3A_144 : memref<128xi32, #tpu.memory_space<vmem>>) target_semaphore(%run_scoped3A_137 : memref<!tpu.dma_semaphore, #tpu.memory_space<semaphore_mem>>)
      %dma_wait3A = arith.constant 0 : i32
      %dma_wait3A_146 = tpu.memref_slice %arg13[%run_scoped3A, %dma_wait3A] : memref<2x128xi32, #tpu.memory_space<vmem>> -> memref<1x128xi32, #tpu.memory_space<vmem>>
      %dma_wait3A_147 = tpu.memref_squeeze %dma_wait3A_146 : memref<1x128xi32, #tpu.memory_space<vmem>> -> memref<128xi32, #tpu.memory_space<vmem>>
      %dma_wait3A_148 = tpu.memref_slice %arg8[%add3A_13] : memref<327680xi32, #tpu.memory_space<hbm>> -> memref<128xi32, #tpu.memory_space<hbm>>
      %dma_wait3A_149 = arith.constant 0 : i32
      %dma_wait3A_150 = tpu.memref_slice %arg13[%run_scoped3A, %dma_wait3A_149] : memref<2x128xi32, #tpu.memory_space<vmem>> -> memref<1x128xi32, #tpu.memory_space<vmem>>
      %dma_wait3A_151 = tpu.memref_squeeze %dma_wait3A_150 : memref<1x128xi32, #tpu.memory_space<vmem>> -> memref<128xi32, #tpu.memory_space<vmem>>
      %dma_wait3A_152 = tpu.memref_slice %arg8[%add3A_13] : memref<327680xi32, #tpu.memory_space<hbm>> -> memref<128xi32, #tpu.memory_space<hbm>>
      tpu.wait_dma2 semaphore(%run_scoped3A_137 : memref<!tpu.dma_semaphore, #tpu.memory_space<semaphore_mem>>) src(%dma_wait3A_152 : memref<128xi32, #tpu.memory_space<hbm>>) dst(%dma_wait3A_151 : memref<128xi32, #tpu.memory_space<vmem>>)
      tpu.yield
    }) : () -> ()
    %run_scoped3A_14 = arith.constant 0 : i32
    "tpu.region"() ({
      %run_scoped3A_137 = tpu.sem_alloc : memref<!tpu.dma_semaphore, #tpu.memory_space<semaphore_mem>>
      %dma_start3A_138 = arith.constant 0 : i32
      %dma_start3A_139 = tpu.memref_slice %arg14[%run_scoped3A_14, %dma_start3A_138] : memref<2x128xi32, #tpu.memory_space<vmem>> -> memref<1x128xi32, #tpu.memory_space<vmem>>
      %dma_start3A_140 = tpu.memref_squeeze %dma_start3A_139 : memref<1x128xi32, #tpu.memory_space<vmem>> -> memref<128xi32, #tpu.memory_space<vmem>>
      %dma_start3A_141 = tpu.memref_slice %arg9[%add3A_13] : memref<327680xi32, #tpu.memory_space<hbm>> -> memref<128xi32, #tpu.memory_space<hbm>>
      %dma_start3A_142 = arith.constant 0 : i32
      %dma_start3A_143 = tpu.memref_slice %arg14[%run_scoped3A_14, %dma_start3A_142] : memref<2x128xi32, #tpu.memory_space<vmem>> -> memref<1x128xi32, #tpu.memory_space<vmem>>
      %dma_start3A_144 = tpu.memref_squeeze %dma_start3A_143 : memref<1x128xi32, #tpu.memory_space<vmem>> -> memref<128xi32, #tpu.memory_space<vmem>>
      %dma_start3A_145 = tpu.memref_slice %arg9[%add3A_13] : memref<327680xi32, #tpu.memory_space<hbm>> -> memref<128xi32, #tpu.memory_space<hbm>>
      tpu.enqueue_dma source(%dma_start3A_145 : memref<128xi32, #tpu.memory_space<hbm>>) target(%dma_start3A_144 : memref<128xi32, #tpu.memory_space<vmem>>) target_semaphore(%run_scoped3A_137 : memref<!tpu.dma_semaphore, #tpu.memory_space<semaphore_mem>>)
      %dma_wait3A = arith.constant 0 : i32
      %dma_wait3A_146 = tpu.memref_slice %arg14[%run_scoped3A_14, %dma_wait3A] : memref<2x128xi32, #tpu.memory_space<vmem>> -> memref<1x128xi32, #tpu.memory_space<vmem>>
      %dma_wait3A_147 = tpu.memref_squeeze %dma_wait3A_146 : memref<1x128xi32, #tpu.memory_space<vmem>> -> memref<128xi32, #tpu.memory_space<vmem>>
      %dma_wait3A_148 = tpu.memref_slice %arg9[%add3A_13] : memref<327680xi32, #tpu.memory_space<hbm>> -> memref<128xi32, #tpu.memory_space<hbm>>
      %dma_wait3A_149 = arith.constant 0 : i32
      %dma_wait3A_150 = tpu.memref_slice %arg14[%run_scoped3A_14, %dma_wait3A_149] : memref<2x128xi32, #tpu.memory_space<vmem>> -> memref<1x128xi32, #tpu.memory_space<vmem>>
      %dma_wait3A_151 = tpu.memref_squeeze %dma_wait3A_150 : memref<1x128xi32, #tpu.memory_space<vmem>> -> memref<128xi32, #tpu.memory_space<vmem>>
      %dma_wait3A_152 = tpu.memref_slice %arg9[%add3A_13] : memref<327680xi32, #tpu.memory_space<hbm>> -> memref<128xi32, #tpu.memory_space<hbm>>
      tpu.wait_dma2 semaphore(%run_scoped3A_137 : memref<!tpu.dma_semaphore, #tpu.memory_space<semaphore_mem>>) src(%dma_wait3A_152 : memref<128xi32, #tpu.memory_space<hbm>>) dst(%dma_wait3A_151 : memref<128xi32, #tpu.memory_space<vmem>>)
      tpu.yield
    }) : () -> ()
    %run_scoped3A_15 = arith.constant 0 : i32
    "tpu.region"() ({
      %run_scoped3A_137 = tpu.sem_alloc : memref<!tpu.dma_semaphore, #tpu.memory_space<semaphore_mem>>
      %dma_start3A_138 = arith.constant 0 : i32
      %dma_start3A_139 = tpu.memref_slice %arg15[%run_scoped3A_15, %dma_start3A_138] : memref<2x128xi32, #tpu.memory_space<vmem>> -> memref<1x128xi32, #tpu.memory_space<vmem>>
      %dma_start3A_140 = tpu.memref_squeeze %dma_start3A_139 : memref<1x128xi32, #tpu.memory_space<vmem>> -> memref<128xi32, #tpu.memory_space<vmem>>
      %dma_start3A_141 = tpu.memref_slice %arg10[%add3A_13] : memref<327680xi32, #tpu.memory_space<hbm>> -> memref<128xi32, #tpu.memory_space<hbm>>
      %dma_start3A_142 = arith.constant 0 : i32
      %dma_start3A_143 = tpu.memref_slice %arg15[%run_scoped3A_15, %dma_start3A_142] : memref<2x128xi32, #tpu.memory_space<vmem>> -> memref<1x128xi32, #tpu.memory_space<vmem>>
      %dma_start3A_144 = tpu.memref_squeeze %dma_start3A_143 : memref<1x128xi32, #tpu.memory_space<vmem>> -> memref<128xi32, #tpu.memory_space<vmem>>
      %dma_start3A_145 = tpu.memref_slice %arg10[%add3A_13] : memref<327680xi32, #tpu.memory_space<hbm>> -> memref<128xi32, #tpu.memory_space<hbm>>
      tpu.enqueue_dma source(%dma_start3A_145 : memref<128xi32, #tpu.memory_space<hbm>>) target(%dma_start3A_144 : memref<128xi32, #tpu.memory_space<vmem>>) target_semaphore(%run_scoped3A_137 : memref<!tpu.dma_semaphore, #tpu.memory_space<semaphore_mem>>)
      %dma_wait3A = arith.constant 0 : i32
      %dma_wait3A_146 = tpu.memref_slice %arg15[%run_scoped3A_15, %dma_wait3A] : memref<2x128xi32, #tpu.memory_space<vmem>> -> memref<1x128xi32, #tpu.memory_space<vmem>>
      %dma_wait3A_147 = tpu.memref_squeeze %dma_wait3A_146 : memref<1x128xi32, #tpu.memory_space<vmem>> -> memref<128xi32, #tpu.memory_space<vmem>>
      %dma_wait3A_148 = tpu.memref_slice %arg10[%add3A_13] : memref<327680xi32, #tpu.memory_space<hbm>> -> memref<128xi32, #tpu.memory_space<hbm>>
      %dma_wait3A_149 = arith.constant 0 : i32
      %dma_wait3A_150 = tpu.memref_slice %arg15[%run_scoped3A_15, %dma_wait3A_149] : memref<2x128xi32, #tpu.memory_space<vmem>> -> memref<1x128xi32, #tpu.memory_space<vmem>>
      %dma_wait3A_151 = tpu.memref_squeeze %dma_wait3A_150 : memref<1x128xi32, #tpu.memory_space<vmem>> -> memref<128xi32, #tpu.memory_space<vmem>>
      %dma_wait3A_152 = tpu.memref_slice %arg10[%add3A_13] : memref<327680xi32, #tpu.memory_space<hbm>> -> memref<128xi32, #tpu.memory_space<hbm>>
      tpu.wait_dma2 semaphore(%run_scoped3A_137 : memref<!tpu.dma_semaphore, #tpu.memory_space<semaphore_mem>>) src(%dma_wait3A_152 : memref<128xi32, #tpu.memory_space<hbm>>) dst(%dma_wait3A_151 : memref<128xi32, #tpu.memory_space<vmem>>)
      tpu.yield
    }) : () -> ()
    %run_scoped3A_16 = arith.constant 0 : i32
    "tpu.region"() ({
      %run_scoped3A_137 = tpu.sem_alloc : memref<!tpu.dma_semaphore, #tpu.memory_space<semaphore_mem>>
      %dma_start3A_138 = arith.constant 0 : i32
      %dma_start3A_139 = tpu.memref_slice %arg16[%run_scoped3A_16, %dma_start3A_138] : memref<2x128xi32, #tpu.memory_space<vmem>> -> memref<1x128xi32, #tpu.memory_space<vmem>>
      %dma_start3A_140 = tpu.memref_squeeze %dma_start3A_139 : memref<1x128xi32, #tpu.memory_space<vmem>> -> memref<128xi32, #tpu.memory_space<vmem>>
      %dma_start3A_141 = tpu.memref_slice %arg11[%add3A_13] : memref<327680xi32, #tpu.memory_space<hbm>> -> memref<128xi32, #tpu.memory_space<hbm>>
      %dma_start3A_142 = arith.constant 0 : i32
      %dma_start3A_143 = tpu.memref_slice %arg16[%run_scoped3A_16, %dma_start3A_142] : memref<2x128xi32, #tpu.memory_space<vmem>> -> memref<1x128xi32, #tpu.memory_space<vmem>>
      %dma_start3A_144 = tpu.memref_squeeze %dma_start3A_143 : memref<1x128xi32, #tpu.memory_space<vmem>> -> memref<128xi32, #tpu.memory_space<vmem>>
      %dma_start3A_145 = tpu.memref_slice %arg11[%add3A_13] : memref<327680xi32, #tpu.memory_space<hbm>> -> memref<128xi32, #tpu.memory_space<hbm>>
      tpu.enqueue_dma source(%dma_start3A_145 : memref<128xi32, #tpu.memory_space<hbm>>) target(%dma_start3A_144 : memref<128xi32, #tpu.memory_space<vmem>>) target_semaphore(%run_scoped3A_137 : memref<!tpu.dma_semaphore, #tpu.memory_space<semaphore_mem>>)
      %dma_wait3A = arith.constant 0 : i32
      %dma_wait3A_146 = tpu.memref_slice %arg16[%run_scoped3A_16, %dma_wait3A] : memref<2x128xi32, #tpu.memory_space<vmem>> -> memref<1x128xi32, #tpu.memory_space<vmem>>
      %dma_wait3A_147 = tpu.memref_squeeze %dma_wait3A_146 : memref<1x128xi32, #tpu.memory_space<vmem>> -> memref<128xi32, #tpu.memory_space<vmem>>
      %dma_wait3A_148 = tpu.memref_slice %arg11[%add3A_13] : memref<327680xi32, #tpu.memory_space<hbm>> -> memref<128xi32, #tpu.memory_space<hbm>>
      %dma_wait3A_149 = arith.constant 0 : i32
      %dma_wait3A_150 = tpu.memref_slice %arg16[%run_scoped3A_16, %dma_wait3A_149] : memref<2x128xi32, #tpu.memory_space<vmem>> -> memref<1x128xi32, #tpu.memory_space<vmem>>
      %dma_wait3A_151 = tpu.memref_squeeze %dma_wait3A_150 : memref<1x128xi32, #tpu.memory_space<vmem>> -> memref<128xi32, #tpu.memory_space<vmem>>
      %dma_wait3A_152 = tpu.memref_slice %arg11[%add3A_13] : memref<327680xi32, #tpu.memory_space<hbm>> -> memref<128xi32, #tpu.memory_space<hbm>>
      tpu.wait_dma2 semaphore(%run_scoped3A_137 : memref<!tpu.dma_semaphore, #tpu.memory_space<semaphore_mem>>) src(%dma_wait3A_152 : memref<128xi32, #tpu.memory_space<hbm>>) dst(%dma_wait3A_151 : memref<128xi32, #tpu.memory_space<vmem>>)
      tpu.yield
    }) : () -> ()
    %dma_start3A = arith.constant 0 : i32
    %dma_start3A_17 = arith.constant 0 : i32
    %dma_start3A_18 = arith.constant 0 : i32
    %dma_start3A_19 = arith.constant 0 : i32
    %dma_start3A_20 = tpu.memref_slice %arg17[%dma_start3A_17, %dma_start3A_18, %dma_start3A_19] : memref<2x128x64xf32, #tpu.memory_space<vmem>> -> memref<1x128x64xf32, #tpu.memory_space<vmem>>
    %dma_start3A_21 = tpu.memref_squeeze %dma_start3A_20 : memref<1x128x64xf32, #tpu.memory_space<vmem>> -> memref<128x64xf32, #tpu.memory_space<vmem>>
    %dma_start3A_22 = arith.constant 0 : i32
    %dma_start3A_23 = tpu.memref_slice %arg13[%dma_start3A, %dma_start3A_22] : memref<2x128xi32, #tpu.memory_space<vmem>> -> memref<1x128xi32, #tpu.memory_space<vmem>>
    %dma_start3A_24 = tpu.memref_squeeze %dma_start3A_23 : memref<1x128xi32, #tpu.memory_space<vmem>> -> memref<128xi32, #tpu.memory_space<vmem>>
    %dma_start3A_25 = arith.constant 0 : i32
    %dma_start3A_26 = arith.constant 0 : i32
    %dma_start3A_27 = tpu.memref_slice %arg2[%dma_start3A_25, %dma_start3A_26] : memref<20000x64xf32, #tpu.memory_space<hbm>> -> memref<20000x64xf32, #tpu.memory_space<hbm>>
    tpu.enqueue_indirect_dma source(%dma_start3A_27 : memref<20000x64xf32, #tpu.memory_space<hbm>>) target(%dma_start3A_21 : memref<128x64xf32, #tpu.memory_space<vmem>>) offsets(%dma_start3A_24 : memref<128xi32, #tpu.memory_space<vmem>>) semaphore(%arg23 : memref<!tpu.dma_semaphore, #tpu.memory_space<semaphore_mem>>)
    %dma_start3A_28 = arith.constant 0 : i32
    %dma_start3A_29 = arith.constant 0 : i32
    %dma_start3A_30 = arith.constant 0 : i32
    %dma_start3A_31 = arith.constant 0 : i32
    %dma_start3A_32 = tpu.memref_slice %arg18[%dma_start3A_29, %dma_start3A_30, %dma_start3A_31] : memref<2x128x64xf32, #tpu.memory_space<vmem>> -> memref<1x128x64xf32, #tpu.memory_space<vmem>>
    %dma_start3A_33 = tpu.memref_squeeze %dma_start3A_32 : memref<1x128x64xf32, #tpu.memory_space<vmem>> -> memref<128x64xf32, #tpu.memory_space<vmem>>
    %dma_start3A_34 = arith.constant 0 : i32
    %dma_start3A_35 = tpu.memref_slice %arg14[%dma_start3A_28, %dma_start3A_34] : memref<2x128xi32, #tpu.memory_space<vmem>> -> memref<1x128xi32, #tpu.memory_space<vmem>>
    %dma_start3A_36 = tpu.memref_squeeze %dma_start3A_35 : memref<1x128xi32, #tpu.memory_space<vmem>> -> memref<128xi32, #tpu.memory_space<vmem>>
    %dma_start3A_37 = arith.constant 0 : i32
    %dma_start3A_38 = arith.constant 0 : i32
    %dma_start3A_39 = tpu.memref_slice %arg3[%dma_start3A_37, %dma_start3A_38] : memref<20000x64xf32, #tpu.memory_space<hbm>> -> memref<20000x64xf32, #tpu.memory_space<hbm>>
    tpu.enqueue_indirect_dma source(%dma_start3A_39 : memref<20000x64xf32, #tpu.memory_space<hbm>>) target(%dma_start3A_33 : memref<128x64xf32, #tpu.memory_space<vmem>>) offsets(%dma_start3A_36 : memref<128xi32, #tpu.memory_space<vmem>>) semaphore(%arg23 : memref<!tpu.dma_semaphore, #tpu.memory_space<semaphore_mem>>)
    %dma_start3A_40 = arith.constant 0 : i32
    %dma_start3A_41 = arith.constant 0 : i32
    %dma_start3A_42 = arith.constant 0 : i32
    %dma_start3A_43 = arith.constant 0 : i32
    %dma_start3A_44 = tpu.memref_slice %arg19[%dma_start3A_41, %dma_start3A_42, %dma_start3A_43] : memref<2x128x64xf32, #tpu.memory_space<vmem>> -> memref<1x128x64xf32, #tpu.memory_space<vmem>>
    %dma_start3A_45 = tpu.memref_squeeze %dma_start3A_44 : memref<1x128x64xf32, #tpu.memory_space<vmem>> -> memref<128x64xf32, #tpu.memory_space<vmem>>
    %dma_start3A_46 = arith.constant 0 : i32
    %dma_start3A_47 = tpu.memref_slice %arg16[%dma_start3A_40, %dma_start3A_46] : memref<2x128xi32, #tpu.memory_space<vmem>> -> memref<1x128xi32, #tpu.memory_space<vmem>>
    %dma_start3A_48 = tpu.memref_squeeze %dma_start3A_47 : memref<1x128xi32, #tpu.memory_space<vmem>> -> memref<128xi32, #tpu.memory_space<vmem>>
    %dma_start3A_49 = arith.constant 0 : i32
    %dma_start3A_50 = arith.constant 0 : i32
    %dma_start3A_51 = tpu.memref_slice %arg4[%dma_start3A_49, %dma_start3A_50] : memref<983040x64xf32, #tpu.memory_space<hbm>> -> memref<983040x64xf32, #tpu.memory_space<hbm>>
    tpu.enqueue_indirect_dma source(%dma_start3A_51 : memref<983040x64xf32, #tpu.memory_space<hbm>>) target(%dma_start3A_45 : memref<128x64xf32, #tpu.memory_space<vmem>>) offsets(%dma_start3A_48 : memref<128xi32, #tpu.memory_space<vmem>>) semaphore(%arg23 : memref<!tpu.dma_semaphore, #tpu.memory_space<semaphore_mem>>)
    %scan3A_52 = arith.constant 0 : i32
    %scan3A_53 = arith.constant 0 : i32
    %scan3A_54 = arith.constant 40 : i32
    %scan3A_55 = arith.addi %scan3A_53, %scan3A_54 : i32
    %scan3A_56 = arith.constant 1 : i32
    %scan3A_57 = scf.for %scan3A_137 = %scan3A_53 to %scan3A_55 step %scan3A_56 iter_args(%scan3A_138 = %scan3A_52) -> (i32)  : i32 {
      %mul3A_139 = arith.constant 2 : i32
      %mul3A_140 = arith.muli %mul3A_139, %scan3A_137 : i32
      %add3A_141 = arith.constant 1 : i32
      %add3A_142 = arith.addi %mul3A_140, %add3A_141 : i32
      %mul3A_143 = arith.constant 163840 : i32
      %mul3A_144 = arith.muli %arg0, %mul3A_143 : i32
      %mul3A_145 = arith.constant 10240 : i32
      %mul3A_146 = arith.muli %arg1, %mul3A_145 : i32
      %add3A_147 = arith.addi %mul3A_144, %mul3A_146 : i32
      %mul3A_148 = arith.constant 128 : i32
      %mul3A_149 = arith.muli %add3A_142, %mul3A_148 : i32
      %add3A_150 = arith.addi %add3A_147, %mul3A_149 : i32
      %run_scoped3A_151 = arith.constant 1 : i32
      "tpu.region"() ({
        %run_scoped3A_281 = tpu.sem_alloc : memref<!tpu.dma_semaphore, #tpu.memory_space<semaphore_mem>>
        %dma_start3A_282 = arith.constant 0 : i32
        %dma_start3A_283 = tpu.memref_slice %arg13[%run_scoped3A_151, %dma_start3A_282] : memref<2x128xi32, #tpu.memory_space<vmem>> -> memref<1x128xi32, #tpu.memory_space<vmem>>
        %dma_start3A_284 = tpu.memref_squeeze %dma_start3A_283 : memref<1x128xi32, #tpu.memory_space<vmem>> -> memref<128xi32, #tpu.memory_space<vmem>>
        %dma_start3A_285 = tpu.memref_slice %arg8[%add3A_150] : memref<327680xi32, #tpu.memory_space<hbm>> -> memref<128xi32, #tpu.memory_space<hbm>>
        %dma_start3A_286 = arith.constant 0 : i32
        %dma_start3A_287 = tpu.memref_slice %arg13[%run_scoped3A_151, %dma_start3A_286] : memref<2x128xi32, #tpu.memory_space<vmem>> -> memref<1x128xi32, #tpu.memory_space<vmem>>
        %dma_start3A_288 = tpu.memref_squeeze %dma_start3A_287 : memref<1x128xi32, #tpu.memory_space<vmem>> -> memref<128xi32, #tpu.memory_space<vmem>>
        %dma_start3A_289 = tpu.memref_slice %arg8[%add3A_150] : memref<327680xi32, #tpu.memory_space<hbm>> -> memref<128xi32, #tpu.memory_space<hbm>>
        tpu.enqueue_dma source(%dma_start3A_289 : memref<128xi32, #tpu.memory_space<hbm>>) target(%dma_start3A_288 : memref<128xi32, #tpu.memory_space<vmem>>) target_semaphore(%run_scoped3A_281 : memref<!tpu.dma_semaphore, #tpu.memory_space<semaphore_mem>>)
        %dma_wait3A_290 = arith.constant 0 : i32
        %dma_wait3A_291 = tpu.memref_slice %arg13[%run_scoped3A_151, %dma_wait3A_290] : memref<2x128xi32, #tpu.memory_space<vmem>> -> memref<1x128xi32, #tpu.memory_space<vmem>>
        %dma_wait3A_292 = tpu.memref_squeeze %dma_wait3A_291 : memref<1x128xi32, #tpu.memory_space<vmem>> -> memref<128xi32, #tpu.memory_space<vmem>>
        %dma_wait3A_293 = tpu.memref_slice %arg8[%add3A_150] : memref<327680xi32, #tpu.memory_space<hbm>> -> memref<128xi32, #tpu.memory_space<hbm>>
        %dma_wait3A_294 = arith.constant 0 : i32
        %dma_wait3A_295 = tpu.memref_slice %arg13[%run_scoped3A_151, %dma_wait3A_294] : memref<2x128xi32, #tpu.memory_space<vmem>> -> memref<1x128xi32, #tpu.memory_space<vmem>>
        %dma_wait3A_296 = tpu.memref_squeeze %dma_wait3A_295 : memref<1x128xi32, #tpu.memory_space<vmem>> -> memref<128xi32, #tpu.memory_space<vmem>>
        %dma_wait3A_297 = tpu.memref_slice %arg8[%add3A_150] : memref<327680xi32, #tpu.memory_space<hbm>> -> memref<128xi32, #tpu.memory_space<hbm>>
        tpu.wait_dma2 semaphore(%run_scoped3A_281 : memref<!tpu.dma_semaphore, #tpu.memory_space<semaphore_mem>>) src(%dma_wait3A_297 : memref<128xi32, #tpu.memory_space<hbm>>) dst(%dma_wait3A_296 : memref<128xi32, #tpu.memory_space<vmem>>)
        tpu.yield
      }) : () -> ()
      %run_scoped3A_152 = arith.constant 1 : i32
      "tpu.region"() ({
        %run_scoped3A_281 = tpu.sem_alloc : memref<!tpu.dma_semaphore, #tpu.memory_space<semaphore_mem>>
        %dma_start3A_282 = arith.constant 0 : i32
        %dma_start3A_283 = tpu.memref_slice %arg14[%run_scoped3A_152, %dma_start3A_282] : memref<2x128xi32, #tpu.memory_space<vmem>> -> memref<1x128xi32, #tpu.memory_space<vmem>>
        %dma_start3A_284 = tpu.memref_squeeze %dma_start3A_283 : memref<1x128xi32, #tpu.memory_space<vmem>> -> memref<128xi32, #tpu.memory_space<vmem>>
        %dma_start3A_285 = tpu.memref_slice %arg9[%add3A_150] : memref<327680xi32, #tpu.memory_space<hbm>> -> memref<128xi32, #tpu.memory_space<hbm>>
        %dma_start3A_286 = arith.constant 0 : i32
        %dma_start3A_287 = tpu.memref_slice %arg14[%run_scoped3A_152, %dma_start3A_286] : memref<2x128xi32, #tpu.memory_space<vmem>> -> memref<1x128xi32, #tpu.memory_space<vmem>>
        %dma_start3A_288 = tpu.memref_squeeze %dma_start3A_287 : memref<1x128xi32, #tpu.memory_space<vmem>> -> memref<128xi32, #tpu.memory_space<vmem>>
        %dma_start3A_289 = tpu.memref_slice %arg9[%add3A_150] : memref<327680xi32, #tpu.memory_space<hbm>> -> memref<128xi32, #tpu.memory_space<hbm>>
        tpu.enqueue_dma source(%dma_start3A_289 : memref<128xi32, #tpu.memory_space<hbm>>) target(%dma_start3A_288 : memref<128xi32, #tpu.memory_space<vmem>>) target_semaphore(%run_scoped3A_281 : memref<!tpu.dma_semaphore, #tpu.memory_space<semaphore_mem>>)
        %dma_wait3A_290 = arith.constant 0 : i32
        %dma_wait3A_291 = tpu.memref_slice %arg14[%run_scoped3A_152, %dma_wait3A_290] : memref<2x128xi32, #tpu.memory_space<vmem>> -> memref<1x128xi32, #tpu.memory_space<vmem>>
        %dma_wait3A_292 = tpu.memref_squeeze %dma_wait3A_291 : memref<1x128xi32, #tpu.memory_space<vmem>> -> memref<128xi32, #tpu.memory_space<vmem>>
        %dma_wait3A_293 = tpu.memref_slice %arg9[%add3A_150] : memref<327680xi32, #tpu.memory_space<hbm>> -> memref<128xi32, #tpu.memory_space<hbm>>
        %dma_wait3A_294 = arith.constant 0 : i32
        %dma_wait3A_295 = tpu.memref_slice %arg14[%run_scoped3A_152, %dma_wait3A_294] : memref<2x128xi32, #tpu.memory_space<vmem>> -> memref<1x128xi32, #tpu.memory_space<vmem>>
        %dma_wait3A_296 = tpu.memref_squeeze %dma_wait3A_295 : memref<1x128xi32, #tpu.memory_space<vmem>> -> memref<128xi32, #tpu.memory_space<vmem>>
        %dma_wait3A_297 = tpu.memref_slice %arg9[%add3A_150] : memref<327680xi32, #tpu.memory_space<hbm>> -> memref<128xi32, #tpu.memory_space<hbm>>
        tpu.wait_dma2 semaphore(%run_scoped3A_281 : memref<!tpu.dma_semaphore, #tpu.memory_space<semaphore_mem>>) src(%dma_wait3A_297 : memref<128xi32, #tpu.memory_space<hbm>>) dst(%dma_wait3A_296 : memref<128xi32, #tpu.memory_space<vmem>>)
        tpu.yield
      }) : () -> ()
      %run_scoped3A_153 = arith.constant 1 : i32
      "tpu.region"() ({
        %run_scoped3A_281 = tpu.sem_alloc : memref<!tpu.dma_semaphore, #tpu.memory_space<semaphore_mem>>
        %dma_start3A_282 = arith.constant 0 : i32
        %dma_start3A_283 = tpu.memref_slice %arg15[%run_scoped3A_153, %dma_start3A_282] : memref<2x128xi32, #tpu.memory_space<vmem>> -> memref<1x128xi32, #tpu.memory_space<vmem>>
        %dma_start3A_284 = tpu.memref_squeeze %dma_start3A_283 : memref<1x128xi32, #tpu.memory_space<vmem>> -> memref<128xi32, #tpu.memory_space<vmem>>
        %dma_start3A_285 = tpu.memref_slice %arg10[%add3A_150] : memref<327680xi32, #tpu.memory_space<hbm>> -> memref<128xi32, #tpu.memory_space<hbm>>
        %dma_start3A_286 = arith.constant 0 : i32
        %dma_start3A_287 = tpu.memref_slice %arg15[%run_scoped3A_153, %dma_start3A_286] : memref<2x128xi32, #tpu.memory_space<vmem>> -> memref<1x128xi32, #tpu.memory_space<vmem>>
        %dma_start3A_288 = tpu.memref_squeeze %dma_start3A_287 : memref<1x128xi32, #tpu.memory_space<vmem>> -> memref<128xi32, #tpu.memory_space<vmem>>
        %dma_start3A_289 = tpu.memref_slice %arg10[%add3A_150] : memref<327680xi32, #tpu.memory_space<hbm>> -> memref<128xi32, #tpu.memory_space<hbm>>
        tpu.enqueue_dma source(%dma_start3A_289 : memref<128xi32, #tpu.memory_space<hbm>>) target(%dma_start3A_288 : memref<128xi32, #tpu.memory_space<vmem>>) target_semaphore(%run_scoped3A_281 : memref<!tpu.dma_semaphore, #tpu.memory_space<semaphore_mem>>)
        %dma_wait3A_290 = arith.constant 0 : i32
        %dma_wait3A_291 = tpu.memref_slice %arg15[%run_scoped3A_153, %dma_wait3A_290] : memref<2x128xi32, #tpu.memory_space<vmem>> -> memref<1x128xi32, #tpu.memory_space<vmem>>
        %dma_wait3A_292 = tpu.memref_squeeze %dma_wait3A_291 : memref<1x128xi32, #tpu.memory_space<vmem>> -> memref<128xi32, #tpu.memory_space<vmem>>
        %dma_wait3A_293 = tpu.memref_slice %arg10[%add3A_150] : memref<327680xi32, #tpu.memory_space<hbm>> -> memref<128xi32, #tpu.memory_space<hbm>>
        %dma_wait3A_294 = arith.constant 0 : i32
        %dma_wait3A_295 = tpu.memref_slice %arg15[%run_scoped3A_153, %dma_wait3A_294] : memref<2x128xi32, #tpu.memory_space<vmem>> -> memref<1x128xi32, #tpu.memory_space<vmem>>
        %dma_wait3A_296 = tpu.memref_squeeze %dma_wait3A_295 : memref<1x128xi32, #tpu.memory_space<vmem>> -> memref<128xi32, #tpu.memory_space<vmem>>
        %dma_wait3A_297 = tpu.memref_slice %arg10[%add3A_150] : memref<327680xi32, #tpu.memory_space<hbm>> -> memref<128xi32, #tpu.memory_space<hbm>>
        tpu.wait_dma2 semaphore(%run_scoped3A_281 : memref<!tpu.dma_semaphore, #tpu.memory_space<semaphore_mem>>) src(%dma_wait3A_297 : memref<128xi32, #tpu.memory_space<hbm>>) dst(%dma_wait3A_296 : memref<128xi32, #tpu.memory_space<vmem>>)
        tpu.yield
      }) : () -> ()
      %run_scoped3A_154 = arith.constant 1 : i32
      "tpu.region"() ({
        %run_scoped3A_281 = tpu.sem_alloc : memref<!tpu.dma_semaphore, #tpu.memory_space<semaphore_mem>>
        %dma_start3A_282 = arith.constant 0 : i32
        %dma_start3A_283 = tpu.memref_slice %arg16[%run_scoped3A_154, %dma_start3A_282] : memref<2x128xi32, #tpu.memory_space<vmem>> -> memref<1x128xi32, #tpu.memory_space<vmem>>
        %dma_start3A_284 = tpu.memref_squeeze %dma_start3A_283 : memref<1x128xi32, #tpu.memory_space<vmem>> -> memref<128xi32, #tpu.memory_space<vmem>>
        %dma_start3A_285 = tpu.memref_slice %arg11[%add3A_150] : memref<327680xi32, #tpu.memory_space<hbm>> -> memref<128xi32, #tpu.memory_space<hbm>>
        %dma_start3A_286 = arith.constant 0 : i32
        %dma_start3A_287 = tpu.memref_slice %arg16[%run_scoped3A_154, %dma_start3A_286] : memref<2x128xi32, #tpu.memory_space<vmem>> -> memref<1x128xi32, #tpu.memory_space<vmem>>
        %dma_start3A_288 = tpu.memref_squeeze %dma_start3A_287 : memref<1x128xi32, #tpu.memory_space<vmem>> -> memref<128xi32, #tpu.memory_space<vmem>>
        %dma_start3A_289 = tpu.memref_slice %arg11[%add3A_150] : memref<327680xi32, #tpu.memory_space<hbm>> -> memref<128xi32, #tpu.memory_space<hbm>>
        tpu.enqueue_dma source(%dma_start3A_289 : memref<128xi32, #tpu.memory_space<hbm>>) target(%dma_start3A_288 : memref<128xi32, #tpu.memory_space<vmem>>) target_semaphore(%run_scoped3A_281 : memref<!tpu.dma_semaphore, #tpu.memory_space<semaphore_mem>>)
        %dma_wait3A_290 = arith.constant 0 : i32
        %dma_wait3A_291 = tpu.memref_slice %arg16[%run_scoped3A_154, %dma_wait3A_290] : memref<2x128xi32, #tpu.memory_space<vmem>> -> memref<1x128xi32, #tpu.memory_space<vmem>>
        %dma_wait3A_292 = tpu.memref_squeeze %dma_wait3A_291 : memref<1x128xi32, #tpu.memory_space<vmem>> -> memref<128xi32, #tpu.memory_space<vmem>>
        %dma_wait3A_293 = tpu.memref_slice %arg11[%add3A_150] : memref<327680xi32, #tpu.memory_space<hbm>> -> memref<128xi32, #tpu.memory_space<hbm>>
        %dma_wait3A_294 = arith.constant 0 : i32
        %dma_wait3A_295 = tpu.memref_slice %arg16[%run_scoped3A_154, %dma_wait3A_294] : memref<2x128xi32, #tpu.memory_space<vmem>> -> memref<1x128xi32, #tpu.memory_space<vmem>>
        %dma_wait3A_296 = tpu.memref_squeeze %dma_wait3A_295 : memref<1x128xi32, #tpu.memory_space<vmem>> -> memref<128xi32, #tpu.memory_space<vmem>>
        %dma_wait3A_297 = tpu.memref_slice %arg11[%add3A_150] : memref<327680xi32, #tpu.memory_space<hbm>> -> memref<128xi32, #tpu.memory_space<hbm>>
        tpu.wait_dma2 semaphore(%run_scoped3A_281 : memref<!tpu.dma_semaphore, #tpu.memory_space<semaphore_mem>>) src(%dma_wait3A_297 : memref<128xi32, #tpu.memory_space<hbm>>) dst(%dma_wait3A_296 : memref<128xi32, #tpu.memory_space<vmem>>)
        tpu.yield
      }) : () -> ()
      %dma_start3A_155 = arith.constant 1 : i32
      %dma_start3A_156 = arith.constant 1 : i32
      %dma_start3A_157 = arith.constant 0 : i32
      %dma_start3A_158 = arith.constant 0 : i32
      %dma_start3A_159 = tpu.memref_slice %arg17[%dma_start3A_156, %dma_start3A_157, %dma_start3A_158] : memref<2x128x64xf32, #tpu.memory_space<vmem>> -> memref<1x128x64xf32, #tpu.memory_space<vmem>>
      %dma_start3A_160 = tpu.memref_squeeze %dma_start3A_159 : memref<1x128x64xf32, #tpu.memory_space<vmem>> -> memref<128x64xf32, #tpu.memory_space<vmem>>
      %dma_start3A_161 = arith.constant 0 : i32
      %dma_start3A_162 = tpu.memref_slice %arg13[%dma_start3A_155, %dma_start3A_161] : memref<2x128xi32, #tpu.memory_space<vmem>> -> memref<1x128xi32, #tpu.memory_space<vmem>>
      %dma_start3A_163 = tpu.memref_squeeze %dma_start3A_162 : memref<1x128xi32, #tpu.memory_space<vmem>> -> memref<128xi32, #tpu.memory_space<vmem>>
      %dma_start3A_164 = arith.constant 0 : i32
      %dma_start3A_165 = arith.constant 0 : i32
      %dma_start3A_166 = tpu.memref_slice %arg2[%dma_start3A_164, %dma_start3A_165] : memref<20000x64xf32, #tpu.memory_space<hbm>> -> memref<20000x64xf32, #tpu.memory_space<hbm>>
      tpu.enqueue_indirect_dma source(%dma_start3A_166 : memref<20000x64xf32, #tpu.memory_space<hbm>>) target(%dma_start3A_160 : memref<128x64xf32, #tpu.memory_space<vmem>>) offsets(%dma_start3A_163 : memref<128xi32, #tpu.memory_space<vmem>>) semaphore(%arg24 : memref<!tpu.dma_semaphore, #tpu.memory_space<semaphore_mem>>)
      %dma_start3A_167 = arith.constant 1 : i32
      %dma_start3A_168 = arith.constant 1 : i32
      %dma_start3A_169 = arith.constant 0 : i32
      %dma_start3A_170 = arith.constant 0 : i32
      %dma_start3A_171 = tpu.memref_slice %arg18[%dma_start3A_168, %dma_start3A_169, %dma_start3A_170] : memref<2x128x64xf32, #tpu.memory_space<vmem>> -> memref<1x128x64xf32, #tpu.memory_space<vmem>>
      %dma_start3A_172 = tpu.memref_squeeze %dma_start3A_171 : memref<1x128x64xf32, #tpu.memory_space<vmem>> -> memref<128x64xf32, #tpu.memory_space<vmem>>
      %dma_start3A_173 = arith.constant 0 : i32
      %dma_start3A_174 = tpu.memref_slice %arg14[%dma_start3A_167, %dma_start3A_173] : memref<2x128xi32, #tpu.memory_space<vmem>> -> memref<1x128xi32, #tpu.memory_space<vmem>>
      %dma_start3A_175 = tpu.memref_squeeze %dma_start3A_174 : memref<1x128xi32, #tpu.memory_space<vmem>> -> memref<128xi32, #tpu.memory_space<vmem>>
      %dma_start3A_176 = arith.constant 0 : i32
      %dma_start3A_177 = arith.constant 0 : i32
      %dma_start3A_178 = tpu.memref_slice %arg3[%dma_start3A_176, %dma_start3A_177] : memref<20000x64xf32, #tpu.memory_space<hbm>> -> memref<20000x64xf32, #tpu.memory_space<hbm>>
      tpu.enqueue_indirect_dma source(%dma_start3A_178 : memref<20000x64xf32, #tpu.memory_space<hbm>>) target(%dma_start3A_172 : memref<128x64xf32, #tpu.memory_space<vmem>>) offsets(%dma_start3A_175 : memref<128xi32, #tpu.memory_space<vmem>>) semaphore(%arg24 : memref<!tpu.dma_semaphore, #tpu.memory_space<semaphore_mem>>)
      %dma_start3A_179 = arith.constant 1 : i32
      %dma_start3A_180 = arith.constant 1 : i32
      %dma_start3A_181 = arith.constant 0 : i32
      %dma_start3A_182 = arith.constant 0 : i32
      %dma_start3A_183 = tpu.memref_slice %arg19[%dma_start3A_180, %dma_start3A_181, %dma_start3A_182] : memref<2x128x64xf32, #tpu.memory_space<vmem>> -> memref<1x128x64xf32, #tpu.memory_space<vmem>>
      %dma_start3A_184 = tpu.memref_squeeze %dma_start3A_183 : memref<1x128x64xf32, #tpu.memory_space<vmem>> -> memref<128x64xf32, #tpu.memory_space<vmem>>
      %dma_start3A_185 = arith.constant 0 : i32
      %dma_start3A_186 = tpu.memref_slice %arg16[%dma_start3A_179, %dma_start3A_185] : memref<2x128xi32, #tpu.memory_space<vmem>> -> memref<1x128xi32, #tpu.memory_space<vmem>>
      %dma_start3A_187 = tpu.memref_squeeze %dma_start3A_186 : memref<1x128xi32, #tpu.memory_space<vmem>> -> memref<128xi32, #tpu.memory_space<vmem>>
      %dma_start3A_188 = arith.constant 0 : i32
      %dma_start3A_189 = arith.constant 0 : i32
      %dma_start3A_190 = tpu.memref_slice %arg4[%dma_start3A_188, %dma_start3A_189] : memref<983040x64xf32, #tpu.memory_space<hbm>> -> memref<983040x64xf32, #tpu.memory_space<hbm>>
      tpu.enqueue_indirect_dma source(%dma_start3A_190 : memref<983040x64xf32, #tpu.memory_space<hbm>>) target(%dma_start3A_184 : memref<128x64xf32, #tpu.memory_space<vmem>>) offsets(%dma_start3A_187 : memref<128xi32, #tpu.memory_space<vmem>>) semaphore(%arg24 : memref<!tpu.dma_semaphore, #tpu.memory_space<semaphore_mem>>)
      %dma_wait3A = arith.constant 0 : i32
      %dma_wait3A_191 = arith.constant 0 : i32
      %dma_wait3A_192 = arith.constant 0 : i32
      %dma_wait3A_193 = arith.constant 0 : i32
      %dma_wait3A_194 = tpu.memref_slice %arg17[%dma_wait3A_191, %dma_wait3A_192, %dma_wait3A_193] : memref<2x128x64xf32, #tpu.memory_space<vmem>> -> memref<1x128x64xf32, #tpu.memory_space<vmem>>
      %dma_wait3A_195 = tpu.memref_squeeze %dma_wait3A_194 : memref<1x128x64xf32, #tpu.memory_space<vmem>> -> memref<128x64xf32, #tpu.memory_space<vmem>>
      %dma_wait3A_196 = arith.constant 0 : i32
      %dma_wait3A_197 = tpu.memref_slice %arg13[%dma_wait3A, %dma_wait3A_196] : memref<2x128xi32, #tpu.memory_space<vmem>> -> memref<1x128xi32, #tpu.memory_space<vmem>>
      %dma_wait3A_198 = tpu.memref_squeeze %dma_wait3A_197 : memref<1x128xi32, #tpu.memory_space<vmem>> -> memref<128xi32, #tpu.memory_space<vmem>>
      %dma_wait3A_199 = arith.constant 0 : i32
      %dma_wait3A_200 = arith.constant 0 : i32
      %dma_wait3A_201 = tpu.memref_slice %arg2[%dma_wait3A_199, %dma_wait3A_200] : memref<20000x64xf32, #tpu.memory_space<hbm>> -> memref<20000x64xf32, #tpu.memory_space<hbm>>
      tpu.wait_indirect_dma semaphore(%arg23 : memref<!tpu.dma_semaphore, #tpu.memory_space<semaphore_mem>>) src(%dma_wait3A_201 : memref<20000x64xf32, #tpu.memory_space<hbm>>) dst(%dma_wait3A_195 : memref<128x64xf32, #tpu.memory_space<vmem>>)
      %dma_wait3A_202 = arith.constant 0 : i32
      %dma_wait3A_203 = arith.constant 0 : i32
      %dma_wait3A_204 = arith.constant 0 : i32
      %dma_wait3A_205 = arith.constant 0 : i32
      %dma_wait3A_206 = tpu.memref_slice %arg18[%dma_wait3A_203, %dma_wait3A_204, %dma_wait3A_205] : memref<2x128x64xf32, #tpu.memory_space<vmem>> -> memref<1x128x64xf32, #tpu.memory_space<vmem>>
      %dma_wait3A_207 = tpu.memref_squeeze %dma_wait3A_206 : memref<1x128x64xf32, #tpu.memory_space<vmem>> -> memref<128x64xf32, #tpu.memory_space<vmem>>
      %dma_wait3A_208 = arith.constant 0 : i32
      %dma_wait3A_209 = tpu.memref_slice %arg14[%dma_wait3A_202, %dma_wait3A_208] : memref<2x128xi32, #tpu.memory_space<vmem>> -> memref<1x128xi32, #tpu.memory_space<vmem>>
      %dma_wait3A_210 = tpu.memref_squeeze %dma_wait3A_209 : memref<1x128xi32, #tpu.memory_space<vmem>> -> memref<128xi32, #tpu.memory_space<vmem>>
      %dma_wait3A_211 = arith.constant 0 : i32
      %dma_wait3A_212 = arith.constant 0 : i32
      %dma_wait3A_213 = tpu.memref_slice %arg3[%dma_wait3A_211, %dma_wait3A_212] : memref<20000x64xf32, #tpu.memory_space<hbm>> -> memref<20000x64xf32, #tpu.memory_space<hbm>>
      tpu.wait_indirect_dma semaphore(%arg23 : memref<!tpu.dma_semaphore, #tpu.memory_space<semaphore_mem>>) src(%dma_wait3A_213 : memref<20000x64xf32, #tpu.memory_space<hbm>>) dst(%dma_wait3A_207 : memref<128x64xf32, #tpu.memory_space<vmem>>)
      %dma_wait3A_214 = arith.constant 0 : i32
      %dma_wait3A_215 = arith.constant 0 : i32
      %dma_wait3A_216 = arith.constant 0 : i32
      %dma_wait3A_217 = arith.constant 0 : i32
      %dma_wait3A_218 = tpu.memref_slice %arg19[%dma_wait3A_215, %dma_wait3A_216, %dma_wait3A_217] : memref<2x128x64xf32, #tpu.memory_space<vmem>> -> memref<1x128x64xf32, #tpu.memory_space<vmem>>
      %dma_wait3A_219 = tpu.memref_squeeze %dma_wait3A_218 : memref<1x128x64xf32, #tpu.memory_space<vmem>> -> memref<128x64xf32, #tpu.memory_space<vmem>>
      %dma_wait3A_220 = arith.constant 0 : i32
      %dma_wait3A_221 = tpu.memref_slice %arg16[%dma_wait3A_214, %dma_wait3A_220] : memref<2x128xi32, #tpu.memory_space<vmem>> -> memref<1x128xi32, #tpu.memory_space<vmem>>
      %dma_wait3A_222 = tpu.memref_squeeze %dma_wait3A_221 : memref<1x128xi32, #tpu.memory_space<vmem>> -> memref<128xi32, #tpu.memory_space<vmem>>
      %dma_wait3A_223 = arith.constant 0 : i32
      %dma_wait3A_224 = arith.constant 0 : i32
      %dma_wait3A_225 = tpu.memref_slice %arg4[%dma_wait3A_223, %dma_wait3A_224] : memref<983040x64xf32, #tpu.memory_space<hbm>> -> memref<983040x64xf32, #tpu.memory_space<hbm>>
      tpu.wait_indirect_dma semaphore(%arg23 : memref<!tpu.dma_semaphore, #tpu.memory_space<semaphore_mem>>) src(%dma_wait3A_225 : memref<983040x64xf32, #tpu.memory_space<hbm>>) dst(%dma_wait3A_219 : memref<128x64xf32, #tpu.memory_space<vmem>>)
      %scan3A_226 = arith.constant 0 : i32
      %scan3A_227 = arith.constant 0 : i32
      %scan3A_228 = arith.constant 128 : i32
      %scan3A_229 = arith.addi %scan3A_227, %scan3A_228 : i32
      %scan3A_230 = arith.constant 1 : i32
      %scan3A_231 = scf.for %scan3A_281 = %scan3A_227 to %scan3A_229 step %scan3A_230 iter_args(%scan3A_282 = %scan3A_226) -> (i32)  : i32 {
        %get3A = arith.constant 0 : i32
        %get3A_283 = arith.index_cast %get3A : i32 to index
        %get3A_284 = arith.index_cast %scan3A_281 : i32 to index
        %get3A_285 = arith.constant 0 : index
        %get3A_286 = tpu.vector_load %arg17[%get3A_283, %get3A_284, %get3A_285] {strides = array<i32>} : memref<2x128x64xf32, #tpu.memory_space<vmem>>, vector<1x1x16xf32>,
        %get3A_287 = vector.shape_cast %get3A_286 : vector<1x1x16xf32> to vector<16xf32>
        %get3A_288 = arith.constant 0 : i32
        %get3A_289 = arith.index_cast %get3A_288 : i32 to index
        %get3A_290 = arith.index_cast %scan3A_281 : i32 to index
        %get3A_291 = arith.constant 0 : index
        %get3A_292 = tpu.vector_load %arg18[%get3A_289, %get3A_290, %get3A_291] {strides = array<i32>} : memref<2x128x64xf32, #tpu.memory_space<vmem>>, vector<1x1x16xf32>,
        %get3A_293 = vector.shape_cast %get3A_292 : vector<1x1x16xf32> to vector<16xf32>
        %add3A_294 = arith.addf %get3A_287, %get3A_293 : vector<16xf32>
        %get3A_295 = arith.constant 0 : i32
        %get3A_296 = arith.index_cast %get3A_295 : i32 to index
        %get3A_297 = arith.index_cast %scan3A_281 : i32 to index
        %get3A_298 = arith.constant 0 : index
        %get3A_299 = tpu.vector_load %arg19[%get3A_296, %get3A_297, %get3A_298] {strides = array<i32>} : memref<2x128x64xf32, #tpu.memory_space<vmem>>, vector<1x1x16xf32>,
        %get3A_300 = vector.shape_cast %get3A_299 : vector<1x1x16xf32> to vector<16xf32>
        %add3A_301 = arith.addf %add3A_294, %get3A_300 : vector<16xf32>
        %get3A_302 = arith.constant 0 : i32
        %get3A_303 = arith.index_cast %get3A_302 : i32 to index
        %get3A_304 = arith.index_cast %scan3A_281 : i32 to index
        %get3A_305 = arith.constant 32 : index
        %get3A_306 = tpu.vector_load %arg17[%get3A_303, %get3A_304, %get3A_305] {strides = array<i32>} : memref<2x128x64xf32, #tpu.memory_space<vmem>>, vector<1x1x16xf32>,
        %get3A_307 = vector.shape_cast %get3A_306 : vector<1x1x16xf32> to vector<16xf32>
        %get3A_308 = arith.constant 0 : i32
        %get3A_309 = arith.index_cast %get3A_308 : i32 to index
        %get3A_310 = arith.index_cast %scan3A_281 : i32 to index
        %get3A_311 = arith.constant 32 : index
        %get3A_312 = tpu.vector_load %arg18[%get3A_309, %get3A_310, %get3A_311] {strides = array<i32>} : memref<2x128x64xf32, #tpu.memory_space<vmem>>, vector<1x1x16xf32>,
        %get3A_313 = vector.shape_cast %get3A_312 : vector<1x1x16xf32> to vector<16xf32>
        %add3A_314 = arith.addf %get3A_307, %get3A_313 : vector<16xf32>
        %get3A_315 = arith.constant 0 : i32
        %get3A_316 = arith.index_cast %get3A_315 : i32 to index
        %get3A_317 = arith.index_cast %scan3A_281 : i32 to index
        %get3A_318 = arith.constant 32 : index
        %get3A_319 = tpu.vector_load %arg19[%get3A_316, %get3A_317, %get3A_318] {strides = array<i32>} : memref<2x128x64xf32, #tpu.memory_space<vmem>>, vector<1x1x16xf32>,
        %get3A_320 = vector.shape_cast %get3A_319 : vector<1x1x16xf32> to vector<16xf32>
        %add3A_321 = arith.addf %add3A_314, %get3A_320 : vector<16xf32>
        %neg3A = arith.constant 0.000000e+00 : f32
        %neg3A_322 = vector.broadcast %neg3A : f32 to vector<16xf32>
        %neg3A_323 = arith.subf %neg3A_322, %add3A_301 : vector<16xf32>
        %min3A = arith.constant 8.000000e+01 : f32
        %min3A_324 = vector.broadcast %min3A : f32 to vector<16xf32>
        %min3A_325 = arith.minimumf %neg3A_323, %min3A_324 : vector<16xf32>
        %exp3A = math.exp %min3A_325 : vector<16xf32>
        %add3A_326 = arith.constant 1.000000e+00 : f32
        %add3A_327 = vector.broadcast %add3A_326 : f32 to vector<16xf32>
        %add3A_328 = arith.addf %add3A_327, %exp3A : vector<16xf32>
        %div3A = arith.constant 1.000000e+00 : f32
        %div3A_329 = vector.broadcast %div3A : f32 to vector<16xf32>
        %div3A_330 = arith.divf %div3A_329, %add3A_328 : vector<16xf32>
        %abs3A = math.absf %add3A_321 : vector<16xf32>
        %neg3A_331 = arith.constant 0.000000e+00 : f32
        %neg3A_332 = vector.broadcast %neg3A_331 : f32 to vector<16xf32>
        %neg3A_333 = arith.subf %neg3A_332, %abs3A : vector<16xf32>
        %max3A = arith.constant -8.000000e+01 : f32
        %max3A_334 = vector.broadcast %max3A : f32 to vector<16xf32>
        %max3A_335 = arith.maximumf %neg3A_333, %max3A_334 : vector<16xf32>
        %exp3A_336 = math.exp %max3A_335 : vector<16xf32>
        %add3A_337 = arith.constant 1.000000e+00 : f32
        %add3A_338 = vector.broadcast %add3A_337 : f32 to vector<16xf32>
        %add3A_339 = arith.addf %add3A_338, %exp3A_336 : vector<16xf32>
        %max3A_340 = arith.constant 0.000000e+00 : f32
        %max3A_341 = vector.broadcast %max3A_340 : f32 to vector<16xf32>
        %max3A_342 = arith.maximumf %add3A_321, %max3A_341 : vector<16xf32>
        %bitcast_convert_type3A = tpu.bitcast %add3A_339 : vector<16xf32> -> vector<16xi32>
        %shift_right_arithmetic3A = arith.constant 23 : i32
        %shift_right_arithmetic3A_343 = vector.broadcast %shift_right_arithmetic3A : i32 to vector<16xi32>
        %shift_right_arithmetic3A_344 = arith.shrsi %bitcast_convert_type3A, %shift_right_arithmetic3A_343 : vector<16xi32>
        %and3A = arith.constant 255 : i32
        %and3A_345 = vector.broadcast %and3A : i32 to vector<16xi32>
        %and3A_346 = arith.andi %shift_right_arithmetic3A_344, %and3A_345 : vector<16xi32>
        %sub3A = arith.constant 127 : i32
        %sub3A_347 = vector.broadcast %sub3A : i32 to vector<16xi32>
        %sub3A_348 = arith.subi %and3A_346, %sub3A_347 : vector<16xi32>
        %and3A_349 = arith.constant 8388607 : i32
        %and3A_350 = vector.broadcast %and3A_349 : i32 to vector<16xi32>
        %and3A_351 = arith.andi %bitcast_convert_type3A, %and3A_350 : vector<16xi32>
        %or3A = arith.constant 1065353216 : i32
        %or3A_352 = vector.broadcast %or3A : i32 to vector<16xi32>
        %or3A_353 = arith.ori %and3A_351, %or3A_352 : vector<16xi32>
        %bitcast_convert_type3A_354 = tpu.bitcast %or3A_353 : vector<16xi32> -> vector<16xf32>
        %ge3A = arith.constant 1.500000e+00 : f32
        %ge3A_355 = vector.broadcast %ge3A : f32 to vector<16xf32>
        %ge3A_356 = arith.cmpf oge, %bitcast_convert_type3A_354, %ge3A_355 : vector<16xf32>
        %mul3A_357 = arith.constant 5.000000e-01 : f32
        %mul3A_358 = vector.broadcast %mul3A_357 : f32 to vector<16xf32>
        %mul3A_359 = arith.mulf %bitcast_convert_type3A_354, %mul3A_358 : vector<16xf32>
        %select_n3A = arith.select %ge3A_356, %mul3A_359, %bitcast_convert_type3A_354 : vector<16xi1>, vector<16xf32>
        %convert_element_type3A_360 = arith.sitofp %sub3A_348 : vector<16xi32> to vector<16xf32>
        %jit3A = arith.constant 1.000000e+00 : f32
        %jit3A_361 = arith.constant 0.000000e+00 : f32
        %broadcast_in_dim3A_362 = vector.broadcast %jit3A : f32 to vector<16xf32>
        %broadcast_in_dim3A_363 = vector.broadcast %jit3A_361 : f32 to vector<16xf32>
        %select_n3A_364 = arith.select %ge3A_356, %broadcast_in_dim3A_362, %broadcast_in_dim3A_363 : vector<16xi1>, vector<16xf32>
        %add3A_365 = arith.addf %convert_element_type3A_360, %select_n3A_364 : vector<16xf32>
        %sub3A_366 = arith.constant 1.000000e+00 : f32
        %sub3A_367 = vector.broadcast %sub3A_366 : f32 to vector<16xf32>
        %sub3A_368 = arith.subf %select_n3A, %sub3A_367 : vector<16xf32>
        %add3A_369 = arith.constant 1.000000e+00 : f32
        %add3A_370 = vector.broadcast %add3A_369 : f32 to vector<16xf32>
        %add3A_371 = arith.addf %select_n3A, %add3A_370 : vector<16xf32>
        %div3A_372 = arith.divf %sub3A_368, %add3A_371 : vector<16xf32>
        %mul3A_373 = arith.mulf %div3A_372, %div3A_372 : vector<16xf32>
        %mul3A_374 = arith.constant 0.285714298 : f32
        %mul3A_375 = vector.broadcast %mul3A_374 : f32 to vector<16xf32>
        %mul3A_376 = arith.mulf %mul3A_373, %mul3A_375 : vector<16xf32>
        %add3A_377 = arith.constant 4.000000e-01 : f32
        %add3A_378 = vector.broadcast %add3A_377 : f32 to vector<16xf32>
        %add3A_379 = arith.addf %add3A_378, %mul3A_376 : vector<16xf32>
        %mul3A_380 = arith.mulf %mul3A_373, %add3A_379 : vector<16xf32>
        %add3A_381 = arith.constant 0.666666686 : f32
        %add3A_382 = vector.broadcast %add3A_381 : f32 to vector<16xf32>
        %add3A_383 = arith.addf %add3A_382, %mul3A_380 : vector<16xf32>
        %mul3A_384 = arith.mulf %mul3A_373, %add3A_383 : vector<16xf32>
        %add3A_385 = arith.constant 2.000000e+00 : f32
        %add3A_386 = vector.broadcast %add3A_385 : f32 to vector<16xf32>
        %add3A_387 = arith.addf %add3A_386, %mul3A_384 : vector<16xf32>
        %mul3A_388 = arith.mulf %div3A_372, %add3A_387 : vector<16xf32>
        %mul3A_389 = arith.constant 0.693147182 : f32
        %mul3A_390 = vector.broadcast %mul3A_389 : f32 to vector<16xf32>
        %mul3A_391 = arith.mulf %add3A_365, %mul3A_390 : vector<16xf32>
        %add3A_392 = arith.addf %mul3A_391, %mul3A_388 : vector<16xf32>
        %add3A_393 = arith.addf %max3A_342, %add3A_392 : vector<16xf32>
        %mul3A_394 = arith.mulf %div3A_330, %add3A_393 : vector<16xf32>
        %swap3A = arith.index_cast %scan3A_281 : i32 to index
        %swap3A_395 = arith.constant 0 : index
        %swap3A_396 = tpu.vector_load %arg20[%swap3A, %swap3A_395] {strides = array<i32>} : memref<128x32xf32, #tpu.memory_space<vmem>>, vector<1x16xf32>,
        %swap3A_397 = vector.shape_cast %swap3A_396 : vector<1x16xf32> to vector<16xf32>
        %swap3A_398 = vector.shape_cast %mul3A_394 : vector<16xf32> to vector<1x16xf32>
        tpu.vector_store %arg20[%swap3A, %swap3A_395], %swap3A_398 {strides = array<i32>} : memref<128x32xf32, #tpu.memory_space<vmem>>, vector<1x16xf32>,
        %get3A_399 = arith.constant 0 : i32
        %get3A_400 = arith.index_cast %get3A_399 : i32 to index
        %get3A_401 = arith.index_cast %scan3A_281 : i32 to index
        %get3A_402 = arith.constant 16 : index
        %get3A_403 = tpu.vector_load %arg17[%get3A_400, %get3A_401, %get3A_402] {strides = array<i32>} : memref<2x128x64xf32, #tpu.memory_space<vmem>>, vector<1x1x16xf32>,
        %get3A_404 = vector.shape_cast %get3A_403 : vector<1x1x16xf32> to vector<16xf32>
        %get3A_405 = arith.constant 0 : i32
        %get3A_406 = arith.index_cast %get3A_405 : i32 to index
        %get3A_407 = arith.index_cast %scan3A_281 : i32 to index
        %get3A_408 = arith.constant 16 : index
        %get3A_409 = tpu.vector_load %arg18[%get3A_406, %get3A_407, %get3A_408] {strides = array<i32>} : memref<2x128x64xf32, #tpu.memory_space<vmem>>, vector<1x1x16xf32>,
        %get3A_410 = vector.shape_cast %get3A_409 : vector<1x1x16xf32> to vector<16xf32>
        %add3A_411 = arith.addf %get3A_404, %get3A_410 : vector<16xf32>
        %get3A_412 = arith.constant 0 : i32
        %get3A_413 = arith.index_cast %get3A_412 : i32 to index
        %get3A_414 = arith.index_cast %scan3A_281 : i32 to index
        %get3A_415 = arith.constant 16 : index
        %get3A_416 = tpu.vector_load %arg19[%get3A_413, %get3A_414, %get3A_415] {strides = array<i32>} : memref<2x128x64xf32, #tpu.memory_space<vmem>>, vector<1x1x16xf32>,
        %get3A_417 = vector.shape_cast %get3A_416 : vector<1x1x16xf32> to vector<16xf32>
        %add3A_418 = arith.addf %add3A_411, %get3A_417 : vector<16xf32>
        %get3A_419 = arith.constant 0 : i32
        %get3A_420 = arith.index_cast %get3A_419 : i32 to index
        %get3A_421 = arith.index_cast %scan3A_281 : i32 to index
        %get3A_422 = arith.constant 48 : index
        %get3A_423 = tpu.vector_load %arg17[%get3A_420, %get3A_421, %get3A_422] {strides = array<i32>} : memref<2x128x64xf32, #tpu.memory_space<vmem>>, vector<1x1x16xf32>,
        %get3A_424 = vector.shape_cast %get3A_423 : vector<1x1x16xf32> to vector<16xf32>
        %get3A_425 = arith.constant 0 : i32
        %get3A_426 = arith.index_cast %get3A_425 : i32 to index
        %get3A_427 = arith.index_cast %scan3A_281 : i32 to index
        %get3A_428 = arith.constant 48 : index
        %get3A_429 = tpu.vector_load %arg18[%get3A_426, %get3A_427, %get3A_428] {strides = array<i32>} : memref<2x128x64xf32, #tpu.memory_space<vmem>>, vector<1x1x16xf32>,
        %get3A_430 = vector.shape_cast %get3A_429 : vector<1x1x16xf32> to vector<16xf32>
        %add3A_431 = arith.addf %get3A_424, %get3A_430 : vector<16xf32>
        %get3A_432 = arith.constant 0 : i32
        %get3A_433 = arith.index_cast %get3A_432 : i32 to index
        %get3A_434 = arith.index_cast %scan3A_281 : i32 to index
        %get3A_435 = arith.constant 48 : index
        %get3A_436 = tpu.vector_load %arg19[%get3A_433, %get3A_434, %get3A_435] {strides = array<i32>} : memref<2x128x64xf32, #tpu.memory_space<vmem>>, vector<1x1x16xf32>,
        %get3A_437 = vector.shape_cast %get3A_436 : vector<1x1x16xf32> to vector<16xf32>
        %add3A_438 = arith.addf %add3A_431, %get3A_437 : vector<16xf32>
        %neg3A_439 = arith.constant 0.000000e+00 : f32
        %neg3A_440 = vector.broadcast %neg3A_439 : f32 to vector<16xf32>
        %neg3A_441 = arith.subf %neg3A_440, %add3A_418 : vector<16xf32>
        %min3A_442 = arith.constant 8.000000e+01 : f32
        %min3A_443 = vector.broadcast %min3A_442 : f32 to vector<16xf32>
        %min3A_444 = arith.minimumf %neg3A_441, %min3A_443 : vector<16xf32>
        %exp3A_445 = math.exp %min3A_444 : vector<16xf32>
        %add3A_446 = arith.constant 1.000000e+00 : f32
        %add3A_447 = vector.broadcast %add3A_446 : f32 to vector<16xf32>
        %add3A_448 = arith.addf %add3A_447, %exp3A_445 : vector<16xf32>
        %div3A_449 = arith.constant 1.000000e+00 : f32
        %div3A_450 = vector.broadcast %div3A_449 : f32 to vector<16xf32>
        %div3A_451 = arith.divf %div3A_450, %add3A_448 : vector<16xf32>
        %abs3A_452 = math.absf %add3A_438 : vector<16xf32>
        %neg3A_453 = arith.constant 0.000000e+00 : f32
        %neg3A_454 = vector.broadcast %neg3A_453 : f32 to vector<16xf32>
        %neg3A_455 = arith.subf %neg3A_454, %abs3A_452 : vector<16xf32>
        %max3A_456 = arith.constant -8.000000e+01 : f32
        %max3A_457 = vector.broadcast %max3A_456 : f32 to vector<16xf32>
        %max3A_458 = arith.maximumf %neg3A_455, %max3A_457 : vector<16xf32>
        %exp3A_459 = math.exp %max3A_458 : vector<16xf32>
        %add3A_460 = arith.constant 1.000000e+00 : f32
        %add3A_461 = vector.broadcast %add3A_460 : f32 to vector<16xf32>
        %add3A_462 = arith.addf %add3A_461, %exp3A_459 : vector<16xf32>
        %max3A_463 = arith.constant 0.000000e+00 : f32
        %max3A_464 = vector.broadcast %max3A_463 : f32 to vector<16xf32>
        %max3A_465 = arith.maximumf %add3A_438, %max3A_464 : vector<16xf32>
        %bitcast_convert_type3A_466 = tpu.bitcast %add3A_462 : vector<16xf32> -> vector<16xi32>
        %shift_right_arithmetic3A_467 = arith.constant 23 : i32
        %shift_right_arithmetic3A_468 = vector.broadcast %shift_right_arithmetic3A_467 : i32 to vector<16xi32>
        %shift_right_arithmetic3A_469 = arith.shrsi %bitcast_convert_type3A_466, %shift_right_arithmetic3A_468 : vector<16xi32>
        %and3A_470 = arith.constant 255 : i32
        %and3A_471 = vector.broadcast %and3A_470 : i32 to vector<16xi32>
        %and3A_472 = arith.andi %shift_right_arithmetic3A_469, %and3A_471 : vector<16xi32>
        %sub3A_473 = arith.constant 127 : i32
        %sub3A_474 = vector.broadcast %sub3A_473 : i32 to vector<16xi32>
        %sub3A_475 = arith.subi %and3A_472, %sub3A_474 : vector<16xi32>
        %and3A_476 = arith.constant 8388607 : i32
        %and3A_477 = vector.broadcast %and3A_476 : i32 to vector<16xi32>
        %and3A_478 = arith.andi %bitcast_convert_type3A_466, %and3A_477 : vector<16xi32>
        %or3A_479 = arith.constant 1065353216 : i32
        %or3A_480 = vector.broadcast %or3A_479 : i32 to vector<16xi32>
        %or3A_481 = arith.ori %and3A_478, %or3A_480 : vector<16xi32>
        %bitcast_convert_type3A_482 = tpu.bitcast %or3A_481 : vector<16xi32> -> vector<16xf32>
        %ge3A_483 = arith.constant 1.500000e+00 : f32
        %ge3A_484 = vector.broadcast %ge3A_483 : f32 to vector<16xf32>
        %ge3A_485 = arith.cmpf oge, %bitcast_convert_type3A_482, %ge3A_484 : vector<16xf32>
        %mul3A_486 = arith.constant 5.000000e-01 : f32
        %mul3A_487 = vector.broadcast %mul3A_486 : f32 to vector<16xf32>
        %mul3A_488 = arith.mulf %bitcast_convert_type3A_482, %mul3A_487 : vector<16xf32>
        %select_n3A_489 = arith.select %ge3A_485, %mul3A_488, %bitcast_convert_type3A_482 : vector<16xi1>, vector<16xf32>
        %convert_element_type3A_490 = arith.sitofp %sub3A_475 : vector<16xi32> to vector<16xf32>
        %jit3A_491 = arith.constant 1.000000e+00 : f32
        %jit3A_492 = arith.constant 0.000000e+00 : f32
        %broadcast_in_dim3A_493 = vector.broadcast %jit3A_491 : f32 to vector<16xf32>
        %broadcast_in_dim3A_494 = vector.broadcast %jit3A_492 : f32 to vector<16xf32>
        %select_n3A_495 = arith.select %ge3A_485, %broadcast_in_dim3A_493, %broadcast_in_dim3A_494 : vector<16xi1>, vector<16xf32>
        %add3A_496 = arith.addf %convert_element_type3A_490, %select_n3A_495 : vector<16xf32>
        %sub3A_497 = arith.constant 1.000000e+00 : f32
        %sub3A_498 = vector.broadcast %sub3A_497 : f32 to vector<16xf32>
        %sub3A_499 = arith.subf %select_n3A_489, %sub3A_498 : vector<16xf32>
        %add3A_500 = arith.constant 1.000000e+00 : f32
        %add3A_501 = vector.broadcast %add3A_500 : f32 to vector<16xf32>
        %add3A_502 = arith.addf %select_n3A_489, %add3A_501 : vector<16xf32>
        %div3A_503 = arith.divf %sub3A_499, %add3A_502 : vector<16xf32>
        %mul3A_504 = arith.mulf %div3A_503, %div3A_503 : vector<16xf32>
        %mul3A_505 = arith.constant 0.285714298 : f32
        %mul3A_506 = vector.broadcast %mul3A_505 : f32 to vector<16xf32>
        %mul3A_507 = arith.mulf %mul3A_504, %mul3A_506 : vector<16xf32>
        %add3A_508 = arith.constant 4.000000e-01 : f32
        %add3A_509 = vector.broadcast %add3A_508 : f32 to vector<16xf32>
        %add3A_510 = arith.addf %add3A_509, %mul3A_507 : vector<16xf32>
        %mul3A_511 = arith.mulf %mul3A_504, %add3A_510 : vector<16xf32>
        %add3A_512 = arith.constant 0.666666686 : f32
        %add3A_513 = vector.broadcast %add3A_512 : f32 to vector<16xf32>
        %add3A_514 = arith.addf %add3A_513, %mul3A_511 : vector<16xf32>
        %mul3A_515 = arith.mulf %mul3A_504, %add3A_514 : vector<16xf32>
        %add3A_516 = arith.constant 2.000000e+00 : f32
        %add3A_517 = vector.broadcast %add3A_516 : f32 to vector<16xf32>
        %add3A_518 = arith.addf %add3A_517, %mul3A_515 : vector<16xf32>
        %mul3A_519 = arith.mulf %div3A_503, %add3A_518 : vector<16xf32>
        %mul3A_520 = arith.constant 0.693147182 : f32
        %mul3A_521 = vector.broadcast %mul3A_520 : f32 to vector<16xf32>
        %mul3A_522 = arith.mulf %add3A_496, %mul3A_521 : vector<16xf32>
        %add3A_523 = arith.addf %mul3A_522, %mul3A_519 : vector<16xf32>
        %add3A_524 = arith.addf %max3A_465, %add3A_523 : vector<16xf32>
        %mul3A_525 = arith.mulf %div3A_451, %add3A_524 : vector<16xf32>
        %swap3A_526 = arith.index_cast %scan3A_281 : i32 to index
        %swap3A_527 = arith.constant 16 : index
        %swap3A_528 = tpu.vector_load %arg20[%swap3A_526, %swap3A_527] {strides = array<i32>} : memref<128x32xf32, #tpu.memory_space<vmem>>, vector<1x16xf32>,
        %swap3A_529 = vector.shape_cast %swap3A_528 : vector<1x16xf32> to vector<16xf32>
        %swap3A_530 = vector.shape_cast %mul3A_525 : vector<16xf32> to vector<1x16xf32>
        tpu.vector_store %arg20[%swap3A_526, %swap3A_527], %swap3A_530 {strides = array<i32>} : memref<128x32xf32, #tpu.memory_space<vmem>>, vector<1x16xf32>,
        %scan3A_531 = arith.constant 0 : i32
        scf.yield %scan3A_531 : i32
      }
      %scan3A_232 = arith.constant 128 : i32
      %run_scoped3A_233 = arith.constant 0 : i32
      "tpu.region"() ({
        %run_scoped3A_281 = tpu.sem_alloc : memref<!tpu.dma_semaphore, #tpu.memory_space<semaphore_mem>>
        %dma_start3A_282 = arith.constant 0 : i32
        %dma_start3A_283 = tpu.memref_slice %arg15[%run_scoped3A_233, %dma_start3A_282] : memref<2x128xi32, #tpu.memory_space<vmem>> -> memref<1x128xi32, #tpu.memory_space<vmem>>
        %dma_start3A_284 = tpu.memref_squeeze %dma_start3A_283 : memref<1x128xi32, #tpu.memory_space<vmem>> -> memref<128xi32, #tpu.memory_space<vmem>>
        %dma_start3A_285 = arith.constant 0 : i32
        %dma_start3A_286 = arith.constant 0 : i32
        %dma_start3A_287 = tpu.memref_slice %arg22[%dma_start3A_285, %dma_start3A_286] : memref<10112x32xf32, #tpu.memory_space<vmem_shared>> -> memref<10112x32xf32, #tpu.memory_space<vmem_shared>>
        tpu.enqueue_indirect_dma source(%arg20 : memref<128x32xf32, #tpu.memory_space<vmem>>) target(%dma_start3A_287 : memref<10112x32xf32, #tpu.memory_space<vmem_shared>>) offsets(%dma_start3A_284 : memref<128xi32, #tpu.memory_space<vmem>>) semaphore(%run_scoped3A_281 : memref<!tpu.dma_semaphore, #tpu.memory_space<semaphore_mem>>) {add = true}
        %dma_wait3A_288 = arith.constant 0 : i32
        %dma_wait3A_289 = tpu.memref_slice %arg15[%run_scoped3A_233, %dma_wait3A_288] : memref<2x128xi32, #tpu.memory_space<vmem>> -> memref<1x128xi32, #tpu.memory_space<vmem>>
        %dma_wait3A_290 = tpu.memref_squeeze %dma_wait3A_289 : memref<1x128xi32, #tpu.memory_space<vmem>> -> memref<128xi32, #tpu.memory_space<vmem>>
        %dma_wait3A_291 = arith.constant 0 : i32
        %dma_wait3A_292 = arith.constant 0 : i32
        %dma_wait3A_293 = tpu.memref_slice %arg22[%dma_wait3A_291, %dma_wait3A_292] : memref<10112x32xf32, #tpu.memory_space<vmem_shared>> -> memref<10112x32xf32, #tpu.memory_space<vmem_shared>>
        tpu.wait_indirect_dma semaphore(%run_scoped3A_281 : memref<!tpu.dma_semaphore, #tpu.memory_space<semaphore_mem>>) src(%arg20 : memref<128x32xf32, #tpu.memory_space<vmem>>) dst(%dma_wait3A_293 : memref<10112x32xf32, #tpu.memory_space<vmem_shared>>)
        tpu.yield
      }) : () -> ()
      %lt3A = arith.constant 39 : i32
      %lt3A_234 = arith.cmpi slt, %scan3A_137, %lt3A : i32
      %convert_element_type3A = arith.extui %lt3A_234 : i1 to i32
      %cond3A = arith.constant 0 : i32
      %cond3A_235 = arith.cmpi ne, %convert_element_type3A, %cond3A : i32
      scf.if %cond3A_235 {
        %add3A_281 = arith.constant 2 : i32
        %add3A_282 = arith.addi %mul3A_140, %add3A_281 : i32
        %mul3A_283 = arith.constant 163840 : i32
        %mul3A_284 = arith.muli %arg0, %mul3A_283 : i32
        %mul3A_285 = arith.constant 10240 : i32
        %mul3A_286 = arith.muli %arg1, %mul3A_285 : i32
        %add3A_287 = arith.addi %mul3A_284, %mul3A_286 : i32
        %mul3A_288 = arith.constant 128 : i32
        %mul3A_289 = arith.muli %add3A_282, %mul3A_288 : i32
        %add3A_290 = arith.addi %add3A_287, %mul3A_289 : i32
        %run_scoped3A_291 = arith.constant 0 : i32
        "tpu.region"() ({
          %run_scoped3A_331 = tpu.sem_alloc : memref<!tpu.dma_semaphore, #tpu.memory_space<semaphore_mem>>
          %dma_start3A_332 = arith.constant 0 : i32
          %dma_start3A_333 = tpu.memref_slice %arg13[%run_scoped3A_291, %dma_start3A_332] : memref<2x128xi32, #tpu.memory_space<vmem>> -> memref<1x128xi32, #tpu.memory_space<vmem>>
          %dma_start3A_334 = tpu.memref_squeeze %dma_start3A_333 : memref<1x128xi32, #tpu.memory_space<vmem>> -> memref<128xi32, #tpu.memory_space<vmem>>
          %dma_start3A_335 = tpu.memref_slice %arg8[%add3A_290] : memref<327680xi32, #tpu.memory_space<hbm>> -> memref<128xi32, #tpu.memory_space<hbm>>
          %dma_start3A_336 = arith.constant 0 : i32
          %dma_start3A_337 = tpu.memref_slice %arg13[%run_scoped3A_291, %dma_start3A_336] : memref<2x128xi32, #tpu.memory_space<vmem>> -> memref<1x128xi32, #tpu.memory_space<vmem>>
          %dma_start3A_338 = tpu.memref_squeeze %dma_start3A_337 : memref<1x128xi32, #tpu.memory_space<vmem>> -> memref<128xi32, #tpu.memory_space<vmem>>
          %dma_start3A_339 = tpu.memref_slice %arg8[%add3A_290] : memref<327680xi32, #tpu.memory_space<hbm>> -> memref<128xi32, #tpu.memory_space<hbm>>
          tpu.enqueue_dma source(%dma_start3A_339 : memref<128xi32, #tpu.memory_space<hbm>>) target(%dma_start3A_338 : memref<128xi32, #tpu.memory_space<vmem>>) target_semaphore(%run_scoped3A_331 : memref<!tpu.dma_semaphore, #tpu.memory_space<semaphore_mem>>)
          %dma_wait3A_340 = arith.constant 0 : i32
          %dma_wait3A_341 = tpu.memref_slice %arg13[%run_scoped3A_291, %dma_wait3A_340] : memref<2x128xi32, #tpu.memory_space<vmem>> -> memref<1x128xi32, #tpu.memory_space<vmem>>
          %dma_wait3A_342 = tpu.memref_squeeze %dma_wait3A_341 : memref<1x128xi32, #tpu.memory_space<vmem>> -> memref<128xi32, #tpu.memory_space<vmem>>
          %dma_wait3A_343 = tpu.memref_slice %arg8[%add3A_290] : memref<327680xi32, #tpu.memory_space<hbm>> -> memref<128xi32, #tpu.memory_space<hbm>>
          %dma_wait3A_344 = arith.constant 0 : i32
          %dma_wait3A_345 = tpu.memref_slice %arg13[%run_scoped3A_291, %dma_wait3A_344] : memref<2x128xi32, #tpu.memory_space<vmem>> -> memref<1x128xi32, #tpu.memory_space<vmem>>
          %dma_wait3A_346 = tpu.memref_squeeze %dma_wait3A_345 : memref<1x128xi32, #tpu.memory_space<vmem>> -> memref<128xi32, #tpu.memory_space<vmem>>
          %dma_wait3A_347 = tpu.memref_slice %arg8[%add3A_290] : memref<327680xi32, #tpu.memory_space<hbm>> -> memref<128xi32, #tpu.memory_space<hbm>>
          tpu.wait_dma2 semaphore(%run_scoped3A_331 : memref<!tpu.dma_semaphore, #tpu.memory_space<semaphore_mem>>) src(%dma_wait3A_347 : memref<128xi32, #tpu.memory_space<hbm>>) dst(%dma_wait3A_346 : memref<128xi32, #tpu.memory_space<vmem>>)
          tpu.yield
        }) : () -> ()
        %run_scoped3A_292 = arith.constant 0 : i32
        "tpu.region"() ({
          %run_scoped3A_331 = tpu.sem_alloc : memref<!tpu.dma_semaphore, #tpu.memory_space<semaphore_mem>>
          %dma_start3A_332 = arith.constant 0 : i32
          %dma_start3A_333 = tpu.memref_slice %arg14[%run_scoped3A_292, %dma_start3A_332] : memref<2x128xi32, #tpu.memory_space<vmem>> -> memref<1x128xi32, #tpu.memory_space<vmem>>
          %dma_start3A_334 = tpu.memref_squeeze %dma_start3A_333 : memref<1x128xi32, #tpu.memory_space<vmem>> -> memref<128xi32, #tpu.memory_space<vmem>>
          %dma_start3A_335 = tpu.memref_slice %arg9[%add3A_290] : memref<327680xi32, #tpu.memory_space<hbm>> -> memref<128xi32, #tpu.memory_space<hbm>>
          %dma_start3A_336 = arith.constant 0 : i32
          %dma_start3A_337 = tpu.memref_slice %arg14[%run_scoped3A_292, %dma_start3A_336] : memref<2x128xi32, #tpu.memory_space<vmem>> -> memref<1x128xi32, #tpu.memory_space<vmem>>
          %dma_start3A_338 = tpu.memref_squeeze %dma_start3A_337 : memref<1x128xi32, #tpu.memory_space<vmem>> -> memref<128xi32, #tpu.memory_space<vmem>>
          %dma_start3A_339 = tpu.memref_slice %arg9[%add3A_290] : memref<327680xi32, #tpu.memory_space<hbm>> -> memref<128xi32, #tpu.memory_space<hbm>>
          tpu.enqueue_dma source(%dma_start3A_339 : memref<128xi32, #tpu.memory_space<hbm>>) target(%dma_start3A_338 : memref<128xi32, #tpu.memory_space<vmem>>) target_semaphore(%run_scoped3A_331 : memref<!tpu.dma_semaphore, #tpu.memory_space<semaphore_mem>>)
          %dma_wait3A_340 = arith.constant 0 : i32
          %dma_wait3A_341 = tpu.memref_slice %arg14[%run_scoped3A_292, %dma_wait3A_340] : memref<2x128xi32, #tpu.memory_space<vmem>> -> memref<1x128xi32, #tpu.memory_space<vmem>>
          %dma_wait3A_342 = tpu.memref_squeeze %dma_wait3A_341 : memref<1x128xi32, #tpu.memory_space<vmem>> -> memref<128xi32, #tpu.memory_space<vmem>>
          %dma_wait3A_343 = tpu.memref_slice %arg9[%add3A_290] : memref<327680xi32, #tpu.memory_space<hbm>> -> memref<128xi32, #tpu.memory_space<hbm>>
          %dma_wait3A_344 = arith.constant 0 : i32
          %dma_wait3A_345 = tpu.memref_slice %arg14[%run_scoped3A_292, %dma_wait3A_344] : memref<2x128xi32, #tpu.memory_space<vmem>> -> memref<1x128xi32, #tpu.memory_space<vmem>>
          %dma_wait3A_346 = tpu.memref_squeeze %dma_wait3A_345 : memref<1x128xi32, #tpu.memory_space<vmem>> -> memref<128xi32, #tpu.memory_space<vmem>>
          %dma_wait3A_347 = tpu.memref_slice %arg9[%add3A_290] : memref<327680xi32, #tpu.memory_space<hbm>> -> memref<128xi32, #tpu.memory_space<hbm>>
          tpu.wait_dma2 semaphore(%run_scoped3A_331 : memref<!tpu.dma_semaphore, #tpu.memory_space<semaphore_mem>>) src(%dma_wait3A_347 : memref<128xi32, #tpu.memory_space<hbm>>) dst(%dma_wait3A_346 : memref<128xi32, #tpu.memory_space<vmem>>)
          tpu.yield
        }) : () -> ()
        %run_scoped3A_293 = arith.constant 0 : i32
        "tpu.region"() ({
          %run_scoped3A_331 = tpu.sem_alloc : memref<!tpu.dma_semaphore, #tpu.memory_space<semaphore_mem>>
          %dma_start3A_332 = arith.constant 0 : i32
          %dma_start3A_333 = tpu.memref_slice %arg15[%run_scoped3A_293, %dma_start3A_332] : memref<2x128xi32, #tpu.memory_space<vmem>> -> memref<1x128xi32, #tpu.memory_space<vmem>>
          %dma_start3A_334 = tpu.memref_squeeze %dma_start3A_333 : memref<1x128xi32, #tpu.memory_space<vmem>> -> memref<128xi32, #tpu.memory_space<vmem>>
          %dma_start3A_335 = tpu.memref_slice %arg10[%add3A_290] : memref<327680xi32, #tpu.memory_space<hbm>> -> memref<128xi32, #tpu.memory_space<hbm>>
          %dma_start3A_336 = arith.constant 0 : i32
          %dma_start3A_337 = tpu.memref_slice %arg15[%run_scoped3A_293, %dma_start3A_336] : memref<2x128xi32, #tpu.memory_space<vmem>> -> memref<1x128xi32, #tpu.memory_space<vmem>>
          %dma_start3A_338 = tpu.memref_squeeze %dma_start3A_337 : memref<1x128xi32, #tpu.memory_space<vmem>> -> memref<128xi32, #tpu.memory_space<vmem>>
          %dma_start3A_339 = tpu.memref_slice %arg10[%add3A_290] : memref<327680xi32, #tpu.memory_space<hbm>> -> memref<128xi32, #tpu.memory_space<hbm>>
          tpu.enqueue_dma source(%dma_start3A_339 : memref<128xi32, #tpu.memory_space<hbm>>) target(%dma_start3A_338 : memref<128xi32, #tpu.memory_space<vmem>>) target_semaphore(%run_scoped3A_331 : memref<!tpu.dma_semaphore, #tpu.memory_space<semaphore_mem>>)
          %dma_wait3A_340 = arith.constant 0 : i32
          %dma_wait3A_341 = tpu.memref_slice %arg15[%run_scoped3A_293, %dma_wait3A_340] : memref<2x128xi32, #tpu.memory_space<vmem>> -> memref<1x128xi32, #tpu.memory_space<vmem>>
          %dma_wait3A_342 = tpu.memref_squeeze %dma_wait3A_341 : memref<1x128xi32, #tpu.memory_space<vmem>> -> memref<128xi32, #tpu.memory_space<vmem>>
          %dma_wait3A_343 = tpu.memref_slice %arg10[%add3A_290] : memref<327680xi32, #tpu.memory_space<hbm>> -> memref<128xi32, #tpu.memory_space<hbm>>
          %dma_wait3A_344 = arith.constant 0 : i32
          %dma_wait3A_345 = tpu.memref_slice %arg15[%run_scoped3A_293, %dma_wait3A_344] : memref<2x128xi32, #tpu.memory_space<vmem>> -> memref<1x128xi32, #tpu.memory_space<vmem>>
          %dma_wait3A_346 = tpu.memref_squeeze %dma_wait3A_345 : memref<1x128xi32, #tpu.memory_space<vmem>> -> memref<128xi32, #tpu.memory_space<vmem>>
          %dma_wait3A_347 = tpu.memref_slice %arg10[%add3A_290] : memref<327680xi32, #tpu.memory_space<hbm>> -> memref<128xi32, #tpu.memory_space<hbm>>
          tpu.wait_dma2 semaphore(%run_scoped3A_331 : memref<!tpu.dma_semaphore, #tpu.memory_space<semaphore_mem>>) src(%dma_wait3A_347 : memref<128xi32, #tpu.memory_space<hbm>>) dst(%dma_wait3A_346 : memref<128xi32, #tpu.memory_space<vmem>>)
          tpu.yield
        }) : () -> ()
        %run_scoped3A_294 = arith.constant 0 : i32
        "tpu.region"() ({
          %run_scoped3A_331 = tpu.sem_alloc : memref<!tpu.dma_semaphore, #tpu.memory_space<semaphore_mem>>
          %dma_start3A_332 = arith.constant 0 : i32
          %dma_start3A_333 = tpu.memref_slice %arg16[%run_scoped3A_294, %dma_start3A_332] : memref<2x128xi32, #tpu.memory_space<vmem>> -> memref<1x128xi32, #tpu.memory_space<vmem>>
          %dma_start3A_334 = tpu.memref_squeeze %dma_start3A_333 : memref<1x128xi32, #tpu.memory_space<vmem>> -> memref<128xi32, #tpu.memory_space<vmem>>
          %dma_start3A_335 = tpu.memref_slice %arg11[%add3A_290] : memref<327680xi32, #tpu.memory_space<hbm>> -> memref<128xi32, #tpu.memory_space<hbm>>
          %dma_start3A_336 = arith.constant 0 : i32
          %dma_start3A_337 = tpu.memref_slice %arg16[%run_scoped3A_294, %dma_start3A_336] : memref<2x128xi32, #tpu.memory_space<vmem>> -> memref<1x128xi32, #tpu.memory_space<vmem>>
          %dma_start3A_338 = tpu.memref_squeeze %dma_start3A_337 : memref<1x128xi32, #tpu.memory_space<vmem>> -> memref<128xi32, #tpu.memory_space<vmem>>
          %dma_start3A_339 = tpu.memref_slice %arg11[%add3A_290] : memref<327680xi32, #tpu.memory_space<hbm>> -> memref<128xi32, #tpu.memory_space<hbm>>
          tpu.enqueue_dma source(%dma_start3A_339 : memref<128xi32, #tpu.memory_space<hbm>>) target(%dma_start3A_338 : memref<128xi32, #tpu.memory_space<vmem>>) target_semaphore(%run_scoped3A_331 : memref<!tpu.dma_semaphore, #tpu.memory_space<semaphore_mem>>)
          %dma_wait3A_340 = arith.constant 0 : i32
          %dma_wait3A_341 = tpu.memref_slice %arg16[%run_scoped3A_294, %dma_wait3A_340] : memref<2x128xi32, #tpu.memory_space<vmem>> -> memref<1x128xi32, #tpu.memory_space<vmem>>
          %dma_wait3A_342 = tpu.memref_squeeze %dma_wait3A_341 : memref<1x128xi32, #tpu.memory_space<vmem>> -> memref<128xi32, #tpu.memory_space<vmem>>
          %dma_wait3A_343 = tpu.memref_slice %arg11[%add3A_290] : memref<327680xi32, #tpu.memory_space<hbm>> -> memref<128xi32, #tpu.memory_space<hbm>>
          %dma_wait3A_344 = arith.constant 0 : i32
          %dma_wait3A_345 = tpu.memref_slice %arg16[%run_scoped3A_294, %dma_wait3A_344] : memref<2x128xi32, #tpu.memory_space<vmem>> -> memref<1x128xi32, #tpu.memory_space<vmem>>
          %dma_wait3A_346 = tpu.memref_squeeze %dma_wait3A_345 : memref<1x128xi32, #tpu.memory_space<vmem>> -> memref<128xi32, #tpu.memory_space<vmem>>
          %dma_wait3A_347 = tpu.memref_slice %arg11[%add3A_290] : memref<327680xi32, #tpu.memory_space<hbm>> -> memref<128xi32, #tpu.memory_space<hbm>>
          tpu.wait_dma2 semaphore(%run_scoped3A_331 : memref<!tpu.dma_semaphore, #tpu.memory_space<semaphore_mem>>) src(%dma_wait3A_347 : memref<128xi32, #tpu.memory_space<hbm>>) dst(%dma_wait3A_346 : memref<128xi32, #tpu.memory_space<vmem>>)
          tpu.yield
        }) : () -> ()
        %dma_start3A_295 = arith.constant 0 : i32
        %dma_start3A_296 = arith.constant 0 : i32
        %dma_start3A_297 = arith.constant 0 : i32
        %dma_start3A_298 = arith.constant 0 : i32
        %dma_start3A_299 = tpu.memref_slice %arg17[%dma_start3A_296, %dma_start3A_297, %dma_start3A_298] : memref<2x128x64xf32, #tpu.memory_space<vmem>> -> memref<1x128x64xf32, #tpu.memory_space<vmem>>
        %dma_start3A_300 = tpu.memref_squeeze %dma_start3A_299 : memref<1x128x64xf32, #tpu.memory_space<vmem>> -> memref<128x64xf32, #tpu.memory_space<vmem>>
        %dma_start3A_301 = arith.constant 0 : i32
        %dma_start3A_302 = tpu.memref_slice %arg13[%dma_start3A_295, %dma_start3A_301] : memref<2x128xi32, #tpu.memory_space<vmem>> -> memref<1x128xi32, #tpu.memory_space<vmem>>
        %dma_start3A_303 = tpu.memref_squeeze %dma_start3A_302 : memref<1x128xi32, #tpu.memory_space<vmem>> -> memref<128xi32, #tpu.memory_space<vmem>>
        %dma_start3A_304 = arith.constant 0 : i32
        %dma_start3A_305 = arith.constant 0 : i32
        %dma_start3A_306 = tpu.memref_slice %arg2[%dma_start3A_304, %dma_start3A_305] : memref<20000x64xf32, #tpu.memory_space<hbm>> -> memref<20000x64xf32, #tpu.memory_space<hbm>>
        tpu.enqueue_indirect_dma source(%dma_start3A_306 : memref<20000x64xf32, #tpu.memory_space<hbm>>) target(%dma_start3A_300 : memref<128x64xf32, #tpu.memory_space<vmem>>) offsets(%dma_start3A_303 : memref<128xi32, #tpu.memory_space<vmem>>) semaphore(%arg23 : memref<!tpu.dma_semaphore, #tpu.memory_space<semaphore_mem>>)
        %dma_start3A_307 = arith.constant 0 : i32
        %dma_start3A_308 = arith.constant 0 : i32
        %dma_start3A_309 = arith.constant 0 : i32
        %dma_start3A_310 = arith.constant 0 : i32
        %dma_start3A_311 = tpu.memref_slice %arg18[%dma_start3A_308, %dma_start3A_309, %dma_start3A_310] : memref<2x128x64xf32, #tpu.memory_space<vmem>> -> memref<1x128x64xf32, #tpu.memory_space<vmem>>
        %dma_start3A_312 = tpu.memref_squeeze %dma_start3A_311 : memref<1x128x64xf32, #tpu.memory_space<vmem>> -> memref<128x64xf32, #tpu.memory_space<vmem>>
        %dma_start3A_313 = arith.constant 0 : i32
        %dma_start3A_314 = tpu.memref_slice %arg14[%dma_start3A_307, %dma_start3A_313] : memref<2x128xi32, #tpu.memory_space<vmem>> -> memref<1x128xi32, #tpu.memory_space<vmem>>
        %dma_start3A_315 = tpu.memref_squeeze %dma_start3A_314 : memref<1x128xi32, #tpu.memory_space<vmem>> -> memref<128xi32, #tpu.memory_space<vmem>>
        %dma_start3A_316 = arith.constant 0 : i32
        %dma_start3A_317 = arith.constant 0 : i32
        %dma_start3A_318 = tpu.memref_slice %arg3[%dma_start3A_316, %dma_start3A_317] : memref<20000x64xf32, #tpu.memory_space<hbm>> -> memref<20000x64xf32, #tpu.memory_space<hbm>>
        tpu.enqueue_indirect_dma source(%dma_start3A_318 : memref<20000x64xf32, #tpu.memory_space<hbm>>) target(%dma_start3A_312 : memref<128x64xf32, #tpu.memory_space<vmem>>) offsets(%dma_start3A_315 : memref<128xi32, #tpu.memory_space<vmem>>) semaphore(%arg23 : memref<!tpu.dma_semaphore, #tpu.memory_space<semaphore_mem>>)
        %dma_start3A_319 = arith.constant 0 : i32
        %dma_start3A_320 = arith.constant 0 : i32
        %dma_start3A_321 = arith.constant 0 : i32
        %dma_start3A_322 = arith.constant 0 : i32
        %dma_start3A_323 = tpu.memref_slice %arg19[%dma_start3A_320, %dma_start3A_321, %dma_start3A_322] : memref<2x128x64xf32, #tpu.memory_space<vmem>> -> memref<1x128x64xf32, #tpu.memory_space<vmem>>
        %dma_start3A_324 = tpu.memref_squeeze %dma_start3A_323 : memref<1x128x64xf32, #tpu.memory_space<vmem>> -> memref<128x64xf32, #tpu.memory_space<vmem>>
        %dma_start3A_325 = arith.constant 0 : i32
        %dma_start3A_326 = tpu.memref_slice %arg16[%dma_start3A_319, %dma_start3A_325] : memref<2x128xi32, #tpu.memory_space<vmem>> -> memref<1x128xi32, #tpu.memory_space<vmem>>
        %dma_start3A_327 = tpu.memref_squeeze %dma_start3A_326 : memref<1x128xi32, #tpu.memory_space<vmem>> -> memref<128xi32, #tpu.memory_space<vmem>>
        %dma_start3A_328 = arith.constant 0 : i32
        %dma_start3A_329 = arith.constant 0 : i32
        %dma_start3A_330 = tpu.memref_slice %arg4[%dma_start3A_328, %dma_start3A_329] : memref<983040x64xf32, #tpu.memory_space<hbm>> -> memref<983040x64xf32, #tpu.memory_space<hbm>>
        tpu.enqueue_indirect_dma source(%dma_start3A_330 : memref<983040x64xf32, #tpu.memory_space<hbm>>) target(%dma_start3A_324 : memref<128x64xf32, #tpu.memory_space<vmem>>) offsets(%dma_start3A_327 : memref<128xi32, #tpu.memory_space<vmem>>) semaphore(%arg23 : memref<!tpu.dma_semaphore, #tpu.memory_space<semaphore_mem>>)
      } else {
      }
      %dma_wait3A_236 = arith.constant 1 : i32
      %dma_wait3A_237 = arith.constant 1 : i32
      %dma_wait3A_238 = arith.constant 0 : i32
      %dma_wait3A_239 = arith.constant 0 : i32
      %dma_wait3A_240 = tpu.memref_slice %arg17[%dma_wait3A_237, %dma_wait3A_238, %dma_wait3A_239] : memref<2x128x64xf32, #tpu.memory_space<vmem>> -> memref<1x128x64xf32, #tpu.memory_space<vmem>>
      %dma_wait3A_241 = tpu.memref_squeeze %dma_wait3A_240 : memref<1x128x64xf32, #tpu.memory_space<vmem>> -> memref<128x64xf32, #tpu.memory_space<vmem>>
      %dma_wait3A_242 = arith.constant 0 : i32
      %dma_wait3A_243 = tpu.memref_slice %arg13[%dma_wait3A_236, %dma_wait3A_242] : memref<2x128xi32, #tpu.memory_space<vmem>> -> memref<1x128xi32, #tpu.memory_space<vmem>>
      %dma_wait3A_244 = tpu.memref_squeeze %dma_wait3A_243 : memref<1x128xi32, #tpu.memory_space<vmem>> -> memref<128xi32, #tpu.memory_space<vmem>>
      %dma_wait3A_245 = arith.constant 0 : i32
      %dma_wait3A_246 = arith.constant 0 : i32
      %dma_wait3A_247 = tpu.memref_slice %arg2[%dma_wait3A_245, %dma_wait3A_246] : memref<20000x64xf32, #tpu.memory_space<hbm>> -> memref<20000x64xf32, #tpu.memory_space<hbm>>
      tpu.wait_indirect_dma semaphore(%arg24 : memref<!tpu.dma_semaphore, #tpu.memory_space<semaphore_mem>>) src(%dma_wait3A_247 : memref<20000x64xf32, #tpu.memory_space<hbm>>) dst(%dma_wait3A_241 : memref<128x64xf32, #tpu.memory_space<vmem>>)
      %dma_wait3A_248 = arith.constant 1 : i32
      %dma_wait3A_249 = arith.constant 1 : i32
      %dma_wait3A_250 = arith.constant 0 : i32
      %dma_wait3A_251 = arith.constant 0 : i32
      %dma_wait3A_252 = tpu.memref_slice %arg18[%dma_wait3A_249, %dma_wait3A_250, %dma_wait3A_251] : memref<2x128x64xf32, #tpu.memory_space<vmem>> -> memref<1x128x64xf32, #tpu.memory_space<vmem>>
      %dma_wait3A_253 = tpu.memref_squeeze %dma_wait3A_252 : memref<1x128x64xf32, #tpu.memory_space<vmem>> -> memref<128x64xf32, #tpu.memory_space<vmem>>
      %dma_wait3A_254 = arith.constant 0 : i32
      %dma_wait3A_255 = tpu.memref_slice %arg14[%dma_wait3A_248, %dma_wait3A_254] : memref<2x128xi32, #tpu.memory_space<vmem>> -> memref<1x128xi32, #tpu.memory_space<vmem>>
      %dma_wait3A_256 = tpu.memref_squeeze %dma_wait3A_255 : memref<1x128xi32, #tpu.memory_space<vmem>> -> memref<128xi32, #tpu.memory_space<vmem>>
      %dma_wait3A_257 = arith.constant 0 : i32
      %dma_wait3A_258 = arith.constant 0 : i32
      %dma_wait3A_259 = tpu.memref_slice %arg3[%dma_wait3A_257, %dma_wait3A_258] : memref<20000x64xf32, #tpu.memory_space<hbm>> -> memref<20000x64xf32, #tpu.memory_space<hbm>>
      tpu.wait_indirect_dma semaphore(%arg24 : memref<!tpu.dma_semaphore, #tpu.memory_space<semaphore_mem>>) src(%dma_wait3A_259 : memref<20000x64xf32, #tpu.memory_space<hbm>>) dst(%dma_wait3A_253 : memref<128x64xf32, #tpu.memory_space<vmem>>)
      %dma_wait3A_260 = arith.constant 1 : i32
      %dma_wait3A_261 = arith.constant 1 : i32
      %dma_wait3A_262 = arith.constant 0 : i32
      %dma_wait3A_263 = arith.constant 0 : i32
      %dma_wait3A_264 = tpu.memref_slice %arg19[%dma_wait3A_261, %dma_wait3A_262, %dma_wait3A_263] : memref<2x128x64xf32, #tpu.memory_space<vmem>> -> memref<1x128x64xf32, #tpu.memory_space<vmem>>
      %dma_wait3A_265 = tpu.memref_squeeze %dma_wait3A_264 : memref<1x128x64xf32, #tpu.memory_space<vmem>> -> memref<128x64xf32, #tpu.memory_space<vmem>>
      %dma_wait3A_266 = arith.constant 0 : i32
      %dma_wait3A_267 = tpu.memref_slice %arg16[%dma_wait3A_260, %dma_wait3A_266] : memref<2x128xi32, #tpu.memory_space<vmem>> -> memref<1x128xi32, #tpu.memory_space<vmem>>
      %dma_wait3A_268 = tpu.memref_squeeze %dma_wait3A_267 : memref<1x128xi32, #tpu.memory_space<vmem>> -> memref<128xi32, #tpu.memory_space<vmem>>
      %dma_wait3A_269 = arith.constant 0 : i32
      %dma_wait3A_270 = arith.constant 0 : i32
      %dma_wait3A_271 = tpu.memref_slice %arg4[%dma_wait3A_269, %dma_wait3A_270] : memref<983040x64xf32, #tpu.memory_space<hbm>> -> memref<983040x64xf32, #tpu.memory_space<hbm>>
      tpu.wait_indirect_dma semaphore(%arg24 : memref<!tpu.dma_semaphore, #tpu.memory_space<semaphore_mem>>) src(%dma_wait3A_271 : memref<983040x64xf32, #tpu.memory_space<hbm>>) dst(%dma_wait3A_265 : memref<128x64xf32, #tpu.memory_space<vmem>>)
      %scan3A_272 = arith.constant 0 : i32
      %scan3A_273 = arith.constant 0 : i32
      %scan3A_274 = arith.constant 128 : i32
      %scan3A_275 = arith.addi %scan3A_273, %scan3A_274 : i32
      %scan3A_276 = arith.constant 1 : i32
      %scan3A_277 = scf.for %scan3A_281 = %scan3A_273 to %scan3A_275 step %scan3A_276 iter_args(%scan3A_282 = %scan3A_272) -> (i32)  : i32 {
        %get3A = arith.constant 1 : i32
        %get3A_283 = arith.index_cast %get3A : i32 to index
        %get3A_284 = arith.index_cast %scan3A_281 : i32 to index
        %get3A_285 = arith.constant 0 : index
        %get3A_286 = tpu.vector_load %arg17[%get3A_283, %get3A_284, %get3A_285] {strides = array<i32>} : memref<2x128x64xf32, #tpu.memory_space<vmem>>, vector<1x1x16xf32>,
        %get3A_287 = vector.shape_cast %get3A_286 : vector<1x1x16xf32> to vector<16xf32>
        %get3A_288 = arith.constant 1 : i32
        %get3A_289 = arith.index_cast %get3A_288 : i32 to index
        %get3A_290 = arith.index_cast %scan3A_281 : i32 to index
        %get3A_291 = arith.constant 0 : index
        %get3A_292 = tpu.vector_load %arg18[%get3A_289, %get3A_290, %get3A_291] {strides = array<i32>} : memref<2x128x64xf32, #tpu.memory_space<vmem>>, vector<1x1x16xf32>,
        %get3A_293 = vector.shape_cast %get3A_292 : vector<1x1x16xf32> to vector<16xf32>
        %add3A_294 = arith.addf %get3A_287, %get3A_293 : vector<16xf32>
        %get3A_295 = arith.constant 1 : i32
        %get3A_296 = arith.index_cast %get3A_295 : i32 to index
        %get3A_297 = arith.index_cast %scan3A_281 : i32 to index
        %get3A_298 = arith.constant 0 : index
        %get3A_299 = tpu.vector_load %arg19[%get3A_296, %get3A_297, %get3A_298] {strides = array<i32>} : memref<2x128x64xf32, #tpu.memory_space<vmem>>, vector<1x1x16xf32>,
        %get3A_300 = vector.shape_cast %get3A_299 : vector<1x1x16xf32> to vector<16xf32>
        %add3A_301 = arith.addf %add3A_294, %get3A_300 : vector<16xf32>
        %get3A_302 = arith.constant 1 : i32
        %get3A_303 = arith.index_cast %get3A_302 : i32 to index
        %get3A_304 = arith.index_cast %scan3A_281 : i32 to index
        %get3A_305 = arith.constant 32 : index
        %get3A_306 = tpu.vector_load %arg17[%get3A_303, %get3A_304, %get3A_305] {strides = array<i32>} : memref<2x128x64xf32, #tpu.memory_space<vmem>>, vector<1x1x16xf32>,
        %get3A_307 = vector.shape_cast %get3A_306 : vector<1x1x16xf32> to vector<16xf32>
        %get3A_308 = arith.constant 1 : i32
        %get3A_309 = arith.index_cast %get3A_308 : i32 to index
        %get3A_310 = arith.index_cast %scan3A_281 : i32 to index
        %get3A_311 = arith.constant 32 : index
        %get3A_312 = tpu.vector_load %arg18[%get3A_309, %get3A_310, %get3A_311] {strides = array<i32>} : memref<2x128x64xf32, #tpu.memory_space<vmem>>, vector<1x1x16xf32>,
        %get3A_313 = vector.shape_cast %get3A_312 : vector<1x1x16xf32> to vector<16xf32>
        %add3A_314 = arith.addf %get3A_307, %get3A_313 : vector<16xf32>
        %get3A_315 = arith.constant 1 : i32
        %get3A_316 = arith.index_cast %get3A_315 : i32 to index
        %get3A_317 = arith.index_cast %scan3A_281 : i32 to index
        %get3A_318 = arith.constant 32 : index
        %get3A_319 = tpu.vector_load %arg19[%get3A_316, %get3A_317, %get3A_318] {strides = array<i32>} : memref<2x128x64xf32, #tpu.memory_space<vmem>>, vector<1x1x16xf32>,
        %get3A_320 = vector.shape_cast %get3A_319 : vector<1x1x16xf32> to vector<16xf32>
        %add3A_321 = arith.addf %add3A_314, %get3A_320 : vector<16xf32>
        %neg3A = arith.constant 0.000000e+00 : f32
        %neg3A_322 = vector.broadcast %neg3A : f32 to vector<16xf32>
        %neg3A_323 = arith.subf %neg3A_322, %add3A_301 : vector<16xf32>
        %min3A = arith.constant 8.000000e+01 : f32
        %min3A_324 = vector.broadcast %min3A : f32 to vector<16xf32>
        %min3A_325 = arith.minimumf %neg3A_323, %min3A_324 : vector<16xf32>
        %exp3A = math.exp %min3A_325 : vector<16xf32>
        %add3A_326 = arith.constant 1.000000e+00 : f32
        %add3A_327 = vector.broadcast %add3A_326 : f32 to vector<16xf32>
        %add3A_328 = arith.addf %add3A_327, %exp3A : vector<16xf32>
        %div3A = arith.constant 1.000000e+00 : f32
        %div3A_329 = vector.broadcast %div3A : f32 to vector<16xf32>
        %div3A_330 = arith.divf %div3A_329, %add3A_328 : vector<16xf32>
        %abs3A = math.absf %add3A_321 : vector<16xf32>
        %neg3A_331 = arith.constant 0.000000e+00 : f32
        %neg3A_332 = vector.broadcast %neg3A_331 : f32 to vector<16xf32>
        %neg3A_333 = arith.subf %neg3A_332, %abs3A : vector<16xf32>
        %max3A = arith.constant -8.000000e+01 : f32
        %max3A_334 = vector.broadcast %max3A : f32 to vector<16xf32>
        %max3A_335 = arith.maximumf %neg3A_333, %max3A_334 : vector<16xf32>
        %exp3A_336 = math.exp %max3A_335 : vector<16xf32>
        %add3A_337 = arith.constant 1.000000e+00 : f32
        %add3A_338 = vector.broadcast %add3A_337 : f32 to vector<16xf32>
        %add3A_339 = arith.addf %add3A_338, %exp3A_336 : vector<16xf32>
        %max3A_340 = arith.constant 0.000000e+00 : f32
        %max3A_341 = vector.broadcast %max3A_340 : f32 to vector<16xf32>
        %max3A_342 = arith.maximumf %add3A_321, %max3A_341 : vector<16xf32>
        %bitcast_convert_type3A = tpu.bitcast %add3A_339 : vector<16xf32> -> vector<16xi32>
        %shift_right_arithmetic3A = arith.constant 23 : i32
        %shift_right_arithmetic3A_343 = vector.broadcast %shift_right_arithmetic3A : i32 to vector<16xi32>
        %shift_right_arithmetic3A_344 = arith.shrsi %bitcast_convert_type3A, %shift_right_arithmetic3A_343 : vector<16xi32>
        %and3A = arith.constant 255 : i32
        %and3A_345 = vector.broadcast %and3A : i32 to vector<16xi32>
        %and3A_346 = arith.andi %shift_right_arithmetic3A_344, %and3A_345 : vector<16xi32>
        %sub3A = arith.constant 127 : i32
        %sub3A_347 = vector.broadcast %sub3A : i32 to vector<16xi32>
        %sub3A_348 = arith.subi %and3A_346, %sub3A_347 : vector<16xi32>
        %and3A_349 = arith.constant 8388607 : i32
        %and3A_350 = vector.broadcast %and3A_349 : i32 to vector<16xi32>
        %and3A_351 = arith.andi %bitcast_convert_type3A, %and3A_350 : vector<16xi32>
        %or3A = arith.constant 1065353216 : i32
        %or3A_352 = vector.broadcast %or3A : i32 to vector<16xi32>
        %or3A_353 = arith.ori %and3A_351, %or3A_352 : vector<16xi32>
        %bitcast_convert_type3A_354 = tpu.bitcast %or3A_353 : vector<16xi32> -> vector<16xf32>
        %ge3A = arith.constant 1.500000e+00 : f32
        %ge3A_355 = vector.broadcast %ge3A : f32 to vector<16xf32>
        %ge3A_356 = arith.cmpf oge, %bitcast_convert_type3A_354, %ge3A_355 : vector<16xf32>
        %mul3A_357 = arith.constant 5.000000e-01 : f32
        %mul3A_358 = vector.broadcast %mul3A_357 : f32 to vector<16xf32>
        %mul3A_359 = arith.mulf %bitcast_convert_type3A_354, %mul3A_358 : vector<16xf32>
        %select_n3A = arith.select %ge3A_356, %mul3A_359, %bitcast_convert_type3A_354 : vector<16xi1>, vector<16xf32>
        %convert_element_type3A_360 = arith.sitofp %sub3A_348 : vector<16xi32> to vector<16xf32>
        %jit3A = arith.constant 1.000000e+00 : f32
        %jit3A_361 = arith.constant 0.000000e+00 : f32
        %broadcast_in_dim3A_362 = vector.broadcast %jit3A : f32 to vector<16xf32>
        %broadcast_in_dim3A_363 = vector.broadcast %jit3A_361 : f32 to vector<16xf32>
        %select_n3A_364 = arith.select %ge3A_356, %broadcast_in_dim3A_362, %broadcast_in_dim3A_363 : vector<16xi1>, vector<16xf32>
        %add3A_365 = arith.addf %convert_element_type3A_360, %select_n3A_364 : vector<16xf32>
        %sub3A_366 = arith.constant 1.000000e+00 : f32
        %sub3A_367 = vector.broadcast %sub3A_366 : f32 to vector<16xf32>
        %sub3A_368 = arith.subf %select_n3A, %sub3A_367 : vector<16xf32>
        %add3A_369 = arith.constant 1.000000e+00 : f32
        %add3A_370 = vector.broadcast %add3A_369 : f32 to vector<16xf32>
        %add3A_371 = arith.addf %select_n3A, %add3A_370 : vector<16xf32>
        %div3A_372 = arith.divf %sub3A_368, %add3A_371 : vector<16xf32>
        %mul3A_373 = arith.mulf %div3A_372, %div3A_372 : vector<16xf32>
        %mul3A_374 = arith.constant 0.285714298 : f32
        %mul3A_375 = vector.broadcast %mul3A_374 : f32 to vector<16xf32>
        %mul3A_376 = arith.mulf %mul3A_373, %mul3A_375 : vector<16xf32>
        %add3A_377 = arith.constant 4.000000e-01 : f32
        %add3A_378 = vector.broadcast %add3A_377 : f32 to vector<16xf32>
        %add3A_379 = arith.addf %add3A_378, %mul3A_376 : vector<16xf32>
        %mul3A_380 = arith.mulf %mul3A_373, %add3A_379 : vector<16xf32>
        %add3A_381 = arith.constant 0.666666686 : f32
        %add3A_382 = vector.broadcast %add3A_381 : f32 to vector<16xf32>
        %add3A_383 = arith.addf %add3A_382, %mul3A_380 : vector<16xf32>
        %mul3A_384 = arith.mulf %mul3A_373, %add3A_383 : vector<16xf32>
        %add3A_385 = arith.constant 2.000000e+00 : f32
        %add3A_386 = vector.broadcast %add3A_385 : f32 to vector<16xf32>
        %add3A_387 = arith.addf %add3A_386, %mul3A_384 : vector<16xf32>
        %mul3A_388 = arith.mulf %div3A_372, %add3A_387 : vector<16xf32>
        %mul3A_389 = arith.constant 0.693147182 : f32
        %mul3A_390 = vector.broadcast %mul3A_389 : f32 to vector<16xf32>
        %mul3A_391 = arith.mulf %add3A_365, %mul3A_390 : vector<16xf32>
        %add3A_392 = arith.addf %mul3A_391, %mul3A_388 : vector<16xf32>
        %add3A_393 = arith.addf %max3A_342, %add3A_392 : vector<16xf32>
        %mul3A_394 = arith.mulf %div3A_330, %add3A_393 : vector<16xf32>
        %swap3A = arith.index_cast %scan3A_281 : i32 to index
        %swap3A_395 = arith.constant 0 : index
        %swap3A_396 = tpu.vector_load %arg20[%swap3A, %swap3A_395] {strides = array<i32>} : memref<128x32xf32, #tpu.memory_space<vmem>>, vector<1x16xf32>,
        %swap3A_397 = vector.shape_cast %swap3A_396 : vector<1x16xf32> to vector<16xf32>
        %swap3A_398 = vector.shape_cast %mul3A_394 : vector<16xf32> to vector<1x16xf32>
        tpu.vector_store %arg20[%swap3A, %swap3A_395], %swap3A_398 {strides = array<i32>} : memref<128x32xf32, #tpu.memory_space<vmem>>, vector<1x16xf32>,
        %get3A_399 = arith.constant 1 : i32
        %get3A_400 = arith.index_cast %get3A_399 : i32 to index
        %get3A_401 = arith.index_cast %scan3A_281 : i32 to index
        %get3A_402 = arith.constant 16 : index
        %get3A_403 = tpu.vector_load %arg17[%get3A_400, %get3A_401, %get3A_402] {strides = array<i32>} : memref<2x128x64xf32, #tpu.memory_space<vmem>>, vector<1x1x16xf32>,
        %get3A_404 = vector.shape_cast %get3A_403 : vector<1x1x16xf32> to vector<16xf32>
        %get3A_405 = arith.constant 1 : i32
        %get3A_406 = arith.index_cast %get3A_405 : i32 to index
        %get3A_407 = arith.index_cast %scan3A_281 : i32 to index
        %get3A_408 = arith.constant 16 : index
        %get3A_409 = tpu.vector_load %arg18[%get3A_406, %get3A_407, %get3A_408] {strides = array<i32>} : memref<2x128x64xf32, #tpu.memory_space<vmem>>, vector<1x1x16xf32>,
        %get3A_410 = vector.shape_cast %get3A_409 : vector<1x1x16xf32> to vector<16xf32>
        %add3A_411 = arith.addf %get3A_404, %get3A_410 : vector<16xf32>
        %get3A_412 = arith.constant 1 : i32
        %get3A_413 = arith.index_cast %get3A_412 : i32 to index
        %get3A_414 = arith.index_cast %scan3A_281 : i32 to index
        %get3A_415 = arith.constant 16 : index
        %get3A_416 = tpu.vector_load %arg19[%get3A_413, %get3A_414, %get3A_415] {strides = array<i32>} : memref<2x128x64xf32, #tpu.memory_space<vmem>>, vector<1x1x16xf32>,
        %get3A_417 = vector.shape_cast %get3A_416 : vector<1x1x16xf32> to vector<16xf32>
        %add3A_418 = arith.addf %add3A_411, %get3A_417 : vector<16xf32>
        %get3A_419 = arith.constant 1 : i32
        %get3A_420 = arith.index_cast %get3A_419 : i32 to index
        %get3A_421 = arith.index_cast %scan3A_281 : i32 to index
        %get3A_422 = arith.constant 48 : index
        %get3A_423 = tpu.vector_load %arg17[%get3A_420, %get3A_421, %get3A_422] {strides = array<i32>} : memref<2x128x64xf32, #tpu.memory_space<vmem>>, vector<1x1x16xf32>,
        %get3A_424 = vector.shape_cast %get3A_423 : vector<1x1x16xf32> to vector<16xf32>
        %get3A_425 = arith.constant 1 : i32
        %get3A_426 = arith.index_cast %get3A_425 : i32 to index
        %get3A_427 = arith.index_cast %scan3A_281 : i32 to index
        %get3A_428 = arith.constant 48 : index
        %get3A_429 = tpu.vector_load %arg18[%get3A_426, %get3A_427, %get3A_428] {strides = array<i32>} : memref<2x128x64xf32, #tpu.memory_space<vmem>>, vector<1x1x16xf32>,
        %get3A_430 = vector.shape_cast %get3A_429 : vector<1x1x16xf32> to vector<16xf32>
        %add3A_431 = arith.addf %get3A_424, %get3A_430 : vector<16xf32>
        %get3A_432 = arith.constant 1 : i32
        %get3A_433 = arith.index_cast %get3A_432 : i32 to index
        %get3A_434 = arith.index_cast %scan3A_281 : i32 to index
        %get3A_435 = arith.constant 48 : index
        %get3A_436 = tpu.vector_load %arg19[%get3A_433, %get3A_434, %get3A_435] {strides = array<i32>} : memref<2x128x64xf32, #tpu.memory_space<vmem>>, vector<1x1x16xf32>,
        %get3A_437 = vector.shape_cast %get3A_436 : vector<1x1x16xf32> to vector<16xf32>
        %add3A_438 = arith.addf %add3A_431, %get3A_437 : vector<16xf32>
        %neg3A_439 = arith.constant 0.000000e+00 : f32
        %neg3A_440 = vector.broadcast %neg3A_439 : f32 to vector<16xf32>
        %neg3A_441 = arith.subf %neg3A_440, %add3A_418 : vector<16xf32>
        %min3A_442 = arith.constant 8.000000e+01 : f32
        %min3A_443 = vector.broadcast %min3A_442 : f32 to vector<16xf32>
        %min3A_444 = arith.minimumf %neg3A_441, %min3A_443 : vector<16xf32>
        %exp3A_445 = math.exp %min3A_444 : vector<16xf32>
        %add3A_446 = arith.constant 1.000000e+00 : f32
        %add3A_447 = vector.broadcast %add3A_446 : f32 to vector<16xf32>
        %add3A_448 = arith.addf %add3A_447, %exp3A_445 : vector<16xf32>
        %div3A_449 = arith.constant 1.000000e+00 : f32
        %div3A_450 = vector.broadcast %div3A_449 : f32 to vector<16xf32>
        %div3A_451 = arith.divf %div3A_450, %add3A_448 : vector<16xf32>
        %abs3A_452 = math.absf %add3A_438 : vector<16xf32>
        %neg3A_453 = arith.constant 0.000000e+00 : f32
        %neg3A_454 = vector.broadcast %neg3A_453 : f32 to vector<16xf32>
        %neg3A_455 = arith.subf %neg3A_454, %abs3A_452 : vector<16xf32>
        %max3A_456 = arith.constant -8.000000e+01 : f32
        %max3A_457 = vector.broadcast %max3A_456 : f32 to vector<16xf32>
        %max3A_458 = arith.maximumf %neg3A_455, %max3A_457 : vector<16xf32>
        %exp3A_459 = math.exp %max3A_458 : vector<16xf32>
        %add3A_460 = arith.constant 1.000000e+00 : f32
        %add3A_461 = vector.broadcast %add3A_460 : f32 to vector<16xf32>
        %add3A_462 = arith.addf %add3A_461, %exp3A_459 : vector<16xf32>
        %max3A_463 = arith.constant 0.000000e+00 : f32
        %max3A_464 = vector.broadcast %max3A_463 : f32 to vector<16xf32>
        %max3A_465 = arith.maximumf %add3A_438, %max3A_464 : vector<16xf32>
        %bitcast_convert_type3A_466 = tpu.bitcast %add3A_462 : vector<16xf32> -> vector<16xi32>
        %shift_right_arithmetic3A_467 = arith.constant 23 : i32
        %shift_right_arithmetic3A_468 = vector.broadcast %shift_right_arithmetic3A_467 : i32 to vector<16xi32>
        %shift_right_arithmetic3A_469 = arith.shrsi %bitcast_convert_type3A_466, %shift_right_arithmetic3A_468 : vector<16xi32>
        %and3A_470 = arith.constant 255 : i32
        %and3A_471 = vector.broadcast %and3A_470 : i32 to vector<16xi32>
        %and3A_472 = arith.andi %shift_right_arithmetic3A_469, %and3A_471 : vector<16xi32>
        %sub3A_473 = arith.constant 127 : i32
        %sub3A_474 = vector.broadcast %sub3A_473 : i32 to vector<16xi32>
        %sub3A_475 = arith.subi %and3A_472, %sub3A_474 : vector<16xi32>
        %and3A_476 = arith.constant 8388607 : i32
        %and3A_477 = vector.broadcast %and3A_476 : i32 to vector<16xi32>
        %and3A_478 = arith.andi %bitcast_convert_type3A_466, %and3A_477 : vector<16xi32>
        %or3A_479 = arith.constant 1065353216 : i32
        %or3A_480 = vector.broadcast %or3A_479 : i32 to vector<16xi32>
        %or3A_481 = arith.ori %and3A_478, %or3A_480 : vector<16xi32>
        %bitcast_convert_type3A_482 = tpu.bitcast %or3A_481 : vector<16xi32> -> vector<16xf32>
        %ge3A_483 = arith.constant 1.500000e+00 : f32
        %ge3A_484 = vector.broadcast %ge3A_483 : f32 to vector<16xf32>
        %ge3A_485 = arith.cmpf oge, %bitcast_convert_type3A_482, %ge3A_484 : vector<16xf32>
        %mul3A_486 = arith.constant 5.000000e-01 : f32
        %mul3A_487 = vector.broadcast %mul3A_486 : f32 to vector<16xf32>
        %mul3A_488 = arith.mulf %bitcast_convert_type3A_482, %mul3A_487 : vector<16xf32>
        %select_n3A_489 = arith.select %ge3A_485, %mul3A_488, %bitcast_convert_type3A_482 : vector<16xi1>, vector<16xf32>
        %convert_element_type3A_490 = arith.sitofp %sub3A_475 : vector<16xi32> to vector<16xf32>
        %jit3A_491 = arith.constant 1.000000e+00 : f32
        %jit3A_492 = arith.constant 0.000000e+00 : f32
        %broadcast_in_dim3A_493 = vector.broadcast %jit3A_491 : f32 to vector<16xf32>
        %broadcast_in_dim3A_494 = vector.broadcast %jit3A_492 : f32 to vector<16xf32>
        %select_n3A_495 = arith.select %ge3A_485, %broadcast_in_dim3A_493, %broadcast_in_dim3A_494 : vector<16xi1>, vector<16xf32>
        %add3A_496 = arith.addf %convert_element_type3A_490, %select_n3A_495 : vector<16xf32>
        %sub3A_497 = arith.constant 1.000000e+00 : f32
        %sub3A_498 = vector.broadcast %sub3A_497 : f32 to vector<16xf32>
        %sub3A_499 = arith.subf %select_n3A_489, %sub3A_498 : vector<16xf32>
        %add3A_500 = arith.constant 1.000000e+00 : f32
        %add3A_501 = vector.broadcast %add3A_500 : f32 to vector<16xf32>
        %add3A_502 = arith.addf %select_n3A_489, %add3A_501 : vector<16xf32>
        %div3A_503 = arith.divf %sub3A_499, %add3A_502 : vector<16xf32>
        %mul3A_504 = arith.mulf %div3A_503, %div3A_503 : vector<16xf32>
        %mul3A_505 = arith.constant 0.285714298 : f32
        %mul3A_506 = vector.broadcast %mul3A_505 : f32 to vector<16xf32>
        %mul3A_507 = arith.mulf %mul3A_504, %mul3A_506 : vector<16xf32>
        %add3A_508 = arith.constant 4.000000e-01 : f32
        %add3A_509 = vector.broadcast %add3A_508 : f32 to vector<16xf32>
        %add3A_510 = arith.addf %add3A_509, %mul3A_507 : vector<16xf32>
        %mul3A_511 = arith.mulf %mul3A_504, %add3A_510 : vector<16xf32>
        %add3A_512 = arith.constant 0.666666686 : f32
        %add3A_513 = vector.broadcast %add3A_512 : f32 to vector<16xf32>
        %add3A_514 = arith.addf %add3A_513, %mul3A_511 : vector<16xf32>
        %mul3A_515 = arith.mulf %mul3A_504, %add3A_514 : vector<16xf32>
        %add3A_516 = arith.constant 2.000000e+00 : f32
        %add3A_517 = vector.broadcast %add3A_516 : f32 to vector<16xf32>
        %add3A_518 = arith.addf %add3A_517, %mul3A_515 : vector<16xf32>
        %mul3A_519 = arith.mulf %div3A_503, %add3A_518 : vector<16xf32>
        %mul3A_520 = arith.constant 0.693147182 : f32
        %mul3A_521 = vector.broadcast %mul3A_520 : f32 to vector<16xf32>
        %mul3A_522 = arith.mulf %add3A_496, %mul3A_521 : vector<16xf32>
        %add3A_523 = arith.addf %mul3A_522, %mul3A_519 : vector<16xf32>
        %add3A_524 = arith.addf %max3A_465, %add3A_523 : vector<16xf32>
        %mul3A_525 = arith.mulf %div3A_451, %add3A_524 : vector<16xf32>
        %swap3A_526 = arith.index_cast %scan3A_281 : i32 to index
        %swap3A_527 = arith.constant 16 : index
        %swap3A_528 = tpu.vector_load %arg20[%swap3A_526, %swap3A_527] {strides = array<i32>} : memref<128x32xf32, #tpu.memory_space<vmem>>, vector<1x16xf32>,
        %swap3A_529 = vector.shape_cast %swap3A_528 : vector<1x16xf32> to vector<16xf32>
        %swap3A_530 = vector.shape_cast %mul3A_525 : vector<16xf32> to vector<1x16xf32>
        tpu.vector_store %arg20[%swap3A_526, %swap3A_527], %swap3A_530 {strides = array<i32>} : memref<128x32xf32, #tpu.memory_space<vmem>>, vector<1x16xf32>,
        %scan3A_531 = arith.constant 0 : i32
        scf.yield %scan3A_531 : i32
      }
      %scan3A_278 = arith.constant 128 : i32
      %run_scoped3A_279 = arith.constant 1 : i32
      "tpu.region"() ({
        %run_scoped3A_281 = tpu.sem_alloc : memref<!tpu.dma_semaphore, #tpu.memory_space<semaphore_mem>>
        %dma_start3A_282 = arith.constant 0 : i32
        %dma_start3A_283 = tpu.memref_slice %arg15[%run_scoped3A_279, %dma_start3A_282] : memref<2x128xi32, #tpu.memory_space<vmem>> -> memref<1x128xi32, #tpu.memory_space<vmem>>
        %dma_start3A_284 = tpu.memref_squeeze %dma_start3A_283 : memref<1x128xi32, #tpu.memory_space<vmem>> -> memref<128xi32, #tpu.memory_space<vmem>>
        %dma_start3A_285 = arith.constant 0 : i32
        %dma_start3A_286 = arith.constant 0 : i32
        %dma_start3A_287 = tpu.memref_slice %arg22[%dma_start3A_285, %dma_start3A_286] : memref<10112x32xf32, #tpu.memory_space<vmem_shared>> -> memref<10112x32xf32, #tpu.memory_space<vmem_shared>>
        tpu.enqueue_indirect_dma source(%arg20 : memref<128x32xf32, #tpu.memory_space<vmem>>) target(%dma_start3A_287 : memref<10112x32xf32, #tpu.memory_space<vmem_shared>>) offsets(%dma_start3A_284 : memref<128xi32, #tpu.memory_space<vmem>>) semaphore(%run_scoped3A_281 : memref<!tpu.dma_semaphore, #tpu.memory_space<semaphore_mem>>) {add = true}
        %dma_wait3A_288 = arith.constant 0 : i32
        %dma_wait3A_289 = tpu.memref_slice %arg15[%run_scoped3A_279, %dma_wait3A_288] : memref<2x128xi32, #tpu.memory_space<vmem>> -> memref<1x128xi32, #tpu.memory_space<vmem>>
        %dma_wait3A_290 = tpu.memref_squeeze %dma_wait3A_289 : memref<1x128xi32, #tpu.memory_space<vmem>> -> memref<128xi32, #tpu.memory_space<vmem>>
        %dma_wait3A_291 = arith.constant 0 : i32
        %dma_wait3A_292 = arith.constant 0 : i32
        %dma_wait3A_293 = tpu.memref_slice %arg22[%dma_wait3A_291, %dma_wait3A_292] : memref<10112x32xf32, #tpu.memory_space<vmem_shared>> -> memref<10112x32xf32, #tpu.memory_space<vmem_shared>>
        tpu.wait_indirect_dma semaphore(%run_scoped3A_281 : memref<!tpu.dma_semaphore, #tpu.memory_space<semaphore_mem>>) src(%arg20 : memref<128x32xf32, #tpu.memory_space<vmem>>) dst(%dma_wait3A_293 : memref<10112x32xf32, #tpu.memory_space<vmem_shared>>)
        tpu.yield
      }) : () -> ()
      %scan3A_280 = arith.constant 0 : i32
      scf.yield %scan3A_280 : i32
    }
    %scan3A_58 = arith.constant 40 : i32
    %barrier3A_59 = arith.constant 0 : index
    tpu.barrier barrier_id(%barrier3A_59)
    %mul3A_60 = arith.constant 632 : i32
    %mul3A_61 = arith.muli %arg1, %mul3A_60 : i32
    %mul3A_62 = arith.constant 632 : i32
    %mul3A_63 = arith.muli %arg1, %mul3A_62 : i32
    %run_scoped3A_64 = arith.constant 0 : i32
    "tpu.region"() ({
      %run_scoped3A_137 = tpu.sem_alloc : memref<!tpu.dma_semaphore, #tpu.memory_space<semaphore_mem>>
      %dma_start3A_138 = arith.constant 0 : i32
      %dma_start3A_139 = tpu.memref_slice %arg12[%arg0, %run_scoped3A_64, %mul3A_63, %dma_start3A_138] : memref<2x2x10112x32xf32, #tpu.memory_space<hbm>> -> memref<1x1x632x32xf32, #tpu.memory_space<hbm>>
      %dma_start3A_140 = tpu.memref_squeeze %dma_start3A_139 : memref<1x1x632x32xf32, #tpu.memory_space<hbm>> -> memref<632x32xf32, #tpu.memory_space<hbm>>
      %dma_start3A_141 = arith.constant 0 : i32
      %dma_start3A_142 = tpu.memref_slice %arg22[%mul3A_61, %dma_start3A_141] : memref<10112x32xf32, #tpu.memory_space<vmem_shared>> -> memref<632x32xf32, #tpu.memory_space<vmem_shared>>
      tpu.enqueue_dma source(%dma_start3A_142 : memref<632x32xf32, #tpu.memory_space<vmem_shared>>) target(%dma_start3A_140 : memref<632x32xf32, #tpu.memory_space<hbm>>) target_semaphore(%run_scoped3A_137 : memref<!tpu.dma_semaphore, #tpu.memory_space<semaphore_mem>>)
      %dma_wait3A = arith.constant 0 : i32
      %dma_wait3A_143 = tpu.memref_slice %arg12[%arg0, %run_scoped3A_64, %mul3A_63, %dma_wait3A] : memref<2x2x10112x32xf32, #tpu.memory_space<hbm>> -> memref<1x1x632x32xf32, #tpu.memory_space<hbm>>
      %dma_wait3A_144 = tpu.memref_squeeze %dma_wait3A_143 : memref<1x1x632x32xf32, #tpu.memory_space<hbm>> -> memref<632x32xf32, #tpu.memory_space<hbm>>
      %dma_wait3A_145 = arith.constant 0 : i32
      %dma_wait3A_146 = tpu.memref_slice %arg22[%mul3A_61, %dma_wait3A_145] : memref<10112x32xf32, #tpu.memory_space<vmem_shared>> -> memref<632x32xf32, #tpu.memory_space<vmem_shared>>
      tpu.wait_dma2 semaphore(%run_scoped3A_137 : memref<!tpu.dma_semaphore, #tpu.memory_space<semaphore_mem>>) src(%dma_wait3A_146 : memref<632x32xf32, #tpu.memory_space<vmem_shared>>) dst(%dma_wait3A_144 : memref<632x32xf32, #tpu.memory_space<hbm>>)
      tpu.yield
    }) : () -> ()
    %barrier3A_65 = arith.constant 0 : index
    tpu.barrier barrier_id(%barrier3A_65)
    %scan3A_66 = arith.constant 0 : i32
    %scan3A_67 = arith.constant 0 : i32
    %scan3A_68 = arith.constant 1264 : i32
    %scan3A_69 = arith.addi %scan3A_67, %scan3A_68 : i32
    %scan3A_70 = arith.constant 1 : i32
    %scan3A_71 = scf.for %scan3A_137 = %scan3A_67 to %scan3A_69 step %scan3A_70 iter_args(%scan3A_138 = %scan3A_66) -> (i32)  : i32 {
      %jit3A = arith.constant 2 : i32
      %div3A = arith.divsi %scan3A_137, %jit3A : i32
      %sign3A = arith.constant 0 : i32
      %sign3A_139 = arith.cmpi sgt, %scan3A_137, %sign3A : i32
      %sign3A_140 = arith.extui %sign3A_139 : i1 to i32
      %sign3A_141 = arith.constant 0 : i32
      %sign3A_142 = arith.cmpi slt, %scan3A_137, %sign3A_141 : i32
      %sign3A_143 = arith.extui %sign3A_142 : i1 to i32
      %sign3A_144 = arith.subi %sign3A_140, %sign3A_143 : i32
      %sign3A_145 = arith.constant 0 : i32
      %sign3A_146 = arith.cmpi sgt, %jit3A, %sign3A_145 : i32
      %sign3A_147 = arith.extui %sign3A_146 : i1 to i32
      %sign3A_148 = arith.constant 0 : i32
      %sign3A_149 = arith.cmpi slt, %jit3A, %sign3A_148 : i32
      %sign3A_150 = arith.extui %sign3A_149 : i1 to i32
      %sign3A_151 = arith.subi %sign3A_147, %sign3A_150 : i32
      %ne3A = arith.cmpi ne, %sign3A_144, %sign3A_151 : i32
      %rem3A = arith.remsi %scan3A_137, %jit3A : i32
      %ne3A_152 = arith.constant 0 : i32
      %ne3A_153 = arith.cmpi ne, %rem3A, %ne3A_152 : i32
      %and3A = arith.andi %ne3A, %ne3A_153 : i1
      %sub3A = arith.constant 1 : i32
      %sub3A_154 = arith.subi %div3A, %sub3A : i32
      %select_n3A = arith.select %and3A, %sub3A_154, %div3A : i32
      %jit3A_155 = arith.constant 2 : i32
      %eq3A = arith.constant 0 : i32
      %eq3A_156 = arith.cmpi eq, %jit3A_155, %eq3A : i32
      %jit3A_157 = arith.constant 1 : i32
      %select_n3A_158 = arith.select %eq3A_156, %jit3A_157, %jit3A_155 : i32
      %rem3A_159 = arith.remsi %scan3A_137, %select_n3A_158 : i32
      %ne3A_160 = arith.constant 0 : i32
      %ne3A_161 = arith.cmpi ne, %rem3A_159, %ne3A_160 : i32
      %lt3A = arith.constant 0 : i32
      %lt3A_162 = arith.cmpi slt, %rem3A_159, %lt3A : i32
      %lt3A_163 = arith.constant 0 : i32
      %lt3A_164 = arith.cmpi slt, %select_n3A_158, %lt3A_163 : i32
      %ne3A_165 = arith.xori %lt3A_162, %lt3A_164 : i1
      %and3A_166 = arith.andi %ne3A_165, %ne3A_161 : i1
      %add3A_167 = arith.addi %rem3A_159, %select_n3A_158 : i32
      %select_n3A_168 = arith.select %and3A_166, %add3A_167, %rem3A_159 : i32
      %mul3A_169 = arith.constant 16 : i32
      %mul3A_170 = arith.muli %select_n3A_168, %mul3A_169 : i32
      %swap3A = arith.index_cast %select_n3A : i32 to index
      %swap3A_171 = arith.index_cast %mul3A_170 : i32 to index
      %swap3A_172 = tpu.vector_load %arg21[%swap3A, %swap3A_171] {strides = array<i32>} : memref<632x32xf32, #tpu.memory_space<vmem>>, vector<1x16xf32>,
      %swap3A_173 = vector.shape_cast %swap3A_172 : vector<1x16xf32> to vector<16xf32>
      %swap3A_174 = vector.shape_cast %broadcast_in_dim3A_0 : vector<16xf32> to vector<1x16xf32>
      tpu.vector_store %arg21[%swap3A, %swap3A_171], %swap3A_174 {strides = array<i32>} : memref<632x32xf32, #tpu.memory_space<vmem>>, vector<1x16xf32>,
      %scan3A_175 = arith.constant 0 : i32
      scf.yield %scan3A_175 : i32
    }
    %scan3A_72 = arith.constant 1264 : i32
    %mul3A_73 = arith.constant 632 : i32
    %mul3A_74 = arith.muli %arg1, %mul3A_73 : i32
    "tpu.region"() ({
      %run_scoped3A_137 = tpu.sem_alloc : memref<!tpu.dma_semaphore, #tpu.memory_space<semaphore_mem>>
      %dma_start3A_138 = arith.constant 0 : i32
      %dma_start3A_139 = tpu.memref_slice %arg22[%mul3A_74, %dma_start3A_138] : memref<10112x32xf32, #tpu.memory_space<vmem_shared>> -> memref<632x32xf32, #tpu.memory_space<vmem_shared>>
      %dma_start3A_140 = arith.constant 0 : i32
      %dma_start3A_141 = tpu.memref_slice %arg22[%mul3A_74, %dma_start3A_140] : memref<10112x32xf32, #tpu.memory_space<vmem_shared>> -> memref<632x32xf32, #tpu.memory_space<vmem_shared>>
      tpu.enqueue_dma source(%arg21 : memref<632x32xf32, #tpu.memory_space<vmem>>) target(%dma_start3A_141 : memref<632x32xf32, #tpu.memory_space<vmem_shared>>) target_semaphore(%run_scoped3A_137 : memref<!tpu.dma_semaphore, #tpu.memory_space<semaphore_mem>>)
      %dma_wait3A = arith.constant 0 : i32
      %dma_wait3A_142 = tpu.memref_slice %arg22[%mul3A_74, %dma_wait3A] : memref<10112x32xf32, #tpu.memory_space<vmem_shared>> -> memref<632x32xf32, #tpu.memory_space<vmem_shared>>
      %dma_wait3A_143 = arith.constant 0 : i32
      %dma_wait3A_144 = tpu.memref_slice %arg22[%mul3A_74, %dma_wait3A_143] : memref<10112x32xf32, #tpu.memory_space<vmem_shared>> -> memref<632x32xf32, #tpu.memory_space<vmem_shared>>
      tpu.wait_dma2 semaphore(%run_scoped3A_137 : memref<!tpu.dma_semaphore, #tpu.memory_space<semaphore_mem>>) src(%arg21 : memref<632x32xf32, #tpu.memory_space<vmem>>) dst(%dma_wait3A_144 : memref<632x32xf32, #tpu.memory_space<vmem_shared>>)
      tpu.yield
    }) : () -> ()
    %barrier3A_75 = arith.constant 0 : index
    tpu.barrier barrier_id(%barrier3A_75)
    %mul3A_76 = arith.constant 163840 : i32
    %mul3A_77 = arith.muli %arg0, %mul3A_76 : i32
    %mul3A_78 = arith.constant 10240 : i32
    %mul3A_79 = arith.muli %arg1, %mul3A_78 : i32
    %add3A_80 = arith.addi %mul3A_77, %mul3A_79 : i32
    %add3A_81 = arith.constant 0 : i32
    %add3A_82 = arith.addi %add3A_80, %add3A_81 : i32
    %run_scoped3A_83 = arith.constant 0 : i32
    "tpu.region"() ({
      %run_scoped3A_137 = tpu.sem_alloc : memref<!tpu.dma_semaphore, #tpu.memory_space<semaphore_mem>>
      %dma_start3A_138 = arith.constant 0 : i32
      %dma_start3A_139 = tpu.memref_slice %arg13[%run_scoped3A_83, %dma_start3A_138] : memref<2x128xi32, #tpu.memory_space<vmem>> -> memref<1x128xi32, #tpu.memory_space<vmem>>
      %dma_start3A_140 = tpu.memref_squeeze %dma_start3A_139 : memref<1x128xi32, #tpu.memory_space<vmem>> -> memref<128xi32, #tpu.memory_space<vmem>>
      %dma_start3A_141 = tpu.memref_slice %arg8[%add3A_82] : memref<327680xi32, #tpu.memory_space<hbm>> -> memref<128xi32, #tpu.memory_space<hbm>>
      %dma_start3A_142 = arith.constant 0 : i32
      %dma_start3A_143 = tpu.memref_slice %arg13[%run_scoped3A_83, %dma_start3A_142] : memref<2x128xi32, #tpu.memory_space<vmem>> -> memref<1x128xi32, #tpu.memory_space<vmem>>
      %dma_start3A_144 = tpu.memref_squeeze %dma_start3A_143 : memref<1x128xi32, #tpu.memory_space<vmem>> -> memref<128xi32, #tpu.memory_space<vmem>>
      %dma_start3A_145 = tpu.memref_slice %arg8[%add3A_82] : memref<327680xi32, #tpu.memory_space<hbm>> -> memref<128xi32, #tpu.memory_space<hbm>>
      tpu.enqueue_dma source(%dma_start3A_145 : memref<128xi32, #tpu.memory_space<hbm>>) target(%dma_start3A_144 : memref<128xi32, #tpu.memory_space<vmem>>) target_semaphore(%run_scoped3A_137 : memref<!tpu.dma_semaphore, #tpu.memory_space<semaphore_mem>>)
      %dma_wait3A = arith.constant 0 : i32
      %dma_wait3A_146 = tpu.memref_slice %arg13[%run_scoped3A_83, %dma_wait3A] : memref<2x128xi32, #tpu.memory_space<vmem>> -> memref<1x128xi32, #tpu.memory_space<vmem>>
      %dma_wait3A_147 = tpu.memref_squeeze %dma_wait3A_146 : memref<1x128xi32, #tpu.memory_space<vmem>> -> memref<128xi32, #tpu.memory_space<vmem>>
      %dma_wait3A_148 = tpu.memref_slice %arg8[%add3A_82] : memref<327680xi32, #tpu.memory_space<hbm>> -> memref<128xi32, #tpu.memory_space<hbm>>
      %dma_wait3A_149 = arith.constant 0 : i32
      %dma_wait3A_150 = tpu.memref_slice %arg13[%run_scoped3A_83, %dma_wait3A_149] : memref<2x128xi32, #tpu.memory_space<vmem>> -> memref<1x128xi32, #tpu.memory_space<vmem>>
      %dma_wait3A_151 = tpu.memref_squeeze %dma_wait3A_150 : memref<1x128xi32, #tpu.memory_space<vmem>> -> memref<128xi32, #tpu.memory_space<vmem>>
      %dma_wait3A_152 = tpu.memref_slice %arg8[%add3A_82] : memref<327680xi32, #tpu.memory_space<hbm>> -> memref<128xi32, #tpu.memory_space<hbm>>
      tpu.wait_dma2 semaphore(%run_scoped3A_137 : memref<!tpu.dma_semaphore, #tpu.memory_space<semaphore_mem>>) src(%dma_wait3A_152 : memref<128xi32, #tpu.memory_space<hbm>>) dst(%dma_wait3A_151 : memref<128xi32, #tpu.memory_space<vmem>>)
      tpu.yield
    }) : () -> ()
    %run_scoped3A_84 = arith.constant 0 : i32
    "tpu.region"() ({
      %run_scoped3A_137 = tpu.sem_alloc : memref<!tpu.dma_semaphore, #tpu.memory_space<semaphore_mem>>
      %dma_start3A_138 = arith.constant 0 : i32
      %dma_start3A_139 = tpu.memref_slice %arg14[%run_scoped3A_84, %dma_start3A_138] : memref<2x128xi32, #tpu.memory_space<vmem>> -> memref<1x128xi32, #tpu.memory_space<vmem>>
      %dma_start3A_140 = tpu.memref_squeeze %dma_start3A_139 : memref<1x128xi32, #tpu.memory_space<vmem>> -> memref<128xi32, #tpu.memory_space<vmem>>
      %dma_start3A_141 = tpu.memref_slice %arg9[%add3A_82] : memref<327680xi32, #tpu.memory_space<hbm>> -> memref<128xi32, #tpu.memory_space<hbm>>
      %dma_start3A_142 = arith.constant 0 : i32
      %dma_start3A_143 = tpu.memref_slice %arg14[%run_scoped3A_84, %dma_start3A_142] : memref<2x128xi32, #tpu.memory_space<vmem>> -> memref<1x128xi32, #tpu.memory_space<vmem>>
      %dma_start3A_144 = tpu.memref_squeeze %dma_start3A_143 : memref<1x128xi32, #tpu.memory_space<vmem>> -> memref<128xi32, #tpu.memory_space<vmem>>
      %dma_start3A_145 = tpu.memref_slice %arg9[%add3A_82] : memref<327680xi32, #tpu.memory_space<hbm>> -> memref<128xi32, #tpu.memory_space<hbm>>
      tpu.enqueue_dma source(%dma_start3A_145 : memref<128xi32, #tpu.memory_space<hbm>>) target(%dma_start3A_144 : memref<128xi32, #tpu.memory_space<vmem>>) target_semaphore(%run_scoped3A_137 : memref<!tpu.dma_semaphore, #tpu.memory_space<semaphore_mem>>)
      %dma_wait3A = arith.constant 0 : i32
      %dma_wait3A_146 = tpu.memref_slice %arg14[%run_scoped3A_84, %dma_wait3A] : memref<2x128xi32, #tpu.memory_space<vmem>> -> memref<1x128xi32, #tpu.memory_space<vmem>>
      %dma_wait3A_147 = tpu.memref_squeeze %dma_wait3A_146 : memref<1x128xi32, #tpu.memory_space<vmem>> -> memref<128xi32, #tpu.memory_space<vmem>>
      %dma_wait3A_148 = tpu.memref_slice %arg9[%add3A_82] : memref<327680xi32, #tpu.memory_space<hbm>> -> memref<128xi32, #tpu.memory_space<hbm>>
      %dma_wait3A_149 = arith.constant 0 : i32
      %dma_wait3A_150 = tpu.memref_slice %arg14[%run_scoped3A_84, %dma_wait3A_149] : memref<2x128xi32, #tpu.memory_space<vmem>> -> memref<1x128xi32, #tpu.memory_space<vmem>>
      %dma_wait3A_151 = tpu.memref_squeeze %dma_wait3A_150 : memref<1x128xi32, #tpu.memory_space<vmem>> -> memref<128xi32, #tpu.memory_space<vmem>>
      %dma_wait3A_152 = tpu.memref_slice %arg9[%add3A_82] : memref<327680xi32, #tpu.memory_space<hbm>> -> memref<128xi32, #tpu.memory_space<hbm>>
      tpu.wait_dma2 semaphore(%run_scoped3A_137 : memref<!tpu.dma_semaphore, #tpu.memory_space<semaphore_mem>>) src(%dma_wait3A_152 : memref<128xi32, #tpu.memory_space<hbm>>) dst(%dma_wait3A_151 : memref<128xi32, #tpu.memory_space<vmem>>)
      tpu.yield
    }) : () -> ()
    %run_scoped3A_85 = arith.constant 0 : i32
    "tpu.region"() ({
      %run_scoped3A_137 = tpu.sem_alloc : memref<!tpu.dma_semaphore, #tpu.memory_space<semaphore_mem>>
      %dma_start3A_138 = arith.constant 0 : i32
      %dma_start3A_139 = tpu.memref_slice %arg15[%run_scoped3A_85, %dma_start3A_138] : memref<2x128xi32, #tpu.memory_space<vmem>> -> memref<1x128xi32, #tpu.memory_space<vmem>>
      %dma_start3A_140 = tpu.memref_squeeze %dma_start3A_139 : memref<1x128xi32, #tpu.memory_space<vmem>> -> memref<128xi32, #tpu.memory_space<vmem>>
      %dma_start3A_141 = tpu.memref_slice %arg10[%add3A_82] : memref<327680xi32, #tpu.memory_space<hbm>> -> memref<128xi32, #tpu.memory_space<hbm>>
      %dma_start3A_142 = arith.constant 0 : i32
      %dma_start3A_143 = tpu.memref_slice %arg15[%run_scoped3A_85, %dma_start3A_142] : memref<2x128xi32, #tpu.memory_space<vmem>> -> memref<1x128xi32, #tpu.memory_space<vmem>>
      %dma_start3A_144 = tpu.memref_squeeze %dma_start3A_143 : memref<1x128xi32, #tpu.memory_space<vmem>> -> memref<128xi32, #tpu.memory_space<vmem>>
      %dma_start3A_145 = tpu.memref_slice %arg10[%add3A_82] : memref<327680xi32, #tpu.memory_space<hbm>> -> memref<128xi32, #tpu.memory_space<hbm>>
      tpu.enqueue_dma source(%dma_start3A_145 : memref<128xi32, #tpu.memory_space<hbm>>) target(%dma_start3A_144 : memref<128xi32, #tpu.memory_space<vmem>>) target_semaphore(%run_scoped3A_137 : memref<!tpu.dma_semaphore, #tpu.memory_space<semaphore_mem>>)
      %dma_wait3A = arith.constant 0 : i32
      %dma_wait3A_146 = tpu.memref_slice %arg15[%run_scoped3A_85, %dma_wait3A] : memref<2x128xi32, #tpu.memory_space<vmem>> -> memref<1x128xi32, #tpu.memory_space<vmem>>
      %dma_wait3A_147 = tpu.memref_squeeze %dma_wait3A_146 : memref<1x128xi32, #tpu.memory_space<vmem>> -> memref<128xi32, #tpu.memory_space<vmem>>
      %dma_wait3A_148 = tpu.memref_slice %arg10[%add3A_82] : memref<327680xi32, #tpu.memory_space<hbm>> -> memref<128xi32, #tpu.memory_space<hbm>>
      %dma_wait3A_149 = arith.constant 0 : i32
      %dma_wait3A_150 = tpu.memref_slice %arg15[%run_scoped3A_85, %dma_wait3A_149] : memref<2x128xi32, #tpu.memory_space<vmem>> -> memref<1x128xi32, #tpu.memory_space<vmem>>
      %dma_wait3A_151 = tpu.memref_squeeze %dma_wait3A_150 : memref<1x128xi32, #tpu.memory_space<vmem>> -> memref<128xi32, #tpu.memory_space<vmem>>
      %dma_wait3A_152 = tpu.memref_slice %arg10[%add3A_82] : memref<327680xi32, #tpu.memory_space<hbm>> -> memref<128xi32, #tpu.memory_space<hbm>>
      tpu.wait_dma2 semaphore(%run_scoped3A_137 : memref<!tpu.dma_semaphore, #tpu.memory_space<semaphore_mem>>) src(%dma_wait3A_152 : memref<128xi32, #tpu.memory_space<hbm>>) dst(%dma_wait3A_151 : memref<128xi32, #tpu.memory_space<vmem>>)
      tpu.yield
    }) : () -> ()
    %run_scoped3A_86 = arith.constant 0 : i32
    "tpu.region"() ({
      %run_scoped3A_137 = tpu.sem_alloc : memref<!tpu.dma_semaphore, #tpu.memory_space<semaphore_mem>>
      %dma_start3A_138 = arith.constant 0 : i32
      %dma_start3A_139 = tpu.memref_slice %arg16[%run_scoped3A_86, %dma_start3A_138] : memref<2x128xi32, #tpu.memory_space<vmem>> -> memref<1x128xi32, #tpu.memory_space<vmem>>
      %dma_start3A_140 = tpu.memref_squeeze %dma_start3A_139 : memref<1x128xi32, #tpu.memory_space<vmem>> -> memref<128xi32, #tpu.memory_space<vmem>>
      %dma_start3A_141 = tpu.memref_slice %arg11[%add3A_82] : memref<327680xi32, #tpu.memory_space<hbm>> -> memref<128xi32, #tpu.memory_space<hbm>>
      %dma_start3A_142 = arith.constant 0 : i32
      %dma_start3A_143 = tpu.memref_slice %arg16[%run_scoped3A_86, %dma_start3A_142] : memref<2x128xi32, #tpu.memory_space<vmem>> -> memref<1x128xi32, #tpu.memory_space<vmem>>
      %dma_start3A_144 = tpu.memref_squeeze %dma_start3A_143 : memref<1x128xi32, #tpu.memory_space<vmem>> -> memref<128xi32, #tpu.memory_space<vmem>>
      %dma_start3A_145 = tpu.memref_slice %arg11[%add3A_82] : memref<327680xi32, #tpu.memory_space<hbm>> -> memref<128xi32, #tpu.memory_space<hbm>>
      tpu.enqueue_dma source(%dma_start3A_145 : memref<128xi32, #tpu.memory_space<hbm>>) target(%dma_start3A_144 : memref<128xi32, #tpu.memory_space<vmem>>) target_semaphore(%run_scoped3A_137 : memref<!tpu.dma_semaphore, #tpu.memory_space<semaphore_mem>>)
      %dma_wait3A = arith.constant 0 : i32
      %dma_wait3A_146 = tpu.memref_slice %arg16[%run_scoped3A_86, %dma_wait3A] : memref<2x128xi32, #tpu.memory_space<vmem>> -> memref<1x128xi32, #tpu.memory_space<vmem>>
      %dma_wait3A_147 = tpu.memref_squeeze %dma_wait3A_146 : memref<1x128xi32, #tpu.memory_space<vmem>> -> memref<128xi32, #tpu.memory_space<vmem>>
      %dma_wait3A_148 = tpu.memref_slice %arg11[%add3A_82] : memref<327680xi32, #tpu.memory_space<hbm>> -> memref<128xi32, #tpu.memory_space<hbm>>
      %dma_wait3A_149 = arith.constant 0 : i32
      %dma_wait3A_150 = tpu.memref_slice %arg16[%run_scoped3A_86, %dma_wait3A_149] : memref<2x128xi32, #tpu.memory_space<vmem>> -> memref<1x128xi32, #tpu.memory_space<vmem>>
      %dma_wait3A_151 = tpu.memref_squeeze %dma_wait3A_150 : memref<1x128xi32, #tpu.memory_space<vmem>> -> memref<128xi32, #tpu.memory_space<vmem>>
      %dma_wait3A_152 = tpu.memref_slice %arg11[%add3A_82] : memref<327680xi32, #tpu.memory_space<hbm>> -> memref<128xi32, #tpu.memory_space<hbm>>
      tpu.wait_dma2 semaphore(%run_scoped3A_137 : memref<!tpu.dma_semaphore, #tpu.memory_space<semaphore_mem>>) src(%dma_wait3A_152 : memref<128xi32, #tpu.memory_space<hbm>>) dst(%dma_wait3A_151 : memref<128xi32, #tpu.memory_space<vmem>>)
      tpu.yield
    }) : () -> ()
    %dma_start3A_87 = arith.constant 0 : i32
    %dma_start3A_88 = arith.constant 0 : i32
    %dma_start3A_89 = arith.constant 0 : i32
    %dma_start3A_90 = arith.constant 0 : i32
    %dma_start3A_91 = tpu.memref_slice %arg17[%dma_start3A_88, %dma_start3A_89, %dma_start3A_90] : memref<2x128x64xf32, #tpu.memory_space<vmem>> -> memref<1x128x64xf32, #tpu.memory_space<vmem>>
    %dma_start3A_92 = tpu.memref_squeeze %dma_start3A_91 : memref<1x128x64xf32, #tpu.memory_space<vmem>> -> memref<128x64xf32, #tpu.memory_space<vmem>>
    %dma_start3A_93 = arith.constant 0 : i32
    %dma_start3A_94 = tpu.memref_slice %arg13[%dma_start3A_87, %dma_start3A_93] : memref<2x128xi32, #tpu.memory_space<vmem>> -> memref<1x128xi32, #tpu.memory_space<vmem>>
    %dma_start3A_95 = tpu.memref_squeeze %dma_start3A_94 : memref<1x128xi32, #tpu.memory_space<vmem>> -> memref<128xi32, #tpu.memory_space<vmem>>
    %dma_start3A_96 = arith.constant 0 : i32
    %dma_start3A_97 = arith.constant 0 : i32
    %dma_start3A_98 = tpu.memref_slice %arg5[%dma_start3A_96, %dma_start3A_97] : memref<20000x64xf32, #tpu.memory_space<hbm>> -> memref<20000x64xf32, #tpu.memory_space<hbm>>
    tpu.enqueue_indirect_dma source(%dma_start3A_98 : memref<20000x64xf32, #tpu.memory_space<hbm>>) target(%dma_start3A_92 : memref<128x64xf32, #tpu.memory_space<vmem>>) offsets(%dma_start3A_95 : memref<128xi32, #tpu.memory_space<vmem>>) semaphore(%arg23 : memref<!tpu.dma_semaphore, #tpu.memory_space<semaphore_mem>>)
    %dma_start3A_99 = arith.constant 0 : i32
    %dma_start3A_100 = arith.constant 0 : i32
    %dma_start3A_101 = arith.constant 0 : i32
    %dma_start3A_102 = arith.constant 0 : i32
    %dma_start3A_103 = tpu.memref_slice %arg18[%dma_start3A_100, %dma_start3A_101, %dma_start3A_102] : memref<2x128x64xf32, #tpu.memory_space<vmem>> -> memref<1x128x64xf32, #tpu.memory_space<vmem>>
    %dma_start3A_104 = tpu.memref_squeeze %dma_start3A_103 : memref<1x128x64xf32, #tpu.memory_space<vmem>> -> memref<128x64xf32, #tpu.memory_space<vmem>>
    %dma_start3A_105 = arith.constant 0 : i32
    %dma_start3A_106 = tpu.memref_slice %arg14[%dma_start3A_99, %dma_start3A_105] : memref<2x128xi32, #tpu.memory_space<vmem>> -> memref<1x128xi32, #tpu.memory_space<vmem>>
    %dma_start3A_107 = tpu.memref_squeeze %dma_start3A_106 : memref<1x128xi32, #tpu.memory_space<vmem>> -> memref<128xi32, #tpu.memory_space<vmem>>
    %dma_start3A_108 = arith.constant 0 : i32
    %dma_start3A_109 = arith.constant 0 : i32
    %dma_start3A_110 = tpu.memref_slice %arg6[%dma_start3A_108, %dma_start3A_109] : memref<20000x64xf32, #tpu.memory_space<hbm>> -> memref<20000x64xf32, #tpu.memory_space<hbm>>
    tpu.enqueue_indirect_dma source(%dma_start3A_110 : memref<20000x64xf32, #tpu.memory_space<hbm>>) target(%dma_start3A_104 : memref<128x64xf32, #tpu.memory_space<vmem>>) offsets(%dma_start3A_107 : memref<128xi32, #tpu.memory_space<vmem>>) semaphore(%arg23 : memref<!tpu.dma_semaphore, #tpu.memory_space<semaphore_mem>>)
    %dma_start3A_111 = arith.constant 0 : i32
    %dma_start3A_112 = arith.constant 0 : i32
    %dma_start3A_113 = arith.constant 0 : i32
    %dma_start3A_114 = arith.constant 0 : i32
    %dma_start3A_115 = tpu.memref_slice %arg19[%dma_start3A_112, %dma_start3A_113, %dma_start3A_114] : memref<2x128x64xf32, #tpu.memory_space<vmem>> -> memref<1x128x64xf32, #tpu.memory_space<vmem>>
    %dma_start3A_116 = tpu.memref_squeeze %dma_start3A_115 : memref<1x128x64xf32, #tpu.memory_space<vmem>> -> memref<128x64xf32, #tpu.memory_space<vmem>>
    %dma_start3A_117 = arith.constant 0 : i32
    %dma_start3A_118 = tpu.memref_slice %arg16[%dma_start3A_111, %dma_start3A_117] : memref<2x128xi32, #tpu.memory_space<vmem>> -> memref<1x128xi32, #tpu.memory_space<vmem>>
    %dma_start3A_119 = tpu.memref_squeeze %dma_start3A_118 : memref<1x128xi32, #tpu.memory_space<vmem>> -> memref<128xi32, #tpu.memory_space<vmem>>
    %dma_start3A_120 = arith.constant 0 : i32
    %dma_start3A_121 = arith.constant 0 : i32
    %dma_start3A_122 = tpu.memref_slice %arg7[%dma_start3A_120, %dma_start3A_121] : memref<983040x64xf32, #tpu.memory_space<hbm>> -> memref<983040x64xf32, #tpu.memory_space<hbm>>
    tpu.enqueue_indirect_dma source(%dma_start3A_122 : memref<983040x64xf32, #tpu.memory_space<hbm>>) target(%dma_start3A_116 : memref<128x64xf32, #tpu.memory_space<vmem>>) offsets(%dma_start3A_119 : memref<128xi32, #tpu.memory_space<vmem>>) semaphore(%arg23 : memref<!tpu.dma_semaphore, #tpu.memory_space<semaphore_mem>>)
    %scan3A_123 = arith.constant 0 : i32
    %scan3A_124 = arith.constant 0 : i32
    %scan3A_125 = arith.constant 40 : i32
    %scan3A_126 = arith.addi %scan3A_124, %scan3A_125 : i32
    %scan3A_127 = arith.constant 1 : i32
    %scan3A_128 = scf.for %scan3A_137 = %scan3A_124 to %scan3A_126 step %scan3A_127 iter_args(%scan3A_138 = %scan3A_123) -> (i32)  : i32 {
      %mul3A_139 = arith.constant 2 : i32
      %mul3A_140 = arith.muli %mul3A_139, %scan3A_137 : i32
      %add3A_141 = arith.constant 1 : i32
      %add3A_142 = arith.addi %mul3A_140, %add3A_141 : i32
      %mul3A_143 = arith.constant 163840 : i32
      %mul3A_144 = arith.muli %arg0, %mul3A_143 : i32
      %mul3A_145 = arith.constant 10240 : i32
      %mul3A_146 = arith.muli %arg1, %mul3A_145 : i32
      %add3A_147 = arith.addi %mul3A_144, %mul3A_146 : i32
      %mul3A_148 = arith.constant 128 : i32
      %mul3A_149 = arith.muli %add3A_142, %mul3A_148 : i32
      %add3A_150 = arith.addi %add3A_147, %mul3A_149 : i32
      %run_scoped3A_151 = arith.constant 1 : i32
      "tpu.region"() ({
        %run_scoped3A_281 = tpu.sem_alloc : memref<!tpu.dma_semaphore, #tpu.memory_space<semaphore_mem>>
        %dma_start3A_282 = arith.constant 0 : i32
        %dma_start3A_283 = tpu.memref_slice %arg13[%run_scoped3A_151, %dma_start3A_282] : memref<2x128xi32, #tpu.memory_space<vmem>> -> memref<1x128xi32, #tpu.memory_space<vmem>>
        %dma_start3A_284 = tpu.memref_squeeze %dma_start3A_283 : memref<1x128xi32, #tpu.memory_space<vmem>> -> memref<128xi32, #tpu.memory_space<vmem>>
        %dma_start3A_285 = tpu.memref_slice %arg8[%add3A_150] : memref<327680xi32, #tpu.memory_space<hbm>> -> memref<128xi32, #tpu.memory_space<hbm>>
        %dma_start3A_286 = arith.constant 0 : i32
        %dma_start3A_287 = tpu.memref_slice %arg13[%run_scoped3A_151, %dma_start3A_286] : memref<2x128xi32, #tpu.memory_space<vmem>> -> memref<1x128xi32, #tpu.memory_space<vmem>>
        %dma_start3A_288 = tpu.memref_squeeze %dma_start3A_287 : memref<1x128xi32, #tpu.memory_space<vmem>> -> memref<128xi32, #tpu.memory_space<vmem>>
        %dma_start3A_289 = tpu.memref_slice %arg8[%add3A_150] : memref<327680xi32, #tpu.memory_space<hbm>> -> memref<128xi32, #tpu.memory_space<hbm>>
        tpu.enqueue_dma source(%dma_start3A_289 : memref<128xi32, #tpu.memory_space<hbm>>) target(%dma_start3A_288 : memref<128xi32, #tpu.memory_space<vmem>>) target_semaphore(%run_scoped3A_281 : memref<!tpu.dma_semaphore, #tpu.memory_space<semaphore_mem>>)
        %dma_wait3A_290 = arith.constant 0 : i32
        %dma_wait3A_291 = tpu.memref_slice %arg13[%run_scoped3A_151, %dma_wait3A_290] : memref<2x128xi32, #tpu.memory_space<vmem>> -> memref<1x128xi32, #tpu.memory_space<vmem>>
        %dma_wait3A_292 = tpu.memref_squeeze %dma_wait3A_291 : memref<1x128xi32, #tpu.memory_space<vmem>> -> memref<128xi32, #tpu.memory_space<vmem>>
        %dma_wait3A_293 = tpu.memref_slice %arg8[%add3A_150] : memref<327680xi32, #tpu.memory_space<hbm>> -> memref<128xi32, #tpu.memory_space<hbm>>
        %dma_wait3A_294 = arith.constant 0 : i32
        %dma_wait3A_295 = tpu.memref_slice %arg13[%run_scoped3A_151, %dma_wait3A_294] : memref<2x128xi32, #tpu.memory_space<vmem>> -> memref<1x128xi32, #tpu.memory_space<vmem>>
        %dma_wait3A_296 = tpu.memref_squeeze %dma_wait3A_295 : memref<1x128xi32, #tpu.memory_space<vmem>> -> memref<128xi32, #tpu.memory_space<vmem>>
        %dma_wait3A_297 = tpu.memref_slice %arg8[%add3A_150] : memref<327680xi32, #tpu.memory_space<hbm>> -> memref<128xi32, #tpu.memory_space<hbm>>
        tpu.wait_dma2 semaphore(%run_scoped3A_281 : memref<!tpu.dma_semaphore, #tpu.memory_space<semaphore_mem>>) src(%dma_wait3A_297 : memref<128xi32, #tpu.memory_space<hbm>>) dst(%dma_wait3A_296 : memref<128xi32, #tpu.memory_space<vmem>>)
        tpu.yield
      }) : () -> ()
      %run_scoped3A_152 = arith.constant 1 : i32
      "tpu.region"() ({
        %run_scoped3A_281 = tpu.sem_alloc : memref<!tpu.dma_semaphore, #tpu.memory_space<semaphore_mem>>
        %dma_start3A_282 = arith.constant 0 : i32
        %dma_start3A_283 = tpu.memref_slice %arg14[%run_scoped3A_152, %dma_start3A_282] : memref<2x128xi32, #tpu.memory_space<vmem>> -> memref<1x128xi32, #tpu.memory_space<vmem>>
        %dma_start3A_284 = tpu.memref_squeeze %dma_start3A_283 : memref<1x128xi32, #tpu.memory_space<vmem>> -> memref<128xi32, #tpu.memory_space<vmem>>
        %dma_start3A_285 = tpu.memref_slice %arg9[%add3A_150] : memref<327680xi32, #tpu.memory_space<hbm>> -> memref<128xi32, #tpu.memory_space<hbm>>
        %dma_start3A_286 = arith.constant 0 : i32
        %dma_start3A_287 = tpu.memref_slice %arg14[%run_scoped3A_152, %dma_start3A_286] : memref<2x128xi32, #tpu.memory_space<vmem>> -> memref<1x128xi32, #tpu.memory_space<vmem>>
        %dma_start3A_288 = tpu.memref_squeeze %dma_start3A_287 : memref<1x128xi32, #tpu.memory_space<vmem>> -> memref<128xi32, #tpu.memory_space<vmem>>
        %dma_start3A_289 = tpu.memref_slice %arg9[%add3A_150] : memref<327680xi32, #tpu.memory_space<hbm>> -> memref<128xi32, #tpu.memory_space<hbm>>
        tpu.enqueue_dma source(%dma_start3A_289 : memref<128xi32, #tpu.memory_space<hbm>>) target(%dma_start3A_288 : memref<128xi32, #tpu.memory_space<vmem>>) target_semaphore(%run_scoped3A_281 : memref<!tpu.dma_semaphore, #tpu.memory_space<semaphore_mem>>)
        %dma_wait3A_290 = arith.constant 0 : i32
        %dma_wait3A_291 = tpu.memref_slice %arg14[%run_scoped3A_152, %dma_wait3A_290] : memref<2x128xi32, #tpu.memory_space<vmem>> -> memref<1x128xi32, #tpu.memory_space<vmem>>
        %dma_wait3A_292 = tpu.memref_squeeze %dma_wait3A_291 : memref<1x128xi32, #tpu.memory_space<vmem>> -> memref<128xi32, #tpu.memory_space<vmem>>
        %dma_wait3A_293 = tpu.memref_slice %arg9[%add3A_150] : memref<327680xi32, #tpu.memory_space<hbm>> -> memref<128xi32, #tpu.memory_space<hbm>>
        %dma_wait3A_294 = arith.constant 0 : i32
        %dma_wait3A_295 = tpu.memref_slice %arg14[%run_scoped3A_152, %dma_wait3A_294] : memref<2x128xi32, #tpu.memory_space<vmem>> -> memref<1x128xi32, #tpu.memory_space<vmem>>
        %dma_wait3A_296 = tpu.memref_squeeze %dma_wait3A_295 : memref<1x128xi32, #tpu.memory_space<vmem>> -> memref<128xi32, #tpu.memory_space<vmem>>
        %dma_wait3A_297 = tpu.memref_slice %arg9[%add3A_150] : memref<327680xi32, #tpu.memory_space<hbm>> -> memref<128xi32, #tpu.memory_space<hbm>>
        tpu.wait_dma2 semaphore(%run_scoped3A_281 : memref<!tpu.dma_semaphore, #tpu.memory_space<semaphore_mem>>) src(%dma_wait3A_297 : memref<128xi32, #tpu.memory_space<hbm>>) dst(%dma_wait3A_296 : memref<128xi32, #tpu.memory_space<vmem>>)
        tpu.yield
      }) : () -> ()
      %run_scoped3A_153 = arith.constant 1 : i32
      "tpu.region"() ({
        %run_scoped3A_281 = tpu.sem_alloc : memref<!tpu.dma_semaphore, #tpu.memory_space<semaphore_mem>>
        %dma_start3A_282 = arith.constant 0 : i32
        %dma_start3A_283 = tpu.memref_slice %arg15[%run_scoped3A_153, %dma_start3A_282] : memref<2x128xi32, #tpu.memory_space<vmem>> -> memref<1x128xi32, #tpu.memory_space<vmem>>
        %dma_start3A_284 = tpu.memref_squeeze %dma_start3A_283 : memref<1x128xi32, #tpu.memory_space<vmem>> -> memref<128xi32, #tpu.memory_space<vmem>>
        %dma_start3A_285 = tpu.memref_slice %arg10[%add3A_150] : memref<327680xi32, #tpu.memory_space<hbm>> -> memref<128xi32, #tpu.memory_space<hbm>>
        %dma_start3A_286 = arith.constant 0 : i32
        %dma_start3A_287 = tpu.memref_slice %arg15[%run_scoped3A_153, %dma_start3A_286] : memref<2x128xi32, #tpu.memory_space<vmem>> -> memref<1x128xi32, #tpu.memory_space<vmem>>
        %dma_start3A_288 = tpu.memref_squeeze %dma_start3A_287 : memref<1x128xi32, #tpu.memory_space<vmem>> -> memref<128xi32, #tpu.memory_space<vmem>>
        %dma_start3A_289 = tpu.memref_slice %arg10[%add3A_150] : memref<327680xi32, #tpu.memory_space<hbm>> -> memref<128xi32, #tpu.memory_space<hbm>>
        tpu.enqueue_dma source(%dma_start3A_289 : memref<128xi32, #tpu.memory_space<hbm>>) target(%dma_start3A_288 : memref<128xi32, #tpu.memory_space<vmem>>) target_semaphore(%run_scoped3A_281 : memref<!tpu.dma_semaphore, #tpu.memory_space<semaphore_mem>>)
        %dma_wait3A_290 = arith.constant 0 : i32
        %dma_wait3A_291 = tpu.memref_slice %arg15[%run_scoped3A_153, %dma_wait3A_290] : memref<2x128xi32, #tpu.memory_space<vmem>> -> memref<1x128xi32, #tpu.memory_space<vmem>>
        %dma_wait3A_292 = tpu.memref_squeeze %dma_wait3A_291 : memref<1x128xi32, #tpu.memory_space<vmem>> -> memref<128xi32, #tpu.memory_space<vmem>>
        %dma_wait3A_293 = tpu.memref_slice %arg10[%add3A_150] : memref<327680xi32, #tpu.memory_space<hbm>> -> memref<128xi32, #tpu.memory_space<hbm>>
        %dma_wait3A_294 = arith.constant 0 : i32
        %dma_wait3A_295 = tpu.memref_slice %arg15[%run_scoped3A_153, %dma_wait3A_294] : memref<2x128xi32, #tpu.memory_space<vmem>> -> memref<1x128xi32, #tpu.memory_space<vmem>>
        %dma_wait3A_296 = tpu.memref_squeeze %dma_wait3A_295 : memref<1x128xi32, #tpu.memory_space<vmem>> -> memref<128xi32, #tpu.memory_space<vmem>>
        %dma_wait3A_297 = tpu.memref_slice %arg10[%add3A_150] : memref<327680xi32, #tpu.memory_space<hbm>> -> memref<128xi32, #tpu.memory_space<hbm>>
        tpu.wait_dma2 semaphore(%run_scoped3A_281 : memref<!tpu.dma_semaphore, #tpu.memory_space<semaphore_mem>>) src(%dma_wait3A_297 : memref<128xi32, #tpu.memory_space<hbm>>) dst(%dma_wait3A_296 : memref<128xi32, #tpu.memory_space<vmem>>)
        tpu.yield
      }) : () -> ()
      %run_scoped3A_154 = arith.constant 1 : i32
      "tpu.region"() ({
        %run_scoped3A_281 = tpu.sem_alloc : memref<!tpu.dma_semaphore, #tpu.memory_space<semaphore_mem>>
        %dma_start3A_282 = arith.constant 0 : i32
        %dma_start3A_283 = tpu.memref_slice %arg16[%run_scoped3A_154, %dma_start3A_282] : memref<2x128xi32, #tpu.memory_space<vmem>> -> memref<1x128xi32, #tpu.memory_space<vmem>>
        %dma_start3A_284 = tpu.memref_squeeze %dma_start3A_283 : memref<1x128xi32, #tpu.memory_space<vmem>> -> memref<128xi32, #tpu.memory_space<vmem>>
        %dma_start3A_285 = tpu.memref_slice %arg11[%add3A_150] : memref<327680xi32, #tpu.memory_space<hbm>> -> memref<128xi32, #tpu.memory_space<hbm>>
        %dma_start3A_286 = arith.constant 0 : i32
        %dma_start3A_287 = tpu.memref_slice %arg16[%run_scoped3A_154, %dma_start3A_286] : memref<2x128xi32, #tpu.memory_space<vmem>> -> memref<1x128xi32, #tpu.memory_space<vmem>>
        %dma_start3A_288 = tpu.memref_squeeze %dma_start3A_287 : memref<1x128xi32, #tpu.memory_space<vmem>> -> memref<128xi32, #tpu.memory_space<vmem>>
        %dma_start3A_289 = tpu.memref_slice %arg11[%add3A_150] : memref<327680xi32, #tpu.memory_space<hbm>> -> memref<128xi32, #tpu.memory_space<hbm>>
        tpu.enqueue_dma source(%dma_start3A_289 : memref<128xi32, #tpu.memory_space<hbm>>) target(%dma_start3A_288 : memref<128xi32, #tpu.memory_space<vmem>>) target_semaphore(%run_scoped3A_281 : memref<!tpu.dma_semaphore, #tpu.memory_space<semaphore_mem>>)
        %dma_wait3A_290 = arith.constant 0 : i32
        %dma_wait3A_291 = tpu.memref_slice %arg16[%run_scoped3A_154, %dma_wait3A_290] : memref<2x128xi32, #tpu.memory_space<vmem>> -> memref<1x128xi32, #tpu.memory_space<vmem>>
        %dma_wait3A_292 = tpu.memref_squeeze %dma_wait3A_291 : memref<1x128xi32, #tpu.memory_space<vmem>> -> memref<128xi32, #tpu.memory_space<vmem>>
        %dma_wait3A_293 = tpu.memref_slice %arg11[%add3A_150] : memref<327680xi32, #tpu.memory_space<hbm>> -> memref<128xi32, #tpu.memory_space<hbm>>
        %dma_wait3A_294 = arith.constant 0 : i32
        %dma_wait3A_295 = tpu.memref_slice %arg16[%run_scoped3A_154, %dma_wait3A_294] : memref<2x128xi32, #tpu.memory_space<vmem>> -> memref<1x128xi32, #tpu.memory_space<vmem>>
        %dma_wait3A_296 = tpu.memref_squeeze %dma_wait3A_295 : memref<1x128xi32, #tpu.memory_space<vmem>> -> memref<128xi32, #tpu.memory_space<vmem>>
        %dma_wait3A_297 = tpu.memref_slice %arg11[%add3A_150] : memref<327680xi32, #tpu.memory_space<hbm>> -> memref<128xi32, #tpu.memory_space<hbm>>
        tpu.wait_dma2 semaphore(%run_scoped3A_281 : memref<!tpu.dma_semaphore, #tpu.memory_space<semaphore_mem>>) src(%dma_wait3A_297 : memref<128xi32, #tpu.memory_space<hbm>>) dst(%dma_wait3A_296 : memref<128xi32, #tpu.memory_space<vmem>>)
        tpu.yield
      }) : () -> ()
      %dma_start3A_155 = arith.constant 1 : i32
      %dma_start3A_156 = arith.constant 1 : i32
      %dma_start3A_157 = arith.constant 0 : i32
      %dma_start3A_158 = arith.constant 0 : i32
      %dma_start3A_159 = tpu.memref_slice %arg17[%dma_start3A_156, %dma_start3A_157, %dma_start3A_158] : memref<2x128x64xf32, #tpu.memory_space<vmem>> -> memref<1x128x64xf32, #tpu.memory_space<vmem>>
      %dma_start3A_160 = tpu.memref_squeeze %dma_start3A_159 : memref<1x128x64xf32, #tpu.memory_space<vmem>> -> memref<128x64xf32, #tpu.memory_space<vmem>>
      %dma_start3A_161 = arith.constant 0 : i32
      %dma_start3A_162 = tpu.memref_slice %arg13[%dma_start3A_155, %dma_start3A_161] : memref<2x128xi32, #tpu.memory_space<vmem>> -> memref<1x128xi32, #tpu.memory_space<vmem>>
      %dma_start3A_163 = tpu.memref_squeeze %dma_start3A_162 : memref<1x128xi32, #tpu.memory_space<vmem>> -> memref<128xi32, #tpu.memory_space<vmem>>
      %dma_start3A_164 = arith.constant 0 : i32
      %dma_start3A_165 = arith.constant 0 : i32
      %dma_start3A_166 = tpu.memref_slice %arg5[%dma_start3A_164, %dma_start3A_165] : memref<20000x64xf32, #tpu.memory_space<hbm>> -> memref<20000x64xf32, #tpu.memory_space<hbm>>
      tpu.enqueue_indirect_dma source(%dma_start3A_166 : memref<20000x64xf32, #tpu.memory_space<hbm>>) target(%dma_start3A_160 : memref<128x64xf32, #tpu.memory_space<vmem>>) offsets(%dma_start3A_163 : memref<128xi32, #tpu.memory_space<vmem>>) semaphore(%arg24 : memref<!tpu.dma_semaphore, #tpu.memory_space<semaphore_mem>>)
      %dma_start3A_167 = arith.constant 1 : i32
      %dma_start3A_168 = arith.constant 1 : i32
      %dma_start3A_169 = arith.constant 0 : i32
      %dma_start3A_170 = arith.constant 0 : i32
      %dma_start3A_171 = tpu.memref_slice %arg18[%dma_start3A_168, %dma_start3A_169, %dma_start3A_170] : memref<2x128x64xf32, #tpu.memory_space<vmem>> -> memref<1x128x64xf32, #tpu.memory_space<vmem>>
      %dma_start3A_172 = tpu.memref_squeeze %dma_start3A_171 : memref<1x128x64xf32, #tpu.memory_space<vmem>> -> memref<128x64xf32, #tpu.memory_space<vmem>>
      %dma_start3A_173 = arith.constant 0 : i32
      %dma_start3A_174 = tpu.memref_slice %arg14[%dma_start3A_167, %dma_start3A_173] : memref<2x128xi32, #tpu.memory_space<vmem>> -> memref<1x128xi32, #tpu.memory_space<vmem>>
      %dma_start3A_175 = tpu.memref_squeeze %dma_start3A_174 : memref<1x128xi32, #tpu.memory_space<vmem>> -> memref<128xi32, #tpu.memory_space<vmem>>
      %dma_start3A_176 = arith.constant 0 : i32
      %dma_start3A_177 = arith.constant 0 : i32
      %dma_start3A_178 = tpu.memref_slice %arg6[%dma_start3A_176, %dma_start3A_177] : memref<20000x64xf32, #tpu.memory_space<hbm>> -> memref<20000x64xf32, #tpu.memory_space<hbm>>
      tpu.enqueue_indirect_dma source(%dma_start3A_178 : memref<20000x64xf32, #tpu.memory_space<hbm>>) target(%dma_start3A_172 : memref<128x64xf32, #tpu.memory_space<vmem>>) offsets(%dma_start3A_175 : memref<128xi32, #tpu.memory_space<vmem>>) semaphore(%arg24 : memref<!tpu.dma_semaphore, #tpu.memory_space<semaphore_mem>>)
      %dma_start3A_179 = arith.constant 1 : i32
      %dma_start3A_180 = arith.constant 1 : i32
      %dma_start3A_181 = arith.constant 0 : i32
      %dma_start3A_182 = arith.constant 0 : i32
      %dma_start3A_183 = tpu.memref_slice %arg19[%dma_start3A_180, %dma_start3A_181, %dma_start3A_182] : memref<2x128x64xf32, #tpu.memory_space<vmem>> -> memref<1x128x64xf32, #tpu.memory_space<vmem>>
      %dma_start3A_184 = tpu.memref_squeeze %dma_start3A_183 : memref<1x128x64xf32, #tpu.memory_space<vmem>> -> memref<128x64xf32, #tpu.memory_space<vmem>>
      %dma_start3A_185 = arith.constant 0 : i32
      %dma_start3A_186 = tpu.memref_slice %arg16[%dma_start3A_179, %dma_start3A_185] : memref<2x128xi32, #tpu.memory_space<vmem>> -> memref<1x128xi32, #tpu.memory_space<vmem>>
      %dma_start3A_187 = tpu.memref_squeeze %dma_start3A_186 : memref<1x128xi32, #tpu.memory_space<vmem>> -> memref<128xi32, #tpu.memory_space<vmem>>
      %dma_start3A_188 = arith.constant 0 : i32
      %dma_start3A_189 = arith.constant 0 : i32
      %dma_start3A_190 = tpu.memref_slice %arg7[%dma_start3A_188, %dma_start3A_189] : memref<983040x64xf32, #tpu.memory_space<hbm>> -> memref<983040x64xf32, #tpu.memory_space<hbm>>
      tpu.enqueue_indirect_dma source(%dma_start3A_190 : memref<983040x64xf32, #tpu.memory_space<hbm>>) target(%dma_start3A_184 : memref<128x64xf32, #tpu.memory_space<vmem>>) offsets(%dma_start3A_187 : memref<128xi32, #tpu.memory_space<vmem>>) semaphore(%arg24 : memref<!tpu.dma_semaphore, #tpu.memory_space<semaphore_mem>>)
      %dma_wait3A = arith.constant 0 : i32
      %dma_wait3A_191 = arith.constant 0 : i32
      %dma_wait3A_192 = arith.constant 0 : i32
      %dma_wait3A_193 = arith.constant 0 : i32
      %dma_wait3A_194 = tpu.memref_slice %arg17[%dma_wait3A_191, %dma_wait3A_192, %dma_wait3A_193] : memref<2x128x64xf32, #tpu.memory_space<vmem>> -> memref<1x128x64xf32, #tpu.memory_space<vmem>>
      %dma_wait3A_195 = tpu.memref_squeeze %dma_wait3A_194 : memref<1x128x64xf32, #tpu.memory_space<vmem>> -> memref<128x64xf32, #tpu.memory_space<vmem>>
      %dma_wait3A_196 = arith.constant 0 : i32
      %dma_wait3A_197 = tpu.memref_slice %arg13[%dma_wait3A, %dma_wait3A_196] : memref<2x128xi32, #tpu.memory_space<vmem>> -> memref<1x128xi32, #tpu.memory_space<vmem>>
      %dma_wait3A_198 = tpu.memref_squeeze %dma_wait3A_197 : memref<1x128xi32, #tpu.memory_space<vmem>> -> memref<128xi32, #tpu.memory_space<vmem>>
      %dma_wait3A_199 = arith.constant 0 : i32
      %dma_wait3A_200 = arith.constant 0 : i32
      %dma_wait3A_201 = tpu.memref_slice %arg5[%dma_wait3A_199, %dma_wait3A_200] : memref<20000x64xf32, #tpu.memory_space<hbm>> -> memref<20000x64xf32, #tpu.memory_space<hbm>>
      tpu.wait_indirect_dma semaphore(%arg23 : memref<!tpu.dma_semaphore, #tpu.memory_space<semaphore_mem>>) src(%dma_wait3A_201 : memref<20000x64xf32, #tpu.memory_space<hbm>>) dst(%dma_wait3A_195 : memref<128x64xf32, #tpu.memory_space<vmem>>)
      %dma_wait3A_202 = arith.constant 0 : i32
      %dma_wait3A_203 = arith.constant 0 : i32
      %dma_wait3A_204 = arith.constant 0 : i32
      %dma_wait3A_205 = arith.constant 0 : i32
      %dma_wait3A_206 = tpu.memref_slice %arg18[%dma_wait3A_203, %dma_wait3A_204, %dma_wait3A_205] : memref<2x128x64xf32, #tpu.memory_space<vmem>> -> memref<1x128x64xf32, #tpu.memory_space<vmem>>
      %dma_wait3A_207 = tpu.memref_squeeze %dma_wait3A_206 : memref<1x128x64xf32, #tpu.memory_space<vmem>> -> memref<128x64xf32, #tpu.memory_space<vmem>>
      %dma_wait3A_208 = arith.constant 0 : i32
      %dma_wait3A_209 = tpu.memref_slice %arg14[%dma_wait3A_202, %dma_wait3A_208] : memref<2x128xi32, #tpu.memory_space<vmem>> -> memref<1x128xi32, #tpu.memory_space<vmem>>
      %dma_wait3A_210 = tpu.memref_squeeze %dma_wait3A_209 : memref<1x128xi32, #tpu.memory_space<vmem>> -> memref<128xi32, #tpu.memory_space<vmem>>
      %dma_wait3A_211 = arith.constant 0 : i32
      %dma_wait3A_212 = arith.constant 0 : i32
      %dma_wait3A_213 = tpu.memref_slice %arg6[%dma_wait3A_211, %dma_wait3A_212] : memref<20000x64xf32, #tpu.memory_space<hbm>> -> memref<20000x64xf32, #tpu.memory_space<hbm>>
      tpu.wait_indirect_dma semaphore(%arg23 : memref<!tpu.dma_semaphore, #tpu.memory_space<semaphore_mem>>) src(%dma_wait3A_213 : memref<20000x64xf32, #tpu.memory_space<hbm>>) dst(%dma_wait3A_207 : memref<128x64xf32, #tpu.memory_space<vmem>>)
      %dma_wait3A_214 = arith.constant 0 : i32
      %dma_wait3A_215 = arith.constant 0 : i32
      %dma_wait3A_216 = arith.constant 0 : i32
      %dma_wait3A_217 = arith.constant 0 : i32
      %dma_wait3A_218 = tpu.memref_slice %arg19[%dma_wait3A_215, %dma_wait3A_216, %dma_wait3A_217] : memref<2x128x64xf32, #tpu.memory_space<vmem>> -> memref<1x128x64xf32, #tpu.memory_space<vmem>>
      %dma_wait3A_219 = tpu.memref_squeeze %dma_wait3A_218 : memref<1x128x64xf32, #tpu.memory_space<vmem>> -> memref<128x64xf32, #tpu.memory_space<vmem>>
      %dma_wait3A_220 = arith.constant 0 : i32
      %dma_wait3A_221 = tpu.memref_slice %arg16[%dma_wait3A_214, %dma_wait3A_220] : memref<2x128xi32, #tpu.memory_space<vmem>> -> memref<1x128xi32, #tpu.memory_space<vmem>>
      %dma_wait3A_222 = tpu.memref_squeeze %dma_wait3A_221 : memref<1x128xi32, #tpu.memory_space<vmem>> -> memref<128xi32, #tpu.memory_space<vmem>>
      %dma_wait3A_223 = arith.constant 0 : i32
      %dma_wait3A_224 = arith.constant 0 : i32
      %dma_wait3A_225 = tpu.memref_slice %arg7[%dma_wait3A_223, %dma_wait3A_224] : memref<983040x64xf32, #tpu.memory_space<hbm>> -> memref<983040x64xf32, #tpu.memory_space<hbm>>
      tpu.wait_indirect_dma semaphore(%arg23 : memref<!tpu.dma_semaphore, #tpu.memory_space<semaphore_mem>>) src(%dma_wait3A_225 : memref<983040x64xf32, #tpu.memory_space<hbm>>) dst(%dma_wait3A_219 : memref<128x64xf32, #tpu.memory_space<vmem>>)
      %scan3A_226 = arith.constant 0 : i32
      %scan3A_227 = arith.constant 0 : i32
      %scan3A_228 = arith.constant 128 : i32
      %scan3A_229 = arith.addi %scan3A_227, %scan3A_228 : i32
      %scan3A_230 = arith.constant 1 : i32
      %scan3A_231 = scf.for %scan3A_281 = %scan3A_227 to %scan3A_229 step %scan3A_230 iter_args(%scan3A_282 = %scan3A_226) -> (i32)  : i32 {
        %get3A = arith.constant 0 : i32
        %get3A_283 = arith.index_cast %get3A : i32 to index
        %get3A_284 = arith.index_cast %scan3A_281 : i32 to index
        %get3A_285 = arith.constant 0 : index
        %get3A_286 = tpu.vector_load %arg17[%get3A_283, %get3A_284, %get3A_285] {strides = array<i32>} : memref<2x128x64xf32, #tpu.memory_space<vmem>>, vector<1x1x16xf32>,
        %get3A_287 = vector.shape_cast %get3A_286 : vector<1x1x16xf32> to vector<16xf32>
        %get3A_288 = arith.constant 0 : i32
        %get3A_289 = arith.index_cast %get3A_288 : i32 to index
        %get3A_290 = arith.index_cast %scan3A_281 : i32 to index
        %get3A_291 = arith.constant 0 : index
        %get3A_292 = tpu.vector_load %arg18[%get3A_289, %get3A_290, %get3A_291] {strides = array<i32>} : memref<2x128x64xf32, #tpu.memory_space<vmem>>, vector<1x1x16xf32>,
        %get3A_293 = vector.shape_cast %get3A_292 : vector<1x1x16xf32> to vector<16xf32>
        %add3A_294 = arith.addf %get3A_287, %get3A_293 : vector<16xf32>
        %get3A_295 = arith.constant 0 : i32
        %get3A_296 = arith.index_cast %get3A_295 : i32 to index
        %get3A_297 = arith.index_cast %scan3A_281 : i32 to index
        %get3A_298 = arith.constant 0 : index
        %get3A_299 = tpu.vector_load %arg19[%get3A_296, %get3A_297, %get3A_298] {strides = array<i32>} : memref<2x128x64xf32, #tpu.memory_space<vmem>>, vector<1x1x16xf32>,
        %get3A_300 = vector.shape_cast %get3A_299 : vector<1x1x16xf32> to vector<16xf32>
        %add3A_301 = arith.addf %add3A_294, %get3A_300 : vector<16xf32>
        %get3A_302 = arith.constant 0 : i32
        %get3A_303 = arith.index_cast %get3A_302 : i32 to index
        %get3A_304 = arith.index_cast %scan3A_281 : i32 to index
        %get3A_305 = arith.constant 32 : index
        %get3A_306 = tpu.vector_load %arg17[%get3A_303, %get3A_304, %get3A_305] {strides = array<i32>} : memref<2x128x64xf32, #tpu.memory_space<vmem>>, vector<1x1x16xf32>,
        %get3A_307 = vector.shape_cast %get3A_306 : vector<1x1x16xf32> to vector<16xf32>
        %get3A_308 = arith.constant 0 : i32
        %get3A_309 = arith.index_cast %get3A_308 : i32 to index
        %get3A_310 = arith.index_cast %scan3A_281 : i32 to index
        %get3A_311 = arith.constant 32 : index
        %get3A_312 = tpu.vector_load %arg18[%get3A_309, %get3A_310, %get3A_311] {strides = array<i32>} : memref<2x128x64xf32, #tpu.memory_space<vmem>>, vector<1x1x16xf32>,
        %get3A_313 = vector.shape_cast %get3A_312 : vector<1x1x16xf32> to vector<16xf32>
        %add3A_314 = arith.addf %get3A_307, %get3A_313 : vector<16xf32>
        %get3A_315 = arith.constant 0 : i32
        %get3A_316 = arith.index_cast %get3A_315 : i32 to index
        %get3A_317 = arith.index_cast %scan3A_281 : i32 to index
        %get3A_318 = arith.constant 32 : index
        %get3A_319 = tpu.vector_load %arg19[%get3A_316, %get3A_317, %get3A_318] {strides = array<i32>} : memref<2x128x64xf32, #tpu.memory_space<vmem>>, vector<1x1x16xf32>,
        %get3A_320 = vector.shape_cast %get3A_319 : vector<1x1x16xf32> to vector<16xf32>
        %add3A_321 = arith.addf %add3A_314, %get3A_320 : vector<16xf32>
        %neg3A = arith.constant 0.000000e+00 : f32
        %neg3A_322 = vector.broadcast %neg3A : f32 to vector<16xf32>
        %neg3A_323 = arith.subf %neg3A_322, %add3A_301 : vector<16xf32>
        %min3A = arith.constant 8.000000e+01 : f32
        %min3A_324 = vector.broadcast %min3A : f32 to vector<16xf32>
        %min3A_325 = arith.minimumf %neg3A_323, %min3A_324 : vector<16xf32>
        %exp3A = math.exp %min3A_325 : vector<16xf32>
        %add3A_326 = arith.constant 1.000000e+00 : f32
        %add3A_327 = vector.broadcast %add3A_326 : f32 to vector<16xf32>
        %add3A_328 = arith.addf %add3A_327, %exp3A : vector<16xf32>
        %div3A = arith.constant 1.000000e+00 : f32
        %div3A_329 = vector.broadcast %div3A : f32 to vector<16xf32>
        %div3A_330 = arith.divf %div3A_329, %add3A_328 : vector<16xf32>
        %abs3A = math.absf %add3A_321 : vector<16xf32>
        %neg3A_331 = arith.constant 0.000000e+00 : f32
        %neg3A_332 = vector.broadcast %neg3A_331 : f32 to vector<16xf32>
        %neg3A_333 = arith.subf %neg3A_332, %abs3A : vector<16xf32>
        %max3A = arith.constant -8.000000e+01 : f32
        %max3A_334 = vector.broadcast %max3A : f32 to vector<16xf32>
        %max3A_335 = arith.maximumf %neg3A_333, %max3A_334 : vector<16xf32>
        %exp3A_336 = math.exp %max3A_335 : vector<16xf32>
        %add3A_337 = arith.constant 1.000000e+00 : f32
        %add3A_338 = vector.broadcast %add3A_337 : f32 to vector<16xf32>
        %add3A_339 = arith.addf %add3A_338, %exp3A_336 : vector<16xf32>
        %max3A_340 = arith.constant 0.000000e+00 : f32
        %max3A_341 = vector.broadcast %max3A_340 : f32 to vector<16xf32>
        %max3A_342 = arith.maximumf %add3A_321, %max3A_341 : vector<16xf32>
        %bitcast_convert_type3A = tpu.bitcast %add3A_339 : vector<16xf32> -> vector<16xi32>
        %shift_right_arithmetic3A = arith.constant 23 : i32
        %shift_right_arithmetic3A_343 = vector.broadcast %shift_right_arithmetic3A : i32 to vector<16xi32>
        %shift_right_arithmetic3A_344 = arith.shrsi %bitcast_convert_type3A, %shift_right_arithmetic3A_343 : vector<16xi32>
        %and3A = arith.constant 255 : i32
        %and3A_345 = vector.broadcast %and3A : i32 to vector<16xi32>
        %and3A_346 = arith.andi %shift_right_arithmetic3A_344, %and3A_345 : vector<16xi32>
        %sub3A = arith.constant 127 : i32
        %sub3A_347 = vector.broadcast %sub3A : i32 to vector<16xi32>
        %sub3A_348 = arith.subi %and3A_346, %sub3A_347 : vector<16xi32>
        %and3A_349 = arith.constant 8388607 : i32
        %and3A_350 = vector.broadcast %and3A_349 : i32 to vector<16xi32>
        %and3A_351 = arith.andi %bitcast_convert_type3A, %and3A_350 : vector<16xi32>
        %or3A = arith.constant 1065353216 : i32
        %or3A_352 = vector.broadcast %or3A : i32 to vector<16xi32>
        %or3A_353 = arith.ori %and3A_351, %or3A_352 : vector<16xi32>
        %bitcast_convert_type3A_354 = tpu.bitcast %or3A_353 : vector<16xi32> -> vector<16xf32>
        %ge3A = arith.constant 1.500000e+00 : f32
        %ge3A_355 = vector.broadcast %ge3A : f32 to vector<16xf32>
        %ge3A_356 = arith.cmpf oge, %bitcast_convert_type3A_354, %ge3A_355 : vector<16xf32>
        %mul3A_357 = arith.constant 5.000000e-01 : f32
        %mul3A_358 = vector.broadcast %mul3A_357 : f32 to vector<16xf32>
        %mul3A_359 = arith.mulf %bitcast_convert_type3A_354, %mul3A_358 : vector<16xf32>
        %select_n3A = arith.select %ge3A_356, %mul3A_359, %bitcast_convert_type3A_354 : vector<16xi1>, vector<16xf32>
        %convert_element_type3A_360 = arith.sitofp %sub3A_348 : vector<16xi32> to vector<16xf32>
        %jit3A = arith.constant 1.000000e+00 : f32
        %jit3A_361 = arith.constant 0.000000e+00 : f32
        %broadcast_in_dim3A_362 = vector.broadcast %jit3A : f32 to vector<16xf32>
        %broadcast_in_dim3A_363 = vector.broadcast %jit3A_361 : f32 to vector<16xf32>
        %select_n3A_364 = arith.select %ge3A_356, %broadcast_in_dim3A_362, %broadcast_in_dim3A_363 : vector<16xi1>, vector<16xf32>
        %add3A_365 = arith.addf %convert_element_type3A_360, %select_n3A_364 : vector<16xf32>
        %sub3A_366 = arith.constant 1.000000e+00 : f32
        %sub3A_367 = vector.broadcast %sub3A_366 : f32 to vector<16xf32>
        %sub3A_368 = arith.subf %select_n3A, %sub3A_367 : vector<16xf32>
        %add3A_369 = arith.constant 1.000000e+00 : f32
        %add3A_370 = vector.broadcast %add3A_369 : f32 to vector<16xf32>
        %add3A_371 = arith.addf %select_n3A, %add3A_370 : vector<16xf32>
        %div3A_372 = arith.divf %sub3A_368, %add3A_371 : vector<16xf32>
        %mul3A_373 = arith.mulf %div3A_372, %div3A_372 : vector<16xf32>
        %mul3A_374 = arith.constant 0.285714298 : f32
        %mul3A_375 = vector.broadcast %mul3A_374 : f32 to vector<16xf32>
        %mul3A_376 = arith.mulf %mul3A_373, %mul3A_375 : vector<16xf32>
        %add3A_377 = arith.constant 4.000000e-01 : f32
        %add3A_378 = vector.broadcast %add3A_377 : f32 to vector<16xf32>
        %add3A_379 = arith.addf %add3A_378, %mul3A_376 : vector<16xf32>
        %mul3A_380 = arith.mulf %mul3A_373, %add3A_379 : vector<16xf32>
        %add3A_381 = arith.constant 0.666666686 : f32
        %add3A_382 = vector.broadcast %add3A_381 : f32 to vector<16xf32>
        %add3A_383 = arith.addf %add3A_382, %mul3A_380 : vector<16xf32>
        %mul3A_384 = arith.mulf %mul3A_373, %add3A_383 : vector<16xf32>
        %add3A_385 = arith.constant 2.000000e+00 : f32
        %add3A_386 = vector.broadcast %add3A_385 : f32 to vector<16xf32>
        %add3A_387 = arith.addf %add3A_386, %mul3A_384 : vector<16xf32>
        %mul3A_388 = arith.mulf %div3A_372, %add3A_387 : vector<16xf32>
        %mul3A_389 = arith.constant 0.693147182 : f32
        %mul3A_390 = vector.broadcast %mul3A_389 : f32 to vector<16xf32>
        %mul3A_391 = arith.mulf %add3A_365, %mul3A_390 : vector<16xf32>
        %add3A_392 = arith.addf %mul3A_391, %mul3A_388 : vector<16xf32>
        %add3A_393 = arith.addf %max3A_342, %add3A_392 : vector<16xf32>
        %mul3A_394 = arith.mulf %div3A_330, %add3A_393 : vector<16xf32>
        %swap3A = arith.index_cast %scan3A_281 : i32 to index
        %swap3A_395 = arith.constant 0 : index
        %swap3A_396 = tpu.vector_load %arg20[%swap3A, %swap3A_395] {strides = array<i32>} : memref<128x32xf32, #tpu.memory_space<vmem>>, vector<1x16xf32>,
        %swap3A_397 = vector.shape_cast %swap3A_396 : vector<1x16xf32> to vector<16xf32>
        %swap3A_398 = vector.shape_cast %mul3A_394 : vector<16xf32> to vector<1x16xf32>
        tpu.vector_store %arg20[%swap3A, %swap3A_395], %swap3A_398 {strides = array<i32>} : memref<128x32xf32, #tpu.memory_space<vmem>>, vector<1x16xf32>,
        %get3A_399 = arith.constant 0 : i32
        %get3A_400 = arith.index_cast %get3A_399 : i32 to index
        %get3A_401 = arith.index_cast %scan3A_281 : i32 to index
        %get3A_402 = arith.constant 16 : index
        %get3A_403 = tpu.vector_load %arg17[%get3A_400, %get3A_401, %get3A_402] {strides = array<i32>} : memref<2x128x64xf32, #tpu.memory_space<vmem>>, vector<1x1x16xf32>,
        %get3A_404 = vector.shape_cast %get3A_403 : vector<1x1x16xf32> to vector<16xf32>
        %get3A_405 = arith.constant 0 : i32
        %get3A_406 = arith.index_cast %get3A_405 : i32 to index
        %get3A_407 = arith.index_cast %scan3A_281 : i32 to index
        %get3A_408 = arith.constant 16 : index
        %get3A_409 = tpu.vector_load %arg18[%get3A_406, %get3A_407, %get3A_408] {strides = array<i32>} : memref<2x128x64xf32, #tpu.memory_space<vmem>>, vector<1x1x16xf32>,
        %get3A_410 = vector.shape_cast %get3A_409 : vector<1x1x16xf32> to vector<16xf32>
        %add3A_411 = arith.addf %get3A_404, %get3A_410 : vector<16xf32>
        %get3A_412 = arith.constant 0 : i32
        %get3A_413 = arith.index_cast %get3A_412 : i32 to index
        %get3A_414 = arith.index_cast %scan3A_281 : i32 to index
        %get3A_415 = arith.constant 16 : index
        %get3A_416 = tpu.vector_load %arg19[%get3A_413, %get3A_414, %get3A_415] {strides = array<i32>} : memref<2x128x64xf32, #tpu.memory_space<vmem>>, vector<1x1x16xf32>,
        %get3A_417 = vector.shape_cast %get3A_416 : vector<1x1x16xf32> to vector<16xf32>
        %add3A_418 = arith.addf %add3A_411, %get3A_417 : vector<16xf32>
        %get3A_419 = arith.constant 0 : i32
        %get3A_420 = arith.index_cast %get3A_419 : i32 to index
        %get3A_421 = arith.index_cast %scan3A_281 : i32 to index
        %get3A_422 = arith.constant 48 : index
        %get3A_423 = tpu.vector_load %arg17[%get3A_420, %get3A_421, %get3A_422] {strides = array<i32>} : memref<2x128x64xf32, #tpu.memory_space<vmem>>, vector<1x1x16xf32>,
        %get3A_424 = vector.shape_cast %get3A_423 : vector<1x1x16xf32> to vector<16xf32>
        %get3A_425 = arith.constant 0 : i32
        %get3A_426 = arith.index_cast %get3A_425 : i32 to index
        %get3A_427 = arith.index_cast %scan3A_281 : i32 to index
        %get3A_428 = arith.constant 48 : index
        %get3A_429 = tpu.vector_load %arg18[%get3A_426, %get3A_427, %get3A_428] {strides = array<i32>} : memref<2x128x64xf32, #tpu.memory_space<vmem>>, vector<1x1x16xf32>,
        %get3A_430 = vector.shape_cast %get3A_429 : vector<1x1x16xf32> to vector<16xf32>
        %add3A_431 = arith.addf %get3A_424, %get3A_430 : vector<16xf32>
        %get3A_432 = arith.constant 0 : i32
        %get3A_433 = arith.index_cast %get3A_432 : i32 to index
        %get3A_434 = arith.index_cast %scan3A_281 : i32 to index
        %get3A_435 = arith.constant 48 : index
        %get3A_436 = tpu.vector_load %arg19[%get3A_433, %get3A_434, %get3A_435] {strides = array<i32>} : memref<2x128x64xf32, #tpu.memory_space<vmem>>, vector<1x1x16xf32>,
        %get3A_437 = vector.shape_cast %get3A_436 : vector<1x1x16xf32> to vector<16xf32>
        %add3A_438 = arith.addf %add3A_431, %get3A_437 : vector<16xf32>
        %neg3A_439 = arith.constant 0.000000e+00 : f32
        %neg3A_440 = vector.broadcast %neg3A_439 : f32 to vector<16xf32>
        %neg3A_441 = arith.subf %neg3A_440, %add3A_418 : vector<16xf32>
        %min3A_442 = arith.constant 8.000000e+01 : f32
        %min3A_443 = vector.broadcast %min3A_442 : f32 to vector<16xf32>
        %min3A_444 = arith.minimumf %neg3A_441, %min3A_443 : vector<16xf32>
        %exp3A_445 = math.exp %min3A_444 : vector<16xf32>
        %add3A_446 = arith.constant 1.000000e+00 : f32
        %add3A_447 = vector.broadcast %add3A_446 : f32 to vector<16xf32>
        %add3A_448 = arith.addf %add3A_447, %exp3A_445 : vector<16xf32>
        %div3A_449 = arith.constant 1.000000e+00 : f32
        %div3A_450 = vector.broadcast %div3A_449 : f32 to vector<16xf32>
        %div3A_451 = arith.divf %div3A_450, %add3A_448 : vector<16xf32>
        %abs3A_452 = math.absf %add3A_438 : vector<16xf32>
        %neg3A_453 = arith.constant 0.000000e+00 : f32
        %neg3A_454 = vector.broadcast %neg3A_453 : f32 to vector<16xf32>
        %neg3A_455 = arith.subf %neg3A_454, %abs3A_452 : vector<16xf32>
        %max3A_456 = arith.constant -8.000000e+01 : f32
        %max3A_457 = vector.broadcast %max3A_456 : f32 to vector<16xf32>
        %max3A_458 = arith.maximumf %neg3A_455, %max3A_457 : vector<16xf32>
        %exp3A_459 = math.exp %max3A_458 : vector<16xf32>
        %add3A_460 = arith.constant 1.000000e+00 : f32
        %add3A_461 = vector.broadcast %add3A_460 : f32 to vector<16xf32>
        %add3A_462 = arith.addf %add3A_461, %exp3A_459 : vector<16xf32>
        %max3A_463 = arith.constant 0.000000e+00 : f32
        %max3A_464 = vector.broadcast %max3A_463 : f32 to vector<16xf32>
        %max3A_465 = arith.maximumf %add3A_438, %max3A_464 : vector<16xf32>
        %bitcast_convert_type3A_466 = tpu.bitcast %add3A_462 : vector<16xf32> -> vector<16xi32>
        %shift_right_arithmetic3A_467 = arith.constant 23 : i32
        %shift_right_arithmetic3A_468 = vector.broadcast %shift_right_arithmetic3A_467 : i32 to vector<16xi32>
        %shift_right_arithmetic3A_469 = arith.shrsi %bitcast_convert_type3A_466, %shift_right_arithmetic3A_468 : vector<16xi32>
        %and3A_470 = arith.constant 255 : i32
        %and3A_471 = vector.broadcast %and3A_470 : i32 to vector<16xi32>
        %and3A_472 = arith.andi %shift_right_arithmetic3A_469, %and3A_471 : vector<16xi32>
        %sub3A_473 = arith.constant 127 : i32
        %sub3A_474 = vector.broadcast %sub3A_473 : i32 to vector<16xi32>
        %sub3A_475 = arith.subi %and3A_472, %sub3A_474 : vector<16xi32>
        %and3A_476 = arith.constant 8388607 : i32
        %and3A_477 = vector.broadcast %and3A_476 : i32 to vector<16xi32>
        %and3A_478 = arith.andi %bitcast_convert_type3A_466, %and3A_477 : vector<16xi32>
        %or3A_479 = arith.constant 1065353216 : i32
        %or3A_480 = vector.broadcast %or3A_479 : i32 to vector<16xi32>
        %or3A_481 = arith.ori %and3A_478, %or3A_480 : vector<16xi32>
        %bitcast_convert_type3A_482 = tpu.bitcast %or3A_481 : vector<16xi32> -> vector<16xf32>
        %ge3A_483 = arith.constant 1.500000e+00 : f32
        %ge3A_484 = vector.broadcast %ge3A_483 : f32 to vector<16xf32>
        %ge3A_485 = arith.cmpf oge, %bitcast_convert_type3A_482, %ge3A_484 : vector<16xf32>
        %mul3A_486 = arith.constant 5.000000e-01 : f32
        %mul3A_487 = vector.broadcast %mul3A_486 : f32 to vector<16xf32>
        %mul3A_488 = arith.mulf %bitcast_convert_type3A_482, %mul3A_487 : vector<16xf32>
        %select_n3A_489 = arith.select %ge3A_485, %mul3A_488, %bitcast_convert_type3A_482 : vector<16xi1>, vector<16xf32>
        %convert_element_type3A_490 = arith.sitofp %sub3A_475 : vector<16xi32> to vector<16xf32>
        %jit3A_491 = arith.constant 1.000000e+00 : f32
        %jit3A_492 = arith.constant 0.000000e+00 : f32
        %broadcast_in_dim3A_493 = vector.broadcast %jit3A_491 : f32 to vector<16xf32>
        %broadcast_in_dim3A_494 = vector.broadcast %jit3A_492 : f32 to vector<16xf32>
        %select_n3A_495 = arith.select %ge3A_485, %broadcast_in_dim3A_493, %broadcast_in_dim3A_494 : vector<16xi1>, vector<16xf32>
        %add3A_496 = arith.addf %convert_element_type3A_490, %select_n3A_495 : vector<16xf32>
        %sub3A_497 = arith.constant 1.000000e+00 : f32
        %sub3A_498 = vector.broadcast %sub3A_497 : f32 to vector<16xf32>
        %sub3A_499 = arith.subf %select_n3A_489, %sub3A_498 : vector<16xf32>
        %add3A_500 = arith.constant 1.000000e+00 : f32
        %add3A_501 = vector.broadcast %add3A_500 : f32 to vector<16xf32>
        %add3A_502 = arith.addf %select_n3A_489, %add3A_501 : vector<16xf32>
        %div3A_503 = arith.divf %sub3A_499, %add3A_502 : vector<16xf32>
        %mul3A_504 = arith.mulf %div3A_503, %div3A_503 : vector<16xf32>
        %mul3A_505 = arith.constant 0.285714298 : f32
        %mul3A_506 = vector.broadcast %mul3A_505 : f32 to vector<16xf32>
        %mul3A_507 = arith.mulf %mul3A_504, %mul3A_506 : vector<16xf32>
        %add3A_508 = arith.constant 4.000000e-01 : f32
        %add3A_509 = vector.broadcast %add3A_508 : f32 to vector<16xf32>
        %add3A_510 = arith.addf %add3A_509, %mul3A_507 : vector<16xf32>
        %mul3A_511 = arith.mulf %mul3A_504, %add3A_510 : vector<16xf32>
        %add3A_512 = arith.constant 0.666666686 : f32
        %add3A_513 = vector.broadcast %add3A_512 : f32 to vector<16xf32>
        %add3A_514 = arith.addf %add3A_513, %mul3A_511 : vector<16xf32>
        %mul3A_515 = arith.mulf %mul3A_504, %add3A_514 : vector<16xf32>
        %add3A_516 = arith.constant 2.000000e+00 : f32
        %add3A_517 = vector.broadcast %add3A_516 : f32 to vector<16xf32>
        %add3A_518 = arith.addf %add3A_517, %mul3A_515 : vector<16xf32>
        %mul3A_519 = arith.mulf %div3A_503, %add3A_518 : vector<16xf32>
        %mul3A_520 = arith.constant 0.693147182 : f32
        %mul3A_521 = vector.broadcast %mul3A_520 : f32 to vector<16xf32>
        %mul3A_522 = arith.mulf %add3A_496, %mul3A_521 : vector<16xf32>
        %add3A_523 = arith.addf %mul3A_522, %mul3A_519 : vector<16xf32>
        %add3A_524 = arith.addf %max3A_465, %add3A_523 : vector<16xf32>
        %mul3A_525 = arith.mulf %div3A_451, %add3A_524 : vector<16xf32>
        %swap3A_526 = arith.index_cast %scan3A_281 : i32 to index
        %swap3A_527 = arith.constant 16 : index
        %swap3A_528 = tpu.vector_load %arg20[%swap3A_526, %swap3A_527] {strides = array<i32>} : memref<128x32xf32, #tpu.memory_space<vmem>>, vector<1x16xf32>,
        %swap3A_529 = vector.shape_cast %swap3A_528 : vector<1x16xf32> to vector<16xf32>
        %swap3A_530 = vector.shape_cast %mul3A_525 : vector<16xf32> to vector<1x16xf32>
        tpu.vector_store %arg20[%swap3A_526, %swap3A_527], %swap3A_530 {strides = array<i32>} : memref<128x32xf32, #tpu.memory_space<vmem>>, vector<1x16xf32>,
        %scan3A_531 = arith.constant 0 : i32
        scf.yield %scan3A_531 : i32
      }
      %scan3A_232 = arith.constant 128 : i32
      %run_scoped3A_233 = arith.constant 0 : i32
      "tpu.region"() ({
        %run_scoped3A_281 = tpu.sem_alloc : memref<!tpu.dma_semaphore, #tpu.memory_space<semaphore_mem>>
        %dma_start3A_282 = arith.constant 0 : i32
        %dma_start3A_283 = tpu.memref_slice %arg15[%run_scoped3A_233, %dma_start3A_282] : memref<2x128xi32, #tpu.memory_space<vmem>> -> memref<1x128xi32, #tpu.memory_space<vmem>>
        %dma_start3A_284 = tpu.memref_squeeze %dma_start3A_283 : memref<1x128xi32, #tpu.memory_space<vmem>> -> memref<128xi32, #tpu.memory_space<vmem>>
        %dma_start3A_285 = arith.constant 0 : i32
        %dma_start3A_286 = arith.constant 0 : i32
        %dma_start3A_287 = tpu.memref_slice %arg22[%dma_start3A_285, %dma_start3A_286] : memref<10112x32xf32, #tpu.memory_space<vmem_shared>> -> memref<10112x32xf32, #tpu.memory_space<vmem_shared>>
        tpu.enqueue_indirect_dma source(%arg20 : memref<128x32xf32, #tpu.memory_space<vmem>>) target(%dma_start3A_287 : memref<10112x32xf32, #tpu.memory_space<vmem_shared>>) offsets(%dma_start3A_284 : memref<128xi32, #tpu.memory_space<vmem>>) semaphore(%run_scoped3A_281 : memref<!tpu.dma_semaphore, #tpu.memory_space<semaphore_mem>>) {add = true}
        %dma_wait3A_288 = arith.constant 0 : i32
        %dma_wait3A_289 = tpu.memref_slice %arg15[%run_scoped3A_233, %dma_wait3A_288] : memref<2x128xi32, #tpu.memory_space<vmem>> -> memref<1x128xi32, #tpu.memory_space<vmem>>
        %dma_wait3A_290 = tpu.memref_squeeze %dma_wait3A_289 : memref<1x128xi32, #tpu.memory_space<vmem>> -> memref<128xi32, #tpu.memory_space<vmem>>
        %dma_wait3A_291 = arith.constant 0 : i32
        %dma_wait3A_292 = arith.constant 0 : i32
        %dma_wait3A_293 = tpu.memref_slice %arg22[%dma_wait3A_291, %dma_wait3A_292] : memref<10112x32xf32, #tpu.memory_space<vmem_shared>> -> memref<10112x32xf32, #tpu.memory_space<vmem_shared>>
        tpu.wait_indirect_dma semaphore(%run_scoped3A_281 : memref<!tpu.dma_semaphore, #tpu.memory_space<semaphore_mem>>) src(%arg20 : memref<128x32xf32, #tpu.memory_space<vmem>>) dst(%dma_wait3A_293 : memref<10112x32xf32, #tpu.memory_space<vmem_shared>>)
        tpu.yield
      }) : () -> ()
      %lt3A = arith.constant 39 : i32
      %lt3A_234 = arith.cmpi slt, %scan3A_137, %lt3A : i32
      %convert_element_type3A = arith.extui %lt3A_234 : i1 to i32
      %cond3A = arith.constant 0 : i32
      %cond3A_235 = arith.cmpi ne, %convert_element_type3A, %cond3A : i32
      scf.if %cond3A_235 {
        %add3A_281 = arith.constant 2 : i32
        %add3A_282 = arith.addi %mul3A_140, %add3A_281 : i32
        %mul3A_283 = arith.constant 163840 : i32
        %mul3A_284 = arith.muli %arg0, %mul3A_283 : i32
        %mul3A_285 = arith.constant 10240 : i32
        %mul3A_286 = arith.muli %arg1, %mul3A_285 : i32
        %add3A_287 = arith.addi %mul3A_284, %mul3A_286 : i32
        %mul3A_288 = arith.constant 128 : i32
        %mul3A_289 = arith.muli %add3A_282, %mul3A_288 : i32
        %add3A_290 = arith.addi %add3A_287, %mul3A_289 : i32
        %run_scoped3A_291 = arith.constant 0 : i32
        "tpu.region"() ({
          %run_scoped3A_331 = tpu.sem_alloc : memref<!tpu.dma_semaphore, #tpu.memory_space<semaphore_mem>>
          %dma_start3A_332 = arith.constant 0 : i32
          %dma_start3A_333 = tpu.memref_slice %arg13[%run_scoped3A_291, %dma_start3A_332] : memref<2x128xi32, #tpu.memory_space<vmem>> -> memref<1x128xi32, #tpu.memory_space<vmem>>
          %dma_start3A_334 = tpu.memref_squeeze %dma_start3A_333 : memref<1x128xi32, #tpu.memory_space<vmem>> -> memref<128xi32, #tpu.memory_space<vmem>>
          %dma_start3A_335 = tpu.memref_slice %arg8[%add3A_290] : memref<327680xi32, #tpu.memory_space<hbm>> -> memref<128xi32, #tpu.memory_space<hbm>>
          %dma_start3A_336 = arith.constant 0 : i32
          %dma_start3A_337 = tpu.memref_slice %arg13[%run_scoped3A_291, %dma_start3A_336] : memref<2x128xi32, #tpu.memory_space<vmem>> -> memref<1x128xi32, #tpu.memory_space<vmem>>
          %dma_start3A_338 = tpu.memref_squeeze %dma_start3A_337 : memref<1x128xi32, #tpu.memory_space<vmem>> -> memref<128xi32, #tpu.memory_space<vmem>>
          %dma_start3A_339 = tpu.memref_slice %arg8[%add3A_290] : memref<327680xi32, #tpu.memory_space<hbm>> -> memref<128xi32, #tpu.memory_space<hbm>>
          tpu.enqueue_dma source(%dma_start3A_339 : memref<128xi32, #tpu.memory_space<hbm>>) target(%dma_start3A_338 : memref<128xi32, #tpu.memory_space<vmem>>) target_semaphore(%run_scoped3A_331 : memref<!tpu.dma_semaphore, #tpu.memory_space<semaphore_mem>>)
          %dma_wait3A_340 = arith.constant 0 : i32
          %dma_wait3A_341 = tpu.memref_slice %arg13[%run_scoped3A_291, %dma_wait3A_340] : memref<2x128xi32, #tpu.memory_space<vmem>> -> memref<1x128xi32, #tpu.memory_space<vmem>>
          %dma_wait3A_342 = tpu.memref_squeeze %dma_wait3A_341 : memref<1x128xi32, #tpu.memory_space<vmem>> -> memref<128xi32, #tpu.memory_space<vmem>>
          %dma_wait3A_343 = tpu.memref_slice %arg8[%add3A_290] : memref<327680xi32, #tpu.memory_space<hbm>> -> memref<128xi32, #tpu.memory_space<hbm>>
          %dma_wait3A_344 = arith.constant 0 : i32
          %dma_wait3A_345 = tpu.memref_slice %arg13[%run_scoped3A_291, %dma_wait3A_344] : memref<2x128xi32, #tpu.memory_space<vmem>> -> memref<1x128xi32, #tpu.memory_space<vmem>>
          %dma_wait3A_346 = tpu.memref_squeeze %dma_wait3A_345 : memref<1x128xi32, #tpu.memory_space<vmem>> -> memref<128xi32, #tpu.memory_space<vmem>>
          %dma_wait3A_347 = tpu.memref_slice %arg8[%add3A_290] : memref<327680xi32, #tpu.memory_space<hbm>> -> memref<128xi32, #tpu.memory_space<hbm>>
          tpu.wait_dma2 semaphore(%run_scoped3A_331 : memref<!tpu.dma_semaphore, #tpu.memory_space<semaphore_mem>>) src(%dma_wait3A_347 : memref<128xi32, #tpu.memory_space<hbm>>) dst(%dma_wait3A_346 : memref<128xi32, #tpu.memory_space<vmem>>)
          tpu.yield
        }) : () -> ()
        %run_scoped3A_292 = arith.constant 0 : i32
        "tpu.region"() ({
          %run_scoped3A_331 = tpu.sem_alloc : memref<!tpu.dma_semaphore, #tpu.memory_space<semaphore_mem>>
          %dma_start3A_332 = arith.constant 0 : i32
          %dma_start3A_333 = tpu.memref_slice %arg14[%run_scoped3A_292, %dma_start3A_332] : memref<2x128xi32, #tpu.memory_space<vmem>> -> memref<1x128xi32, #tpu.memory_space<vmem>>
          %dma_start3A_334 = tpu.memref_squeeze %dma_start3A_333 : memref<1x128xi32, #tpu.memory_space<vmem>> -> memref<128xi32, #tpu.memory_space<vmem>>
          %dma_start3A_335 = tpu.memref_slice %arg9[%add3A_290] : memref<327680xi32, #tpu.memory_space<hbm>> -> memref<128xi32, #tpu.memory_space<hbm>>
          %dma_start3A_336 = arith.constant 0 : i32
          %dma_start3A_337 = tpu.memref_slice %arg14[%run_scoped3A_292, %dma_start3A_336] : memref<2x128xi32, #tpu.memory_space<vmem>> -> memref<1x128xi32, #tpu.memory_space<vmem>>
          %dma_start3A_338 = tpu.memref_squeeze %dma_start3A_337 : memref<1x128xi32, #tpu.memory_space<vmem>> -> memref<128xi32, #tpu.memory_space<vmem>>
          %dma_start3A_339 = tpu.memref_slice %arg9[%add3A_290] : memref<327680xi32, #tpu.memory_space<hbm>> -> memref<128xi32, #tpu.memory_space<hbm>>
          tpu.enqueue_dma source(%dma_start3A_339 : memref<128xi32, #tpu.memory_space<hbm>>) target(%dma_start3A_338 : memref<128xi32, #tpu.memory_space<vmem>>) target_semaphore(%run_scoped3A_331 : memref<!tpu.dma_semaphore, #tpu.memory_space<semaphore_mem>>)
          %dma_wait3A_340 = arith.constant 0 : i32
          %dma_wait3A_341 = tpu.memref_slice %arg14[%run_scoped3A_292, %dma_wait3A_340] : memref<2x128xi32, #tpu.memory_space<vmem>> -> memref<1x128xi32, #tpu.memory_space<vmem>>
          %dma_wait3A_342 = tpu.memref_squeeze %dma_wait3A_341 : memref<1x128xi32, #tpu.memory_space<vmem>> -> memref<128xi32, #tpu.memory_space<vmem>>
          %dma_wait3A_343 = tpu.memref_slice %arg9[%add3A_290] : memref<327680xi32, #tpu.memory_space<hbm>> -> memref<128xi32, #tpu.memory_space<hbm>>
          %dma_wait3A_344 = arith.constant 0 : i32
          %dma_wait3A_345 = tpu.memref_slice %arg14[%run_scoped3A_292, %dma_wait3A_344] : memref<2x128xi32, #tpu.memory_space<vmem>> -> memref<1x128xi32, #tpu.memory_space<vmem>>
          %dma_wait3A_346 = tpu.memref_squeeze %dma_wait3A_345 : memref<1x128xi32, #tpu.memory_space<vmem>> -> memref<128xi32, #tpu.memory_space<vmem>>
          %dma_wait3A_347 = tpu.memref_slice %arg9[%add3A_290] : memref<327680xi32, #tpu.memory_space<hbm>> -> memref<128xi32, #tpu.memory_space<hbm>>
          tpu.wait_dma2 semaphore(%run_scoped3A_331 : memref<!tpu.dma_semaphore, #tpu.memory_space<semaphore_mem>>) src(%dma_wait3A_347 : memref<128xi32, #tpu.memory_space<hbm>>) dst(%dma_wait3A_346 : memref<128xi32, #tpu.memory_space<vmem>>)
          tpu.yield
        }) : () -> ()
        %run_scoped3A_293 = arith.constant 0 : i32
        "tpu.region"() ({
          %run_scoped3A_331 = tpu.sem_alloc : memref<!tpu.dma_semaphore, #tpu.memory_space<semaphore_mem>>
          %dma_start3A_332 = arith.constant 0 : i32
          %dma_start3A_333 = tpu.memref_slice %arg15[%run_scoped3A_293, %dma_start3A_332] : memref<2x128xi32, #tpu.memory_space<vmem>> -> memref<1x128xi32, #tpu.memory_space<vmem>>
          %dma_start3A_334 = tpu.memref_squeeze %dma_start3A_333 : memref<1x128xi32, #tpu.memory_space<vmem>> -> memref<128xi32, #tpu.memory_space<vmem>>
          %dma_start3A_335 = tpu.memref_slice %arg10[%add3A_290] : memref<327680xi32, #tpu.memory_space<hbm>> -> memref<128xi32, #tpu.memory_space<hbm>>
          %dma_start3A_336 = arith.constant 0 : i32
          %dma_start3A_337 = tpu.memref_slice %arg15[%run_scoped3A_293, %dma_start3A_336] : memref<2x128xi32, #tpu.memory_space<vmem>> -> memref<1x128xi32, #tpu.memory_space<vmem>>
          %dma_start3A_338 = tpu.memref_squeeze %dma_start3A_337 : memref<1x128xi32, #tpu.memory_space<vmem>> -> memref<128xi32, #tpu.memory_space<vmem>>
          %dma_start3A_339 = tpu.memref_slice %arg10[%add3A_290] : memref<327680xi32, #tpu.memory_space<hbm>> -> memref<128xi32, #tpu.memory_space<hbm>>
          tpu.enqueue_dma source(%dma_start3A_339 : memref<128xi32, #tpu.memory_space<hbm>>) target(%dma_start3A_338 : memref<128xi32, #tpu.memory_space<vmem>>) target_semaphore(%run_scoped3A_331 : memref<!tpu.dma_semaphore, #tpu.memory_space<semaphore_mem>>)
          %dma_wait3A_340 = arith.constant 0 : i32
          %dma_wait3A_341 = tpu.memref_slice %arg15[%run_scoped3A_293, %dma_wait3A_340] : memref<2x128xi32, #tpu.memory_space<vmem>> -> memref<1x128xi32, #tpu.memory_space<vmem>>
          %dma_wait3A_342 = tpu.memref_squeeze %dma_wait3A_341 : memref<1x128xi32, #tpu.memory_space<vmem>> -> memref<128xi32, #tpu.memory_space<vmem>>
          %dma_wait3A_343 = tpu.memref_slice %arg10[%add3A_290] : memref<327680xi32, #tpu.memory_space<hbm>> -> memref<128xi32, #tpu.memory_space<hbm>>
          %dma_wait3A_344 = arith.constant 0 : i32
          %dma_wait3A_345 = tpu.memref_slice %arg15[%run_scoped3A_293, %dma_wait3A_344] : memref<2x128xi32, #tpu.memory_space<vmem>> -> memref<1x128xi32, #tpu.memory_space<vmem>>
          %dma_wait3A_346 = tpu.memref_squeeze %dma_wait3A_345 : memref<1x128xi32, #tpu.memory_space<vmem>> -> memref<128xi32, #tpu.memory_space<vmem>>
          %dma_wait3A_347 = tpu.memref_slice %arg10[%add3A_290] : memref<327680xi32, #tpu.memory_space<hbm>> -> memref<128xi32, #tpu.memory_space<hbm>>
          tpu.wait_dma2 semaphore(%run_scoped3A_331 : memref<!tpu.dma_semaphore, #tpu.memory_space<semaphore_mem>>) src(%dma_wait3A_347 : memref<128xi32, #tpu.memory_space<hbm>>) dst(%dma_wait3A_346 : memref<128xi32, #tpu.memory_space<vmem>>)
          tpu.yield
        }) : () -> ()
        %run_scoped3A_294 = arith.constant 0 : i32
        "tpu.region"() ({
          %run_scoped3A_331 = tpu.sem_alloc : memref<!tpu.dma_semaphore, #tpu.memory_space<semaphore_mem>>
          %dma_start3A_332 = arith.constant 0 : i32
          %dma_start3A_333 = tpu.memref_slice %arg16[%run_scoped3A_294, %dma_start3A_332] : memref<2x128xi32, #tpu.memory_space<vmem>> -> memref<1x128xi32, #tpu.memory_space<vmem>>
          %dma_start3A_334 = tpu.memref_squeeze %dma_start3A_333 : memref<1x128xi32, #tpu.memory_space<vmem>> -> memref<128xi32, #tpu.memory_space<vmem>>
          %dma_start3A_335 = tpu.memref_slice %arg11[%add3A_290] : memref<327680xi32, #tpu.memory_space<hbm>> -> memref<128xi32, #tpu.memory_space<hbm>>
          %dma_start3A_336 = arith.constant 0 : i32
          %dma_start3A_337 = tpu.memref_slice %arg16[%run_scoped3A_294, %dma_start3A_336] : memref<2x128xi32, #tpu.memory_space<vmem>> -> memref<1x128xi32, #tpu.memory_space<vmem>>
          %dma_start3A_338 = tpu.memref_squeeze %dma_start3A_337 : memref<1x128xi32, #tpu.memory_space<vmem>> -> memref<128xi32, #tpu.memory_space<vmem>>
          %dma_start3A_339 = tpu.memref_slice %arg11[%add3A_290] : memref<327680xi32, #tpu.memory_space<hbm>> -> memref<128xi32, #tpu.memory_space<hbm>>
          tpu.enqueue_dma source(%dma_start3A_339 : memref<128xi32, #tpu.memory_space<hbm>>) target(%dma_start3A_338 : memref<128xi32, #tpu.memory_space<vmem>>) target_semaphore(%run_scoped3A_331 : memref<!tpu.dma_semaphore, #tpu.memory_space<semaphore_mem>>)
          %dma_wait3A_340 = arith.constant 0 : i32
          %dma_wait3A_341 = tpu.memref_slice %arg16[%run_scoped3A_294, %dma_wait3A_340] : memref<2x128xi32, #tpu.memory_space<vmem>> -> memref<1x128xi32, #tpu.memory_space<vmem>>
          %dma_wait3A_342 = tpu.memref_squeeze %dma_wait3A_341 : memref<1x128xi32, #tpu.memory_space<vmem>> -> memref<128xi32, #tpu.memory_space<vmem>>
          %dma_wait3A_343 = tpu.memref_slice %arg11[%add3A_290] : memref<327680xi32, #tpu.memory_space<hbm>> -> memref<128xi32, #tpu.memory_space<hbm>>
          %dma_wait3A_344 = arith.constant 0 : i32
          %dma_wait3A_345 = tpu.memref_slice %arg16[%run_scoped3A_294, %dma_wait3A_344] : memref<2x128xi32, #tpu.memory_space<vmem>> -> memref<1x128xi32, #tpu.memory_space<vmem>>
          %dma_wait3A_346 = tpu.memref_squeeze %dma_wait3A_345 : memref<1x128xi32, #tpu.memory_space<vmem>> -> memref<128xi32, #tpu.memory_space<vmem>>
          %dma_wait3A_347 = tpu.memref_slice %arg11[%add3A_290] : memref<327680xi32, #tpu.memory_space<hbm>> -> memref<128xi32, #tpu.memory_space<hbm>>
          tpu.wait_dma2 semaphore(%run_scoped3A_331 : memref<!tpu.dma_semaphore, #tpu.memory_space<semaphore_mem>>) src(%dma_wait3A_347 : memref<128xi32, #tpu.memory_space<hbm>>) dst(%dma_wait3A_346 : memref<128xi32, #tpu.memory_space<vmem>>)
          tpu.yield
        }) : () -> ()
        %dma_start3A_295 = arith.constant 0 : i32
        %dma_start3A_296 = arith.constant 0 : i32
        %dma_start3A_297 = arith.constant 0 : i32
        %dma_start3A_298 = arith.constant 0 : i32
        %dma_start3A_299 = tpu.memref_slice %arg17[%dma_start3A_296, %dma_start3A_297, %dma_start3A_298] : memref<2x128x64xf32, #tpu.memory_space<vmem>> -> memref<1x128x64xf32, #tpu.memory_space<vmem>>
        %dma_start3A_300 = tpu.memref_squeeze %dma_start3A_299 : memref<1x128x64xf32, #tpu.memory_space<vmem>> -> memref<128x64xf32, #tpu.memory_space<vmem>>
        %dma_start3A_301 = arith.constant 0 : i32
        %dma_start3A_302 = tpu.memref_slice %arg13[%dma_start3A_295, %dma_start3A_301] : memref<2x128xi32, #tpu.memory_space<vmem>> -> memref<1x128xi32, #tpu.memory_space<vmem>>
        %dma_start3A_303 = tpu.memref_squeeze %dma_start3A_302 : memref<1x128xi32, #tpu.memory_space<vmem>> -> memref<128xi32, #tpu.memory_space<vmem>>
        %dma_start3A_304 = arith.constant 0 : i32
        %dma_start3A_305 = arith.constant 0 : i32
        %dma_start3A_306 = tpu.memref_slice %arg5[%dma_start3A_304, %dma_start3A_305] : memref<20000x64xf32, #tpu.memory_space<hbm>> -> memref<20000x64xf32, #tpu.memory_space<hbm>>
        tpu.enqueue_indirect_dma source(%dma_start3A_306 : memref<20000x64xf32, #tpu.memory_space<hbm>>) target(%dma_start3A_300 : memref<128x64xf32, #tpu.memory_space<vmem>>) offsets(%dma_start3A_303 : memref<128xi32, #tpu.memory_space<vmem>>) semaphore(%arg23 : memref<!tpu.dma_semaphore, #tpu.memory_space<semaphore_mem>>)
        %dma_start3A_307 = arith.constant 0 : i32
        %dma_start3A_308 = arith.constant 0 : i32
        %dma_start3A_309 = arith.constant 0 : i32
        %dma_start3A_310 = arith.constant 0 : i32
        %dma_start3A_311 = tpu.memref_slice %arg18[%dma_start3A_308, %dma_start3A_309, %dma_start3A_310] : memref<2x128x64xf32, #tpu.memory_space<vmem>> -> memref<1x128x64xf32, #tpu.memory_space<vmem>>
        %dma_start3A_312 = tpu.memref_squeeze %dma_start3A_311 : memref<1x128x64xf32, #tpu.memory_space<vmem>> -> memref<128x64xf32, #tpu.memory_space<vmem>>
        %dma_start3A_313 = arith.constant 0 : i32
        %dma_start3A_314 = tpu.memref_slice %arg14[%dma_start3A_307, %dma_start3A_313] : memref<2x128xi32, #tpu.memory_space<vmem>> -> memref<1x128xi32, #tpu.memory_space<vmem>>
        %dma_start3A_315 = tpu.memref_squeeze %dma_start3A_314 : memref<1x128xi32, #tpu.memory_space<vmem>> -> memref<128xi32, #tpu.memory_space<vmem>>
        %dma_start3A_316 = arith.constant 0 : i32
        %dma_start3A_317 = arith.constant 0 : i32
        %dma_start3A_318 = tpu.memref_slice %arg6[%dma_start3A_316, %dma_start3A_317] : memref<20000x64xf32, #tpu.memory_space<hbm>> -> memref<20000x64xf32, #tpu.memory_space<hbm>>
        tpu.enqueue_indirect_dma source(%dma_start3A_318 : memref<20000x64xf32, #tpu.memory_space<hbm>>) target(%dma_start3A_312 : memref<128x64xf32, #tpu.memory_space<vmem>>) offsets(%dma_start3A_315 : memref<128xi32, #tpu.memory_space<vmem>>) semaphore(%arg23 : memref<!tpu.dma_semaphore, #tpu.memory_space<semaphore_mem>>)
        %dma_start3A_319 = arith.constant 0 : i32
        %dma_start3A_320 = arith.constant 0 : i32
        %dma_start3A_321 = arith.constant 0 : i32
        %dma_start3A_322 = arith.constant 0 : i32
        %dma_start3A_323 = tpu.memref_slice %arg19[%dma_start3A_320, %dma_start3A_321, %dma_start3A_322] : memref<2x128x64xf32, #tpu.memory_space<vmem>> -> memref<1x128x64xf32, #tpu.memory_space<vmem>>
        %dma_start3A_324 = tpu.memref_squeeze %dma_start3A_323 : memref<1x128x64xf32, #tpu.memory_space<vmem>> -> memref<128x64xf32, #tpu.memory_space<vmem>>
        %dma_start3A_325 = arith.constant 0 : i32
        %dma_start3A_326 = tpu.memref_slice %arg16[%dma_start3A_319, %dma_start3A_325] : memref<2x128xi32, #tpu.memory_space<vmem>> -> memref<1x128xi32, #tpu.memory_space<vmem>>
        %dma_start3A_327 = tpu.memref_squeeze %dma_start3A_326 : memref<1x128xi32, #tpu.memory_space<vmem>> -> memref<128xi32, #tpu.memory_space<vmem>>
        %dma_start3A_328 = arith.constant 0 : i32
        %dma_start3A_329 = arith.constant 0 : i32
        %dma_start3A_330 = tpu.memref_slice %arg7[%dma_start3A_328, %dma_start3A_329] : memref<983040x64xf32, #tpu.memory_space<hbm>> -> memref<983040x64xf32, #tpu.memory_space<hbm>>
        tpu.enqueue_indirect_dma source(%dma_start3A_330 : memref<983040x64xf32, #tpu.memory_space<hbm>>) target(%dma_start3A_324 : memref<128x64xf32, #tpu.memory_space<vmem>>) offsets(%dma_start3A_327 : memref<128xi32, #tpu.memory_space<vmem>>) semaphore(%arg23 : memref<!tpu.dma_semaphore, #tpu.memory_space<semaphore_mem>>)
      } else {
      }
      %dma_wait3A_236 = arith.constant 1 : i32
      %dma_wait3A_237 = arith.constant 1 : i32
      %dma_wait3A_238 = arith.constant 0 : i32
      %dma_wait3A_239 = arith.constant 0 : i32
      %dma_wait3A_240 = tpu.memref_slice %arg17[%dma_wait3A_237, %dma_wait3A_238, %dma_wait3A_239] : memref<2x128x64xf32, #tpu.memory_space<vmem>> -> memref<1x128x64xf32, #tpu.memory_space<vmem>>
      %dma_wait3A_241 = tpu.memref_squeeze %dma_wait3A_240 : memref<1x128x64xf32, #tpu.memory_space<vmem>> -> memref<128x64xf32, #tpu.memory_space<vmem>>
      %dma_wait3A_242 = arith.constant 0 : i32
      %dma_wait3A_243 = tpu.memref_slice %arg13[%dma_wait3A_236, %dma_wait3A_242] : memref<2x128xi32, #tpu.memory_space<vmem>> -> memref<1x128xi32, #tpu.memory_space<vmem>>
      %dma_wait3A_244 = tpu.memref_squeeze %dma_wait3A_243 : memref<1x128xi32, #tpu.memory_space<vmem>> -> memref<128xi32, #tpu.memory_space<vmem>>
      %dma_wait3A_245 = arith.constant 0 : i32
      %dma_wait3A_246 = arith.constant 0 : i32
      %dma_wait3A_247 = tpu.memref_slice %arg5[%dma_wait3A_245, %dma_wait3A_246] : memref<20000x64xf32, #tpu.memory_space<hbm>> -> memref<20000x64xf32, #tpu.memory_space<hbm>>
      tpu.wait_indirect_dma semaphore(%arg24 : memref<!tpu.dma_semaphore, #tpu.memory_space<semaphore_mem>>) src(%dma_wait3A_247 : memref<20000x64xf32, #tpu.memory_space<hbm>>) dst(%dma_wait3A_241 : memref<128x64xf32, #tpu.memory_space<vmem>>)
      %dma_wait3A_248 = arith.constant 1 : i32
      %dma_wait3A_249 = arith.constant 1 : i32
      %dma_wait3A_250 = arith.constant 0 : i32
      %dma_wait3A_251 = arith.constant 0 : i32
      %dma_wait3A_252 = tpu.memref_slice %arg18[%dma_wait3A_249, %dma_wait3A_250, %dma_wait3A_251] : memref<2x128x64xf32, #tpu.memory_space<vmem>> -> memref<1x128x64xf32, #tpu.memory_space<vmem>>
      %dma_wait3A_253 = tpu.memref_squeeze %dma_wait3A_252 : memref<1x128x64xf32, #tpu.memory_space<vmem>> -> memref<128x64xf32, #tpu.memory_space<vmem>>
      %dma_wait3A_254 = arith.constant 0 : i32
      %dma_wait3A_255 = tpu.memref_slice %arg14[%dma_wait3A_248, %dma_wait3A_254] : memref<2x128xi32, #tpu.memory_space<vmem>> -> memref<1x128xi32, #tpu.memory_space<vmem>>
      %dma_wait3A_256 = tpu.memref_squeeze %dma_wait3A_255 : memref<1x128xi32, #tpu.memory_space<vmem>> -> memref<128xi32, #tpu.memory_space<vmem>>
      %dma_wait3A_257 = arith.constant 0 : i32
      %dma_wait3A_258 = arith.constant 0 : i32
      %dma_wait3A_259 = tpu.memref_slice %arg6[%dma_wait3A_257, %dma_wait3A_258] : memref<20000x64xf32, #tpu.memory_space<hbm>> -> memref<20000x64xf32, #tpu.memory_space<hbm>>
      tpu.wait_indirect_dma semaphore(%arg24 : memref<!tpu.dma_semaphore, #tpu.memory_space<semaphore_mem>>) src(%dma_wait3A_259 : memref<20000x64xf32, #tpu.memory_space<hbm>>) dst(%dma_wait3A_253 : memref<128x64xf32, #tpu.memory_space<vmem>>)
      %dma_wait3A_260 = arith.constant 1 : i32
      %dma_wait3A_261 = arith.constant 1 : i32
      %dma_wait3A_262 = arith.constant 0 : i32
      %dma_wait3A_263 = arith.constant 0 : i32
      %dma_wait3A_264 = tpu.memref_slice %arg19[%dma_wait3A_261, %dma_wait3A_262, %dma_wait3A_263] : memref<2x128x64xf32, #tpu.memory_space<vmem>> -> memref<1x128x64xf32, #tpu.memory_space<vmem>>
      %dma_wait3A_265 = tpu.memref_squeeze %dma_wait3A_264 : memref<1x128x64xf32, #tpu.memory_space<vmem>> -> memref<128x64xf32, #tpu.memory_space<vmem>>
      %dma_wait3A_266 = arith.constant 0 : i32
      %dma_wait3A_267 = tpu.memref_slice %arg16[%dma_wait3A_260, %dma_wait3A_266] : memref<2x128xi32, #tpu.memory_space<vmem>> -> memref<1x128xi32, #tpu.memory_space<vmem>>
      %dma_wait3A_268 = tpu.memref_squeeze %dma_wait3A_267 : memref<1x128xi32, #tpu.memory_space<vmem>> -> memref<128xi32, #tpu.memory_space<vmem>>
      %dma_wait3A_269 = arith.constant 0 : i32
      %dma_wait3A_270 = arith.constant 0 : i32
      %dma_wait3A_271 = tpu.memref_slice %arg7[%dma_wait3A_269, %dma_wait3A_270] : memref<983040x64xf32, #tpu.memory_space<hbm>> -> memref<983040x64xf32, #tpu.memory_space<hbm>>
      tpu.wait_indirect_dma semaphore(%arg24 : memref<!tpu.dma_semaphore, #tpu.memory_space<semaphore_mem>>) src(%dma_wait3A_271 : memref<983040x64xf32, #tpu.memory_space<hbm>>) dst(%dma_wait3A_265 : memref<128x64xf32, #tpu.memory_space<vmem>>)
      %scan3A_272 = arith.constant 0 : i32
      %scan3A_273 = arith.constant 0 : i32
      %scan3A_274 = arith.constant 128 : i32
      %scan3A_275 = arith.addi %scan3A_273, %scan3A_274 : i32
      %scan3A_276 = arith.constant 1 : i32
      %scan3A_277 = scf.for %scan3A_281 = %scan3A_273 to %scan3A_275 step %scan3A_276 iter_args(%scan3A_282 = %scan3A_272) -> (i32)  : i32 {
        %get3A = arith.constant 1 : i32
        %get3A_283 = arith.index_cast %get3A : i32 to index
        %get3A_284 = arith.index_cast %scan3A_281 : i32 to index
        %get3A_285 = arith.constant 0 : index
        %get3A_286 = tpu.vector_load %arg17[%get3A_283, %get3A_284, %get3A_285] {strides = array<i32>} : memref<2x128x64xf32, #tpu.memory_space<vmem>>, vector<1x1x16xf32>,
        %get3A_287 = vector.shape_cast %get3A_286 : vector<1x1x16xf32> to vector<16xf32>
        %get3A_288 = arith.constant 1 : i32
        %get3A_289 = arith.index_cast %get3A_288 : i32 to index
        %get3A_290 = arith.index_cast %scan3A_281 : i32 to index
        %get3A_291 = arith.constant 0 : index
        %get3A_292 = tpu.vector_load %arg18[%get3A_289, %get3A_290, %get3A_291] {strides = array<i32>} : memref<2x128x64xf32, #tpu.memory_space<vmem>>, vector<1x1x16xf32>,
        %get3A_293 = vector.shape_cast %get3A_292 : vector<1x1x16xf32> to vector<16xf32>
        %add3A_294 = arith.addf %get3A_287, %get3A_293 : vector<16xf32>
        %get3A_295 = arith.constant 1 : i32
        %get3A_296 = arith.index_cast %get3A_295 : i32 to index
        %get3A_297 = arith.index_cast %scan3A_281 : i32 to index
        %get3A_298 = arith.constant 0 : index
        %get3A_299 = tpu.vector_load %arg19[%get3A_296, %get3A_297, %get3A_298] {strides = array<i32>} : memref<2x128x64xf32, #tpu.memory_space<vmem>>, vector<1x1x16xf32>,
        %get3A_300 = vector.shape_cast %get3A_299 : vector<1x1x16xf32> to vector<16xf32>
        %add3A_301 = arith.addf %add3A_294, %get3A_300 : vector<16xf32>
        %get3A_302 = arith.constant 1 : i32
        %get3A_303 = arith.index_cast %get3A_302 : i32 to index
        %get3A_304 = arith.index_cast %scan3A_281 : i32 to index
        %get3A_305 = arith.constant 32 : index
        %get3A_306 = tpu.vector_load %arg17[%get3A_303, %get3A_304, %get3A_305] {strides = array<i32>} : memref<2x128x64xf32, #tpu.memory_space<vmem>>, vector<1x1x16xf32>,
        %get3A_307 = vector.shape_cast %get3A_306 : vector<1x1x16xf32> to vector<16xf32>
        %get3A_308 = arith.constant 1 : i32
        %get3A_309 = arith.index_cast %get3A_308 : i32 to index
        %get3A_310 = arith.index_cast %scan3A_281 : i32 to index
        %get3A_311 = arith.constant 32 : index
        %get3A_312 = tpu.vector_load %arg18[%get3A_309, %get3A_310, %get3A_311] {strides = array<i32>} : memref<2x128x64xf32, #tpu.memory_space<vmem>>, vector<1x1x16xf32>,
        %get3A_313 = vector.shape_cast %get3A_312 : vector<1x1x16xf32> to vector<16xf32>
        %add3A_314 = arith.addf %get3A_307, %get3A_313 : vector<16xf32>
        %get3A_315 = arith.constant 1 : i32
        %get3A_316 = arith.index_cast %get3A_315 : i32 to index
        %get3A_317 = arith.index_cast %scan3A_281 : i32 to index
        %get3A_318 = arith.constant 32 : index
        %get3A_319 = tpu.vector_load %arg19[%get3A_316, %get3A_317, %get3A_318] {strides = array<i32>} : memref<2x128x64xf32, #tpu.memory_space<vmem>>, vector<1x1x16xf32>,
        %get3A_320 = vector.shape_cast %get3A_319 : vector<1x1x16xf32> to vector<16xf32>
        %add3A_321 = arith.addf %add3A_314, %get3A_320 : vector<16xf32>
        %neg3A = arith.constant 0.000000e+00 : f32
        %neg3A_322 = vector.broadcast %neg3A : f32 to vector<16xf32>
        %neg3A_323 = arith.subf %neg3A_322, %add3A_301 : vector<16xf32>
        %min3A = arith.constant 8.000000e+01 : f32
        %min3A_324 = vector.broadcast %min3A : f32 to vector<16xf32>
        %min3A_325 = arith.minimumf %neg3A_323, %min3A_324 : vector<16xf32>
        %exp3A = math.exp %min3A_325 : vector<16xf32>
        %add3A_326 = arith.constant 1.000000e+00 : f32
        %add3A_327 = vector.broadcast %add3A_326 : f32 to vector<16xf32>
        %add3A_328 = arith.addf %add3A_327, %exp3A : vector<16xf32>
        %div3A = arith.constant 1.000000e+00 : f32
        %div3A_329 = vector.broadcast %div3A : f32 to vector<16xf32>
        %div3A_330 = arith.divf %div3A_329, %add3A_328 : vector<16xf32>
        %abs3A = math.absf %add3A_321 : vector<16xf32>
        %neg3A_331 = arith.constant 0.000000e+00 : f32
        %neg3A_332 = vector.broadcast %neg3A_331 : f32 to vector<16xf32>
        %neg3A_333 = arith.subf %neg3A_332, %abs3A : vector<16xf32>
        %max3A = arith.constant -8.000000e+01 : f32
        %max3A_334 = vector.broadcast %max3A : f32 to vector<16xf32>
        %max3A_335 = arith.maximumf %neg3A_333, %max3A_334 : vector<16xf32>
        %exp3A_336 = math.exp %max3A_335 : vector<16xf32>
        %add3A_337 = arith.constant 1.000000e+00 : f32
        %add3A_338 = vector.broadcast %add3A_337 : f32 to vector<16xf32>
        %add3A_339 = arith.addf %add3A_338, %exp3A_336 : vector<16xf32>
        %max3A_340 = arith.constant 0.000000e+00 : f32
        %max3A_341 = vector.broadcast %max3A_340 : f32 to vector<16xf32>
        %max3A_342 = arith.maximumf %add3A_321, %max3A_341 : vector<16xf32>
        %bitcast_convert_type3A = tpu.bitcast %add3A_339 : vector<16xf32> -> vector<16xi32>
        %shift_right_arithmetic3A = arith.constant 23 : i32
        %shift_right_arithmetic3A_343 = vector.broadcast %shift_right_arithmetic3A : i32 to vector<16xi32>
        %shift_right_arithmetic3A_344 = arith.shrsi %bitcast_convert_type3A, %shift_right_arithmetic3A_343 : vector<16xi32>
        %and3A = arith.constant 255 : i32
        %and3A_345 = vector.broadcast %and3A : i32 to vector<16xi32>
        %and3A_346 = arith.andi %shift_right_arithmetic3A_344, %and3A_345 : vector<16xi32>
        %sub3A = arith.constant 127 : i32
        %sub3A_347 = vector.broadcast %sub3A : i32 to vector<16xi32>
        %sub3A_348 = arith.subi %and3A_346, %sub3A_347 : vector<16xi32>
        %and3A_349 = arith.constant 8388607 : i32
        %and3A_350 = vector.broadcast %and3A_349 : i32 to vector<16xi32>
        %and3A_351 = arith.andi %bitcast_convert_type3A, %and3A_350 : vector<16xi32>
        %or3A = arith.constant 1065353216 : i32
        %or3A_352 = vector.broadcast %or3A : i32 to vector<16xi32>
        %or3A_353 = arith.ori %and3A_351, %or3A_352 : vector<16xi32>
        %bitcast_convert_type3A_354 = tpu.bitcast %or3A_353 : vector<16xi32> -> vector<16xf32>
        %ge3A = arith.constant 1.500000e+00 : f32
        %ge3A_355 = vector.broadcast %ge3A : f32 to vector<16xf32>
        %ge3A_356 = arith.cmpf oge, %bitcast_convert_type3A_354, %ge3A_355 : vector<16xf32>
        %mul3A_357 = arith.constant 5.000000e-01 : f32
        %mul3A_358 = vector.broadcast %mul3A_357 : f32 to vector<16xf32>
        %mul3A_359 = arith.mulf %bitcast_convert_type3A_354, %mul3A_358 : vector<16xf32>
        %select_n3A = arith.select %ge3A_356, %mul3A_359, %bitcast_convert_type3A_354 : vector<16xi1>, vector<16xf32>
        %convert_element_type3A_360 = arith.sitofp %sub3A_348 : vector<16xi32> to vector<16xf32>
        %jit3A = arith.constant 1.000000e+00 : f32
        %jit3A_361 = arith.constant 0.000000e+00 : f32
        %broadcast_in_dim3A_362 = vector.broadcast %jit3A : f32 to vector<16xf32>
        %broadcast_in_dim3A_363 = vector.broadcast %jit3A_361 : f32 to vector<16xf32>
        %select_n3A_364 = arith.select %ge3A_356, %broadcast_in_dim3A_362, %broadcast_in_dim3A_363 : vector<16xi1>, vector<16xf32>
        %add3A_365 = arith.addf %convert_element_type3A_360, %select_n3A_364 : vector<16xf32>
        %sub3A_366 = arith.constant 1.000000e+00 : f32
        %sub3A_367 = vector.broadcast %sub3A_366 : f32 to vector<16xf32>
        %sub3A_368 = arith.subf %select_n3A, %sub3A_367 : vector<16xf32>
        %add3A_369 = arith.constant 1.000000e+00 : f32
        %add3A_370 = vector.broadcast %add3A_369 : f32 to vector<16xf32>
        %add3A_371 = arith.addf %select_n3A, %add3A_370 : vector<16xf32>
        %div3A_372 = arith.divf %sub3A_368, %add3A_371 : vector<16xf32>
        %mul3A_373 = arith.mulf %div3A_372, %div3A_372 : vector<16xf32>
        %mul3A_374 = arith.constant 0.285714298 : f32
        %mul3A_375 = vector.broadcast %mul3A_374 : f32 to vector<16xf32>
        %mul3A_376 = arith.mulf %mul3A_373, %mul3A_375 : vector<16xf32>
        %add3A_377 = arith.constant 4.000000e-01 : f32
        %add3A_378 = vector.broadcast %add3A_377 : f32 to vector<16xf32>
        %add3A_379 = arith.addf %add3A_378, %mul3A_376 : vector<16xf32>
        %mul3A_380 = arith.mulf %mul3A_373, %add3A_379 : vector<16xf32>
        %add3A_381 = arith.constant 0.666666686 : f32
        %add3A_382 = vector.broadcast %add3A_381 : f32 to vector<16xf32>
        %add3A_383 = arith.addf %add3A_382, %mul3A_380 : vector<16xf32>
        %mul3A_384 = arith.mulf %mul3A_373, %add3A_383 : vector<16xf32>
        %add3A_385 = arith.constant 2.000000e+00 : f32
        %add3A_386 = vector.broadcast %add3A_385 : f32 to vector<16xf32>
        %add3A_387 = arith.addf %add3A_386, %mul3A_384 : vector<16xf32>
        %mul3A_388 = arith.mulf %div3A_372, %add3A_387 : vector<16xf32>
        %mul3A_389 = arith.constant 0.693147182 : f32
        %mul3A_390 = vector.broadcast %mul3A_389 : f32 to vector<16xf32>
        %mul3A_391 = arith.mulf %add3A_365, %mul3A_390 : vector<16xf32>
        %add3A_392 = arith.addf %mul3A_391, %mul3A_388 : vector<16xf32>
        %add3A_393 = arith.addf %max3A_342, %add3A_392 : vector<16xf32>
        %mul3A_394 = arith.mulf %div3A_330, %add3A_393 : vector<16xf32>
        %swap3A = arith.index_cast %scan3A_281 : i32 to index
        %swap3A_395 = arith.constant 0 : index
        %swap3A_396 = tpu.vector_load %arg20[%swap3A, %swap3A_395] {strides = array<i32>} : memref<128x32xf32, #tpu.memory_space<vmem>>, vector<1x16xf32>,
        %swap3A_397 = vector.shape_cast %swap3A_396 : vector<1x16xf32> to vector<16xf32>
        %swap3A_398 = vector.shape_cast %mul3A_394 : vector<16xf32> to vector<1x16xf32>
        tpu.vector_store %arg20[%swap3A, %swap3A_395], %swap3A_398 {strides = array<i32>} : memref<128x32xf32, #tpu.memory_space<vmem>>, vector<1x16xf32>,
        %get3A_399 = arith.constant 1 : i32
        %get3A_400 = arith.index_cast %get3A_399 : i32 to index
        %get3A_401 = arith.index_cast %scan3A_281 : i32 to index
        %get3A_402 = arith.constant 16 : index
        %get3A_403 = tpu.vector_load %arg17[%get3A_400, %get3A_401, %get3A_402] {strides = array<i32>} : memref<2x128x64xf32, #tpu.memory_space<vmem>>, vector<1x1x16xf32>,
        %get3A_404 = vector.shape_cast %get3A_403 : vector<1x1x16xf32> to vector<16xf32>
        %get3A_405 = arith.constant 1 : i32
        %get3A_406 = arith.index_cast %get3A_405 : i32 to index
        %get3A_407 = arith.index_cast %scan3A_281 : i32 to index
        %get3A_408 = arith.constant 16 : index
        %get3A_409 = tpu.vector_load %arg18[%get3A_406, %get3A_407, %get3A_408] {strides = array<i32>} : memref<2x128x64xf32, #tpu.memory_space<vmem>>, vector<1x1x16xf32>,
        %get3A_410 = vector.shape_cast %get3A_409 : vector<1x1x16xf32> to vector<16xf32>
        %add3A_411 = arith.addf %get3A_404, %get3A_410 : vector<16xf32>
        %get3A_412 = arith.constant 1 : i32
        %get3A_413 = arith.index_cast %get3A_412 : i32 to index
        %get3A_414 = arith.index_cast %scan3A_281 : i32 to index
        %get3A_415 = arith.constant 16 : index
        %get3A_416 = tpu.vector_load %arg19[%get3A_413, %get3A_414, %get3A_415] {strides = array<i32>} : memref<2x128x64xf32, #tpu.memory_space<vmem>>, vector<1x1x16xf32>,
        %get3A_417 = vector.shape_cast %get3A_416 : vector<1x1x16xf32> to vector<16xf32>
        %add3A_418 = arith.addf %add3A_411, %get3A_417 : vector<16xf32>
        %get3A_419 = arith.constant 1 : i32
        %get3A_420 = arith.index_cast %get3A_419 : i32 to index
        %get3A_421 = arith.index_cast %scan3A_281 : i32 to index
        %get3A_422 = arith.constant 48 : index
        %get3A_423 = tpu.vector_load %arg17[%get3A_420, %get3A_421, %get3A_422] {strides = array<i32>} : memref<2x128x64xf32, #tpu.memory_space<vmem>>, vector<1x1x16xf32>,
        %get3A_424 = vector.shape_cast %get3A_423 : vector<1x1x16xf32> to vector<16xf32>
        %get3A_425 = arith.constant 1 : i32
        %get3A_426 = arith.index_cast %get3A_425 : i32 to index
        %get3A_427 = arith.index_cast %scan3A_281 : i32 to index
        %get3A_428 = arith.constant 48 : index
        %get3A_429 = tpu.vector_load %arg18[%get3A_426, %get3A_427, %get3A_428] {strides = array<i32>} : memref<2x128x64xf32, #tpu.memory_space<vmem>>, vector<1x1x16xf32>,
        %get3A_430 = vector.shape_cast %get3A_429 : vector<1x1x16xf32> to vector<16xf32>
        %add3A_431 = arith.addf %get3A_424, %get3A_430 : vector<16xf32>
        %get3A_432 = arith.constant 1 : i32
        %get3A_433 = arith.index_cast %get3A_432 : i32 to index
        %get3A_434 = arith.index_cast %scan3A_281 : i32 to index
        %get3A_435 = arith.constant 48 : index
        %get3A_436 = tpu.vector_load %arg19[%get3A_433, %get3A_434, %get3A_435] {strides = array<i32>} : memref<2x128x64xf32, #tpu.memory_space<vmem>>, vector<1x1x16xf32>,
        %get3A_437 = vector.shape_cast %get3A_436 : vector<1x1x16xf32> to vector<16xf32>
        %add3A_438 = arith.addf %add3A_431, %get3A_437 : vector<16xf32>
        %neg3A_439 = arith.constant 0.000000e+00 : f32
        %neg3A_440 = vector.broadcast %neg3A_439 : f32 to vector<16xf32>
        %neg3A_441 = arith.subf %neg3A_440, %add3A_418 : vector<16xf32>
        %min3A_442 = arith.constant 8.000000e+01 : f32
        %min3A_443 = vector.broadcast %min3A_442 : f32 to vector<16xf32>
        %min3A_444 = arith.minimumf %neg3A_441, %min3A_443 : vector<16xf32>
        %exp3A_445 = math.exp %min3A_444 : vector<16xf32>
        %add3A_446 = arith.constant 1.000000e+00 : f32
        %add3A_447 = vector.broadcast %add3A_446 : f32 to vector<16xf32>
        %add3A_448 = arith.addf %add3A_447, %exp3A_445 : vector<16xf32>
        %div3A_449 = arith.constant 1.000000e+00 : f32
        %div3A_450 = vector.broadcast %div3A_449 : f32 to vector<16xf32>
        %div3A_451 = arith.divf %div3A_450, %add3A_448 : vector<16xf32>
        %abs3A_452 = math.absf %add3A_438 : vector<16xf32>
        %neg3A_453 = arith.constant 0.000000e+00 : f32
        %neg3A_454 = vector.broadcast %neg3A_453 : f32 to vector<16xf32>
        %neg3A_455 = arith.subf %neg3A_454, %abs3A_452 : vector<16xf32>
        %max3A_456 = arith.constant -8.000000e+01 : f32
        %max3A_457 = vector.broadcast %max3A_456 : f32 to vector<16xf32>
        %max3A_458 = arith.maximumf %neg3A_455, %max3A_457 : vector<16xf32>
        %exp3A_459 = math.exp %max3A_458 : vector<16xf32>
        %add3A_460 = arith.constant 1.000000e+00 : f32
        %add3A_461 = vector.broadcast %add3A_460 : f32 to vector<16xf32>
        %add3A_462 = arith.addf %add3A_461, %exp3A_459 : vector<16xf32>
        %max3A_463 = arith.constant 0.000000e+00 : f32
        %max3A_464 = vector.broadcast %max3A_463 : f32 to vector<16xf32>
        %max3A_465 = arith.maximumf %add3A_438, %max3A_464 : vector<16xf32>
        %bitcast_convert_type3A_466 = tpu.bitcast %add3A_462 : vector<16xf32> -> vector<16xi32>
        %shift_right_arithmetic3A_467 = arith.constant 23 : i32
        %shift_right_arithmetic3A_468 = vector.broadcast %shift_right_arithmetic3A_467 : i32 to vector<16xi32>
        %shift_right_arithmetic3A_469 = arith.shrsi %bitcast_convert_type3A_466, %shift_right_arithmetic3A_468 : vector<16xi32>
        %and3A_470 = arith.constant 255 : i32
        %and3A_471 = vector.broadcast %and3A_470 : i32 to vector<16xi32>
        %and3A_472 = arith.andi %shift_right_arithmetic3A_469, %and3A_471 : vector<16xi32>
        %sub3A_473 = arith.constant 127 : i32
        %sub3A_474 = vector.broadcast %sub3A_473 : i32 to vector<16xi32>
        %sub3A_475 = arith.subi %and3A_472, %sub3A_474 : vector<16xi32>
        %and3A_476 = arith.constant 8388607 : i32
        %and3A_477 = vector.broadcast %and3A_476 : i32 to vector<16xi32>
        %and3A_478 = arith.andi %bitcast_convert_type3A_466, %and3A_477 : vector<16xi32>
        %or3A_479 = arith.constant 1065353216 : i32
        %or3A_480 = vector.broadcast %or3A_479 : i32 to vector<16xi32>
        %or3A_481 = arith.ori %and3A_478, %or3A_480 : vector<16xi32>
        %bitcast_convert_type3A_482 = tpu.bitcast %or3A_481 : vector<16xi32> -> vector<16xf32>
        %ge3A_483 = arith.constant 1.500000e+00 : f32
        %ge3A_484 = vector.broadcast %ge3A_483 : f32 to vector<16xf32>
        %ge3A_485 = arith.cmpf oge, %bitcast_convert_type3A_482, %ge3A_484 : vector<16xf32>
        %mul3A_486 = arith.constant 5.000000e-01 : f32
        %mul3A_487 = vector.broadcast %mul3A_486 : f32 to vector<16xf32>
        %mul3A_488 = arith.mulf %bitcast_convert_type3A_482, %mul3A_487 : vector<16xf32>
        %select_n3A_489 = arith.select %ge3A_485, %mul3A_488, %bitcast_convert_type3A_482 : vector<16xi1>, vector<16xf32>
        %convert_element_type3A_490 = arith.sitofp %sub3A_475 : vector<16xi32> to vector<16xf32>
        %jit3A_491 = arith.constant 1.000000e+00 : f32
        %jit3A_492 = arith.constant 0.000000e+00 : f32
        %broadcast_in_dim3A_493 = vector.broadcast %jit3A_491 : f32 to vector<16xf32>
        %broadcast_in_dim3A_494 = vector.broadcast %jit3A_492 : f32 to vector<16xf32>
        %select_n3A_495 = arith.select %ge3A_485, %broadcast_in_dim3A_493, %broadcast_in_dim3A_494 : vector<16xi1>, vector<16xf32>
        %add3A_496 = arith.addf %convert_element_type3A_490, %select_n3A_495 : vector<16xf32>
        %sub3A_497 = arith.constant 1.000000e+00 : f32
        %sub3A_498 = vector.broadcast %sub3A_497 : f32 to vector<16xf32>
        %sub3A_499 = arith.subf %select_n3A_489, %sub3A_498 : vector<16xf32>
        %add3A_500 = arith.constant 1.000000e+00 : f32
        %add3A_501 = vector.broadcast %add3A_500 : f32 to vector<16xf32>
        %add3A_502 = arith.addf %select_n3A_489, %add3A_501 : vector<16xf32>
        %div3A_503 = arith.divf %sub3A_499, %add3A_502 : vector<16xf32>
        %mul3A_504 = arith.mulf %div3A_503, %div3A_503 : vector<16xf32>
        %mul3A_505 = arith.constant 0.285714298 : f32
        %mul3A_506 = vector.broadcast %mul3A_505 : f32 to vector<16xf32>
        %mul3A_507 = arith.mulf %mul3A_504, %mul3A_506 : vector<16xf32>
        %add3A_508 = arith.constant 4.000000e-01 : f32
        %add3A_509 = vector.broadcast %add3A_508 : f32 to vector<16xf32>
        %add3A_510 = arith.addf %add3A_509, %mul3A_507 : vector<16xf32>
        %mul3A_511 = arith.mulf %mul3A_504, %add3A_510 : vector<16xf32>
        %add3A_512 = arith.constant 0.666666686 : f32
        %add3A_513 = vector.broadcast %add3A_512 : f32 to vector<16xf32>
        %add3A_514 = arith.addf %add3A_513, %mul3A_511 : vector<16xf32>
        %mul3A_515 = arith.mulf %mul3A_504, %add3A_514 : vector<16xf32>
        %add3A_516 = arith.constant 2.000000e+00 : f32
        %add3A_517 = vector.broadcast %add3A_516 : f32 to vector<16xf32>
        %add3A_518 = arith.addf %add3A_517, %mul3A_515 : vector<16xf32>
        %mul3A_519 = arith.mulf %div3A_503, %add3A_518 : vector<16xf32>
        %mul3A_520 = arith.constant 0.693147182 : f32
        %mul3A_521 = vector.broadcast %mul3A_520 : f32 to vector<16xf32>
        %mul3A_522 = arith.mulf %add3A_496, %mul3A_521 : vector<16xf32>
        %add3A_523 = arith.addf %mul3A_522, %mul3A_519 : vector<16xf32>
        %add3A_524 = arith.addf %max3A_465, %add3A_523 : vector<16xf32>
        %mul3A_525 = arith.mulf %div3A_451, %add3A_524 : vector<16xf32>
        %swap3A_526 = arith.index_cast %scan3A_281 : i32 to index
        %swap3A_527 = arith.constant 16 : index
        %swap3A_528 = tpu.vector_load %arg20[%swap3A_526, %swap3A_527] {strides = array<i32>} : memref<128x32xf32, #tpu.memory_space<vmem>>, vector<1x16xf32>,
        %swap3A_529 = vector.shape_cast %swap3A_528 : vector<1x16xf32> to vector<16xf32>
        %swap3A_530 = vector.shape_cast %mul3A_525 : vector<16xf32> to vector<1x16xf32>
        tpu.vector_store %arg20[%swap3A_526, %swap3A_527], %swap3A_530 {strides = array<i32>} : memref<128x32xf32, #tpu.memory_space<vmem>>, vector<1x16xf32>,
        %scan3A_531 = arith.constant 0 : i32
        scf.yield %scan3A_531 : i32
      }
      %scan3A_278 = arith.constant 128 : i32
      %run_scoped3A_279 = arith.constant 1 : i32
      "tpu.region"() ({
        %run_scoped3A_281 = tpu.sem_alloc : memref<!tpu.dma_semaphore, #tpu.memory_space<semaphore_mem>>
        %dma_start3A_282 = arith.constant 0 : i32
        %dma_start3A_283 = tpu.memref_slice %arg15[%run_scoped3A_279, %dma_start3A_282] : memref<2x128xi32, #tpu.memory_space<vmem>> -> memref<1x128xi32, #tpu.memory_space<vmem>>
        %dma_start3A_284 = tpu.memref_squeeze %dma_start3A_283 : memref<1x128xi32, #tpu.memory_space<vmem>> -> memref<128xi32, #tpu.memory_space<vmem>>
        %dma_start3A_285 = arith.constant 0 : i32
        %dma_start3A_286 = arith.constant 0 : i32
        %dma_start3A_287 = tpu.memref_slice %arg22[%dma_start3A_285, %dma_start3A_286] : memref<10112x32xf32, #tpu.memory_space<vmem_shared>> -> memref<10112x32xf32, #tpu.memory_space<vmem_shared>>
        tpu.enqueue_indirect_dma source(%arg20 : memref<128x32xf32, #tpu.memory_space<vmem>>) target(%dma_start3A_287 : memref<10112x32xf32, #tpu.memory_space<vmem_shared>>) offsets(%dma_start3A_284 : memref<128xi32, #tpu.memory_space<vmem>>) semaphore(%run_scoped3A_281 : memref<!tpu.dma_semaphore, #tpu.memory_space<semaphore_mem>>) {add = true}
        %dma_wait3A_288 = arith.constant 0 : i32
        %dma_wait3A_289 = tpu.memref_slice %arg15[%run_scoped3A_279, %dma_wait3A_288] : memref<2x128xi32, #tpu.memory_space<vmem>> -> memref<1x128xi32, #tpu.memory_space<vmem>>
        %dma_wait3A_290 = tpu.memref_squeeze %dma_wait3A_289 : memref<1x128xi32, #tpu.memory_space<vmem>> -> memref<128xi32, #tpu.memory_space<vmem>>
        %dma_wait3A_291 = arith.constant 0 : i32
        %dma_wait3A_292 = arith.constant 0 : i32
        %dma_wait3A_293 = tpu.memref_slice %arg22[%dma_wait3A_291, %dma_wait3A_292] : memref<10112x32xf32, #tpu.memory_space<vmem_shared>> -> memref<10112x32xf32, #tpu.memory_space<vmem_shared>>
        tpu.wait_indirect_dma semaphore(%run_scoped3A_281 : memref<!tpu.dma_semaphore, #tpu.memory_space<semaphore_mem>>) src(%arg20 : memref<128x32xf32, #tpu.memory_space<vmem>>) dst(%dma_wait3A_293 : memref<10112x32xf32, #tpu.memory_space<vmem_shared>>)
        tpu.yield
      }) : () -> ()
      %scan3A_280 = arith.constant 0 : i32
      scf.yield %scan3A_280 : i32
    }
    %scan3A_129 = arith.constant 40 : i32
    %barrier3A_130 = arith.constant 0 : index
    tpu.barrier barrier_id(%barrier3A_130)
    %mul3A_131 = arith.constant 632 : i32
    %mul3A_132 = arith.muli %arg1, %mul3A_131 : i32
    %mul3A_133 = arith.constant 632 : i32
    %mul3A_134 = arith.muli %arg1, %mul3A_133 : i32
    %run_scoped3A_135 = arith.constant 1 : i32
    "tpu.region"() ({
      %run_scoped3A_137 = tpu.sem_alloc : memref<!tpu.dma_semaphore, #tpu.memory_space<semaphore_mem>>
      %dma_start3A_138 = arith.constant 0 : i32
      %dma_start3A_139 = tpu.memref_slice %arg12[%arg0, %run_scoped3A_135, %mul3A_134, %dma_start3A_138] : memref<2x2x10112x32xf32, #tpu.memory_space<hbm>> -> memref<1x1x632x32xf32, #tpu.memory_space<hbm>>
      %dma_start3A_140 = tpu.memref_squeeze %dma_start3A_139 : memref<1x1x632x32xf32, #tpu.memory_space<hbm>> -> memref<632x32xf32, #tpu.memory_space<hbm>>
      %dma_start3A_141 = arith.constant 0 : i32
      %dma_start3A_142 = tpu.memref_slice %arg22[%mul3A_132, %dma_start3A_141] : memref<10112x32xf32, #tpu.memory_space<vmem_shared>> -> memref<632x32xf32, #tpu.memory_space<vmem_shared>>
      tpu.enqueue_dma source(%dma_start3A_142 : memref<632x32xf32, #tpu.memory_space<vmem_shared>>) target(%dma_start3A_140 : memref<632x32xf32, #tpu.memory_space<hbm>>) target_semaphore(%run_scoped3A_137 : memref<!tpu.dma_semaphore, #tpu.memory_space<semaphore_mem>>)
      %dma_wait3A = arith.constant 0 : i32
      %dma_wait3A_143 = tpu.memref_slice %arg12[%arg0, %run_scoped3A_135, %mul3A_134, %dma_wait3A] : memref<2x2x10112x32xf32, #tpu.memory_space<hbm>> -> memref<1x1x632x32xf32, #tpu.memory_space<hbm>>
      %dma_wait3A_144 = tpu.memref_squeeze %dma_wait3A_143 : memref<1x1x632x32xf32, #tpu.memory_space<hbm>> -> memref<632x32xf32, #tpu.memory_space<hbm>>
      %dma_wait3A_145 = arith.constant 0 : i32
      %dma_wait3A_146 = tpu.memref_slice %arg22[%mul3A_132, %dma_wait3A_145] : memref<10112x32xf32, #tpu.memory_space<vmem_shared>> -> memref<632x32xf32, #tpu.memory_space<vmem_shared>>
      tpu.wait_dma2 semaphore(%run_scoped3A_137 : memref<!tpu.dma_semaphore, #tpu.memory_space<semaphore_mem>>) src(%dma_wait3A_146 : memref<632x32xf32, #tpu.memory_space<vmem_shared>>) dst(%dma_wait3A_144 : memref<632x32xf32, #tpu.memory_space<hbm>>)
      tpu.yield
    }) : () -> ()
    %barrier3A_136 = arith.constant 0 : index
    tpu.barrier barrier_id(%barrier3A_136)
    return
  }
}

module attributes {stable_mosaic.version = 14 : i64} {
  func.func @_eproj_body(%arg0: i32, %arg1: i32, %arg2: i32, %arg3: memref<2048x16xf32, #tpu.memory_space<vmem>>, %arg4: memref<1x1x16x128xf32, #tpu.memory_space<vmem>>, %arg5: memref<1x1x1x128xf32, #tpu.memory_space<vmem>>, %arg6: memref<2048x64xf32, #tpu.memory_space<vmem>>, %arg7: memref<2048x64xf32, #tpu.memory_space<vmem>>) attributes {dimension_semantics = [#tpu.dimension_semantics<arbitrary>, #tpu.dimension_semantics<arbitrary>, #tpu.dimension_semantics<arbitrary>], iteration_bounds = array<i64: 2, 3, 80>, scalar_prefetch = 0 : i64, scratch_operands = 0 : i64, tpu.core_type = #tpu.core_type<tc>, window_params = [{transform_indices = @transform_0, window_bounds = array<i64: 2048, 16>}, {transform_indices = @transform_1, window_bounds = array<i64: 1, 1, 16, 128>}, {transform_indices = @transform_2, window_bounds = array<i64: 1, 1, 1, 128>}, {transform_indices = @transform_3, window_bounds = array<i64: 2048, 64>}, {transform_indices = @transform_4, window_bounds = array<i64: 2048, 64>}]} {
    %get3A = arith.constant 0 : index
    %get3A_0 = arith.constant 0 : index
    %get3A_1 = vector.load %arg3[%get3A, %get3A_0] : memref<2048x16xf32, #tpu.memory_space<vmem>>, vector<2048x16xf32>
    %get3A_2 = arith.constant 0 : index
    %get3A_3 = arith.constant 0 : index
    %get3A_4 = arith.constant 0 : index
    %get3A_5 = arith.constant 0 : index
    %get3A_6 = vector.load %arg4[%get3A_2, %get3A_3, %get3A_4, %get3A_5] : memref<1x1x16x128xf32, #tpu.memory_space<vmem>>, vector<1x1x16x128xf32>
    %get3A_7 = vector.shape_cast %get3A_6 : vector<1x1x16x128xf32> to vector<16x128xf32>
    %dot_general3A = arith.constant dense<0.000000e+00> : vector<2048x128xf32>
    %dot_general3A_8 = tpu.matmul %get3A_1, %get3A_7, %dot_general3A {dimension_numbers = #tpu.dot_dimension_numbers<[1], [0], [0], [1], [0, 0, 1, 1], [], []>, precision = #tpu.contract_precision<fp32>, transpose_lhs_hint = false} : vector<2048x16xf32>, vector<16x128xf32>, vector<2048x128xf32> -> vector<2048x128xf32>
    %get3A_9 = arith.constant 0 : index
    %get3A_10 = arith.constant 0 : index
    %get3A_11 = arith.constant 0 : index
    %get3A_12 = arith.constant 0 : index
    %get3A_13 = vector.load %arg5[%get3A_9, %get3A_10, %get3A_11, %get3A_12] : memref<1x1x1x128xf32, #tpu.memory_space<vmem>>, vector<1x1x1x128xf32>
    %get3A_14 = vector.shape_cast %get3A_13 : vector<1x1x1x128xf32> to vector<1x128xf32>
    %add3A = vector.broadcast %get3A_14 : vector<1x128xf32> to vector<2048x128xf32>
    %add3A_15 = arith.addf %dot_general3A_8, %add3A : vector<2048x128xf32>
    %slice3A = vector.extract_strided_slice %add3A_15 {offsets = [0, 0], sizes = [2048, 64], strides = [1, 1]} : vector<2048x128xf32> to vector<2048x64xf32>
    %swap3A = arith.constant 0 : index
    %swap3A_16 = arith.constant 0 : index
    %swap3A_17 = vector.load %arg6[%swap3A, %swap3A_16] : memref<2048x64xf32, #tpu.memory_space<vmem>>, vector<2048x64xf32>
    tpu.vector_store %arg6[%swap3A, %swap3A_16], %slice3A {strides = array<i32>} : memref<2048x64xf32, #tpu.memory_space<vmem>>, vector<2048x64xf32>,
    %slice3A_18 = vector.extract_strided_slice %add3A_15 {offsets = [0, 64], sizes = [2048, 64], strides = [1, 1]} : vector<2048x128xf32> to vector<2048x64xf32>
    %swap3A_19 = arith.constant 0 : index
    %swap3A_20 = arith.constant 0 : index
    %swap3A_21 = vector.load %arg7[%swap3A_19, %swap3A_20] : memref<2048x64xf32, #tpu.memory_space<vmem>>, vector<2048x64xf32>
    tpu.vector_store %arg7[%swap3A_19, %swap3A_20], %slice3A_18 {strides = array<i32>} : memref<2048x64xf32, #tpu.memory_space<vmem>>, vector<2048x64xf32>,
    return
  }
  func.func @transform_0(%arg0: i32, %arg1: i32, %arg2: i32) -> (i32, i32) {
    %mul3A = arith.constant 80 : i32
    %mul3A_0 = arith.muli %arg0, %mul3A : i32
    %add3A = arith.addi %mul3A_0, %arg2 : i32
    %c0_i32 = arith.constant 0 : i32
    %c0_i32_1 = arith.constant 0 : i32
    return %add3A, %c0_i32 : i32, i32
  }
  func.func @transform_1(%arg0: i32, %arg1: i32, %arg2: i32) -> (i32, i32, i32, i32) {
    %c0_i32 = arith.constant 0 : i32
    %c0_i32_0 = arith.constant 0 : i32
    %c0_i32_1 = arith.constant 0 : i32
    return %arg0, %arg1, %c0_i32, %c0_i32_0 : i32, i32, i32, i32
  }
  func.func @transform_2(%arg0: i32, %arg1: i32, %arg2: i32) -> (i32, i32, i32, i32) {
    %c0_i32 = arith.constant 0 : i32
    %c0_i32_0 = arith.constant 0 : i32
    %c0_i32_1 = arith.constant 0 : i32
    return %arg0, %arg1, %c0_i32, %c0_i32_0 : i32, i32, i32, i32
  }
  func.func @transform_3(%arg0: i32, %arg1: i32, %arg2: i32) -> (i32, i32) {
    %mul3A = arith.constant 3 : i32
    %mul3A_0 = arith.muli %arg0, %mul3A : i32
    %add3A = arith.addi %mul3A_0, %arg1 : i32
    %mul3A_1 = arith.constant 80 : i32
    %mul3A_2 = arith.muli %add3A, %mul3A_1 : i32
    %add3A_3 = arith.addi %mul3A_2, %arg2 : i32
    %c0_i32 = arith.constant 0 : i32
    %c0_i32_4 = arith.constant 0 : i32
    return %add3A_3, %c0_i32 : i32, i32
  }
  func.func @transform_4(%arg0: i32, %arg1: i32, %arg2: i32) -> (i32, i32) {
    %mul3A = arith.constant 3 : i32
    %mul3A_0 = arith.muli %arg0, %mul3A : i32
    %add3A = arith.addi %mul3A_0, %arg1 : i32
    %mul3A_1 = arith.constant 80 : i32
    %mul3A_2 = arith.muli %add3A, %mul3A_1 : i32
    %add3A_3 = arith.addi %mul3A_2, %arg2 : i32
    %c0_i32 = arith.constant 0 : i32
    %c0_i32_4 = arith.constant 0 : i32
    return %add3A_3, %c0_i32 : i32, i32
  }
}

module attributes {stable_mosaic.version = 14 : i64} {
  func.func @_embed_body(%arg0: i32, %arg1: i32, %arg2: memref<2000x128xf32, #tpu.memory_space<vmem>>, %arg3: memref<1x128x64xf32, #tpu.memory_space<vmem>>, %arg4: memref<1x1x64xf32, #tpu.memory_space<vmem>>, %arg5: memref<1x64x128xf32, #tpu.memory_space<vmem>>, %arg6: memref<1x64x128xf32, #tpu.memory_space<vmem>>, %arg7: memref<2000x64xf32, #tpu.memory_space<vmem>>, %arg8: memref<2000x64xf32, #tpu.memory_space<vmem>>, %arg9: memref<2000x64xf32, #tpu.memory_space<vmem>>, %arg10: memref<2000x64xf32, #tpu.memory_space<vmem>>, %arg11: memref<2000x64xf32, #tpu.memory_space<vmem>>) attributes {dimension_semantics = [#tpu.dimension_semantics<arbitrary>, #tpu.dimension_semantics<arbitrary>], iteration_bounds = array<i64: 2, 5>, scalar_prefetch = 0 : i64, scratch_operands = 0 : i64, tpu.core_type = #tpu.core_type<tc>, window_params = [{transform_indices = @transform_0, window_bounds = array<i64: 2000, 128>}, {transform_indices = @transform_1, window_bounds = array<i64: 1, 128, 64>}, {transform_indices = @transform_2, window_bounds = array<i64: 1, 1, 64>}, {transform_indices = @transform_3, window_bounds = array<i64: 1, 64, 128>}, {transform_indices = @transform_4, window_bounds = array<i64: 1, 64, 128>}, {transform_indices = @transform_5, window_bounds = array<i64: 2000, 64>}, {transform_indices = @transform_6, window_bounds = array<i64: 2000, 64>}, {transform_indices = @transform_7, window_bounds = array<i64: 2000, 64>}, {transform_indices = @transform_8, window_bounds = array<i64: 2000, 64>}, {transform_indices = @transform_9, window_bounds = array<i64: 2000, 64>}]} {
    %get3A = arith.constant 0 : index
    %get3A_0 = arith.constant 0 : index
    %get3A_1 = vector.load %arg2[%get3A, %get3A_0] : memref<2000x128xf32, #tpu.memory_space<vmem>>, vector<2000x128xf32>
    %get3A_2 = arith.constant 0 : index
    %get3A_3 = arith.constant 0 : index
    %get3A_4 = arith.constant 0 : index
    %get3A_5 = vector.load %arg3[%get3A_2, %get3A_3, %get3A_4] : memref<1x128x64xf32, #tpu.memory_space<vmem>>, vector<1x128x64xf32>
    %get3A_6 = vector.shape_cast %get3A_5 : vector<1x128x64xf32> to vector<128x64xf32>
    %dot_general3A = arith.constant dense<0.000000e+00> : vector<2000x64xf32>
    %dot_general3A_7 = tpu.matmul %get3A_1, %get3A_6, %dot_general3A {dimension_numbers = #tpu.dot_dimension_numbers<[1], [0], [0], [1], [0, 0, 1, 1], [], []>, precision = #tpu.contract_precision<fp32>, transpose_lhs_hint = false} : vector<2000x128xf32>, vector<128x64xf32>, vector<2000x64xf32> -> vector<2000x64xf32>
    %get3A_8 = arith.constant 0 : index
    %get3A_9 = arith.constant 0 : index
    %get3A_10 = arith.constant 0 : index
    %get3A_11 = vector.load %arg4[%get3A_8, %get3A_9, %get3A_10] : memref<1x1x64xf32, #tpu.memory_space<vmem>>, vector<1x1x64xf32>
    %get3A_12 = vector.shape_cast %get3A_11 : vector<1x1x64xf32> to vector<1x64xf32>
    %add3A = vector.broadcast %get3A_12 : vector<1x64xf32> to vector<2000x64xf32>
    %add3A_13 = arith.addf %dot_general3A_7, %add3A : vector<2000x64xf32>
    %logistic3A = arith.negf %add3A_13 : vector<2000x64xf32>
    %logistic3A_14 = math.exp %logistic3A : vector<2000x64xf32>
    %logistic3A_15 = arith.constant 1.000000e+00 : f32
    %logistic3A_16 = vector.broadcast %logistic3A_15 : f32 to vector<2000x64xf32>
    %logistic3A_17 = arith.addf %logistic3A_16, %logistic3A_14 : vector<2000x64xf32>
    %logistic3A_18 = arith.divf %logistic3A_16, %logistic3A_17 : vector<2000x64xf32>
    %mul3A = arith.mulf %add3A_13, %logistic3A_18 : vector<2000x64xf32>
    %swap3A = arith.constant 0 : index
    %swap3A_19 = arith.constant 0 : index
    %swap3A_20 = vector.load %arg7[%swap3A, %swap3A_19] : memref<2000x64xf32, #tpu.memory_space<vmem>>, vector<2000x64xf32>
    tpu.vector_store %arg7[%swap3A, %swap3A_19], %mul3A {strides = array<i32>} : memref<2000x64xf32, #tpu.memory_space<vmem>>, vector<2000x64xf32>,
    %get3A_21 = arith.constant 0 : index
    %get3A_22 = arith.constant 0 : index
    %get3A_23 = arith.constant 0 : index
    %get3A_24 = vector.load %arg5[%get3A_21, %get3A_22, %get3A_23] : memref<1x64x128xf32, #tpu.memory_space<vmem>>, vector<1x64x128xf32>
    %get3A_25 = vector.shape_cast %get3A_24 : vector<1x64x128xf32> to vector<64x128xf32>
    %dot_general3A_26 = arith.constant dense<0.000000e+00> : vector<2000x128xf32>
    %dot_general3A_27 = tpu.matmul %mul3A, %get3A_25, %dot_general3A_26 {dimension_numbers = #tpu.dot_dimension_numbers<[1], [0], [0], [1], [0, 0, 1, 1], [], []>, precision = #tpu.contract_precision<fp32>, transpose_lhs_hint = false} : vector<2000x64xf32>, vector<64x128xf32>, vector<2000x128xf32> -> vector<2000x128xf32>
    %get3A_28 = arith.constant 0 : index
    %get3A_29 = arith.constant 0 : index
    %get3A_30 = arith.constant 0 : index
    %get3A_31 = vector.load %arg6[%get3A_28, %get3A_29, %get3A_30] : memref<1x64x128xf32, #tpu.memory_space<vmem>>, vector<1x64x128xf32>
    %get3A_32 = vector.shape_cast %get3A_31 : vector<1x64x128xf32> to vector<64x128xf32>
    %dot_general3A_33 = arith.constant dense<0.000000e+00> : vector<2000x128xf32>
    %dot_general3A_34 = tpu.matmul %mul3A, %get3A_32, %dot_general3A_33 {dimension_numbers = #tpu.dot_dimension_numbers<[1], [0], [0], [1], [0, 0, 1, 1], [], []>, precision = #tpu.contract_precision<fp32>, transpose_lhs_hint = false} : vector<2000x64xf32>, vector<64x128xf32>, vector<2000x128xf32> -> vector<2000x128xf32>
    %slice3A = vector.extract_strided_slice %dot_general3A_27 {offsets = [0, 0], sizes = [2000, 64], strides = [1, 1]} : vector<2000x128xf32> to vector<2000x64xf32>
    %swap3A_35 = arith.constant 0 : index
    %swap3A_36 = arith.constant 0 : index
    %swap3A_37 = vector.load %arg8[%swap3A_35, %swap3A_36] : memref<2000x64xf32, #tpu.memory_space<vmem>>, vector<2000x64xf32>
    tpu.vector_store %arg8[%swap3A_35, %swap3A_36], %slice3A {strides = array<i32>} : memref<2000x64xf32, #tpu.memory_space<vmem>>, vector<2000x64xf32>,
    %slice3A_38 = vector.extract_strided_slice %dot_general3A_27 {offsets = [0, 64], sizes = [2000, 64], strides = [1, 1]} : vector<2000x128xf32> to vector<2000x64xf32>
    %swap3A_39 = arith.constant 0 : index
    %swap3A_40 = arith.constant 0 : index
    %swap3A_41 = vector.load %arg9[%swap3A_39, %swap3A_40] : memref<2000x64xf32, #tpu.memory_space<vmem>>, vector<2000x64xf32>
    tpu.vector_store %arg9[%swap3A_39, %swap3A_40], %slice3A_38 {strides = array<i32>} : memref<2000x64xf32, #tpu.memory_space<vmem>>, vector<2000x64xf32>,
    %slice3A_42 = vector.extract_strided_slice %dot_general3A_34 {offsets = [0, 0], sizes = [2000, 64], strides = [1, 1]} : vector<2000x128xf32> to vector<2000x64xf32>
    %swap3A_43 = arith.constant 0 : index
    %swap3A_44 = arith.constant 0 : index
    %swap3A_45 = vector.load %arg10[%swap3A_43, %swap3A_44] : memref<2000x64xf32, #tpu.memory_space<vmem>>, vector<2000x64xf32>
    tpu.vector_store %arg10[%swap3A_43, %swap3A_44], %slice3A_42 {strides = array<i32>} : memref<2000x64xf32, #tpu.memory_space<vmem>>, vector<2000x64xf32>,
    %slice3A_46 = vector.extract_strided_slice %dot_general3A_34 {offsets = [0, 64], sizes = [2000, 64], strides = [1, 1]} : vector<2000x128xf32> to vector<2000x64xf32>
    %swap3A_47 = arith.constant 0 : index
    %swap3A_48 = arith.constant 0 : index
    %swap3A_49 = vector.load %arg11[%swap3A_47, %swap3A_48] : memref<2000x64xf32, #tpu.memory_space<vmem>>, vector<2000x64xf32>
    tpu.vector_store %arg11[%swap3A_47, %swap3A_48], %slice3A_46 {strides = array<i32>} : memref<2000x64xf32, #tpu.memory_space<vmem>>, vector<2000x64xf32>,
    return
  }
  func.func @transform_0(%arg0: i32, %arg1: i32) -> (i32, i32) {
    %mul3A = arith.constant 5 : i32
    %mul3A_0 = arith.muli %arg0, %mul3A : i32
    %add3A = arith.addi %mul3A_0, %arg1 : i32
    %c0_i32 = arith.constant 0 : i32
    %c0_i32_1 = arith.constant 0 : i32
    return %add3A, %c0_i32 : i32, i32
  }
  func.func @transform_1(%arg0: i32, %arg1: i32) -> (i32, i32, i32) {
    %c0_i32 = arith.constant 0 : i32
    %c0_i32_0 = arith.constant 0 : i32
    %c0_i32_1 = arith.constant 0 : i32
    return %arg0, %c0_i32, %c0_i32_0 : i32, i32, i32
  }
  func.func @transform_2(%arg0: i32, %arg1: i32) -> (i32, i32, i32) {
    %c0_i32 = arith.constant 0 : i32
    %c0_i32_0 = arith.constant 0 : i32
    %c0_i32_1 = arith.constant 0 : i32
    return %arg0, %c0_i32, %c0_i32_0 : i32, i32, i32
  }
  func.func @transform_3(%arg0: i32, %arg1: i32) -> (i32, i32, i32) {
    %c0_i32 = arith.constant 0 : i32
    %c0_i32_0 = arith.constant 0 : i32
    %c0_i32_1 = arith.constant 0 : i32
    return %arg0, %c0_i32, %c0_i32_0 : i32, i32, i32
  }
  func.func @transform_4(%arg0: i32, %arg1: i32) -> (i32, i32, i32) {
    %c0_i32 = arith.constant 0 : i32
    %c0_i32_0 = arith.constant 0 : i32
    %c0_i32_1 = arith.constant 0 : i32
    return %arg0, %c0_i32, %c0_i32_0 : i32, i32, i32
  }
  func.func @transform_5(%arg0: i32, %arg1: i32) -> (i32, i32) {
    %mul3A = arith.constant 5 : i32
    %mul3A_0 = arith.muli %arg0, %mul3A : i32
    %add3A = arith.addi %mul3A_0, %arg1 : i32
    %c0_i32 = arith.constant 0 : i32
    %c0_i32_1 = arith.constant 0 : i32
    return %add3A, %c0_i32 : i32, i32
  }
  func.func @transform_6(%arg0: i32, %arg1: i32) -> (i32, i32) {
    %mul3A = arith.constant 5 : i32
    %mul3A_0 = arith.muli %arg0, %mul3A : i32
    %add3A = arith.addi %mul3A_0, %arg1 : i32
    %c0_i32 = arith.constant 0 : i32
    %c0_i32_1 = arith.constant 0 : i32
    return %add3A, %c0_i32 : i32, i32
  }
  func.func @transform_7(%arg0: i32, %arg1: i32) -> (i32, i32) {
    %mul3A = arith.constant 5 : i32
    %mul3A_0 = arith.muli %arg0, %mul3A : i32
    %add3A = arith.addi %mul3A_0, %arg1 : i32
    %c0_i32 = arith.constant 0 : i32
    %c0_i32_1 = arith.constant 0 : i32
    return %add3A, %c0_i32 : i32, i32
  }
  func.func @transform_8(%arg0: i32, %arg1: i32) -> (i32, i32) {
    %mul3A = arith.constant 5 : i32
    %mul3A_0 = arith.muli %arg0, %mul3A : i32
    %add3A = arith.addi %mul3A_0, %arg1 : i32
    %c0_i32 = arith.constant 0 : i32
    %c0_i32_1 = arith.constant 0 : i32
    return %add3A, %c0_i32 : i32, i32
  }
  func.func @transform_9(%arg0: i32, %arg1: i32) -> (i32, i32) {
    %mul3A = arith.constant 5 : i32
    %mul3A_0 = arith.muli %arg0, %mul3A : i32
    %add3A = arith.addi %mul3A_0, %arg1 : i32
    %c0_i32 = arith.constant 0 : i32
    %c0_i32_1 = arith.constant 0 : i32
    return %add3A, %c0_i32 : i32, i32
  }
}

module attributes {stable_mosaic.version = 14 : i64} {
  func.func @_nodeup_body(%arg0: i32, %arg1: i32, %arg2: memref<1x1x2000x32xf32, #tpu.memory_space<vmem>>, %arg3: memref<1x1x2000x32xf32, #tpu.memory_space<vmem>>, %arg4: memref<2000x64xf32, #tpu.memory_space<vmem>>, %arg5: memref<1x1x64xf32, #tpu.memory_space<vmem>>, %arg6: memref<1x1x64xf32, #tpu.memory_space<vmem>>, %arg7: memref<1x64x128xf32, #tpu.memory_space<vmem>>, %arg8: memref<1x64x128xf32, #tpu.memory_space<vmem>>, %arg9: memref<2000x64xf32, #tpu.memory_space<vmem>>, %arg10: memref<2000x64xf32, #tpu.memory_space<vmem>>, %arg11: memref<2000x64xf32, #tpu.memory_space<vmem>>, %arg12: memref<2000x64xf32, #tpu.memory_space<vmem>>, %arg13: memref<2000x64xf32, #tpu.memory_space<vmem>>) attributes {dimension_semantics = [#tpu.dimension_semantics<arbitrary>, #tpu.dimension_semantics<arbitrary>], iteration_bounds = array<i64: 2, 5>, scalar_prefetch = 0 : i64, scratch_operands = 0 : i64, tpu.core_type = #tpu.core_type<tc>, window_params = [{transform_indices = @transform_0, window_bounds = array<i64: 1, 1, 2000, 32>}, {transform_indices = @transform_1, window_bounds = array<i64: 1, 1, 2000, 32>}, {transform_indices = @transform_2, window_bounds = array<i64: 2000, 64>}, {transform_indices = @transform_3, window_bounds = array<i64: 1, 1, 64>}, {transform_indices = @transform_4, window_bounds = array<i64: 1, 1, 64>}, {transform_indices = @transform_5, window_bounds = array<i64: 1, 64, 128>}, {transform_indices = @transform_6, window_bounds = array<i64: 1, 64, 128>}, {transform_indices = @transform_7, window_bounds = array<i64: 2000, 64>}, {transform_indices = @transform_8, window_bounds = array<i64: 2000, 64>}, {transform_indices = @transform_9, window_bounds = array<i64: 2000, 64>}, {transform_indices = @transform_10, window_bounds = array<i64: 2000, 64>}, {transform_indices = @transform_11, window_bounds = array<i64: 2000, 64>}]} {
    %get3A = arith.constant 0 : index
    %get3A_0 = arith.constant 0 : index
    %get3A_1 = arith.constant 0 : index
    %get3A_2 = arith.constant 0 : index
    %get3A_3 = vector.load %arg2[%get3A, %get3A_0, %get3A_1, %get3A_2] : memref<1x1x2000x32xf32, #tpu.memory_space<vmem>>, vector<1x1x2000x32xf32>
    %get3A_4 = vector.shape_cast %get3A_3 : vector<1x1x2000x32xf32> to vector<2000x32xf32>
    %get3A_5 = arith.constant 0 : index
    %get3A_6 = arith.constant 0 : index
    %get3A_7 = arith.constant 0 : index
    %get3A_8 = arith.constant 0 : index
    %get3A_9 = vector.load %arg3[%get3A_5, %get3A_6, %get3A_7, %get3A_8] : memref<1x1x2000x32xf32, #tpu.memory_space<vmem>>, vector<1x1x2000x32xf32>
    %get3A_10 = vector.shape_cast %get3A_9 : vector<1x1x2000x32xf32> to vector<2000x32xf32>
    %concatenate3A = tpu.concatenate %get3A_4, %get3A_10 in 1 : vector<2000x32xf32>, vector<2000x32xf32> -> vector<2000x64xf32>
    %get3A_11 = arith.constant 0 : index
    %get3A_12 = arith.constant 0 : index
    %get3A_13 = arith.constant 0 : index
    %get3A_14 = vector.load %arg5[%get3A_11, %get3A_12, %get3A_13] : memref<1x1x64xf32, #tpu.memory_space<vmem>>, vector<1x1x64xf32>
    %get3A_15 = vector.shape_cast %get3A_14 : vector<1x1x64xf32> to vector<1x64xf32>
    %mul3A = vector.broadcast %get3A_15 : vector<1x64xf32> to vector<2000x64xf32>
    %mul3A_16 = arith.mulf %concatenate3A, %mul3A : vector<2000x64xf32>
    %get3A_17 = arith.constant 0 : index
    %get3A_18 = arith.constant 0 : index
    %get3A_19 = arith.constant 0 : index
    %get3A_20 = vector.load %arg6[%get3A_17, %get3A_18, %get3A_19] : memref<1x1x64xf32, #tpu.memory_space<vmem>>, vector<1x1x64xf32>
    %get3A_21 = vector.shape_cast %get3A_20 : vector<1x1x64xf32> to vector<1x64xf32>
    %add3A = vector.broadcast %get3A_21 : vector<1x64xf32> to vector<2000x64xf32>
    %add3A_22 = arith.addf %mul3A_16, %add3A : vector<2000x64xf32>
    %get3A_23 = arith.constant 0 : index
    %get3A_24 = arith.constant 0 : index
    %get3A_25 = vector.load %arg4[%get3A_23, %get3A_24] : memref<2000x64xf32, #tpu.memory_space<vmem>>, vector<2000x64xf32>
    %add3A_26 = arith.addf %add3A_22, %get3A_25 : vector<2000x64xf32>
    %max3A = arith.constant 0.000000e+00 : f32
    %max3A_27 = vector.broadcast %max3A : f32 to vector<2000x64xf32>
    %max3A_28 = arith.maximumf %add3A_26, %max3A_27 : vector<2000x64xf32>
    %abs3A = math.absf %add3A_26 : vector<2000x64xf32>
    %neg3A = arith.constant 0.000000e+00 : f32
    %neg3A_29 = vector.broadcast %neg3A : f32 to vector<2000x64xf32>
    %neg3A_30 = arith.subf %neg3A_29, %abs3A : vector<2000x64xf32>
    %exp3A = math.exp %neg3A_30 : vector<2000x64xf32>
    %log1p3A = math.log1p %exp3A : vector<2000x64xf32>
    %add3A_31 = arith.addf %max3A_28, %log1p3A : vector<2000x64xf32>
    %swap3A = arith.constant 0 : index
    %swap3A_32 = arith.constant 0 : index
    %swap3A_33 = vector.load %arg9[%swap3A, %swap3A_32] : memref<2000x64xf32, #tpu.memory_space<vmem>>, vector<2000x64xf32>
    tpu.vector_store %arg9[%swap3A, %swap3A_32], %add3A_31 {strides = array<i32>} : memref<2000x64xf32, #tpu.memory_space<vmem>>, vector<2000x64xf32>,
    %get3A_34 = arith.constant 0 : index
    %get3A_35 = arith.constant 0 : index
    %get3A_36 = arith.constant 0 : index
    %get3A_37 = vector.load %arg7[%get3A_34, %get3A_35, %get3A_36] : memref<1x64x128xf32, #tpu.memory_space<vmem>>, vector<1x64x128xf32>
    %get3A_38 = vector.shape_cast %get3A_37 : vector<1x64x128xf32> to vector<64x128xf32>
    %dot_general3A = arith.constant dense<0.000000e+00> : vector<2000x128xf32>
    %dot_general3A_39 = tpu.matmul %add3A_31, %get3A_38, %dot_general3A {dimension_numbers = #tpu.dot_dimension_numbers<[1], [0], [0], [1], [0, 0, 1, 1], [], []>, precision = #tpu.contract_precision<fp32>, transpose_lhs_hint = false} : vector<2000x64xf32>, vector<64x128xf32>, vector<2000x128xf32> -> vector<2000x128xf32>
    %get3A_40 = arith.constant 0 : index
    %get3A_41 = arith.constant 0 : index
    %get3A_42 = arith.constant 0 : index
    %get3A_43 = vector.load %arg8[%get3A_40, %get3A_41, %get3A_42] : memref<1x64x128xf32, #tpu.memory_space<vmem>>, vector<1x64x128xf32>
    %get3A_44 = vector.shape_cast %get3A_43 : vector<1x64x128xf32> to vector<64x128xf32>
    %dot_general3A_45 = arith.constant dense<0.000000e+00> : vector<2000x128xf32>
    %dot_general3A_46 = tpu.matmul %add3A_31, %get3A_44, %dot_general3A_45 {dimension_numbers = #tpu.dot_dimension_numbers<[1], [0], [0], [1], [0, 0, 1, 1], [], []>, precision = #tpu.contract_precision<fp32>, transpose_lhs_hint = false} : vector<2000x64xf32>, vector<64x128xf32>, vector<2000x128xf32> -> vector<2000x128xf32>
    %slice3A = vector.extract_strided_slice %dot_general3A_39 {offsets = [0, 0], sizes = [2000, 64], strides = [1, 1]} : vector<2000x128xf32> to vector<2000x64xf32>
    %swap3A_47 = arith.constant 0 : index
    %swap3A_48 = arith.constant 0 : index
    %swap3A_49 = vector.load %arg10[%swap3A_47, %swap3A_48] : memref<2000x64xf32, #tpu.memory_space<vmem>>, vector<2000x64xf32>
    tpu.vector_store %arg10[%swap3A_47, %swap3A_48], %slice3A {strides = array<i32>} : memref<2000x64xf32, #tpu.memory_space<vmem>>, vector<2000x64xf32>,
    %slice3A_50 = vector.extract_strided_slice %dot_general3A_39 {offsets = [0, 64], sizes = [2000, 64], strides = [1, 1]} : vector<2000x128xf32> to vector<2000x64xf32>
    %swap3A_51 = arith.constant 0 : index
    %swap3A_52 = arith.constant 0 : index
    %swap3A_53 = vector.load %arg11[%swap3A_51, %swap3A_52] : memref<2000x64xf32, #tpu.memory_space<vmem>>, vector<2000x64xf32>
    tpu.vector_store %arg11[%swap3A_51, %swap3A_52], %slice3A_50 {strides = array<i32>} : memref<2000x64xf32, #tpu.memory_space<vmem>>, vector<2000x64xf32>,
    %slice3A_54 = vector.extract_strided_slice %dot_general3A_46 {offsets = [0, 0], sizes = [2000, 64], strides = [1, 1]} : vector<2000x128xf32> to vector<2000x64xf32>
    %swap3A_55 = arith.constant 0 : index
    %swap3A_56 = arith.constant 0 : index
    %swap3A_57 = vector.load %arg12[%swap3A_55, %swap3A_56] : memref<2000x64xf32, #tpu.memory_space<vmem>>, vector<2000x64xf32>
    tpu.vector_store %arg12[%swap3A_55, %swap3A_56], %slice3A_54 {strides = array<i32>} : memref<2000x64xf32, #tpu.memory_space<vmem>>, vector<2000x64xf32>,
    %slice3A_58 = vector.extract_strided_slice %dot_general3A_46 {offsets = [0, 64], sizes = [2000, 64], strides = [1, 1]} : vector<2000x128xf32> to vector<2000x64xf32>
    %swap3A_59 = arith.constant 0 : index
    %swap3A_60 = arith.constant 0 : index
    %swap3A_61 = vector.load %arg13[%swap3A_59, %swap3A_60] : memref<2000x64xf32, #tpu.memory_space<vmem>>, vector<2000x64xf32>
    tpu.vector_store %arg13[%swap3A_59, %swap3A_60], %slice3A_58 {strides = array<i32>} : memref<2000x64xf32, #tpu.memory_space<vmem>>, vector<2000x64xf32>,
    return
  }
  func.func @transform_0(%arg0: i32, %arg1: i32) -> (i32, i32, i32, i32) {
    %c0_i32 = arith.constant 0 : i32
    %c0_i32_0 = arith.constant 0 : i32
    %c0_i32_1 = arith.constant 0 : i32
    return %arg0, %c0_i32, %arg1, %c0_i32_0 : i32, i32, i32, i32
  }
  func.func @transform_1(%arg0: i32, %arg1: i32) -> (i32, i32, i32, i32) {
    %c1_i32 = arith.constant 1 : i32
    %c0_i32 = arith.constant 0 : i32
    %c0_i32_0 = arith.constant 0 : i32
    return %arg0, %c1_i32, %arg1, %c0_i32 : i32, i32, i32, i32
  }
  func.func @transform_2(%arg0: i32, %arg1: i32) -> (i32, i32) {
    %mul3A = arith.constant 5 : i32
    %mul3A_0 = arith.muli %arg0, %mul3A : i32
    %add3A = arith.addi %mul3A_0, %arg1 : i32
    %c0_i32 = arith.constant 0 : i32
    %c0_i32_1 = arith.constant 0 : i32
    return %add3A, %c0_i32 : i32, i32
  }
  func.func @transform_3(%arg0: i32, %arg1: i32) -> (i32, i32, i32) {
    %c0_i32 = arith.constant 0 : i32
    %c0_i32_0 = arith.constant 0 : i32
    %c0_i32_1 = arith.constant 0 : i32
    return %arg0, %c0_i32, %c0_i32_0 : i32, i32, i32
  }
  func.func @transform_4(%arg0: i32, %arg1: i32) -> (i32, i32, i32) {
    %c0_i32 = arith.constant 0 : i32
    %c0_i32_0 = arith.constant 0 : i32
    %c0_i32_1 = arith.constant 0 : i32
    return %arg0, %c0_i32, %c0_i32_0 : i32, i32, i32
  }
  func.func @transform_5(%arg0: i32, %arg1: i32) -> (i32, i32, i32) {
    %c0_i32 = arith.constant 0 : i32
    %c0_i32_0 = arith.constant 0 : i32
    %c0_i32_1 = arith.constant 0 : i32
    return %arg0, %c0_i32, %c0_i32_0 : i32, i32, i32
  }
  func.func @transform_6(%arg0: i32, %arg1: i32) -> (i32, i32, i32) {
    %c0_i32 = arith.constant 0 : i32
    %c0_i32_0 = arith.constant 0 : i32
    %c0_i32_1 = arith.constant 0 : i32
    return %arg0, %c0_i32, %c0_i32_0 : i32, i32, i32
  }
  func.func @transform_7(%arg0: i32, %arg1: i32) -> (i32, i32) {
    %mul3A = arith.constant 5 : i32
    %mul3A_0 = arith.muli %arg0, %mul3A : i32
    %add3A = arith.addi %mul3A_0, %arg1 : i32
    %c0_i32 = arith.constant 0 : i32
    %c0_i32_1 = arith.constant 0 : i32
    return %add3A, %c0_i32 : i32, i32
  }
  func.func @transform_8(%arg0: i32, %arg1: i32) -> (i32, i32) {
    %mul3A = arith.constant 5 : i32
    %mul3A_0 = arith.muli %arg0, %mul3A : i32
    %add3A = arith.addi %mul3A_0, %arg1 : i32
    %c0_i32 = arith.constant 0 : i32
    %c0_i32_1 = arith.constant 0 : i32
    return %add3A, %c0_i32 : i32, i32
  }
  func.func @transform_9(%arg0: i32, %arg1: i32) -> (i32, i32) {
    %mul3A = arith.constant 5 : i32
    %mul3A_0 = arith.muli %arg0, %mul3A : i32
    %add3A = arith.addi %mul3A_0, %arg1 : i32
    %c0_i32 = arith.constant 0 : i32
    %c0_i32_1 = arith.constant 0 : i32
    return %add3A, %c0_i32 : i32, i32
  }
  func.func @transform_10(%arg0: i32, %arg1: i32) -> (i32, i32) {
    %mul3A = arith.constant 5 : i32
    %mul3A_0 = arith.muli %arg0, %mul3A : i32
    %add3A = arith.addi %mul3A_0, %arg1 : i32
    %c0_i32 = arith.constant 0 : i32
    %c0_i32_1 = arith.constant 0 : i32
    return %add3A, %c0_i32 : i32, i32
  }
  func.func @transform_11(%arg0: i32, %arg1: i32) -> (i32, i32) {
    %mul3A = arith.constant 5 : i32
    %mul3A_0 = arith.muli %arg0, %mul3A : i32
    %add3A = arith.addi %mul3A_0, %arg1 : i32
    %c0_i32 = arith.constant 0 : i32
    %c0_i32_1 = arith.constant 0 : i32
    return %add3A, %c0_i32 : i32, i32
  }
}

module attributes {stable_mosaic.version = 14 : i64} {
  func.func @_pool_body(%arg0: i32, %arg1: i32, %arg2: memref<2000x64xf32, #tpu.memory_space<vmem>>, %arg3: memref<2000x1xi32, #tpu.memory_space<vmem>>, %arg4: memref<1x16x64xf32, #tpu.memory_space<vmem>>, %arg5: memref<1x16x64xf32, #tpu.memory_space<vmem>>) attributes {dimension_semantics = [#tpu.dimension_semantics<arbitrary>, #tpu.dimension_semantics<arbitrary>], iteration_bounds = array<i64: 2, 5>, scalar_prefetch = 0 : i64, scratch_operands = 0 : i64, tpu.core_type = #tpu.core_type<tc>, window_params = [{transform_indices = @transform_0, window_bounds = array<i64: 2000, 64>}, {transform_indices = @transform_1, window_bounds = array<i64: 2000, 1>}, {transform_indices = @transform_2, window_bounds = array<i64: 1, 16, 64>}, {transform_indices = @transform_3, window_bounds = array<i64: 1, 16, 64>}]} {
    %iota3A = tpu.iota {dimensions = array<i32: 1>} : vector<2000x16xi32>
    %get3A = arith.constant 0 : index
    %get3A_0 = arith.constant 0 : index
    %get3A_1 = vector.load %arg3[%get3A, %get3A_0] : memref<2000x1xi32, #tpu.memory_space<vmem>>, vector<2000x1xi32>
    %eq3A = vector.broadcast %get3A_1 : vector<2000x1xi32> to vector<2000x16xi32>
    %eq3A_2 = arith.cmpi eq, %iota3A, %eq3A : vector<2000x16xi32>
    %convert_element_type3A = arith.extui %eq3A_2 : vector<2000x16xi1> to vector<2000x16xi32>
    %convert_element_type3A_3 = arith.sitofp %convert_element_type3A : vector<2000x16xi32> to vector<2000x16xf32>
    %get3A_4 = arith.constant 0 : index
    %get3A_5 = arith.constant 0 : index
    %get3A_6 = vector.load %arg2[%get3A_4, %get3A_5] : memref<2000x64xf32, #tpu.memory_space<vmem>>, vector<2000x64xf32>
    %dot_general3A = arith.constant dense<0.000000e+00> : vector<16x64xf32>
    %dot_general3A_7 = tpu.matmul %convert_element_type3A_3, %get3A_6, %dot_general3A {dimension_numbers = #tpu.dot_dimension_numbers<[0], [0], [1], [1], [0, 1, 1, 1], [], []>, precision = #tpu.contract_precision<fp32>, transpose_lhs_hint = false} : vector<2000x16xf32>, vector<2000x64xf32>, vector<16x64xf32> -> vector<16x64xf32>
    %reduce_sum3A = arith.constant dense<0.000000e+00> : vector<16xf32>
    %reduce_sum3A_8 = vector.multi_reduction <add>, %convert_element_type3A_3, %reduce_sum3A [0] : vector<2000x16xf32> to vector<16xf32>
    %eq3A_9 = arith.constant 0 : i32
    %eq3A_10 = arith.cmpi eq, %arg1, %eq3A_9 : i32
    %convert_element_type3A_11 = arith.extui %eq3A_10 : i1 to i32
    %cond3A = arith.constant 0 : i32
    %cond3A_12 = arith.cmpi ne, %convert_element_type3A_11, %cond3A : i32
    scf.if %cond3A_12 {
      %broadcast_in_dim3A_33 = arith.constant 0.000000e+00 : f32
      %broadcast_in_dim3A_34 = vector.broadcast %broadcast_in_dim3A_33 : f32 to vector<1x16x64xf32>
      %swap3A_35 = arith.constant 0 : index
      %swap3A_36 = arith.constant 0 : index
      %swap3A_37 = arith.constant 0 : index
      %swap3A_38 = vector.load %arg4[%swap3A_35, %swap3A_36, %swap3A_37] : memref<1x16x64xf32, #tpu.memory_space<vmem>>, vector<1x16x64xf32>
      tpu.vector_store %arg4[%swap3A_35, %swap3A_36, %swap3A_37], %broadcast_in_dim3A_34 {strides = array<i32>} : memref<1x16x64xf32, #tpu.memory_space<vmem>>, vector<1x16x64xf32>,
      %broadcast_in_dim3A_39 = arith.constant 0.000000e+00 : f32
      %broadcast_in_dim3A_40 = vector.broadcast %broadcast_in_dim3A_39 : f32 to vector<1x16x64xf32>
      %swap3A_41 = arith.constant 0 : index
      %swap3A_42 = arith.constant 0 : index
      %swap3A_43 = arith.constant 0 : index
      %swap3A_44 = vector.load %arg5[%swap3A_41, %swap3A_42, %swap3A_43] : memref<1x16x64xf32, #tpu.memory_space<vmem>>, vector<1x16x64xf32>
      tpu.vector_store %arg5[%swap3A_41, %swap3A_42, %swap3A_43], %broadcast_in_dim3A_40 {strides = array<i32>} : memref<1x16x64xf32, #tpu.memory_space<vmem>>, vector<1x16x64xf32>,
    } else {
    }
    %get3A_13 = arith.constant 0 : index
    %get3A_14 = arith.constant 0 : index
    %get3A_15 = arith.constant 0 : index
    %get3A_16 = vector.load %arg4[%get3A_13, %get3A_14, %get3A_15] : memref<1x16x64xf32, #tpu.memory_space<vmem>>, vector<1x16x64xf32>
    %broadcast_in_dim3A = vector.shape_cast %dot_general3A_7 : vector<16x64xf32> to vector<1x16x64xf32>
    %add3A = arith.addf %get3A_16, %broadcast_in_dim3A : vector<1x16x64xf32>
    %swap3A = arith.constant 0 : index
    %swap3A_17 = arith.constant 0 : index
    %swap3A_18 = arith.constant 0 : index
    %swap3A_19 = vector.load %arg4[%swap3A, %swap3A_17, %swap3A_18] : memref<1x16x64xf32, #tpu.memory_space<vmem>>, vector<1x16x64xf32>
    tpu.vector_store %arg4[%swap3A, %swap3A_17, %swap3A_18], %add3A {strides = array<i32>} : memref<1x16x64xf32, #tpu.memory_space<vmem>>, vector<1x16x64xf32>,
    %get3A_20 = arith.constant 0 : index
    %get3A_21 = arith.constant 0 : index
    %get3A_22 = arith.constant 0 : index
    %get3A_23 = vector.load %arg5[%get3A_20, %get3A_21, %get3A_22] : memref<1x16x64xf32, #tpu.memory_space<vmem>>, vector<1x16x64xf32>
    %broadcast_in_dim3A_24 = vector.shape_cast %reduce_sum3A_8 : vector<16xf32> to vector<16x1xf32>
    %broadcast_in_dim3A_25 = vector.shape_cast %broadcast_in_dim3A_24 : vector<16x1xf32> to vector<16x1xf32>
    %broadcast_in_dim3A_26 = vector.broadcast %broadcast_in_dim3A_25 : vector<16x1xf32> to vector<16x64xf32>
    %broadcast_in_dim3A_27 = vector.shape_cast %broadcast_in_dim3A_26 : vector<16x64xf32> to vector<1x16x64xf32>
    %add3A_28 = arith.addf %get3A_23, %broadcast_in_dim3A_27 : vector<1x16x64xf32>
    %swap3A_29 = arith.constant 0 : index
    %swap3A_30 = arith.constant 0 : index
    %swap3A_31 = arith.constant 0 : index
    %swap3A_32 = vector.load %arg5[%swap3A_29, %swap3A_30, %swap3A_31] : memref<1x16x64xf32, #tpu.memory_space<vmem>>, vector<1x16x64xf32>
    tpu.vector_store %arg5[%swap3A_29, %swap3A_30, %swap3A_31], %add3A_28 {strides = array<i32>} : memref<1x16x64xf32, #tpu.memory_space<vmem>>, vector<1x16x64xf32>,
    return
  }
  func.func @transform_0(%arg0: i32, %arg1: i32) -> (i32, i32) {
    %mul3A = arith.constant 5 : i32
    %mul3A_0 = arith.muli %arg0, %mul3A : i32
    %add3A = arith.addi %mul3A_0, %arg1 : i32
    %c0_i32 = arith.constant 0 : i32
    %c0_i32_1 = arith.constant 0 : i32
    return %add3A, %c0_i32 : i32, i32
  }
  func.func @transform_1(%arg0: i32, %arg1: i32) -> (i32, i32) {
    %mul3A = arith.constant 5 : i32
    %mul3A_0 = arith.muli %arg0, %mul3A : i32
    %add3A = arith.addi %mul3A_0, %arg1 : i32
    %c0_i32 = arith.constant 0 : i32
    %c0_i32_1 = arith.constant 0 : i32
    return %add3A, %c0_i32 : i32, i32
  }
  func.func @transform_2(%arg0: i32, %arg1: i32) -> (i32, i32, i32) {
    %c0_i32 = arith.constant 0 : i32
    %c0_i32_0 = arith.constant 0 : i32
    %c0_i32_1 = arith.constant 0 : i32
    return %arg0, %c0_i32, %c0_i32_0 : i32, i32, i32
  }
  func.func @transform_3(%arg0: i32, %arg1: i32) -> (i32, i32, i32) {
    %c0_i32 = arith.constant 0 : i32
    %c0_i32_0 = arith.constant 0 : i32
    %c0_i32_1 = arith.constant 0 : i32
    return %arg0, %c0_i32, %c0_i32_0 : i32, i32, i32
  }
}

module attributes {stable_mosaic.version = 14 : i64} {
  func.func @_head_body(%arg0: memref<2x16x64xf32, #tpu.memory_space<vmem>>, %arg1: memref<2x16x64xf32, #tpu.memory_space<vmem>>, %arg2: memref<128x128xf32, #tpu.memory_space<vmem>>, %arg3: memref<1x128xf32, #tpu.memory_space<vmem>>, %arg4: memref<128x64xf32, #tpu.memory_space<vmem>>, %arg5: memref<1x64xf32, #tpu.memory_space<vmem>>, %arg6: memref<64x1xf32, #tpu.memory_space<vmem>>, %arg7: memref<1x1xf32, #tpu.memory_space<vmem>>, %arg8: memref<16x1xf32, #tpu.memory_space<vmem>>) attributes {dimension_semantics = [], scalar_prefetch = 0 : i64, scratch_operands = 0 : i64, tpu.core_type = #tpu.core_type<tc>} {
    %get3A = arith.constant 0 : index
    %get3A_0 = arith.constant 0 : index
    %get3A_1 = arith.constant 0 : index
    %get3A_2 = vector.load %arg0[%get3A, %get3A_0, %get3A_1] : memref<2x16x64xf32, #tpu.memory_space<vmem>>, vector<1x16x64xf32>
    %get3A_3 = vector.shape_cast %get3A_2 : vector<1x16x64xf32> to vector<16x64xf32>
    %get3A_4 = arith.constant 0 : index
    %get3A_5 = arith.constant 0 : index
    %get3A_6 = arith.constant 0 : index
    %get3A_7 = vector.load %arg1[%get3A_4, %get3A_5, %get3A_6] : memref<2x16x64xf32, #tpu.memory_space<vmem>>, vector<1x16x64xf32>
    %get3A_8 = vector.shape_cast %get3A_7 : vector<1x16x64xf32> to vector<16x64xf32>
    %max3A = arith.constant 1.000000e+00 : f32
    %max3A_9 = vector.broadcast %max3A : f32 to vector<16x64xf32>
    %max3A_10 = arith.maximumf %get3A_8, %max3A_9 : vector<16x64xf32>
    %div3A = arith.divf %get3A_3, %max3A_10 : vector<16x64xf32>
    %get3A_11 = arith.constant 1 : index
    %get3A_12 = arith.constant 0 : index
    %get3A_13 = arith.constant 0 : index
    %get3A_14 = vector.load %arg0[%get3A_11, %get3A_12, %get3A_13] : memref<2x16x64xf32, #tpu.memory_space<vmem>>, vector<1x16x64xf32>
    %get3A_15 = vector.shape_cast %get3A_14 : vector<1x16x64xf32> to vector<16x64xf32>
    %get3A_16 = arith.constant 1 : index
    %get3A_17 = arith.constant 0 : index
    %get3A_18 = arith.constant 0 : index
    %get3A_19 = vector.load %arg1[%get3A_16, %get3A_17, %get3A_18] : memref<2x16x64xf32, #tpu.memory_space<vmem>>, vector<1x16x64xf32>
    %get3A_20 = vector.shape_cast %get3A_19 : vector<1x16x64xf32> to vector<16x64xf32>
    %max3A_21 = arith.constant 1.000000e+00 : f32
    %max3A_22 = vector.broadcast %max3A_21 : f32 to vector<16x64xf32>
    %max3A_23 = arith.maximumf %get3A_20, %max3A_22 : vector<16x64xf32>
    %div3A_24 = arith.divf %get3A_15, %max3A_23 : vector<16x64xf32>
    %concatenate3A = tpu.concatenate %div3A, %div3A_24 in 1 : vector<16x64xf32>, vector<16x64xf32> -> vector<16x128xf32>
    %get3A_25 = arith.constant 0 : index
    %get3A_26 = arith.constant 0 : index
    %get3A_27 = vector.load %arg2[%get3A_25, %get3A_26] : memref<128x128xf32, #tpu.memory_space<vmem>>, vector<128x128xf32>
    %dot_general3A = arith.constant dense<0.000000e+00> : vector<16x128xf32>
    %dot_general3A_28 = tpu.matmul %concatenate3A, %get3A_27, %dot_general3A {dimension_numbers = #tpu.dot_dimension_numbers<[1], [0], [0], [1], [0, 0, 1, 1], [], []>, precision = #tpu.contract_precision<fp32>, transpose_lhs_hint = false} : vector<16x128xf32>, vector<128x128xf32>, vector<16x128xf32> -> vector<16x128xf32>
    %get3A_29 = arith.constant 0 : index
    %get3A_30 = arith.constant 0 : index
    %get3A_31 = vector.load %arg3[%get3A_29, %get3A_30] : memref<1x128xf32, #tpu.memory_space<vmem>>, vector<1x128xf32>
    %add3A = vector.broadcast %get3A_31 : vector<1x128xf32> to vector<16x128xf32>
    %add3A_32 = arith.addf %dot_general3A_28, %add3A : vector<16x128xf32>
    %logistic3A = arith.negf %add3A_32 : vector<16x128xf32>
    %logistic3A_33 = math.exp %logistic3A : vector<16x128xf32>
    %logistic3A_34 = arith.constant 1.000000e+00 : f32
    %logistic3A_35 = vector.broadcast %logistic3A_34 : f32 to vector<16x128xf32>
    %logistic3A_36 = arith.addf %logistic3A_35, %logistic3A_33 : vector<16x128xf32>
    %logistic3A_37 = arith.divf %logistic3A_35, %logistic3A_36 : vector<16x128xf32>
    %mul3A = arith.mulf %add3A_32, %logistic3A_37 : vector<16x128xf32>
    %get3A_38 = arith.constant 0 : index
    %get3A_39 = arith.constant 0 : index
    %get3A_40 = vector.load %arg4[%get3A_38, %get3A_39] : memref<128x64xf32, #tpu.memory_space<vmem>>, vector<128x64xf32>
    %dot_general3A_41 = arith.constant dense<0.000000e+00> : vector<16x64xf32>
    %dot_general3A_42 = tpu.matmul %mul3A, %get3A_40, %dot_general3A_41 {dimension_numbers = #tpu.dot_dimension_numbers<[1], [0], [0], [1], [0, 0, 1, 1], [], []>, precision = #tpu.contract_precision<fp32>, transpose_lhs_hint = false} : vector<16x128xf32>, vector<128x64xf32>, vector<16x64xf32> -> vector<16x64xf32>
    %get3A_43 = arith.constant 0 : index
    %get3A_44 = arith.constant 0 : index
    %get3A_45 = vector.load %arg5[%get3A_43, %get3A_44] : memref<1x64xf32, #tpu.memory_space<vmem>>, vector<1x64xf32>
    %add3A_46 = vector.broadcast %get3A_45 : vector<1x64xf32> to vector<16x64xf32>
    %add3A_47 = arith.addf %dot_general3A_42, %add3A_46 : vector<16x64xf32>
    %logistic3A_48 = arith.negf %add3A_47 : vector<16x64xf32>
    %logistic3A_49 = math.exp %logistic3A_48 : vector<16x64xf32>
    %logistic3A_50 = arith.constant 1.000000e+00 : f32
    %logistic3A_51 = vector.broadcast %logistic3A_50 : f32 to vector<16x64xf32>
    %logistic3A_52 = arith.addf %logistic3A_51, %logistic3A_49 : vector<16x64xf32>
    %logistic3A_53 = arith.divf %logistic3A_51, %logistic3A_52 : vector<16x64xf32>
    %mul3A_54 = arith.mulf %add3A_47, %logistic3A_53 : vector<16x64xf32>
    %get3A_55 = arith.constant 0 : index
    %get3A_56 = arith.constant 0 : index
    %get3A_57 = vector.load %arg6[%get3A_55, %get3A_56] : memref<64x1xf32, #tpu.memory_space<vmem>>, vector<64x1xf32>
    %dot_general3A_58 = arith.constant dense<0.000000e+00> : vector<16x1xf32>
    %dot_general3A_59 = tpu.matmul %mul3A_54, %get3A_57, %dot_general3A_58 {dimension_numbers = #tpu.dot_dimension_numbers<[1], [0], [0], [1], [0, 0, 1, 1], [], []>, precision = #tpu.contract_precision<fp32>, transpose_lhs_hint = false} : vector<16x64xf32>, vector<64x1xf32>, vector<16x1xf32> -> vector<16x1xf32>
    %get3A_60 = arith.constant 0 : index
    %get3A_61 = arith.constant 0 : index
    %get3A_62 = vector.load %arg7[%get3A_60, %get3A_61] : memref<1x1xf32, #tpu.memory_space<vmem>>, vector<1x1xf32>
    %add3A_63 = vector.broadcast %get3A_62 : vector<1x1xf32> to vector<16x1xf32>
    %add3A_64 = arith.addf %dot_general3A_59, %add3A_63 : vector<16x1xf32>
    %swap3A = arith.constant 0 : index
    %swap3A_65 = arith.constant 0 : index
    %swap3A_66 = vector.load %arg8[%swap3A, %swap3A_65] : memref<16x1xf32, #tpu.memory_space<vmem>>, vector<16x1xf32>
    tpu.vector_store %arg8[%swap3A, %swap3A_65], %add3A_64 {strides = array<i32>} : memref<16x1xf32, #tpu.memory_space<vmem>>, vector<16x1xf32>,
    return
  }
}

</mosaic_0001>

<sc_bundles>
// kernel: body.10.cloned.1.call-start
scs
__scs_entry_jumppad:
0x0: {  	(pc) =	sbr.rel $0x88, $3  }
0x1: {  	(tag) =	ssettag $0x0;
	lr =	simm.s32 $0x1  }
0x2: {  	[smem:$0x3F4B] =	sst lr;
	_ =	strace $0xD0000000  }
0x3: {  	_ = 	snop  }
0x4: {  	_ = 	snop  }
0x5: {  	_ = 	snop  }
0x6: {  	_ = 	snop  }
0x7: {  	_ = 	snop  }
__scs_overlays_trampoline_lowered:
0x8: {  	[smem:$0x3F5A] =	sst s0  }
0x9: {  	[smem:$0x3F5B] =	sst s1  }
0xa: {  	[smem:$0x3F5C] =	sst s2  }
0xb: {  	[smem:$0x3F5D] =	sst s3  }
0xc: {  	[smem:$0x3F5E] =	sst s4  }
0xd: {  	[smem:$0x3F5F] =	sst s5  }
0xe: {  	[smem:$0x3F60] =	sst s6  }
0xf: {  	[smem:$0x3F61] =	sst s7  }
0x10: {  	[smem:$0x3F62] =	sst s8  }
0x11: {  	[smem:$0x3F63] =	sst s9;
	s0 =	simm.s32 @!p0 $0x0  }
0x12: {  	s1 =	sld [smem:$0x3F49];
	s0 =	simm.s32 @p0 $0x1  }
0x13: {  	[smem:$0x3F64] =	sst s0;
	s0 =	simm.s32 @!p1 $0x0  }
0x14: {  	s2 =	sld [smem:$0x3F48];
	s0 =	simm.s32 @p1 $0x1  }
0x15: {  	[smem:$0x3F65] =	sst s0;
	s0 =	simm.s32 @!p2 $0x0  }
0x16: {  	s3 =	sld [smem:$0x3FDB];
	s0 =	simm.s32 @p2 $0x1  }
0x17: {  	s4 =	simm.s32 $0x1BF5;
	[smem:$0x3F67] =	sst s0  }
0x18: {  	s0 =	sld [smem:$0x3F4A];
	_ =	swait.ge [sflag:s4], $0x0  }
0x19: {  	s7 =	sld [smem:$0x3F4B]  }
0x1a: {  	s8 =	sadd.s32 $0xFFFFE003, lr  }
0x1b: {  	s9 =	sadd.s32 $0xFFFFFEF7, lr;
	s5 =	simm.s32 $0xFFFFFFFF;
	p2 =	slt.u32 s8, $0xFFFFF086  }
0x1c: {  	p1 =	slt.u32 s9, $0xF7A;
	s5 =	simm.s32 @!p2 $0x0  }
0x1d: {  	s5 =	simm.s32 @p1 $0x1;
	p0 =	seq.s32 s7, s2  }
0x1e: {  	s7 =	smul.u32 @!p0 $0xF7A, s2;
	p2 =	seq.s32 @!p0 s5, $0x0  }
0x1f: {  	s9 =	smul.u32 $0xF7A, s1;
	s8 =	simm.s32 @!p0 $0x1BF5;
	p2 =	por !p2, p0  }
0x20: {  	[sflag:s8] =	ssyncset.s32 @!p0 $0xFFFFF086;
	s6 =	sadd.s32 @!p0 s3, s7;
	s7 =	simm.s32 @!p0 $0x108  }
0x21: {  	s3 =	sadd.s32 s3, s9;
	s6 =	sadd.s32 @!p0 $0x88, s6;
	s7 =	simm.s32 @p2 $0x1082  }
0x22: {  	[simem:s7], [sflag:s8] =	dma.local @!p0 [hbm:s6], $0xF7A  }
0x23: {  	s9 =	sor.u32 $0xD0000000, s2;
	s6 =	simm.s32 $0x108;
	_ =	swait.ge @!p0 [sflag:s8], $0x0  }
0x24: {  	s3 =	sadd.s32 $0x88, s3;
	s6 =	simm.s32 @!p1 $0x1082;
	[sflag:s4] =	ssyncset.s32 $0xFFFFF086  }
0x25: {  	[simem:s6], [sflag:s4] =	dma.local [hbm:s3], $0xF7A  }
0x26: {  	[smem:$0x3F4B] =	sst s1;
	(tag) =	ssettag s2;
	_ =	strace s9  }
0x27: {  	s1 =	sld [smem:$0x3F5B]  }
0x28: {  	s2 =	sld [smem:$0x3F5C]  }
0x29: {  	s4 =	sld [smem:$0x3F5E]  }
0x2a: {  	p0 =	seq.s32 s5, $0x0;
	s5 =	sld [smem:$0x3F5F]  }
0x2b: {  	s6 =	sld [smem:$0x3F60]  }
0x2c: {  	s7 =	sld [smem:$0x3F61]  }
0x2d: {  	s3 =	simm.s32 $0x108;
	s8 =	sld [smem:$0x3F62]  }
0x2e: {  	s3 =	simm.s32 @!p0 $0x1082;
	s9 =	sld [smem:$0x3F63]  }
0x2f: {  	lr =	sadd.s32 s0, s3;
	s0 =	sld [smem:$0x3F5A]  }
0x30: {  	s3 =	sld [smem:$0x3F5D]  }
0x31: {  	[smem:$0x3F66] =	sst s10  }
0x32: {  	s10 =	sld [smem:$0x3F64];
	_ =	sdelay $0x3  }
0x33: {  	p0 =	seq.s32 s10, $0x1;
	s10 =	sld [smem:$0x3F66];
	_ =	sdelay $0x3  }
0x34: {  	[smem:$0x3F66] =	sst s10  }
0x35: {  	s10 =	sld [smem:$0x3F65];
	_ =	sdelay $0x3  }
0x36: {  	p1 =	seq.s32 s10, $0x1;
	s10 =	sld [smem:$0x3F66];
	_ =	sdelay $0x3  }
0x37: {  	[smem:$0x3F66] =	sst s10  }
0x38: {  	s10 =	sld [smem:$0x3F67]  }
0x39: {  	_ = 	snop;
	(pc) =	sbr.ind lr, $3  }
0x3a: {  	_ = 	snop  }
0x3b: {  	_ = 	snop  }
0x3c: {  	p2 =	seq.s32 s10, $0x1;
	s10 =	sld [smem:$0x3F66]  }
0x3d: {  	_ =	shalt  }
0x3e: {  	_ =	shalt  }
0x3f: {  	_ =	shalt  }
0x40: {  	_ =	shalt  }
0x41: {  	_ =	shalt  }
0x42: {  	_ =	shalt  }
0x43: {  	_ =	shalt  }
0x44: {  	_ =	shalt  }
0x45: {  	_ =	shalt  }
0x46: {  	_ =	shalt  }
0x47: {  	_ =	shalt  }
0x48: {  	_ =	shalt  }
0x49: {  	_ =	shalt  }
0x4a: {  	_ =	shalt  }
0x4b: {  	_ =	shalt  }
0x4c: {  	_ =	shalt  }
0x4d: {  	_ =	shalt  }
0x4e: {  	_ =	shalt  }
0x4f: {  	_ =	shalt  }
0x50: {  	_ =	shalt  }
0x51: {  	_ =	shalt  }
0x52: {  	_ =	shalt  }
0x53: {  	_ =	shalt  }
0x54: {  	_ =	shalt  }
0x55: {  	_ =	shalt  }
0x56: {  	_ =	shalt  }
0x57: {  	_ =	shalt  }
0x58: {  	_ =	shalt  }
0x59: {  	_ =	shalt  }
0x5a: {  	_ =	shalt  }
0x5b: {  	_ =	shalt  }
0x5c: {  	_ =	shalt  }
0x5d: {  	_ =	shalt  }
0x5e: {  	_ =	shalt  }
0x5f: {  	_ =	shalt  }
0x60: {  	_ =	shalt  }
0x61: {  	_ =	shalt  }
0x62: {  	_ =	shalt  }
0x63: {  	_ =	shalt  }
0x64: {  	_ =	shalt  }
0x65: {  	_ =	shalt  }
0x66: {  	_ =	shalt  }
0x67: {  	_ =	shalt  }
0x68: {  	_ =	shalt  }
0x69: {  	_ =	shalt  }
0x6a: {  	_ =	shalt  }
0x6b: {  	_ =	shalt  }
0x6c: {  	_ =	shalt  }
0x6d: {  	_ =	shalt  }
0x6e: {  	_ =	shalt  }
0x6f: {  	_ =	shalt  }
0x70: {  	_ =	shalt  }
0x71: {  	_ =	shalt  }
0x72: {  	_ =	shalt  }
0x73: {  	_ =	shalt  }
0x74: {  	_ =	shalt  }
0x75: {  	_ =	shalt  }
0x76: {  	_ =	shalt  }
0x77: {  	_ =	shalt  }
0x78: {  	_ =	shalt  }
0x79: {  	_ =	shalt  }
0x7a: {  	_ =	shalt  }
0x7b: {  	_ =	shalt  }
0x7c: {  	_ =	shalt  }
0x7d: {  	_ =	shalt  }
0x7e: {  	_ =	shalt  }
0x7f: {  	_ =	shalt  }
0x80: {  	_ =	shalt  }
0x81: {  	_ =	shalt  }
0x82: {  	_ =	shalt  }
0x83: {  	_ =	shalt  }
0x84: {  	_ =	shalt  }
0x85: {  	_ =	shalt  }
0x86: {  	_ =	shalt  }
0x87: {  	_ =	shalt  }
.Lfunc_end0:
.L_simem_size_0:
called_computation_lowered:
.L_overlay_start_0:
0x88: {  	s2 =	sld [smem:$0x3FD9]  }
0x89: {  	s3 =	sld [smem:$0x3FFE];
	_ =	sdelay $0x1  }
0x8a: {  	s1 =	srdreg.scid  }
0x8b: {  	s0 =	sand.u32 $0x1, s1  }
0x8c: {  	s16 =	sshll.u32 s0, $0xA;
	s2 =	sadd.s32 s3, s2  }
0x8d: {  	s2 =	sadd.s32 s2, s16  }
0x8e: {  	[smem:$0x3F72] =	sst s2  }
0x8f: {  	_ = 	snop  }
0x90: {  	(tm) =	ssettm $0x1  }
0x91: {  	s17 =	sld [smem:$0x3FFB];
	_ =	sdelay $0x3  }
0x92: {  	_ =	strace s17  }
0x93: {  	s2 =	sld [smem:$0x3FFC];
	_ =	sdelay $0x3  }
0x94: {  	_ =	strace s2  }
0x95: {  	s2 =	sld [smem:$0x3FFD];
	_ =	sdelay $0x3  }
0x96: {  	_ =	strace s2  }
0x97: {  	_ =	strace $0x8FFFFFFF  }
0x98: {  	s18 =	sld [smem:$0x3FDB];
	_ =	sdelay $0x1  }
0x99: {  	s19 =	simm.s32 $_scs_section_size  }
0x9a: {  	s4 =	simm.s32 $_size__tile_overlayer_lowered;
	s5 =	simm.s32 $_tile_overlayer_lowered  }
0x9b: {  	s22 =	simm.s32 $0x1BFF;
	s21 =	sshll.u32 s5, $0x1;
	s2 =	sadd.s32 s19, s18  }
0x9c: {  	s6 =	simm.s32 $0x0;
	s20 =	sshll.u32 s4, $0x1;
	s4 =	sadd.s32 s21, s2  }
0x9d: {  	[timem:s6], [sflag:s22] =	dma.local [hbm:s4], s20  }
0x9e: {  	_ =	swait.ge [sflag:s22], s20  }
0x9f: {  	s3 =	ssub.s32 $0x0, s20;
	[sflag:s22] =	ssyncset.done $0x0  }
0xa0: {  	[sflag:s22] =	ssyncadd.s32 s3;
	_ =	sdelay $0x1  }
0xa1: {  	s23 =	simm.s32 $0x1B8B  }
0xa2: {  	_ =	swait.ge [sflag:s23], $0x1  }
0xa3: {  	[sflag:s23] =	ssyncset.done $0x0  }
0xa4: {  	s25 =	simm.s32 $0x1B8E;
	s24 =	sld [smem:$0x3FFE];
	[sflag:s23] =	ssyncadd.s32 $0xFFFFFFFF  }
0xa5: {  	s26 =	simm.s32 $execute0_lowered;
	[smem:$0x3FD2] =	sst s25  }
0xa6: {  	s4 =	sshll.u32 s26, $0x1;
	_ =	strace $0x80000046;
	[dreg:$0x1] =	wrdreg $0xFFFFFFFF  }
0xa7: {  	s28 =	simm.s32 $_size_execute0_lowered;
	s2 =	sadd.s32 s2, s4;
	[dreg:$0x0] =	wrdreg $0x0  }
0xa8: {  	s4 =	sshll.u32 s28, $0x1;
	[dreg:$0x2] =	wrdreg s2  }
0xa9: {  	[dreg:$0x3] =	wrdreg s4  }
0xaa: {  	[dreg:$0x4] =	wrdreg $0xC0  }
0xab: {  	_ =	task [dreg:s6], $0x5FFFF  }
0xac: {  	[dreg:$0x1] =	wrdreg $0xFFFFFFFF  }
0xad: {  	[dreg:$0x0] =	wrdreg $0x60  }
0xae: {  	[dreg:$0x2] =	wrdreg s24  }
0xaf: {  	[dreg:$0x3] =	wrdreg $0x123000  }
0xb0: {  	[dreg:$0x4] =	wrdreg $0x9  }
0xb1: {  	_ =	task.clear_ibuf [dreg:s6], $0x5FFFF;
	_ =	strace $0x90000046  }
0xb2: {  	s29 =	simm.s32 $0x9;
	_ =	strace $0x80000048  }
0xb3: {  	_ =	swait.ge [sflag:s29], $0x1  }
0xb4: {  	[sflag:s29] =	ssyncadd.s32 $0xFFFFFFFF  }
0xb5: {  	_ =	strace $0x90000048  }
0xb6: {  	_ =	sfence  }
0xb7: {  	s30 =	sld [smem:$0x0];
	_ =	sdelay $0x2  }
0xb8: {  	s31 =	sshll.u32 s1, $0xD;
	s1 =	sshrl.u32 s1, $0x2  }
0xb9: {  	s3 =	sand.u32 $0x4000, s31;
	s1 =	sadd.s32 s1, s30  }
0xba: {  	s0 =	sor.u32 s3, s0;
	s1 =	sshll.u32 s1, $0x11  }
0xbb: {  	s0 =	sor.u32 s1, s0  }
0xbc: {  	s0 =	sadd.s32 $0x8F2B, s0  }
0xbd: {  	[sflag:s0] =	ssyncadd.remote.s32 $0x1  }
0xbe: {  	_ =	sfence.sel $0xFFFF  }
0xbf: {  	[dreg:$0x0] =	wrdreg $0xFFFFFFFF;
	(pc) =	sbr.abs _section_cstart, $3  }
0xc0: {  	[dreg:$0x1] =	wrdreg $0xFFFFFFFF  }
0xc1: {  	_ =	task.clear_ibuf [dreg:s6], $0x2FFFF;
	_ =	strace $0x9FFFFFFF  }
0xc2: {  	(tm) =	ssettm $0x7FFFFFFF  }
0xc3: {  	_ =	shalt  }
tec
execute0_lowered:
.L_overlay_start_1:
0x0: {  	(tag) =	ssettag $0x1  }
0x1: {  	s0 =	rddreg [dreg:$0x0]  }
0x2: {  	s1 =	rddreg [dreg:$0x1]  }
0x3: {  	s2 =	simm.s32 $0x0;
	s20 =	srdreg.scid;
	s28 =	simm.s32 $0x200  }
0x4: {  	s12 =	stileid.u32;
	s4 =	sadd.s32 $0x190C00, s0;
	s5 =	sadd.s32 $0x1B7E00, s0  }
0x5: {  	s30 =	simm.s32 $0x80;
	s6 =	sadd.s32 $0x2316600, s0;
	s7 =	sadd.s32 $0x206200, s0  }
0x6: {  	[smem:$0x7FF] =	sst s2;
	s3 =	smul.u32 $0x4F00, s12;
	s8 =	sadd.s32 $0x2A96600, s0  }
0x7: {  	s2 =	sand.u32 $0x1, s20;
	s9 =	sadd.s32 $0x186C00, s0;
	s16 =	smul.u32 $0x2800, s12  }
0x8: {  	s31 =	simm.s32 $0x380;
	s11 =	sadd.s32 $0x17CC00, s0;
	s14 =	smul.u32 $0x9E000, s2  }
0x9: {  	s10 =	sadd.s32 $0x1DF000, s0;
	s12 =	sadd.s32 $0x172C00, s0;
	s15 =	smul.u32 $0x28000, s2  }
0xa: {  	s13 =	sadd.s32 $0x22D400, s0;
	_ =	strace $0x80000047;
	s2 =	ssub.s32 $0x2, s2  }
0xb: {  	s21 =	sshrl.u32 s2, $0x1;
	s14 =	sadd.s32 s3, s14;
	s15 =	sadd.s32 s16, s15  }
0xc: {  	s2 =	ssub.s32 s2, s21;
	s3 =	sadd.s32 s3, s1;
	s21 =	simm.s32 $0xA400  }
0xd: {  	s16 =	sshrl.u32 s15, $0x3;
	[dreg:$0x3] =	wrdreg s3;
	s29 =	smax.u32 s2, $0x1  }
0xe: {  	s14 =	sshrl.u32 s14, $0x3;
	s22 =	sadd.s32 s9, s16;
	[dreg:$0xa] =	wrdreg s29  }
0xf: {  	s19 =	sor.u32 $0x80, s15;
	s23 =	sadd.s32 s11, s16;
	[dreg:$0x4] =	wrdreg s22  }
0x10: {  	s20 =	sor.u32 $0x100, s15;
	s24 =	sadd.s32 s12, s16;
	[dreg:$0x5] =	wrdreg s23  }
0x11: {  	s2 =	simm.s32 $0x180;
	s25 =	sadd.s32 s13, s16;
	[dreg:$0x6] =	wrdreg s24  }
0x12: {  	s3 =	simm.s32 $0x0;
	s0 =	sadd.s32 s14, s0;
	[dreg:$0x7] =	wrdreg s25  }
0x13: {  	s26 =	sadd.s32 $0x237400, s0;
	s0 =	sadd.s32 $0x241200, s0;
	s25 =	simm.s32 $0x3  }
0x14: {  	s24 =	simm.s32 $0x280;
	s22 =	simm.s32 $0x1;
	[dreg:$0x8] =	wrdreg s26  }
0x15: {  	v0 =	vimm.f32 $0.0e+00;
	s23 =	simm.s32 $0xC400;
	[dreg:$0x9] =	wrdreg s0;
	s26 =	simm.s32 $0x2  }
.LBB2_1:
0x16: {  	s29 =	simm.s32 $0x0  }
0x17: {  	s0 =	sand.u32 $0x1FF80, s29  }
0x18: {  	[dreg:$0xb] =	wrdreg s3;
	s14 =	sand.u32 $0x10, s29;
	s15 =	sshrl.u32 s0, $0x2  }
0x19: {  	s0 =	simm.s32 $0x40;
	s15 =	sor.u32 s14, s15;
	s14 =	simm.s32 $0x0  }
.LBB2_2:
0x1a: {  	p0 =	sne.s32 s0, $0x13BC0  }
0x1b: {  	[tilespmem:s15+$0xD400] =	vst v0;
	s14 =	sadd.s32 $0x10, s14;
	s15 =	smov.u32 s0;
	s0 =	sadd.s32 $0x40, s0  }
.Ltmp0:
0x1c: {  	(pc) =	sbr.rel @p0 .LBB2_2-.Ltmp0, $4  }
0x1d: {  	_ = 	snop  }
0x1e: {  	s15 =	sand.u32 $0x1FF80, s15  }
0x1f: {  	s16 =	sand.u32 $0x10, s14;
	s15 =	sshrl.u32 s15, $0x2  }
0x20: {  	s15 =	sor.u32 s16, s15  }
0x21: {  	[tilespmem:s15+$0xD400] =	vst v0;
	s0 =	rddreg [dreg:$0x3];
	s3 =	simm.s32 $0xD400  }
0x22: {  	[spmem:s0] =	stream.linear.scatter [tilespmem:s3], [sflag:$0x3], $0x4F00, $0x38;
	[tilespmem:$0x17200] =	vst v63  }
0x23: {  	_ =	swait.ge [sflag:s25], $0x4F00  }
0x24: {  	[sflag:s25] =	ssyncset.done $0x0  }
0x25: {  	[sflag:s25] =	ssyncadd.s32 $0xFFFFB100  }
0x26: {  	[bflag:$0x0] =	sbarrier.arrive $0xFFFF  }
0x27: {  	s15 =	simm.s32 $0x0;
	s17 =	rddreg [dreg:$0x4]  }
0x28: {  	[tilespmem:s15], [sflag:$0x3] =	stream.linear.gather [hbm4b:s17+s15], $0x80, $0x38;
	[tilespmem:$0x17200] =	vst v63  }
0x29: {  	_ =	swait.ge [sflag:s25], $0x80  }
0x2a: {  	[sflag:s25] =	ssyncset.done $0x0  }
0x2b: {  	s29 =	simm.s32 $0x100;
	s18 =	rddreg [dreg:$0x5];
	[sflag:s25] =	ssyncadd.s32 $0xFFFFFF80  }
0x2c: {  	[tilespmem:s29], [sflag:$0x3] =	stream.linear.gather [hbm4b:s18+s15], $0x80, $0x38;
	[tilespmem:$0x17200] =	vst v63  }
0x2d: {  	_ =	swait.ge [sflag:s25], $0x80  }
0x2e: {  	[sflag:s25] =	ssyncset.done $0x0  }
0x2f: {  	s14 =	rddreg [dreg:$0x6];
	[sflag:s25] =	ssyncadd.s32 $0xFFFFFF80  }
0x30: {  	[tilespmem:s28], [sflag:$0x3] =	stream.linear.gather [hbm4b:s14+s15], $0x80, $0x38;
	[tilespmem:$0x17200] =	vst v63  }
0x31: {  	_ =	swait.ge [sflag:s25], $0x80  }
0x32: {  	[sflag:s25] =	ssyncset.done $0x0  }
0x33: {  	s14 =	simm.s32 $0x300;
	s16 =	rddreg [dreg:$0x7];
	[sflag:s25] =	ssyncadd.s32 $0xFFFFFF80  }
0x34: {  	[tilespmem:s14], [sflag:$0x3] =	stream.linear.gather [hbm4b:s16+s15], $0x80, $0x38;
	[tilespmem:$0x17200] =	vst v63  }
0x35: {  	_ =	swait.ge [sflag:s25], $0x80  }
0x36: {  	[sflag:s25] =	ssyncset.done $0x0  }
0x37: {  	s17 =	simm.s32 $0x400;
	[sflag:s25] =	ssyncadd.s32 $0xFFFFFF80  }
0x38: {  	[tilespmem:s17], [sflag:$0x1] =	stream.indirect.gather [hbm4b:s4+s30], $0x40, s15, s30, $0xb8;
	[tilespmem:$0x17200] =	vst v63  }
0x39: {  	s18 =	simm.s32 $0x4400  }
0x3a: {  	[tilespmem:s18], [sflag:$0x1] =	stream.indirect.gather [hbm4b:s5+s30], $0x40, s29, s30, $0xb8;
	[tilespmem:$0x17200] =	vst v63  }
0x3b: {  	s16 =	simm.s32 $0x0;
	s29 =	simm.s32 $0x8400  }
0x3c: {  	[tilespmem:s29], [sflag:$0x1] =	stream.indirect.gather [hbm4b:s6+s30], $0x40, s14, s30, $0xb8;
	[tilespmem:$0x17200] =	vst v63  }
.LBB2_4:
0x3d: {  	s17 =	sshll.u32 s16, $0x8  }
0x3e: {  	s0 =	sadd.s32 s17, s19  }
0x3f: {  	s0 =	sshrl.u32 s0, $0x3  }
0x40: {  	s14 =	sadd.s32 s9, s0  }
0x41: {  	[tilespmem:s30], [sflag:$0x3] =	stream.linear.gather [hbm4b:s14+s15], $0x80, $0x38;
	[tilespmem:$0x17200] =	vst v63  }
0x42: {  	_ =	swait.ge [sflag:s25], $0x80  }
0x43: {  	[sflag:s25] =	ssyncset.done $0x0  }
0x44: {  	s18 =	sadd.s32 s11, s0;
	[sflag:s25] =	ssyncadd.s32 $0xFFFFFF80  }
0x45: {  	[tilespmem:s2], [sflag:$0x3] =	stream.linear.gather [hbm4b:s18+s15], $0x80, $0x38;
	[tilespmem:$0x17200] =	vst v63  }
0x46: {  	_ =	swait.ge [sflag:s25], $0x80  }
0x47: {  	[sflag:s25] =	ssyncset.done $0x0  }
0x48: {  	s3 =	sadd.s32 s12, s0;
	[sflag:s25] =	ssyncadd.s32 $0xFFFFFF80  }
0x49: {  	[tilespmem:s24], [sflag:$0x3] =	stream.linear.gather [hbm4b:s3+s15], $0x80, $0x38;
	[tilespmem:$0x17200] =	vst v63  }
0x4a: {  	_ =	swait.ge [sflag:s25], $0x80  }
0x4b: {  	[sflag:s25] =	ssyncset.done $0x0  }
0x4c: {  	s0 =	sadd.s32 s13, s0;
	[sflag:s25] =	ssyncadd.s32 $0xFFFFFF80  }
0x4d: {  	[tilespmem:s31], [sflag:$0x3] =	stream.linear.gather [hbm4b:s0+s15], $0x80, $0x38;
	[tilespmem:$0x17200] =	vst v63  }
0x4e: {  	_ =	swait.ge [sflag:s25], $0x80  }
0x4f: {  	[sflag:s25] =	ssyncset.done $0x0  }
0x50: {  	s14 =	simm.s32 $0x2400;
	[sflag:s25] =	ssyncadd.s32 $0xFFFFFF80  }
0x51: {  	[tilespmem:s14], [sflag:$0x2] =	stream.indirect.gather [hbm4b:s4+s30], $0x40, s30, s30, $0xb8;
	[tilespmem:$0x17200] =	vst v63  }
0x52: {  	s18 =	simm.s32 $0x6400  }
0x53: {  	[tilespmem:s18], [sflag:$0x2] =	stream.indirect.gather [hbm4b:s5+s30], $0x40, s2, s30, $0xb8;
	[tilespmem:$0x17200] =	vst v63  }
0x54: {  	_ = 	snop  }
0x55: {  	[tilespmem:s21], [sflag:$0x2] =	stream.indirect.gather [hbm4b:s6+s30], $0x40, s31, s30, $0xb8;
	[tilespmem:$0x17200] =	vst v63  }
0x56: {  	_ =	swait.ge [sflag:s22], $0x2000  }
0x57: {  	[sflag:s22] =	ssyncset.done $0x0  }
0x58: {  	[sflag:s22] =	ssyncadd.s32 $0xFFFFE000  }
0x59: {  	_ =	swait.ge [sflag:s22], $0x2000  }
0x5a: {  	[sflag:s22] =	ssyncset.done $0x0  }
0x5b: {  	[sflag:s22] =	ssyncadd.s32 $0xFFFFE000  }
0x5c: {  	_ =	swait.ge [sflag:s22], $0x2000  }
0x5d: {  	[sflag:s22] =	ssyncset.done $0x0  }
0x5e: {  	s14 =	simm.s32 $0x0;
	[sflag:s22] =	ssyncadd.s32 $0xFFFFE000  }
0x5f: {  	v1 =	vld [tilespmem:s14+$0x420]  }
0x60: {  	v2 =	vld [tilespmem:s14+$0x4420];
	_ =	sdelay $0x1  }
0x61: {  	v3 =	vld [tilespmem:s14+$0x8420];
	_ =	sdelay $0x2  }
0x62: {  	v1 =	vadd.f32 v2, v1;
	_ =	sdelay $0x1  }
0x63: {  	v1 =	vadd.f32 v3, v1;
	_ =	sdelay $0x1  }
0x64: {  	v2 =	vand.u32 $0x7FFFFFFF, v1  }
0x65: {  	v2 =	vxor.u32 $0x80000000, v2  }
0x66: {  	v2 =	vmax.f32 v2, $-8.000000000e+01  }
0x67: {  	v2 =	vmul.f32 $1.442695020e+00, v2;
	_ =	sdelay $0x1  }
0x68: {  	(erf) = vpow2.f32 v2;
	_ =	sdelay $0x3  }
0x69: {  	v3 =	vld [tilespmem:s14+$0x400]  }
0x6a: {  	v2 =	vld [tilespmem:s14+$0x4400];
	_ =	sdelay $0x1  }
0x6b: {  	v4 =	vld [tilespmem:s14+$0x8400];
	_ =	sdelay $0x1  }
0x6c: {  	v5 =	vpop (erf)  }
0x6d: {  	v2 =	vadd.f32 v2, v3;
	v3 =	vadd.f32 $1.000000000e+00, v5;
	_ =	sdelay $0x1  }
0x6e: {  	v2 =	vadd.f32 v4, v2;
	v4 =	vand.u32 $0x7FFFFF, v3  }
0x6f: {  	v4 =	vor.u32 $0x3F800000, v4  }
0x70: {  	v2 =	vxor.u32 $0x80000000, v2;
	v5 =	vmul.f32 $5.000000000e-01, v4  }
0x71: {  	v2 =	vmin.f32 v2, $8.000000000e+01;
	vm0 =	vge.f32 v4, $1.500000000e+00  }
0x72: {  	v2 =	vmul.f32 $1.442695020e+00, v2;
	v4 =	vsel vm0, v5, v4  }
0x73: {  	v5 =	vadd.f32 $1.000000000e+00, v4  }
0x74: {  	(erf) = vpow2.f32 v2  }
0x75: {  	(erf) = vrcp.f32 v5;
	_ =	sdelay $0x7  }
0x76: {  	v4 =	vadd.f32 $-1.000000000e+00, v4;
	v2 =	vpop (erf)  }
0x77: {  	v5 =	vpop (erf)  }
0x78: {  	v4 =	vmul.f32 v5, v4;
	_ =	sdelay $0x1  }
0x79: {  	v5 =	vmul.f32 v4, v4;
	_ =	sdelay $0x1  }
0x7a: {  	v6 =	vmul.f32 $2.857142980e-01, v5;
	_ =	sdelay $0x1  }
0x7b: {  	v6 =	vadd.f32 $4.000000060e-01, v6;
	_ =	sdelay $0x1  }
0x7c: {  	v6 =	vmul.f32 v6, v5  }
0x7d: {  	v3 =	vshrl.u32 v3, $0x17  }
0x7e: {  	v3 =	vand.u32 $0xFF, v3;
	v6 =	vadd.f32 $6.666666860e-01, v6  }
0x7f: {  	v3 =	vadd.s32 $0xFFFFFF81, v3;
	v2 =	vadd.f32 $1.000000000e+00, v2  }
0x80: {  	v3 =	vcvt.s32.f32 v3;
	v5 =	vmul.f32 v6, v5  }
0x81: {  	(erf) = vrcp.f32 v2;
	v2 =	vsel vm0, $0x3F800000, v0  }
0x82: {  	v2 =	vadd.f32 v3, v2;
	v3 =	vadd.f32 $2.000000000e+00, v5;
	_ =	sdelay $0x1  }
0x83: {  	v2 =	vmul.f32 $6.931471820e-01, v2;
	v3 =	vmul.f32 v3, v4;
	_ =	sdelay $0x1  }
0x84: {  	v2 =	vadd.f32 v3, v2;
	_ =	sdelay $0x1  }
0x85: {  	v1 =	vmax.f32 v1, $0.0e+00  }
0x86: {  	v1 =	vadd.f32 v2, v1  }
0x87: {  	v2 =	vpop (erf)  }
0x88: {  	v1 =	vmul.f32 v1, v2  }
0x89: {  	s29 =	simm.s32 $0xC410  }
0x8a: {  	[tilespmem:s29+$0xFFFFFFF0] =	vst v1  }
0x8b: {  	v3 =	vld [tilespmem:s14+$0x430]  }
0x8c: {  	v4 =	vld [tilespmem:s14+$0x4430];
	_ =	sdelay $0x2  }
0x8d: {  	v2 =	vld [tilespmem:s14+$0x8430];
	_ =	sdelay $0x1  }
0x8e: {  	s0 =	simm.s32 $0x100;
	s18 =	simm.s32 $0xC410;
	v1 =	vld [tilespmem:s14+$0x410];
	v3 =	vadd.f32 v4, v3  }
.LBB2_5:
0x8f: {  	p0 =	sne.s32 s0, $0x7F00  }
0x90: {  	s29 =	sadd.s32 $0x20, s29;
	s3 =	smov.u32 s0;
	s0 =	sadd.s32 $0x100, s0  }
0x91: {  	v2 =	vadd.f32 v2, v3  }
0x92: {  	s3 =	sshra.s32 s3, $0x2  }
0x93: {  	v3 =	vand.u32 $0x7FFFFFFF, v2  }
0x94: {  	v3 =	vxor.u32 $0x80000000, v3  }
0x95: {  	v3 =	vmax.f32 v3, $-8.000000000e+01  }
0x96: {  	v3 =	vmul.f32 $1.442695020e+00, v3;
	_ =	sdelay $0x1  }
0x97: {  	(erf) = vpow2.f32 v3;
	_ =	sdelay $0x8  }
0x98: {  	v3 =	vpop (erf)  }
0x99: {  	v3 =	vadd.f32 $1.000000000e+00, v3;
	_ =	sdelay $0x1  }
0x9a: {  	v4 =	vshrl.u32 v3, $0x17;
	v3 =	vand.u32 $0x7FFFFF, v3  }
0x9b: {  	v4 =	vand.u32 $0xFF, v4;
	v3 =	vor.u32 $0x3F800000, v3  }
0x9c: {  	v4 =	vadd.s32 $0xFFFFFF81, v4;
	vm0 =	vge.f32 v3, $1.500000000e+00;
	v5 =	vmul.f32 $5.000000000e-01, v3  }
0x9d: {  	v6 =	vld [tilespmem:s14+$0x4410];
	v4 =	vcvt.s32.f32 v4  }
0x9e: {  	v3 =	vsel vm0, v5, v3;
	v5 =	vsel vm0, $0x3F800000, v0  }
0x9f: {  	v7 =	vld [tilespmem:s14+$0x8410];
	v4 =	vadd.f32 v4, v5;
	v5 =	vadd.f32 $1.000000000e+00, v3;
	s14 =	smov.u32 s3;
	_ =	sdelay $0x1  }
0xa0: {  	(erf) = vrcp.f32 v5  }
0xa1: {  	v1 =	vadd.f32 v6, v1;
	_ =	sdelay $0x1  }
0xa2: {  	v1 =	vadd.f32 v7, v1;
	_ =	sdelay $0x1  }
0xa3: {  	v1 =	vxor.u32 $0x80000000, v1  }
0xa4: {  	v1 =	vmin.f32 v1, $8.000000000e+01  }
0xa5: {  	v3 =	vadd.f32 $-1.000000000e+00, v3;
	v5 =	vmul.f32 $1.442695020e+00, v1;
	_ =	sdelay $0x1  }
0xa6: {  	(erf) = vpow2.f32 v5;
	v1 =	vpop (erf)  }
0xa7: {  	v1 =	vmul.f32 v1, v3;
	_ =	sdelay $0x1  }
0xa8: {  	v3 =	vmul.f32 v1, v1;
	_ =	sdelay $0x1  }
0xa9: {  	v5 =	vmul.f32 $2.857142980e-01, v3;
	_ =	sdelay $0x1  }
0xaa: {  	v5 =	vadd.f32 $4.000000060e-01, v5;
	_ =	sdelay $0x1  }
0xab: {  	v5 =	vmul.f32 v5, v3;
	v6 =	vpop (erf)  }
0xac: {  	v6 =	vadd.f32 $1.000000000e+00, v6  }
0xad: {  	v5 =	vadd.f32 $6.666666860e-01, v5  }
0xae: {  	(erf) = vrcp.f32 v6  }
0xaf: {  	v3 =	vmul.f32 v5, v3;
	_ =	sdelay $0x1  }
0xb0: {  	v3 =	vadd.f32 $2.000000000e+00, v3  }
0xb1: {  	v4 =	vmul.f32 $6.931471820e-01, v4  }
0xb2: {  	v1 =	vmul.f32 v3, v1;
	_ =	sdelay $0x1  }
0xb3: {  	v3 =	vmax.f32 v2, $0.0e+00;
	v1 =	vadd.f32 v1, v4;
	_ =	sdelay $0x1  }
0xb4: {  	v1 =	vadd.f32 v1, v3;
	v2 =	vpop (erf);
	_ =	sdelay $0x1  }
0xb5: {  	v1 =	vmul.f32 v1, v2;
	_ =	sdelay $0x1  }
0xb6: {  	[tilespmem:s18+$0x0] =	vst v1;
	s18 =	smov.u32 s29  }
0xb7: {  	v1 =	vld [tilespmem:s14+$0x420]  }
0xb8: {  	v2 =	vld [tilespmem:s14+$0x4420];
	_ =	sdelay $0x1  }
0xb9: {  	v3 =	vld [tilespmem:s14+$0x8420];
	_ =	sdelay $0x2  }
0xba: {  	v1 =	vadd.f32 v2, v1;
	_ =	sdelay $0x1  }
0xbb: {  	v2 =	vld [tilespmem:s14+$0x4400];
	v1 =	vadd.f32 v3, v1  }
0xbc: {  	v3 =	vld [tilespmem:s14+$0x400]  }
0xbd: {  	v4 =	vand.u32 $0x7FFFFFFF, v1  }
0xbe: {  	v5 =	vld [tilespmem:s14+$0x8400];
	v4 =	vxor.u32 $0x80000000, v4  }
0xbf: {  	v4 =	vmax.f32 v4, $-8.000000000e+01  }
0xc0: {  	v4 =	vmul.f32 $1.442695020e+00, v4  }
0xc1: {  	v2 =	vadd.f32 v2, v3  }
0xc2: {  	(erf) = vpow2.f32 v4  }
0xc3: {  	v2 =	vadd.f32 v5, v2;
	_ =	sdelay $0x1  }
0xc4: {  	v2 =	vxor.u32 $0x80000000, v2  }
0xc5: {  	v2 =	vmin.f32 v2, $8.000000000e+01  }
0xc6: {  	v2 =	vmul.f32 $1.442695020e+00, v2;
	_ =	sdelay $0x1  }
0xc7: {  	(erf) = vpow2.f32 v2;
	_ =	sdelay $0x1  }
0xc8: {  	v2 =	vpop (erf)  }
0xc9: {  	v2 =	vadd.f32 $1.000000000e+00, v2;
	_ =	sdelay $0x1  }
0xca: {  	v3 =	vshrl.u32 v2, $0x17;
	v2 =	vand.u32 $0x7FFFFF, v2  }
0xcb: {  	v3 =	vand.u32 $0xFF, v3;
	v2 =	vor.u32 $0x3F800000, v2  }
0xcc: {  	v3 =	vadd.s32 $0xFFFFFF81, v3;
	v4 =	vmul.f32 $5.000000000e-01, v2  }
0xcd: {  	vm0 =	vge.f32 v2, $1.500000000e+00;
	v3 =	vcvt.s32.f32 v3  }
0xce: {  	v2 =	vsel vm0, v4, v2;
	v4 =	vsel vm0, $0x3F800000, v0;
	v5 =	vpop (erf)  }
0xcf: {  	v5 =	vadd.f32 $1.000000000e+00, v5;
	v6 =	vadd.f32 $1.000000000e+00, v2  }
0xd0: {  	v3 =	vadd.f32 v3, v4  }
0xd1: {  	(erf) = vrcp.f32 v6;
	_ =	sdelay $0x7  }
0xd2: {  	v2 =	vadd.f32 $-1.000000000e+00, v2  }
0xd3: {  	v4 =	vpop (erf)  }
0xd4: {  	v2 =	vmul.f32 v4, v2;
	_ =	sdelay $0x1  }
0xd5: {  	v4 =	vmul.f32 v2, v2;
	_ =	sdelay $0x1  }
0xd6: {  	v6 =	vmul.f32 $2.857142980e-01, v4;
	_ =	sdelay $0x1  }
0xd7: {  	v6 =	vadd.f32 $4.000000060e-01, v6;
	_ =	sdelay $0x1  }
0xd8: {  	v6 =	vmul.f32 v6, v4;
	_ =	sdelay $0x1  }
0xd9: {  	v6 =	vadd.f32 $6.666666860e-01, v6;
	_ =	sdelay $0x1  }
0xda: {  	v4 =	vmul.f32 v6, v4;
	(erf) = vrcp.f32 v5;
	_ =	sdelay $0x1  }
0xdb: {  	v4 =	vadd.f32 $2.000000000e+00, v4;
	_ =	sdelay $0x1  }
0xdc: {  	v3 =	vmul.f32 $6.931471820e-01, v3;
	v2 =	vmul.f32 v4, v2;
	_ =	sdelay $0x1  }
0xdd: {  	v3 =	vadd.f32 v2, v3  }
0xde: {  	v1 =	vmax.f32 v1, $0.0e+00  }
0xdf: {  	v1 =	vadd.f32 v3, v1  }
0xe0: {  	v2 =	vpop (erf)  }
0xe1: {  	v1 =	vmul.f32 v1, v2;
	_ =	sdelay $0x1  }
0xe2: {  	[tilespmem:s29+$0xFFFFFFF0] =	vst v1  }
0xe3: {  	v3 =	vld [tilespmem:s14+$0x430]  }
0xe4: {  	v4 =	vld [tilespmem:s14+$0x4430]  }
.Ltmp1:
0xe5: {  	v1 =	vld [tilespmem:s14+$0x410];
	(pc) =	sbr.rel @p0 .LBB2_5-.Ltmp1, $2  }
0xe6: {  	v2 =	vld [tilespmem:s14+$0x8430];
	_ =	sdelay $0x2  }
0xe7: {  	v3 =	vadd.f32 v4, v3  }
0xe8: {  	_ = 	snop  }
0xe9: {  	v2 =	vadd.f32 v2, v3;
	_ =	sdelay $0x1  }
0xea: {  	v3 =	vand.u32 $0x7FFFFFFF, v2  }
0xeb: {  	v3 =	vxor.u32 $0x80000000, v3  }
0xec: {  	v3 =	vmax.f32 v3, $-8.000000000e+01  }
0xed: {  	v3 =	vmul.f32 $1.442695020e+00, v3;
	_ =	sdelay $0x1  }
0xee: {  	(erf) = vpow2.f32 v3;
	_ =	sdelay $0x8  }
0xef: {  	v3 =	vpop (erf)  }
0xf0: {  	v3 =	vadd.f32 $1.000000000e+00, v3;
	_ =	sdelay $0x1  }
0xf1: {  	v4 =	vand.u32 $0x7FFFFF, v3  }
0xf2: {  	v4 =	vor.u32 $0x3F800000, v4  }
0xf3: {  	v5 =	vmul.f32 $5.000000000e-01, v4  }
0xf4: {  	vm0 =	vge.f32 v4, $1.500000000e+00  }
0xf5: {  	v6 =	vld [tilespmem:s14+$0x4410];
	v4 =	vsel vm0, v5, v4  }
0xf6: {  	v5 =	vadd.f32 $1.000000000e+00, v4  }
0xf7: {  	v7 =	vld [tilespmem:s14+$0x8410]  }
0xf8: {  	(erf) = vrcp.f32 v5;
	_ =	sdelay $0x1  }
0xf9: {  	v1 =	vadd.f32 v6, v1;
	_ =	sdelay $0x1  }
0xfa: {  	v1 =	vadd.f32 v7, v1;
	_ =	sdelay $0x1  }
0xfb: {  	v1 =	vxor.u32 $0x80000000, v1  }
0xfc: {  	v1 =	vmin.f32 v1, $8.000000000e+01  }
0xfd: {  	v1 =	vmul.f32 $1.442695020e+00, v1;
	v4 =	vadd.f32 $-1.000000000e+00, v4  }
0xfe: {  	v5 =	vpop (erf)  }
0xff: {  	(erf) = vpow2.f32 v1;
	v1 =	vmul.f32 v5, v4;
	_ =	sdelay $0x1  }
0x100: {  	v4 =	vmul.f32 v1, v1;
	_ =	sdelay $0x1  }
0x101: {  	v5 =	vmul.f32 $2.857142980e-01, v4;
	_ =	sdelay $0x1  }
0x102: {  	v5 =	vadd.f32 $4.000000060e-01, v5;
	_ =	sdelay $0x1  }
0x103: {  	v3 =	vshrl.u32 v3, $0x17;
	v5 =	vmul.f32 v5, v4  }
0x104: {  	v3 =	vand.u32 $0xFF, v3;
	v62 =	vpop (erf)  }
0x105: {  	v3 =	vadd.s32 $0xFFFFFF81, v3;
	v6 =	vadd.f32 $1.000000000e+00, v62;
	v5 =	vadd.f32 $6.666666860e-01, v5  }
0x106: {  	v3 =	vcvt.s32.f32 v3  }
0x107: {  	(erf) = vrcp.f32 v6;
	v4 =	vmul.f32 v5, v4  }
0x108: {  	v5 =	vsel vm0, $0x3F800000, v0  }
0x109: {  	v3 =	vadd.f32 v3, v5;
	v4 =	vadd.f32 $2.000000000e+00, v4;
	_ =	sdelay $0x1  }
0x10a: {  	v3 =	vmul.f32 $6.931471820e-01, v3;
	v1 =	vmul.f32 v4, v1;
	_ =	sdelay $0x1  }
0x10b: {  	v2 =	vmax.f32 v2, $0.0e+00;
	v1 =	vadd.f32 v1, v3;
	_ =	sdelay $0x1  }
0x10c: {  	v1 =	vadd.f32 v1, v2  }
0x10d: {  	v2 =	vpop (erf)  }
0x10e: {  	v1 =	vmul.f32 v1, v2;
	_ =	sdelay $0x1  }
0x10f: {  	p0 =	seq.s32 s16, $0x27;
	[tilespmem:s18+$0x0] =	vst v1  }
0x110: {  	[spmem:s1] =	stream.indirect.scatter.add.f32 [tilespmem:s23], [sflag:$0x3], $0x20, s28, s30, $0xb8;
	[tilespmem:$0x17200] =	vst v63  }
0x111: {  	s0 =	sadd.s32 @!p0 s17, s20;
	_ =	swait.ge [sflag:s25], $0x1000  }
0x112: {  	s0 =	sshrl.u32 @!p0 s0, $0x3;
	[sflag:s25] =	ssyncset.done $0x0  }
0x113: {  	s14 =	simm.s32 @!p0 $0x0;
	s3 =	sadd.s32 @!p0 s9, s0;
	[sflag:s25] =	ssyncadd.s32 $0xFFFFF000  }
0x114: {  	[tilespmem:s14], [sflag:$0x3] =	stream.linear.gather @!p0 [hbm4b:s3+s14], $0x80, $0x38;
	[tilespmem:$0x17200] =	vst v63  }
0x115: {  	s3 =	simm.s32 @!p0 $0x3  }
0x116: {  	_ =	swait.ge @!p0 [sflag:s3], $0x80  }
0x117: {  	[sflag:s3] =	ssyncset.done @!p0 $0x0  }
0x118: {  	s17 =	sadd.s32 @!p0 s11, s0;
	s18 =	simm.s32 @!p0 $0x100;
	[sflag:s3] =	ssyncadd.s32 @!p0 $0xFFFFFF80  }
0x119: {  	[tilespmem:s18], [sflag:$0x3] =	stream.linear.gather @!p0 [hbm4b:s17+s14], $0x80, $0x38;
	[tilespmem:$0x17200] =	vst v63  }
0x11a: {  	_ =	swait.ge @!p0 [sflag:s3], $0x80  }
0x11b: {  	[sflag:s3] =	ssyncset.done @!p0 $0x0  }
0x11c: {  	s29 =	simm.s32 @!p0 $0x200;
	s17 =	sadd.s32 @!p0 s12, s0;
	[sflag:s3] =	ssyncadd.s32 @!p0 $0xFFFFFF80  }
0x11d: {  	[tilespmem:s29], [sflag:$0x3] =	stream.linear.gather @!p0 [hbm4b:s17+s14], $0x80, $0x38;
	[tilespmem:$0x17200] =	vst v63  }
0x11e: {  	_ =	swait.ge @!p0 [sflag:s3], $0x80  }
0x11f: {  	[sflag:s3] =	ssyncset.done @!p0 $0x0  }
0x120: {  	s0 =	sadd.s32 @!p0 s13, s0;
	s17 =	simm.s32 @!p0 $0x300;
	[sflag:s3] =	ssyncadd.s32 @!p0 $0xFFFFFF80  }
0x121: {  	[tilespmem:s17], [sflag:$0x3] =	stream.linear.gather @!p0 [hbm4b:s0+s14], $0x80, $0x38;
	[tilespmem:$0x17200] =	vst v63  }
0x122: {  	_ =	swait.ge @!p0 [sflag:s3], $0x80  }
0x123: {  	[sflag:s3] =	ssyncset.done @!p0 $0x0  }
0x124: {  	s0 =	simm.s32 @!p0 $0x80;
	[sflag:s3] =	ssyncadd.s32 @!p0 $0xFFFFFF80;
	s3 =	simm.s32 @!p0 $0x400  }
0x125: {  	[tilespmem:s3], [sflag:$0x1] =	stream.indirect.gather @!p0 [hbm4b:s4+s0], $0x40, s14, s0, $0xb8;
	[tilespmem:$0x17200] =	vst v63  }
0x126: {  	s3 =	simm.s32 @!p0 $0x4400  }
0x127: {  	[tilespmem:s3], [sflag:$0x1] =	stream.indirect.gather @!p0 [hbm4b:s5+s0], $0x40, s18, s0, $0xb8;
	[tilespmem:$0x17200] =	vst v63  }
0x128: {  	s3 =	simm.s32 @!p0 $0x8400  }
0x129: {  	[tilespmem:s3], [sflag:$0x1] =	stream.indirect.gather @!p0 [hbm4b:s6+s0], $0x40, s17, s0, $0xb8;
	[tilespmem:$0x17200] =	vst v63  }
0x12a: {  	_ =	swait.ge [sflag:s26], $0x2000  }
0x12b: {  	[sflag:s26] =	ssyncset.done $0x0  }
0x12c: {  	[sflag:s26] =	ssyncadd.s32 $0xFFFFE000  }
0x12d: {  	_ =	swait.ge [sflag:s26], $0x2000  }
0x12e: {  	[sflag:s26] =	ssyncset.done $0x0  }
0x12f: {  	[sflag:s26] =	ssyncadd.s32 $0xFFFFE000  }
0x130: {  	_ =	swait.ge [sflag:s26], $0x2000  }
0x131: {  	[sflag:s26] =	ssyncset.done $0x0  }
0x132: {  	s14 =	simm.s32 $0x0;
	[sflag:s26] =	ssyncadd.s32 $0xFFFFE000  }
0x133: {  	v1 =	vld [tilespmem:s14+$0x2420]  }
0x134: {  	v2 =	vld [tilespmem:s14+$0x6420];
	_ =	sdelay $0x1  }
0x135: {  	v3 =	vld [tilespmem:s14+$0xA420];
	_ =	sdelay $0x2  }
0x136: {  	v1 =	vadd.f32 v2, v1;
	_ =	sdelay $0x1  }
0x137: {  	v1 =	vadd.f32 v3, v1;
	_ =	sdelay $0x1  }
0x138: {  	v2 =	vand.u32 $0x7FFFFFFF, v1  }
0x139: {  	v2 =	vxor.u32 $0x80000000, v2  }
0x13a: {  	v2 =	vmax.f32 v2, $-8.000000000e+01  }
0x13b: {  	v2 =	vmul.f32 $1.442695020e+00, v2;
	_ =	sdelay $0x1  }
0x13c: {  	(erf) = vpow2.f32 v2;
	_ =	sdelay $0x3  }
0x13d: {  	v3 =	vld [tilespmem:s14+$0x2400]  }
0x13e: {  	v2 =	vld [tilespmem:s14+$0x6400];
	_ =	sdelay $0x1  }
0x13f: {  	v4 =	vld [tilespmem:s14+$0xA400];
	_ =	sdelay $0x1  }
0x140: {  	v5 =	vpop (erf)  }
0x141: {  	v2 =	vadd.f32 v2, v3;
	v3 =	vadd.f32 $1.000000000e+00, v5;
	_ =	sdelay $0x1  }
0x142: {  	v2 =	vadd.f32 v4, v2;
	v4 =	vand.u32 $0x7FFFFF, v3  }
0x143: {  	v4 =	vor.u32 $0x3F800000, v4  }
0x144: {  	v2 =	vxor.u32 $0x80000000, v2;
	v5 =	vmul.f32 $5.000000000e-01, v4  }
0x145: {  	v2 =	vmin.f32 v2, $8.000000000e+01;
	vm15 =	vge.f32 v4, $1.500000000e+00  }
0x146: {  	v2 =	vmul.f32 $1.442695020e+00, v2;
	v4 =	vsel vm15, v5, v4  }
0x147: {  	v5 =	vadd.f32 $1.000000000e+00, v4  }
0x148: {  	(erf) = vpow2.f32 v2  }
0x149: {  	(erf) = vrcp.f32 v5;
	_ =	sdelay $0x7  }
0x14a: {  	v4 =	vadd.f32 $-1.000000000e+00, v4;
	v2 =	vpop (erf)  }
0x14b: {  	v5 =	vpop (erf)  }
0x14c: {  	v4 =	vmul.f32 v5, v4;
	_ =	sdelay $0x1  }
0x14d: {  	v5 =	vmul.f32 v4, v4;
	_ =	sdelay $0x1  }
0x14e: {  	v63 =	vmul.f32 $2.857142980e-01, v5;
	_ =	sdelay $0x1  }
0x14f: {  	v6 =	vadd.f32 $4.000000060e-01, v63;
	_ =	sdelay $0x1  }
0x150: {  	v6 =	vmul.f32 v6, v5  }
0x151: {  	v3 =	vshrl.u32 v3, $0x17  }
0x152: {  	v3 =	vand.u32 $0xFF, v3;
	v6 =	vadd.f32 $6.666666860e-01, v6  }
0x153: {  	v3 =	vadd.s32 $0xFFFFFF81, v3;
	v2 =	vadd.f32 $1.000000000e+00, v2  }
0x154: {  	v3 =	vcvt.s32.f32 v3;
	v5 =	vmul.f32 v6, v5  }
0x155: {  	(erf) = vrcp.f32 v2;
	v2 =	vsel vm15, $0x3F800000, v0  }
0x156: {  	v2 =	vadd.f32 v3, v2;
	v3 =	vadd.f32 $2.000000000e+00, v5;
	_ =	sdelay $0x1  }
0x157: {  	v2 =	vmul.f32 $6.931471820e-01, v2;
	v3 =	vmul.f32 v3, v4;
	_ =	sdelay $0x1  }
0x158: {  	v2 =	vadd.f32 v3, v2;
	_ =	sdelay $0x1  }
0x159: {  	v1 =	vmax.f32 v1, $0.0e+00  }
0x15a: {  	v1 =	vadd.f32 v2, v1  }
0x15b: {  	v2 =	vpop (erf)  }
0x15c: {  	v1 =	vmul.f32 v1, v2  }
0x15d: {  	s18 =	simm.s32 $0xC410  }
0x15e: {  	[tilespmem:s18+$0xFFFFFFF0] =	vst v1  }
0x15f: {  	v3 =	vld [tilespmem:s14+$0x2430]  }
0x160: {  	v4 =	vld [tilespmem:s14+$0x6430];
	_ =	sdelay $0x2  }
0x161: {  	v2 =	vld [tilespmem:s14+$0xA430];
	_ =	sdelay $0x1  }
0x162: {  	s0 =	simm.s32 $0x100;
	s17 =	simm.s32 $0xC410;
	v1 =	vld [tilespmem:s14+$0x2410];
	v3 =	vadd.f32 v4, v3  }
.LBB2_7:
0x163: {  	p0 =	sne.s32 s0, $0x7F00  }
0x164: {  	s18 =	sadd.s32 $0x20, s18;
	s3 =	smov.u32 s0;
	s0 =	sadd.s32 $0x100, s0  }
0x165: {  	v2 =	vadd.f32 v2, v3  }
0x166: {  	s3 =	sshra.s32 s3, $0x2  }
0x167: {  	v3 =	vand.u32 $0x7FFFFFFF, v2  }
0x168: {  	v3 =	vxor.u32 $0x80000000, v3  }
0x169: {  	v3 =	vmax.f32 v3, $-8.000000000e+01  }
0x16a: {  	v3 =	vmul.f32 $1.442695020e+00, v3;
	_ =	sdelay $0x1  }
0x16b: {  	(erf) = vpow2.f32 v3;
	_ =	sdelay $0x8  }
0x16c: {  	v3 =	vpop (erf)  }
0x16d: {  	v3 =	vadd.f32 $1.000000000e+00, v3;
	_ =	sdelay $0x1  }
0x16e: {  	v4 =	vshrl.u32 v3, $0x17;
	v3 =	vand.u32 $0x7FFFFF, v3  }
0x16f: {  	v4 =	vand.u32 $0xFF, v4;
	v3 =	vor.u32 $0x3F800000, v3  }
0x170: {  	v4 =	vadd.s32 $0xFFFFFF81, v4;
	vm0 =	vge.f32 v3, $1.500000000e+00;
	v5 =	vmul.f32 $5.000000000e-01, v3  }
0x171: {  	v6 =	vld [tilespmem:s14+$0x6410];
	v4 =	vcvt.s32.f32 v4  }
0x172: {  	v3 =	vsel vm0, v5, v3;
	v5 =	vsel vm0, $0x3F800000, v0  }
0x173: {  	v7 =	vld [tilespmem:s14+$0xA410];
	v4 =	vadd.f32 v4, v5;
	v5 =	vadd.f32 $1.000000000e+00, v3;
	s14 =	smov.u32 s3;
	_ =	sdelay $0x1  }
0x174: {  	(erf) = vrcp.f32 v5  }
0x175: {  	v1 =	vadd.f32 v6, v1;
	_ =	sdelay $0x1  }
0x176: {  	v1 =	vadd.f32 v7, v1;
	_ =	sdelay $0x1  }
0x177: {  	v1 =	vxor.u32 $0x80000000, v1  }
0x178: {  	v1 =	vmin.f32 v1, $8.000000000e+01  }
0x179: {  	v3 =	vadd.f32 $-1.000000000e+00, v3;
	v5 =	vmul.f32 $1.442695020e+00, v1;
	_ =	sdelay $0x1  }
0x17a: {  	(erf) = vpow2.f32 v5;
	v1 =	vpop (erf)  }
0x17b: {  	v1 =	vmul.f32 v1, v3;
	_ =	sdelay $0x1  }
0x17c: {  	v3 =	vmul.f32 v1, v1;
	_ =	sdelay $0x1  }
0x17d: {  	v5 =	vmul.f32 $2.857142980e-01, v3;
	_ =	sdelay $0x1  }
0x17e: {  	v5 =	vadd.f32 $4.000000060e-01, v5;
	_ =	sdelay $0x1  }
0x17f: {  	v5 =	vmul.f32 v5, v3;
	v6 =	vpop (erf)  }
0x180: {  	v6 =	vadd.f32 $1.000000000e+00, v6  }
0x181: {  	v5 =	vadd.f32 $6.666666860e-01, v5  }
0x182: {  	(erf) = vrcp.f32 v6  }
0x183: {  	v3 =	vmul.f32 v5, v3;
	_ =	sdelay $0x1  }
0x184: {  	v3 =	vadd.f32 $2.000000000e+00, v3  }
0x185: {  	v4 =	vmul.f32 $6.931471820e-01, v4  }
0x186: {  	v1 =	vmul.f32 v3, v1;
	_ =	sdelay $0x1  }
0x187: {  	v3 =	vmax.f32 v2, $0.0e+00;
	v1 =	vadd.f32 v1, v4;
	_ =	sdelay $0x1  }
0x188: {  	v1 =	vadd.f32 v1, v3;
	v2 =	vpop (erf);
	_ =	sdelay $0x1  }
0x189: {  	v1 =	vmul.f32 v1, v2;
	_ =	sdelay $0x1  }
0x18a: {  	[tilespmem:s17+$0x0] =	vst v1;
	s17 =	smov.u32 s18  }
0x18b: {  	v1 =	vld [tilespmem:s14+$0x2420]  }
0x18c: {  	v2 =	vld [tilespmem:s14+$0x6420];
	_ =	sdelay $0x1  }
0x18d: {  	v3 =	vld [tilespmem:s14+$0xA420];
	_ =	sdelay $0x2  }
0x18e: {  	v1 =	vadd.f32 v2, v1;
	_ =	sdelay $0x1  }
0x18f: {  	v2 =	vld [tilespmem:s14+$0x6400];
	v1 =	vadd.f32 v3, v1  }
0x190: {  	v3 =	vld [tilespmem:s14+$0x2400]  }
0x191: {  	v4 =	vand.u32 $0x7FFFFFFF, v1  }
0x192: {  	v5 =	vld [tilespmem:s14+$0xA400];
	v4 =	vxor.u32 $0x80000000, v4  }
0x193: {  	v4 =	vmax.f32 v4, $-8.000000000e+01  }
0x194: {  	v4 =	vmul.f32 $1.442695020e+00, v4  }
0x195: {  	v2 =	vadd.f32 v2, v3  }
0x196: {  	(erf) = vpow2.f32 v4  }
0x197: {  	v2 =	vadd.f32 v5, v2;
	_ =	sdelay $0x1  }
0x198: {  	v2 =	vxor.u32 $0x80000000, v2  }
0x199: {  	v2 =	vmin.f32 v2, $8.000000000e+01  }
0x19a: {  	v2 =	vmul.f32 $1.442695020e+00, v2;
	_ =	sdelay $0x1  }
0x19b: {  	(erf) = vpow2.f32 v2;
	_ =	sdelay $0x1  }
0x19c: {  	v2 =	vpop (erf)  }
0x19d: {  	v2 =	vadd.f32 $1.000000000e+00, v2;
	_ =	sdelay $0x1  }
0x19e: {  	v3 =	vshrl.u32 v2, $0x17;
	v2 =	vand.u32 $0x7FFFFF, v2  }
0x19f: {  	v3 =	vand.u32 $0xFF, v3;
	v2 =	vor.u32 $0x3F800000, v2  }
0x1a0: {  	v3 =	vadd.s32 $0xFFFFFF81, v3;
	v4 =	vmul.f32 $5.000000000e-01, v2  }
0x1a1: {  	vm0 =	vge.f32 v2, $1.500000000e+00;
	v3 =	vcvt.s32.f32 v3  }
0x1a2: {  	v2 =	vsel vm0, v4, v2;
	v4 =	vsel vm0, $0x3F800000, v0;
	v5 =	vpop (erf)  }
0x1a3: {  	v5 =	vadd.f32 $1.000000000e+00, v5;
	v6 =	vadd.f32 $1.000000000e+00, v2  }
0x1a4: {  	v3 =	vadd.f32 v3, v4  }
0x1a5: {  	(erf) = vrcp.f32 v6;
	_ =	sdelay $0x7  }
0x1a6: {  	v2 =	vadd.f32 $-1.000000000e+00, v2  }
0x1a7: {  	v4 =	vpop (erf)  }
0x1a8: {  	v2 =	vmul.f32 v4, v2;
	_ =	sdelay $0x1  }
0x1a9: {  	v4 =	vmul.f32 v2, v2;
	_ =	sdelay $0x1  }
0x1aa: {  	v6 =	vmul.f32 $2.857142980e-01, v4;
	_ =	sdelay $0x1  }
0x1ab: {  	v6 =	vadd.f32 $4.000000060e-01, v6;
	_ =	sdelay $0x1  }
0x1ac: {  	v6 =	vmul.f32 v6, v4;
	_ =	sdelay $0x1  }
0x1ad: {  	v6 =	vadd.f32 $6.666666860e-01, v6;
	_ =	sdelay $0x1  }
0x1ae: {  	v4 =	vmul.f32 v6, v4;
	(erf) = vrcp.f32 v5;
	_ =	sdelay $0x1  }
0x1af: {  	v4 =	vadd.f32 $2.000000000e+00, v4;
	_ =	sdelay $0x1  }
0x1b0: {  	v3 =	vmul.f32 $6.931471820e-01, v3;
	v2 =	vmul.f32 v4, v2;
	_ =	sdelay $0x1  }
0x1b1: {  	v3 =	vadd.f32 v2, v3  }
0x1b2: {  	v1 =	vmax.f32 v1, $0.0e+00  }
0x1b3: {  	v1 =	vadd.f32 v3, v1  }
0x1b4: {  	v2 =	vpop (erf)  }
0x1b5: {  	v1 =	vmul.f32 v1, v2;
	_ =	sdelay $0x1  }
0x1b6: {  	[tilespmem:s18+$0xFFFFFFF0] =	vst v1  }
0x1b7: {  	v3 =	vld [tilespmem:s14+$0x2430]  }
0x1b8: {  	v4 =	vld [tilespmem:s14+$0x6430]  }
.Ltmp2:
0x1b9: {  	v1 =	vld [tilespmem:s14+$0x2410];
	(pc) =	sbr.rel @p0 .LBB2_7-.Ltmp2, $2  }
0x1ba: {  	v2 =	vld [tilespmem:s14+$0xA430];
	_ =	sdelay $0x2  }
0x1bb: {  	v3 =	vadd.f32 v4, v3  }
0x1bc: {  	_ = 	snop  }
0x1bd: {  	v2 =	vadd.f32 v2, v3;
	_ =	sdelay $0x1  }
0x1be: {  	v3 =	vand.u32 $0x7FFFFFFF, v2  }
0x1bf: {  	v3 =	vxor.u32 $0x80000000, v3  }
0x1c0: {  	v3 =	vmax.f32 v3, $-8.000000000e+01  }
0x1c1: {  	v3 =	vmul.f32 $1.442695020e+00, v3;
	_ =	sdelay $0x1  }
0x1c2: {  	(erf) = vpow2.f32 v3;
	_ =	sdelay $0x8  }
0x1c3: {  	v3 =	vpop (erf)  }
0x1c4: {  	v3 =	vadd.f32 $1.000000000e+00, v3;
	_ =	sdelay $0x1  }
0x1c5: {  	v4 =	vand.u32 $0x7FFFFF, v3  }
0x1c6: {  	v4 =	vor.u32 $0x3F800000, v4  }
0x1c7: {  	v5 =	vmul.f32 $5.000000000e-01, v4  }
0x1c8: {  	vm0 =	vge.f32 v4, $1.500000000e+00  }
0x1c9: {  	v6 =	vld [tilespmem:s14+$0x6410];
	v4 =	vsel vm0, v5, v4  }
0x1ca: {  	v5 =	vadd.f32 $1.000000000e+00, v4  }
0x1cb: {  	v7 =	vld [tilespmem:s14+$0xA410]  }
0x1cc: {  	(erf) = vrcp.f32 v5;
	_ =	sdelay $0x1  }
0x1cd: {  	v1 =	vadd.f32 v6, v1;
	_ =	sdelay $0x1  }
0x1ce: {  	v1 =	vadd.f32 v7, v1;
	_ =	sdelay $0x1  }
0x1cf: {  	v1 =	vxor.u32 $0x80000000, v1  }
0x1d0: {  	v1 =	vmin.f32 v1, $8.000000000e+01  }
0x1d1: {  	v1 =	vmul.f32 $1.442695020e+00, v1;
	v4 =	vadd.f32 $-1.000000000e+00, v4  }
0x1d2: {  	v5 =	vpop (erf)  }
0x1d3: {  	(erf) = vpow2.f32 v1;
	v1 =	vmul.f32 v5, v4;
	_ =	sdelay $0x1  }
0x1d4: {  	v4 =	vmul.f32 v1, v1;
	_ =	sdelay $0x1  }
0x1d5: {  	v61 =	vmul.f32 $2.857142980e-01, v4;
	_ =	sdelay $0x1  }
0x1d6: {  	v5 =	vadd.f32 $4.000000060e-01, v61;
	_ =	sdelay $0x1  }
0x1d7: {  	v3 =	vshrl.u32 v3, $0x17;
	v5 =	vmul.f32 v5, v4  }
0x1d8: {  	v3 =	vand.u32 $0xFF, v3;
	v62 =	vpop (erf)  }
0x1d9: {  	v3 =	vadd.s32 $0xFFFFFF81, v3;
	v6 =	vadd.f32 $1.000000000e+00, v62;
	v5 =	vadd.f32 $6.666666860e-01, v5  }
0x1da: {  	v3 =	vcvt.s32.f32 v3  }
0x1db: {  	(erf) = vrcp.f32 v6;
	v4 =	vmul.f32 v5, v4  }
0x1dc: {  	v63 =	vsel vm0, $0x3F800000, v0  }
0x1dd: {  	v3 =	vadd.f32 v3, v63;
	v4 =	vadd.f32 $2.000000000e+00, v4;
	_ =	sdelay $0x1  }
0x1de: {  	v3 =	vmul.f32 $6.931471820e-01, v3;
	v1 =	vmul.f32 v4, v1;
	_ =	sdelay $0x1  }
0x1df: {  	v2 =	vmax.f32 v2, $0.0e+00;
	v1 =	vadd.f32 v1, v3;
	_ =	sdelay $0x1  }
0x1e0: {  	v1 =	vadd.f32 v1, v2  }
0x1e1: {  	v2 =	vpop (erf)  }
0x1e2: {  	s16 =	sadd.s32 $0x1, s16;
	v1 =	vmul.f32 v1, v2  }
0x1e3: {  	p0 =	sne.s32 s16, $0x28  }
.Ltmp3:
0x1e4: {  	[tilespmem:s17+$0x0] =	vst v1;
	(pc) =	sbr.rel @p0 .LBB2_4-.Ltmp3, $4  }
0x1e5: {  	[spmem:s1] =	stream.indirect.scatter.add.f32 [tilespmem:s23], [sflag:$0x3], $0x20, s24, s30, $0xb8;
	[tilespmem:$0x17200] =	vst v63  }
0x1e6: {  	_ =	swait.ge [sflag:s25], $0x1000  }
0x1e7: {  	[sflag:s25] =	ssyncset.done $0x0  }
0x1e8: {  	[sflag:s25] =	ssyncadd.s32 $0xFFFFF000  }
0x1e9: {  	s0 =	stileid.u32;
	[bflag:$0x0] =	sbarrier.arrive $0xFFFF  }
0x1ea: {  	s0 =	sshll.u32 s0, $0x6;
	s17 =	rddreg [dreg:$0x3]  }
0x1eb: {  	s18 =	rddreg [dreg:$0x8];
	s3 =	sor.u32 $0x1C03, s0  }
0x1ec: {  	s14 =	sshrl.u32 s17, $0x3;
	[dreg:$0xc] =	wrdreg s3  }
0x1ed: {  	[dreg:$0xd] =	wrdreg s14  }
0x1ee: {  	[hbm:s18], [sflag:s3] =	dma.local [spmem:s14], $0x9E0  }
0x1ef: {  	s0 =	simm.s32 $0x0;
	_ =	swait.ge [sflag:s25], $0x9E0  }
0x1f0: {  	s29 =	sand.u32 $0x1FF80, s0;
	[sflag:s25] =	ssyncset.done $0x0  }
0x1f1: {  	s15 =	sand.u32 $0x10, s0;
	s3 =	sshrl.u32 s29, $0x2;
	[sflag:s25] =	ssyncadd.s32 $0xFFFFF620  }
0x1f2: {  	s14 =	simm.s32 $0x40;
	s15 =	sor.u32 s15, s3;
	[bflag:$0x0] =	sbarrier.arrive $0xFFFF  }
.LBB2_10:
0x1f3: {  	p0 =	sne.s32 s14, $0x13BC0  }
0x1f4: {  	[tilespmem:s15+$0xD400] =	vst v0;
	s0 =	sadd.s32 $0x10, s0;
	s3 =	smov.u32 s14;
	s14 =	sadd.s32 $0x40, s14  }
.Ltmp4:
0x1f5: {  	(pc) =	sbr.rel @p0 .LBB2_10-.Ltmp4, $4  }
0x1f6: {  	_ = 	snop  }
0x1f7: {  	s3 =	sand.u32 $0x1FF80, s3  }
0x1f8: {  	s15 =	sand.u32 $0x10, s0;
	s3 =	sshrl.u32 s3, $0x2  }
0x1f9: {  	s15 =	sor.u32 s15, s3  }
0x1fa: {  	[tilespmem:s15+$0xD400] =	vst v0;
	s0 =	rddreg [dreg:$0x3];
	s3 =	simm.s32 $0xD400  }
0x1fb: {  	[spmem:s0] =	stream.linear.scatter [tilespmem:s3], [sflag:$0x3], $0x4F00, $0x38;
	[tilespmem:$0x17200] =	vst v63  }
0x1fc: {  	_ =	swait.ge [sflag:s25], $0x4F00  }
0x1fd: {  	[sflag:s25] =	ssyncset.done $0x0  }
0x1fe: {  	[sflag:s25] =	ssyncadd.s32 $0xFFFFB100  }
0x1ff: {  	[bflag:$0x0] =	sbarrier.arrive $0xFFFF  }
0x200: {  	s17 =	simm.s32 $0x0;
	s16 =	rddreg [dreg:$0x4]  }
0x201: {  	[tilespmem:s17], [sflag:$0x3] =	stream.linear.gather [hbm4b:s16+s17], $0x80, $0x38;
	[tilespmem:$0x17200] =	vst v63  }
0x202: {  	_ =	swait.ge [sflag:s25], $0x80  }
0x203: {  	[sflag:s25] =	ssyncset.done $0x0  }
0x204: {  	s29 =	simm.s32 $0x100;
	s18 =	rddreg [dreg:$0x5];
	[sflag:s25] =	ssyncadd.s32 $0xFFFFFF80  }
0x205: {  	[tilespmem:s29], [sflag:$0x3] =	stream.linear.gather [hbm4b:s18+s17], $0x80, $0x38;
	[tilespmem:$0x17200] =	vst v63  }
0x206: {  	_ =	swait.ge [sflag:s25], $0x80  }
0x207: {  	[sflag:s25] =	ssyncset.done $0x0  }
0x208: {  	s14 =	rddreg [dreg:$0x6];
	[sflag:s25] =	ssyncadd.s32 $0xFFFFFF80  }
0x209: {  	[tilespmem:s28], [sflag:$0x3] =	stream.linear.gather [hbm4b:s14+s17], $0x80, $0x38;
	[tilespmem:$0x17200] =	vst v63  }
0x20a: {  	_ =	swait.ge [sflag:s25], $0x80  }
0x20b: {  	[sflag:s25] =	ssyncset.done $0x0  }
0x20c: {  	s14 =	simm.s32 $0x300;
	s15 =	rddreg [dreg:$0x7];
	[sflag:s25] =	ssyncadd.s32 $0xFFFFFF80  }
0x20d: {  	[tilespmem:s14], [sflag:$0x3] =	stream.linear.gather [hbm4b:s15+s17], $0x80, $0x38;
	[tilespmem:$0x17200] =	vst v63  }
0x20e: {  	_ =	swait.ge [sflag:s25], $0x80  }
0x20f: {  	[sflag:s25] =	ssyncset.done $0x0  }
0x210: {  	s16 =	simm.s32 $0x400;
	[sflag:s25] =	ssyncadd.s32 $0xFFFFFF80  }
0x211: {  	[tilespmem:s16], [sflag:$0x1] =	stream.indirect.gather [hbm4b:s10+s30], $0x40, s17, s30, $0xb8;
	[tilespmem:$0x17200] =	vst v63  }
0x212: {  	s18 =	simm.s32 $0x4400  }
0x213: {  	[tilespmem:s18], [sflag:$0x1] =	stream.indirect.gather [hbm4b:s7+s30], $0x40, s29, s30, $0xb8;
	[tilespmem:$0x17200] =	vst v63  }
0x214: {  	s29 =	simm.s32 $0x8400;
	s18 =	simm.s32 $0x0  }
0x215: {  	[tilespmem:s29], [sflag:$0x1] =	stream.indirect.gather [hbm4b:s8+s30], $0x40, s14, s30, $0xb8;
	[tilespmem:$0x17200] =	vst v63  }
.LBB2_12:
0x216: {  	s14 =	sshll.u32 s18, $0x8  }
0x217: {  	s0 =	sadd.s32 s14, s19  }
0x218: {  	s0 =	sshrl.u32 s0, $0x3  }
0x219: {  	s3 =	sadd.s32 s9, s0  }
0x21a: {  	[tilespmem:s30], [sflag:$0x3] =	stream.linear.gather [hbm4b:s3+s17], $0x80, $0x38;
	[tilespmem:$0x17200] =	vst v63  }
0x21b: {  	_ =	swait.ge [sflag:s25], $0x80  }
0x21c: {  	[sflag:s25] =	ssyncset.done $0x0  }
0x21d: {  	s15 =	sadd.s32 s11, s0;
	[sflag:s25] =	ssyncadd.s32 $0xFFFFFF80  }
0x21e: {  	[tilespmem:s2], [sflag:$0x3] =	stream.linear.gather [hbm4b:s15+s17], $0x80, $0x38;
	[tilespmem:$0x17200] =	vst v63  }
0x21f: {  	_ =	swait.ge [sflag:s25], $0x80  }
0x220: {  	[sflag:s25] =	ssyncset.done $0x0  }
0x221: {  	s16 =	sadd.s32 s12, s0;
	[sflag:s25] =	ssyncadd.s32 $0xFFFFFF80  }
0x222: {  	[tilespmem:s24], [sflag:$0x3] =	stream.linear.gather [hbm4b:s16+s17], $0x80, $0x38;
	[tilespmem:$0x17200] =	vst v63  }
0x223: {  	_ =	swait.ge [sflag:s25], $0x80  }
0x224: {  	[sflag:s25] =	ssyncset.done $0x0  }
0x225: {  	s0 =	sadd.s32 s13, s0;
	[sflag:s25] =	ssyncadd.s32 $0xFFFFFF80  }
0x226: {  	[tilespmem:s31], [sflag:$0x3] =	stream.linear.gather [hbm4b:s0+s17], $0x80, $0x38;
	[tilespmem:$0x17200] =	vst v63  }
0x227: {  	_ =	swait.ge [sflag:s25], $0x80  }
0x228: {  	[sflag:s25] =	ssyncset.done $0x0  }
0x229: {  	s15 =	simm.s32 $0x2400;
	[sflag:s25] =	ssyncadd.s32 $0xFFFFFF80  }
0x22a: {  	[tilespmem:s15], [sflag:$0x2] =	stream.indirect.gather [hbm4b:s10+s30], $0x40, s30, s30, $0xb8;
	[tilespmem:$0x17200] =	vst v63  }
0x22b: {  	s16 =	simm.s32 $0x6400  }
0x22c: {  	[tilespmem:s16], [sflag:$0x2] =	stream.indirect.gather [hbm4b:s7+s30], $0x40, s2, s30, $0xb8;
	[tilespmem:$0x17200] =	vst v63  }
0x22d: {  	_ = 	snop  }
0x22e: {  	[tilespmem:s21], [sflag:$0x2] =	stream.indirect.gather [hbm4b:s8+s30], $0x40, s31, s30, $0xb8;
	[tilespmem:$0x17200] =	vst v63  }
0x22f: {  	_ =	swait.ge [sflag:s22], $0x2000  }
0x230: {  	[sflag:s22] =	ssyncset.done $0x0  }
0x231: {  	[sflag:s22] =	ssyncadd.s32 $0xFFFFE000  }
0x232: {  	_ =	swait.ge [sflag:s22], $0x2000  }
0x233: {  	[sflag:s22] =	ssyncset.done $0x0  }
0x234: {  	[sflag:s22] =	ssyncadd.s32 $0xFFFFE000  }
0x235: {  	_ =	swait.ge [sflag:s22], $0x2000  }
0x236: {  	[sflag:s22] =	ssyncset.done $0x0  }
0x237: {  	s15 =	simm.s32 $0x0;
	[sflag:s22] =	ssyncadd.s32 $0xFFFFE000  }
0x238: {  	v1 =	vld [tilespmem:s15+$0x420]  }
0x239: {  	v2 =	vld [tilespmem:s15+$0x4420];
	_ =	sdelay $0x1  }
0x23a: {  	v3 =	vld [tilespmem:s15+$0x8420];
	_ =	sdelay $0x2  }
0x23b: {  	v1 =	vadd.f32 v2, v1;
	_ =	sdelay $0x1  }
0x23c: {  	v1 =	vadd.f32 v3, v1;
	_ =	sdelay $0x1  }
0x23d: {  	v2 =	vand.u32 $0x7FFFFFFF, v1  }
0x23e: {  	v2 =	vxor.u32 $0x80000000, v2  }
0x23f: {  	v2 =	vmax.f32 v2, $-8.000000000e+01  }
0x240: {  	v2 =	vmul.f32 $1.442695020e+00, v2;
	_ =	sdelay $0x1  }
0x241: {  	(erf) = vpow2.f32 v2;
	_ =	sdelay $0x3  }
0x242: {  	v3 =	vld [tilespmem:s15+$0x400]  }
0x243: {  	v2 =	vld [tilespmem:s15+$0x4400];
	_ =	sdelay $0x1  }
0x244: {  	v4 =	vld [tilespmem:s15+$0x8400];
	_ =	sdelay $0x1  }
0x245: {  	v5 =	vpop (erf)  }
0x246: {  	v2 =	vadd.f32 v2, v3;
	v3 =	vadd.f32 $1.000000000e+00, v5;
	_ =	sdelay $0x1  }
0x247: {  	v2 =	vadd.f32 v4, v2;
	v4 =	vand.u32 $0x7FFFFF, v3  }
0x248: {  	v4 =	vor.u32 $0x3F800000, v4  }
0x249: {  	v2 =	vxor.u32 $0x80000000, v2;
	v5 =	vmul.f32 $5.000000000e-01, v4  }
0x24a: {  	v2 =	vmin.f32 v2, $8.000000000e+01;
	vm0 =	vge.f32 v4, $1.500000000e+00  }
0x24b: {  	v2 =	vmul.f32 $1.442695020e+00, v2;
	v4 =	vsel vm0, v5, v4  }
0x24c: {  	v5 =	vadd.f32 $1.000000000e+00, v4  }
0x24d: {  	(erf) = vpow2.f32 v2  }
0x24e: {  	(erf) = vrcp.f32 v5;
	_ =	sdelay $0x7  }
0x24f: {  	v4 =	vadd.f32 $-1.000000000e+00, v4;
	v2 =	vpop (erf)  }
0x250: {  	v5 =	vpop (erf)  }
0x251: {  	v4 =	vmul.f32 v5, v4;
	_ =	sdelay $0x1  }
0x252: {  	v5 =	vmul.f32 v4, v4;
	_ =	sdelay $0x1  }
0x253: {  	v6 =	vmul.f32 $2.857142980e-01, v5;
	_ =	sdelay $0x1  }
0x254: {  	v6 =	vadd.f32 $4.000000060e-01, v6;
	_ =	sdelay $0x1  }
0x255: {  	v6 =	vmul.f32 v6, v5  }
0x256: {  	v3 =	vshrl.u32 v3, $0x17  }
0x257: {  	v3 =	vand.u32 $0xFF, v3;
	v6 =	vadd.f32 $6.666666860e-01, v6  }
0x258: {  	v3 =	vadd.s32 $0xFFFFFF81, v3;
	v2 =	vadd.f32 $1.000000000e+00, v2  }
0x259: {  	v3 =	vcvt.s32.f32 v3;
	v5 =	vmul.f32 v6, v5  }
0x25a: {  	(erf) = vrcp.f32 v2;
	v2 =	vsel vm0, $0x3F800000, v0  }
0x25b: {  	v2 =	vadd.f32 v3, v2;
	v3 =	vadd.f32 $2.000000000e+00, v5;
	_ =	sdelay $0x1  }
0x25c: {  	v2 =	vmul.f32 $6.931471820e-01, v2;
	v3 =	vmul.f32 v3, v4;
	_ =	sdelay $0x1  }
0x25d: {  	v2 =	vadd.f32 v3, v2;
	_ =	sdelay $0x1  }
0x25e: {  	v1 =	vmax.f32 v1, $0.0e+00  }
0x25f: {  	v1 =	vadd.f32 v2, v1  }
0x260: {  	v2 =	vpop (erf)  }
0x261: {  	v1 =	vmul.f32 v1, v2  }
0x262: {  	s29 =	simm.s32 $0xC410  }
0x263: {  	[tilespmem:s29+$0xFFFFFFF0] =	vst v1  }
0x264: {  	v3 =	vld [tilespmem:s15+$0x430]  }
0x265: {  	v4 =	vld [tilespmem:s15+$0x4430];
	_ =	sdelay $0x2  }
0x266: {  	v2 =	vld [tilespmem:s15+$0x8430];
	_ =	sdelay $0x1  }
0x267: {  	s0 =	simm.s32 $0x100;
	s16 =	simm.s32 $0xC410;
	v1 =	vld [tilespmem:s15+$0x410];
	v3 =	vadd.f32 v4, v3  }
.LBB2_13:
0x268: {  	p0 =	sne.s32 s0, $0x7F00  }
0x269: {  	s29 =	sadd.s32 $0x20, s29;
	s3 =	smov.u32 s0;
	s0 =	sadd.s32 $0x100, s0  }
0x26a: {  	v2 =	vadd.f32 v2, v3  }
0x26b: {  	s3 =	sshra.s32 s3, $0x2  }
0x26c: {  	v3 =	vand.u32 $0x7FFFFFFF, v2  }
0x26d: {  	v3 =	vxor.u32 $0x80000000, v3  }
0x26e: {  	v3 =	vmax.f32 v3, $-8.000000000e+01  }
0x26f: {  	v3 =	vmul.f32 $1.442695020e+00, v3;
	_ =	sdelay $0x1  }
0x270: {  	(erf) = vpow2.f32 v3;
	_ =	sdelay $0x8  }
0x271: {  	v3 =	vpop (erf)  }
0x272: {  	v3 =	vadd.f32 $1.000000000e+00, v3;
	_ =	sdelay $0x1  }
0x273: {  	v4 =	vshrl.u32 v3, $0x17;
	v3 =	vand.u32 $0x7FFFFF, v3  }
0x274: {  	v4 =	vand.u32 $0xFF, v4;
	v3 =	vor.u32 $0x3F800000, v3  }
0x275: {  	v4 =	vadd.s32 $0xFFFFFF81, v4;
	vm0 =	vge.f32 v3, $1.500000000e+00;
	v5 =	vmul.f32 $5.000000000e-01, v3  }
0x276: {  	v6 =	vld [tilespmem:s15+$0x4410];
	v4 =	vcvt.s32.f32 v4  }
0x277: {  	v3 =	vsel vm0, v5, v3;
	v5 =	vsel vm0, $0x3F800000, v0  }
0x278: {  	v7 =	vld [tilespmem:s15+$0x8410];
	v4 =	vadd.f32 v4, v5;
	v5 =	vadd.f32 $1.000000000e+00, v3;
	s15 =	smov.u32 s3;
	_ =	sdelay $0x1  }
0x279: {  	(erf) = vrcp.f32 v5  }
0x27a: {  	v1 =	vadd.f32 v6, v1;
	_ =	sdelay $0x1  }
0x27b: {  	v1 =	vadd.f32 v7, v1;
	_ =	sdelay $0x1  }
0x27c: {  	v1 =	vxor.u32 $0x80000000, v1  }
0x27d: {  	v1 =	vmin.f32 v1, $8.000000000e+01  }
0x27e: {  	v3 =	vadd.f32 $-1.000000000e+00, v3;
	v5 =	vmul.f32 $1.442695020e+00, v1;
	_ =	sdelay $0x1  }
0x27f: {  	(erf) = vpow2.f32 v5;
	v1 =	vpop (erf)  }
0x280: {  	v1 =	vmul.f32 v1, v3;
	_ =	sdelay $0x1  }
0x281: {  	v3 =	vmul.f32 v1, v1;
	_ =	sdelay $0x1  }
0x282: {  	v5 =	vmul.f32 $2.857142980e-01, v3;
	_ =	sdelay $0x1  }
0x283: {  	v5 =	vadd.f32 $4.000000060e-01, v5;
	_ =	sdelay $0x1  }
0x284: {  	v5 =	vmul.f32 v5, v3;
	v6 =	vpop (erf)  }
0x285: {  	v6 =	vadd.f32 $1.000000000e+00, v6  }
0x286: {  	v5 =	vadd.f32 $6.666666860e-01, v5  }
0x287: {  	(erf) = vrcp.f32 v6  }
0x288: {  	v3 =	vmul.f32 v5, v3;
	_ =	sdelay $0x1  }
0x289: {  	v3 =	vadd.f32 $2.000000000e+00, v3  }
0x28a: {  	v4 =	vmul.f32 $6.931471820e-01, v4  }
0x28b: {  	v1 =	vmul.f32 v3, v1;
	_ =	sdelay $0x1  }
0x28c: {  	v3 =	vmax.f32 v2, $0.0e+00;
	v1 =	vadd.f32 v1, v4;
	_ =	sdelay $0x1  }
0x28d: {  	v1 =	vadd.f32 v1, v3;
	v2 =	vpop (erf);
	_ =	sdelay $0x1  }
0x28e: {  	v1 =	vmul.f32 v1, v2;
	_ =	sdelay $0x1  }
0x28f: {  	[tilespmem:s16+$0x0] =	vst v1;
	s16 =	smov.u32 s29  }
0x290: {  	v1 =	vld [tilespmem:s15+$0x420]  }
0x291: {  	v2 =	vld [tilespmem:s15+$0x4420];
	_ =	sdelay $0x1  }
0x292: {  	v3 =	vld [tilespmem:s15+$0x8420];
	_ =	sdelay $0x2  }
0x293: {  	v1 =	vadd.f32 v2, v1;
	_ =	sdelay $0x1  }
0x294: {  	v2 =	vld [tilespmem:s15+$0x4400];
	v1 =	vadd.f32 v3, v1  }
0x295: {  	v3 =	vld [tilespmem:s15+$0x400]  }
0x296: {  	v4 =	vand.u32 $0x7FFFFFFF, v1  }
0x297: {  	v5 =	vld [tilespmem:s15+$0x8400];
	v4 =	vxor.u32 $0x80000000, v4  }
0x298: {  	v4 =	vmax.f32 v4, $-8.000000000e+01  }
0x299: {  	v4 =	vmul.f32 $1.442695020e+00, v4  }
0x29a: {  	v2 =	vadd.f32 v2, v3  }
0x29b: {  	(erf) = vpow2.f32 v4  }
0x29c: {  	v2 =	vadd.f32 v5, v2;
	_ =	sdelay $0x1  }
0x29d: {  	v2 =	vxor.u32 $0x80000000, v2  }
0x29e: {  	v2 =	vmin.f32 v2, $8.000000000e+01  }
0x29f: {  	v2 =	vmul.f32 $1.442695020e+00, v2;
	_ =	sdelay $0x1  }
0x2a0: {  	(erf) = vpow2.f32 v2;
	_ =	sdelay $0x1  }
0x2a1: {  	v2 =	vpop (erf)  }
0x2a2: {  	v2 =	vadd.f32 $1.000000000e+00, v2;
	_ =	sdelay $0x1  }
0x2a3: {  	v3 =	vshrl.u32 v2, $0x17;
	v2 =	vand.u32 $0x7FFFFF, v2  }
0x2a4: {  	v3 =	vand.u32 $0xFF, v3;
	v2 =	vor.u32 $0x3F800000, v2  }
0x2a5: {  	v3 =	vadd.s32 $0xFFFFFF81, v3;
	v4 =	vmul.f32 $5.000000000e-01, v2  }
0x2a6: {  	vm0 =	vge.f32 v2, $1.500000000e+00;
	v3 =	vcvt.s32.f32 v3  }
0x2a7: {  	v2 =	vsel vm0, v4, v2;
	v4 =	vsel vm0, $0x3F800000, v0;
	v5 =	vpop (erf)  }
0x2a8: {  	v5 =	vadd.f32 $1.000000000e+00, v5;
	v6 =	vadd.f32 $1.000000000e+00, v2  }
0x2a9: {  	v3 =	vadd.f32 v3, v4  }
0x2aa: {  	(erf) = vrcp.f32 v6;
	_ =	sdelay $0x7  }
0x2ab: {  	v2 =	vadd.f32 $-1.000000000e+00, v2  }
0x2ac: {  	v4 =	vpop (erf)  }
0x2ad: {  	v2 =	vmul.f32 v4, v2;
	_ =	sdelay $0x1  }
0x2ae: {  	v4 =	vmul.f32 v2, v2;
	_ =	sdelay $0x1  }
0x2af: {  	v6 =	vmul.f32 $2.857142980e-01, v4;
	_ =	sdelay $0x1  }
0x2b0: {  	v6 =	vadd.f32 $4.000000060e-01, v6;
	_ =	sdelay $0x1  }
0x2b1: {  	v6 =	vmul.f32 v6, v4;
	_ =	sdelay $0x1  }
0x2b2: {  	v6 =	vadd.f32 $6.666666860e-01, v6;
	_ =	sdelay $0x1  }
0x2b3: {  	v4 =	vmul.f32 v6, v4;
	(erf) = vrcp.f32 v5;
	_ =	sdelay $0x1  }
0x2b4: {  	v4 =	vadd.f32 $2.000000000e+00, v4;
	_ =	sdelay $0x1  }
0x2b5: {  	v3 =	vmul.f32 $6.931471820e-01, v3;
	v2 =	vmul.f32 v4, v2;
	_ =	sdelay $0x1  }
0x2b6: {  	v3 =	vadd.f32 v2, v3  }
0x2b7: {  	v1 =	vmax.f32 v1, $0.0e+00  }
0x2b8: {  	v1 =	vadd.f32 v3, v1  }
0x2b9: {  	v2 =	vpop (erf)  }
0x2ba: {  	v1 =	vmul.f32 v1, v2;
	_ =	sdelay $0x1  }
0x2bb: {  	[tilespmem:s29+$0xFFFFFFF0] =	vst v1  }
0x2bc: {  	v3 =	vld [tilespmem:s15+$0x430]  }
0x2bd: {  	v4 =	vld [tilespmem:s15+$0x4430]  }
.Ltmp5:
0x2be: {  	v1 =	vld [tilespmem:s15+$0x410];
	(pc) =	sbr.rel @p0 .LBB2_13-.Ltmp5, $2  }
0x2bf: {  	v2 =	vld [tilespmem:s15+$0x8430];
	_ =	sdelay $0x2  }
0x2c0: {  	v3 =	vadd.f32 v4, v3  }
0x2c1: {  	_ = 	snop  }
0x2c2: {  	v2 =	vadd.f32 v2, v3;
	_ =	sdelay $0x1  }
0x2c3: {  	v3 =	vand.u32 $0x7FFFFFFF, v2  }
0x2c4: {  	v3 =	vxor.u32 $0x80000000, v3  }
0x2c5: {  	v3 =	vmax.f32 v3, $-8.000000000e+01  }
0x2c6: {  	v3 =	vmul.f32 $1.442695020e+00, v3;
	_ =	sdelay $0x1  }
0x2c7: {  	(erf) = vpow2.f32 v3;
	_ =	sdelay $0x8  }
0x2c8: {  	v3 =	vpop (erf)  }
0x2c9: {  	v3 =	vadd.f32 $1.000000000e+00, v3;
	_ =	sdelay $0x1  }
0x2ca: {  	v4 =	vand.u32 $0x7FFFFF, v3  }
0x2cb: {  	v4 =	vor.u32 $0x3F800000, v4  }
0x2cc: {  	v5 =	vmul.f32 $5.000000000e-01, v4  }
0x2cd: {  	vm0 =	vge.f32 v4, $1.500000000e+00  }
0x2ce: {  	v6 =	vld [tilespmem:s15+$0x4410];
	v4 =	vsel vm0, v5, v4  }
0x2cf: {  	v5 =	vadd.f32 $1.000000000e+00, v4  }
0x2d0: {  	v7 =	vld [tilespmem:s15+$0x8410]  }
0x2d1: {  	(erf) = vrcp.f32 v5;
	_ =	sdelay $0x1  }
0x2d2: {  	v1 =	vadd.f32 v6, v1;
	_ =	sdelay $0x1  }
0x2d3: {  	v1 =	vadd.f32 v7, v1;
	_ =	sdelay $0x1  }
0x2d4: {  	v1 =	vxor.u32 $0x80000000, v1  }
0x2d5: {  	v1 =	vmin.f32 v1, $8.000000000e+01  }
0x2d6: {  	v1 =	vmul.f32 $1.442695020e+00, v1;
	v4 =	vadd.f32 $-1.000000000e+00, v4  }
0x2d7: {  	v5 =	vpop (erf)  }
0x2d8: {  	(erf) = vpow2.f32 v1;
	v1 =	vmul.f32 v5, v4;
	_ =	sdelay $0x1  }
0x2d9: {  	v4 =	vmul.f32 v1, v1;
	_ =	sdelay $0x1  }
0x2da: {  	v5 =	vmul.f32 $2.857142980e-01, v4;
	_ =	sdelay $0x1  }
0x2db: {  	v5 =	vadd.f32 $4.000000060e-01, v5;
	_ =	sdelay $0x1  }
0x2dc: {  	v3 =	vshrl.u32 v3, $0x17;
	v5 =	vmul.f32 v5, v4  }
0x2dd: {  	v3 =	vand.u32 $0xFF, v3;
	v62 =	vpop (erf)  }
0x2de: {  	v3 =	vadd.s32 $0xFFFFFF81, v3;
	v6 =	vadd.f32 $1.000000000e+00, v62;
	v5 =	vadd.f32 $6.666666860e-01, v5  }
0x2df: {  	v3 =	vcvt.s32.f32 v3  }
0x2e0: {  	(erf) = vrcp.f32 v6;
	v4 =	vmul.f32 v5, v4  }
0x2e1: {  	v5 =	vsel vm0, $0x3F800000, v0  }
0x2e2: {  	v3 =	vadd.f32 v3, v5;
	v4 =	vadd.f32 $2.000000000e+00, v4;
	_ =	sdelay $0x1  }
0x2e3: {  	v3 =	vmul.f32 $6.931471820e-01, v3;
	v1 =	vmul.f32 v4, v1;
	_ =	sdelay $0x1  }
0x2e4: {  	v2 =	vmax.f32 v2, $0.0e+00;
	v1 =	vadd.f32 v1, v3;
	_ =	sdelay $0x1  }
0x2e5: {  	v1 =	vadd.f32 v1, v2  }
0x2e6: {  	v2 =	vpop (erf)  }
0x2e7: {  	v1 =	vmul.f32 v1, v2;
	_ =	sdelay $0x1  }
0x2e8: {  	p0 =	seq.s32 s18, $0x27;
	[tilespmem:s16+$0x0] =	vst v1  }
0x2e9: {  	[spmem:s1] =	stream.indirect.scatter.add.f32 [tilespmem:s23], [sflag:$0x3], $0x20, s28, s30, $0xb8;
	[tilespmem:$0x17200] =	vst v63  }
0x2ea: {  	s0 =	sadd.s32 @!p0 s14, s20;
	_ =	swait.ge [sflag:s25], $0x1000  }
0x2eb: {  	s0 =	sshrl.u32 @!p0 s0, $0x3;
	[sflag:s25] =	ssyncset.done $0x0  }
0x2ec: {  	s14 =	simm.s32 @!p0 $0x0;
	s3 =	sadd.s32 @!p0 s9, s0;
	[sflag:s25] =	ssyncadd.s32 $0xFFFFF000  }
0x2ed: {  	[tilespmem:s14], [sflag:$0x3] =	stream.linear.gather @!p0 [hbm4b:s3+s14], $0x80, $0x38;
	[tilespmem:$0x17200] =	vst v63  }
0x2ee: {  	s3 =	simm.s32 @!p0 $0x3  }
0x2ef: {  	_ =	swait.ge @!p0 [sflag:s3], $0x80  }
0x2f0: {  	[sflag:s3] =	ssyncset.done @!p0 $0x0  }
0x2f1: {  	s15 =	sadd.s32 @!p0 s11, s0;
	s16 =	simm.s32 @!p0 $0x100;
	[sflag:s3] =	ssyncadd.s32 @!p0 $0xFFFFFF80  }
0x2f2: {  	[tilespmem:s16], [sflag:$0x3] =	stream.linear.gather @!p0 [hbm4b:s15+s14], $0x80, $0x38;
	[tilespmem:$0x17200] =	vst v63  }
0x2f3: {  	_ =	swait.ge @!p0 [sflag:s3], $0x80  }
0x2f4: {  	[sflag:s3] =	ssyncset.done @!p0 $0x0  }
0x2f5: {  	s29 =	simm.s32 @!p0 $0x200;
	s15 =	sadd.s32 @!p0 s12, s0;
	[sflag:s3] =	ssyncadd.s32 @!p0 $0xFFFFFF80  }
0x2f6: {  	[tilespmem:s29], [sflag:$0x3] =	stream.linear.gather @!p0 [hbm4b:s15+s14], $0x80, $0x38;
	[tilespmem:$0x17200] =	vst v63  }
0x2f7: {  	_ =	swait.ge @!p0 [sflag:s3], $0x80  }
0x2f8: {  	[sflag:s3] =	ssyncset.done @!p0 $0x0  }
0x2f9: {  	s0 =	sadd.s32 @!p0 s13, s0;
	s15 =	simm.s32 @!p0 $0x300;
	[sflag:s3] =	ssyncadd.s32 @!p0 $0xFFFFFF80  }
0x2fa: {  	[tilespmem:s15], [sflag:$0x3] =	stream.linear.gather @!p0 [hbm4b:s0+s14], $0x80, $0x38;
	[tilespmem:$0x17200] =	vst v63  }
0x2fb: {  	_ =	swait.ge @!p0 [sflag:s3], $0x80  }
0x2fc: {  	[sflag:s3] =	ssyncset.done @!p0 $0x0  }
0x2fd: {  	s0 =	simm.s32 @!p0 $0x80;
	[sflag:s3] =	ssyncadd.s32 @!p0 $0xFFFFFF80;
	s3 =	simm.s32 @!p0 $0x400  }
0x2fe: {  	[tilespmem:s3], [sflag:$0x1] =	stream.indirect.gather @!p0 [hbm4b:s10+s0], $0x40, s14, s0, $0xb8;
	[tilespmem:$0x17200] =	vst v63  }
0x2ff: {  	s3 =	simm.s32 @!p0 $0x4400  }
0x300: {  	[tilespmem:s3], [sflag:$0x1] =	stream.indirect.gather @!p0 [hbm4b:s7+s0], $0x40, s16, s0, $0xb8;
	[tilespmem:$0x17200] =	vst v63  }
0x301: {  	s3 =	simm.s32 @!p0 $0x8400  }
0x302: {  	[tilespmem:s3], [sflag:$0x1] =	stream.indirect.gather @!p0 [hbm4b:s8+s0], $0x40, s15, s0, $0xb8;
	[tilespmem:$0x17200] =	vst v63  }
0x303: {  	_ =	swait.ge [sflag:s26], $0x2000  }
0x304: {  	[sflag:s26] =	ssyncset.done $0x0  }
0x305: {  	[sflag:s26] =	ssyncadd.s32 $0xFFFFE000  }
0x306: {  	_ =	swait.ge [sflag:s26], $0x2000  }
0x307: {  	[sflag:s26] =	ssyncset.done $0x0  }
0x308: {  	[sflag:s26] =	ssyncadd.s32 $0xFFFFE000  }
0x309: {  	_ =	swait.ge [sflag:s26], $0x2000  }
0x30a: {  	[sflag:s26] =	ssyncset.done $0x0  }
0x30b: {  	s14 =	simm.s32 $0x0;
	[sflag:s26] =	ssyncadd.s32 $0xFFFFE000  }
0x30c: {  	v1 =	vld [tilespmem:s14+$0x2420]  }
0x30d: {  	v2 =	vld [tilespmem:s14+$0x6420];
	_ =	sdelay $0x1  }
0x30e: {  	v3 =	vld [tilespmem:s14+$0xA420];
	_ =	sdelay $0x2  }
0x30f: {  	v1 =	vadd.f32 v2, v1;
	_ =	sdelay $0x1  }
0x310: {  	v1 =	vadd.f32 v3, v1;
	_ =	sdelay $0x1  }
0x311: {  	v2 =	vand.u32 $0x7FFFFFFF, v1  }
0x312: {  	v2 =	vxor.u32 $0x80000000, v2  }
0x313: {  	v2 =	vmax.f32 v2, $-8.000000000e+01  }
0x314: {  	v2 =	vmul.f32 $1.442695020e+00, v2;
	_ =	sdelay $0x1  }
0x315: {  	(erf) = vpow2.f32 v2;
	_ =	sdelay $0x3  }
0x316: {  	v3 =	vld [tilespmem:s14+$0x2400]  }
0x317: {  	v2 =	vld [tilespmem:s14+$0x6400];
	_ =	sdelay $0x1  }
0x318: {  	v4 =	vld [tilespmem:s14+$0xA400];
	_ =	sdelay $0x1  }
0x319: {  	v5 =	vpop (erf)  }
0x31a: {  	v2 =	vadd.f32 v2, v3;
	v3 =	vadd.f32 $1.000000000e+00, v5;
	_ =	sdelay $0x1  }
0x31b: {  	v2 =	vadd.f32 v4, v2;
	v4 =	vand.u32 $0x7FFFFF, v3  }
0x31c: {  	v4 =	vor.u32 $0x3F800000, v4  }
0x31d: {  	v2 =	vxor.u32 $0x80000000, v2;
	v5 =	vmul.f32 $5.000000000e-01, v4  }
0x31e: {  	v2 =	vmin.f32 v2, $8.000000000e+01;
	vm15 =	vge.f32 v4, $1.500000000e+00  }
0x31f: {  	v2 =	vmul.f32 $1.442695020e+00, v2;
	v4 =	vsel vm15, v5, v4  }
0x320: {  	v5 =	vadd.f32 $1.000000000e+00, v4  }
0x321: {  	(erf) = vpow2.f32 v2  }
0x322: {  	(erf) = vrcp.f32 v5;
	_ =	sdelay $0x7  }
0x323: {  	v4 =	vadd.f32 $-1.000000000e+00, v4;
	v2 =	vpop (erf)  }
0x324: {  	v5 =	vpop (erf)  }
0x325: {  	v4 =	vmul.f32 v5, v4;
	_ =	sdelay $0x1  }
0x326: {  	v5 =	vmul.f32 v4, v4;
	_ =	sdelay $0x1  }
0x327: {  	v63 =	vmul.f32 $2.857142980e-01, v5;
	_ =	sdelay $0x1  }
0x328: {  	v6 =	vadd.f32 $4.000000060e-01, v63;
	_ =	sdelay $0x1  }
0x329: {  	v6 =	vmul.f32 v6, v5  }
0x32a: {  	v3 =	vshrl.u32 v3, $0x17  }
0x32b: {  	v3 =	vand.u32 $0xFF, v3;
	v6 =	vadd.f32 $6.666666860e-01, v6  }
0x32c: {  	v3 =	vadd.s32 $0xFFFFFF81, v3;
	v2 =	vadd.f32 $1.000000000e+00, v2  }
0x32d: {  	v3 =	vcvt.s32.f32 v3;
	v5 =	vmul.f32 v6, v5  }
0x32e: {  	(erf) = vrcp.f32 v2;
	v2 =	vsel vm15, $0x3F800000, v0  }
0x32f: {  	v2 =	vadd.f32 v3, v2;
	v3 =	vadd.f32 $2.000000000e+00, v5;
	_ =	sdelay $0x1  }
0x330: {  	v2 =	vmul.f32 $6.931471820e-01, v2;
	v3 =	vmul.f32 v3, v4;
	_ =	sdelay $0x1  }
0x331: {  	v2 =	vadd.f32 v3, v2;
	_ =	sdelay $0x1  }
0x332: {  	v1 =	vmax.f32 v1, $0.0e+00  }
0x333: {  	v1 =	vadd.f32 v2, v1  }
0x334: {  	v2 =	vpop (erf)  }
0x335: {  	v1 =	vmul.f32 v1, v2  }
0x336: {  	s16 =	simm.s32 $0xC410  }
0x337: {  	[tilespmem:s16+$0xFFFFFFF0] =	vst v1  }
0x338: {  	v3 =	vld [tilespmem:s14+$0x2430]  }
0x339: {  	v4 =	vld [tilespmem:s14+$0x6430];
	_ =	sdelay $0x2  }
0x33a: {  	v2 =	vld [tilespmem:s14+$0xA430];
	_ =	sdelay $0x1  }
0x33b: {  	s0 =	simm.s32 $0x100;
	s15 =	simm.s32 $0xC410;
	v1 =	vld [tilespmem:s14+$0x2410];
	v3 =	vadd.f32 v4, v3  }
.LBB2_15:
0x33c: {  	p0 =	sne.s32 s0, $0x7F00  }
0x33d: {  	s16 =	sadd.s32 $0x20, s16;
	s3 =	smov.u32 s0;
	s0 =	sadd.s32 $0x100, s0  }
0x33e: {  	v2 =	vadd.f32 v2, v3  }
0x33f: {  	s3 =	sshra.s32 s3, $0x2  }
0x340: {  	v3 =	vand.u32 $0x7FFFFFFF, v2  }
0x341: {  	v3 =	vxor.u32 $0x80000000, v3  }
0x342: {  	v3 =	vmax.f32 v3, $-8.000000000e+01  }
0x343: {  	v3 =	vmul.f32 $1.442695020e+00, v3;
	_ =	sdelay $0x1  }
0x344: {  	(erf) = vpow2.f32 v3;
	_ =	sdelay $0x8  }
0x345: {  	v3 =	vpop (erf)  }
0x346: {  	v3 =	vadd.f32 $1.000000000e+00, v3;
	_ =	sdelay $0x1  }
0x347: {  	v4 =	vshrl.u32 v3, $0x17;
	v3 =	vand.u32 $0x7FFFFF, v3  }
0x348: {  	v4 =	vand.u32 $0xFF, v4;
	v3 =	vor.u32 $0x3F800000, v3  }
0x349: {  	v4 =	vadd.s32 $0xFFFFFF81, v4;
	vm0 =	vge.f32 v3, $1.500000000e+00;
	v5 =	vmul.f32 $5.000000000e-01, v3  }
0x34a: {  	v6 =	vld [tilespmem:s14+$0x6410];
	v4 =	vcvt.s32.f32 v4  }
0x34b: {  	v3 =	vsel vm0, v5, v3;
	v5 =	vsel vm0, $0x3F800000, v0  }
0x34c: {  	v7 =	vld [tilespmem:s14+$0xA410];
	v4 =	vadd.f32 v4, v5;
	v5 =	vadd.f32 $1.000000000e+00, v3;
	s14 =	smov.u32 s3;
	_ =	sdelay $0x1  }
0x34d: {  	(erf) = vrcp.f32 v5  }
0x34e: {  	v1 =	vadd.f32 v6, v1;
	_ =	sdelay $0x1  }
0x34f: {  	v1 =	vadd.f32 v7, v1;
	_ =	sdelay $0x1  }
0x350: {  	v1 =	vxor.u32 $0x80000000, v1  }
0x351: {  	v1 =	vmin.f32 v1, $8.000000000e+01  }
0x352: {  	v3 =	vadd.f32 $-1.000000000e+00, v3;
	v5 =	vmul.f32 $1.442695020e+00, v1;
	_ =	sdelay $0x1  }
0x353: {  	(erf) = vpow2.f32 v5;
	v1 =	vpop (erf)  }
0x354: {  	v1 =	vmul.f32 v1, v3;
	_ =	sdelay $0x1  }
0x355: {  	v3 =	vmul.f32 v1, v1;
	_ =	sdelay $0x1  }
0x356: {  	v5 =	vmul.f32 $2.857142980e-01, v3;
	_ =	sdelay $0x1  }
0x357: {  	v5 =	vadd.f32 $4.000000060e-01, v5;
	_ =	sdelay $0x1  }
0x358: {  	v5 =	vmul.f32 v5, v3;
	v6 =	vpop (erf)  }
0x359: {  	v6 =	vadd.f32 $1.000000000e+00, v6  }
0x35a: {  	v5 =	vadd.f32 $6.666666860e-01, v5  }
0x35b: {  	(erf) = vrcp.f32 v6  }
0x35c: {  	v3 =	vmul.f32 v5, v3;
	_ =	sdelay $0x1  }
0x35d: {  	v3 =	vadd.f32 $2.000000000e+00, v3  }
0x35e: {  	v4 =	vmul.f32 $6.931471820e-01, v4  }
0x35f: {  	v1 =	vmul.f32 v3, v1;
	_ =	sdelay $0x1  }
0x360: {  	v3 =	vmax.f32 v2, $0.0e+00;
	v1 =	vadd.f32 v1, v4;
	_ =	sdelay $0x1  }
0x361: {  	v1 =	vadd.f32 v1, v3;
	v2 =	vpop (erf);
	_ =	sdelay $0x1  }
0x362: {  	v1 =	vmul.f32 v1, v2;
	_ =	sdelay $0x1  }
0x363: {  	[tilespmem:s15+$0x0] =	vst v1;
	s15 =	smov.u32 s16  }
0x364: {  	v1 =	vld [tilespmem:s14+$0x2420]  }
0x365: {  	v2 =	vld [tilespmem:s14+$0x6420];
	_ =	sdelay $0x1  }
0x366: {  	v3 =	vld [tilespmem:s14+$0xA420];
	_ =	sdelay $0x2  }
0x367: {  	v1 =	vadd.f32 v2, v1;
	_ =	sdelay $0x1  }
0x368: {  	v2 =	vld [tilespmem:s14+$0x6400];
	v1 =	vadd.f32 v3, v1  }
0x369: {  	v3 =	vld [tilespmem:s14+$0x2400]  }
0x36a: {  	v4 =	vand.u32 $0x7FFFFFFF, v1  }
0x36b: {  	v5 =	vld [tilespmem:s14+$0xA400];
	v4 =	vxor.u32 $0x80000000, v4  }
0x36c: {  	v4 =	vmax.f32 v4, $-8.000000000e+01  }
0x36d: {  	v4 =	vmul.f32 $1.442695020e+00, v4  }
0x36e: {  	v2 =	vadd.f32 v2, v3  }
0x36f: {  	(erf) = vpow2.f32 v4  }
0x370: {  	v2 =	vadd.f32 v5, v2;
	_ =	sdelay $0x1  }
0x371: {  	v2 =	vxor.u32 $0x80000000, v2  }
0x372: {  	v2 =	vmin.f32 v2, $8.000000000e+01  }
0x373: {  	v2 =	vmul.f32 $1.442695020e+00, v2;
	_ =	sdelay $0x1  }
0x374: {  	(erf) = vpow2.f32 v2;
	_ =	sdelay $0x1  }
0x375: {  	v2 =	vpop (erf)  }
0x376: {  	v2 =	vadd.f32 $1.000000000e+00, v2;
	_ =	sdelay $0x1  }
0x377: {  	v3 =	vshrl.u32 v2, $0x17;
	v2 =	vand.u32 $0x7FFFFF, v2  }
0x378: {  	v3 =	vand.u32 $0xFF, v3;
	v2 =	vor.u32 $0x3F800000, v2  }
0x379: {  	v3 =	vadd.s32 $0xFFFFFF81, v3;
	v4 =	vmul.f32 $5.000000000e-01, v2  }
0x37a: {  	vm0 =	vge.f32 v2, $1.500000000e+00;
	v3 =	vcvt.s32.f32 v3  }
0x37b: {  	v2 =	vsel vm0, v4, v2;
	v4 =	vsel vm0, $0x3F800000, v0;
	v5 =	vpop (erf)  }
0x37c: {  	v5 =	vadd.f32 $1.000000000e+00, v5;
	v6 =	vadd.f32 $1.000000000e+00, v2  }
0x37d: {  	v3 =	vadd.f32 v3, v4  }
0x37e: {  	(erf) = vrcp.f32 v6;
	_ =	sdelay $0x7  }
0x37f: {  	v2 =	vadd.f32 $-1.000000000e+00, v2  }
0x380: {  	v4 =	vpop (erf)  }
0x381: {  	v2 =	vmul.f32 v4, v2;
	_ =	sdelay $0x1  }
0x382: {  	v4 =	vmul.f32 v2, v2;
	_ =	sdelay $0x1  }
0x383: {  	v6 =	vmul.f32 $2.857142980e-01, v4;
	_ =	sdelay $0x1  }
0x384: {  	v6 =	vadd.f32 $4.000000060e-01, v6;
	_ =	sdelay $0x1  }
0x385: {  	v6 =	vmul.f32 v6, v4;
	_ =	sdelay $0x1  }
0x386: {  	v6 =	vadd.f32 $6.666666860e-01, v6;
	_ =	sdelay $0x1  }
0x387: {  	v4 =	vmul.f32 v6, v4;
	(erf) = vrcp.f32 v5;
	_ =	sdelay $0x1  }
0x388: {  	v4 =	vadd.f32 $2.000000000e+00, v4;
	_ =	sdelay $0x1  }
0x389: {  	v3 =	vmul.f32 $6.931471820e-01, v3;
	v2 =	vmul.f32 v4, v2;
	_ =	sdelay $0x1  }
0x38a: {  	v3 =	vadd.f32 v2, v3  }
0x38b: {  	v1 =	vmax.f32 v1, $0.0e+00  }
0x38c: {  	v1 =	vadd.f32 v3, v1  }
0x38d: {  	v2 =	vpop (erf)  }
0x38e: {  	v1 =	vmul.f32 v1, v2;
	_ =	sdelay $0x1  }
0x38f: {  	[tilespmem:s16+$0xFFFFFFF0] =	vst v1  }
0x390: {  	v3 =	vld [tilespmem:s14+$0x2430]  }
0x391: {  	v4 =	vld [tilespmem:s14+$0x6430]  }
.Ltmp6:
0x392: {  	v1 =	vld [tilespmem:s14+$0x2410];
	(pc) =	sbr.rel @p0 .LBB2_15-.Ltmp6, $2  }
0x393: {  	v2 =	vld [tilespmem:s14+$0xA430];
	_ =	sdelay $0x2  }
0x394: {  	v3 =	vadd.f32 v4, v3  }
0x395: {  	_ = 	snop  }
0x396: {  	v2 =	vadd.f32 v2, v3;
	_ =	sdelay $0x1  }
0x397: {  	v3 =	vand.u32 $0x7FFFFFFF, v2  }
0x398: {  	v3 =	vxor.u32 $0x80000000, v3  }
0x399: {  	v3 =	vmax.f32 v3, $-8.000000000e+01  }
0x39a: {  	v3 =	vmul.f32 $1.442695020e+00, v3;
	_ =	sdelay $0x1  }
0x39b: {  	(erf) = vpow2.f32 v3;
	_ =	sdelay $0x8  }
0x39c: {  	v3 =	vpop (erf)  }
0x39d: {  	v3 =	vadd.f32 $1.000000000e+00, v3;
	_ =	sdelay $0x1  }
0x39e: {  	v4 =	vand.u32 $0x7FFFFF, v3  }
0x39f: {  	v4 =	vor.u32 $0x3F800000, v4  }
0x3a0: {  	v5 =	vmul.f32 $5.000000000e-01, v4  }
0x3a1: {  	vm0 =	vge.f32 v4, $1.500000000e+00  }
0x3a2: {  	v6 =	vld [tilespmem:s14+$0x6410];
	v4 =	vsel vm0, v5, v4  }
0x3a3: {  	v5 =	vadd.f32 $1.000000000e+00, v4  }
0x3a4: {  	v7 =	vld [tilespmem:s14+$0xA410]  }
0x3a5: {  	(erf) = vrcp.f32 v5;
	_ =	sdelay $0x1  }
0x3a6: {  	v1 =	vadd.f32 v6, v1;
	_ =	sdelay $0x1  }
0x3a7: {  	v1 =	vadd.f32 v7, v1;
	_ =	sdelay $0x1  }
0x3a8: {  	v1 =	vxor.u32 $0x80000000, v1  }
0x3a9: {  	v1 =	vmin.f32 v1, $8.000000000e+01  }
0x3aa: {  	v1 =	vmul.f32 $1.442695020e+00, v1;
	v4 =	vadd.f32 $-1.000000000e+00, v4  }
0x3ab: {  	v5 =	vpop (erf)  }
0x3ac: {  	(erf) = vpow2.f32 v1;
	v1 =	vmul.f32 v5, v4;
	_ =	sdelay $0x1  }
0x3ad: {  	v4 =	vmul.f32 v1, v1;
	_ =	sdelay $0x1  }
0x3ae: {  	v61 =	vmul.f32 $2.857142980e-01, v4;
	_ =	sdelay $0x1  }
0x3af: {  	v5 =	vadd.f32 $4.000000060e-01, v61;
	_ =	sdelay $0x1  }
0x3b0: {  	v3 =	vshrl.u32 v3, $0x17;
	v5 =	vmul.f32 v5, v4  }
0x3b1: {  	v3 =	vand.u32 $0xFF, v3;
	v62 =	vpop (erf)  }
0x3b2: {  	v3 =	vadd.s32 $0xFFFFFF81, v3;
	v6 =	vadd.f32 $1.000000000e+00, v62;
	v5 =	vadd.f32 $6.666666860e-01, v5  }
0x3b3: {  	v3 =	vcvt.s32.f32 v3  }
0x3b4: {  	(erf) = vrcp.f32 v6;
	v4 =	vmul.f32 v5, v4  }
0x3b5: {  	v63 =	vsel vm0, $0x3F800000, v0  }
0x3b6: {  	v3 =	vadd.f32 v3, v63;
	v4 =	vadd.f32 $2.000000000e+00, v4;
	_ =	sdelay $0x1  }
0x3b7: {  	v3 =	vmul.f32 $6.931471820e-01, v3;
	v1 =	vmul.f32 v4, v1;
	_ =	sdelay $0x1  }
0x3b8: {  	v2 =	vmax.f32 v2, $0.0e+00;
	v1 =	vadd.f32 v1, v3;
	_ =	sdelay $0x1  }
0x3b9: {  	v1 =	vadd.f32 v1, v2  }
0x3ba: {  	v2 =	vpop (erf)  }
0x3bb: {  	s18 =	sadd.s32 $0x1, s18;
	v1 =	vmul.f32 v1, v2  }
0x3bc: {  	p0 =	sne.s32 s18, $0x28  }
.Ltmp7:
0x3bd: {  	[tilespmem:s15+$0x0] =	vst v1;
	(pc) =	sbr.rel @p0 .LBB2_12-.Ltmp7, $4  }
0x3be: {  	[spmem:s1] =	stream.indirect.scatter.add.f32 [tilespmem:s23], [sflag:$0x3], $0x20, s24, s30, $0xb8;
	[tilespmem:$0x17200] =	vst v63  }
0x3bf: {  	_ =	swait.ge [sflag:s25], $0x1000  }
0x3c0: {  	[sflag:s25] =	ssyncset.done $0x0  }
0x3c1: {  	[sflag:s25] =	ssyncadd.s32 $0xFFFFF000  }
0x3c2: {  	[bflag:$0x0] =	sbarrier.arrive $0xFFFF  }
0x3c3: {  	s0 =	rddreg [dreg:$0x9]  }
0x3c4: {  	s3 =	rddreg [dreg:$0xc]  }
0x3c5: {  	s14 =	rddreg [dreg:$0xd]  }
0x3c6: {  	[hbm:s0], [sflag:s3] =	dma.local [spmem:s14], $0x9E0  }
0x3c7: {  	_ =	swait.ge [sflag:s25], $0x9E0  }
0x3c8: {  	s18 =	rddreg [dreg:$0xb]  }
0x3c9: {  	s29 =	rddreg [dreg:$0xa];
	s3 =	sadd.s32 $0x1, s18  }
0x3ca: {  	p0 =	sne.s32 s3, s29  }
.Ltmp8:
0x3cb: {  	_ = 	snop;
	(pc) =	sbr.rel @p0 .LBB2_1-.Ltmp8, $3  }
0x3cc: {  	[sflag:s25] =	ssyncset.done $0x0  }
0x3cd: {  	[sflag:s25] =	ssyncadd.s32 $0xFFFFF620  }
0x3ce: {  	[bflag:$0x0] =	sbarrier.arrive $0xFFFF;
	_ =	sdelay $0x1  }
0x3cf: {  	_ =	sfence.sel $0x180000  }
0x3d0: {  	[bflag:$0x0] =	sbarrier.arrive $0xFFFF  }
0x3d1: {  	_ =	strace $0x90000047  }
0x3d2: {  	s0 =	stileid.u32;
	[bflag:$0x2] =	sbarrier.arrive $0xFFFF  }
0x3d3: {  	p0 =	sne.s32 s0, $0x0;
	s0 =	rddreg [dreg:$0x2]  }
0x3d4: {  	s0 =	sadd.s32 @!p0 $0x100000, s0  }
0x3d5: {  	[sflag:s0] =	ssyncadd.tile.s32 @!p0 $0x1;
	_ =	shalt  }
.Lfunc_end2:
_tile_overlayer_lowered:
.L_overlay_start_2:
0x3d6: {  	(tag) =	ssettag $0x2  }
0x3d7: {  	s0 =	rddreg [dreg:$0x0];
	s2 =	stileid.u32  }
0x3d8: {  	s1 =	rddreg [dreg:$0x1];
	p0 =	sne.s32 s2, $0x0  }
0x3d9: {  	s3 =	rddreg [dreg:$0x2];
	[bflag:$0x3] =	sbarrier.arrive $0xFFFF;
	s2 =	simm.s32 @!p0 $0x1C03  }
0x3da: {  	[timem:s3], [sflag:s2] =	dma.local @!p0 [hbm:s0], s1  }
0x3db: {  	s0 =	simm.s32 @!p0 $0x3  }
0x3dc: {  	_ =	swait.ge @!p0 [sflag:s0], s1  }
0x3dd: {  	s1 =	ssub.s32 @!p0 $0x0, s1;
	[sflag:s0] =	ssyncset.done @!p0 $0x0  }
0x3de: {  	[sflag:s0] =	ssyncadd.s32 @!p0 s1  }
0x3df: {  	[bflag:$0x3] =	sbarrier.arrive $0xFFFF  }
0x3e0: {  	_ =	shalt  }

</sc_bundles>
